<compile_context>
chip_gen: v7x
topology: tpu7x:2x2x1
jax: 0.10.2.dev20260603
libtpu: 0.0.44.dev20260713+nightly
codegen_flags: <defaults>
</compile_context>

<pallas_src>
import functools

import jax
import jax.numpy as jnp
from jax import lax
from jax.experimental import pallas as pl
from jax.experimental.pallas import tpu as pltpu
from jax.experimental.pallas import tpu_sc as plsc

_NX = _NY = _NZ = 128
_NV = _NX * _NY * _NZ
_NW = 32
_N_PICKS = 262144
_PW = _N_PICKS // _NW
_C = 128
_NCH = _PW // _C
_PER_GROUP = 16384
_COFF = (0, 1, 128, 129, 16384, 16385, 16512, 16513)
_CORDER = ((0, 0, 0), (1, 0, 0), (0, 1, 0), (1, 1, 0),
           (0, 0, 1), (1, 0, 1), (0, 1, 1), (1, 1, 1))


def _rsqrt_newton(d2):
    i = lax.bitcast_convert_type(d2, jnp.int32)
    i = jnp.int32(0x5F3759DF) - lax.shift_right_arithmetic(i, 1)
    y = lax.bitcast_convert_type(i, jnp.float32)
    for _ in range(3):
        y = y * (jnp.float32(1.5) - jnp.float32(0.5) * d2 * y * y)
    return y


@functools.partial(
    pl.kernel,
    out_type=[
        jax.ShapeDtypeStruct((_N_PICKS,), jnp.float32),
        jax.ShapeDtypeStruct((_NW, 16), jnp.float32),
    ],
    mesh=plsc.VectorSubcoreMesh(core_axis_name="c", subcore_axis_name="s"),
    scratch_types=[
        pltpu.VMEM((64,), jnp.float32),
        pltpu.VMEM((2, _C), jnp.int32),
        pltpu.VMEM((2, _C), jnp.float32),
        pltpu.VMEM((2, _C), jnp.float32),
        pltpu.VMEM((2, _C), jnp.float32),
        pltpu.VMEM((2, _C), jnp.float32),
        pltpu.VMEM((2, _C), jnp.float32),
        pltpu.VMEM((2, 1, 8 * _C), jnp.int32),
        pltpu.VMEM((2, 1, 8 * _C), jnp.float32),
        pltpu.VMEM((2, 16, _C), jnp.float32),
        pltpu.VMEM((2, _C), jnp.float32),
        pltpu.VMEM((16,), jnp.float32),
        pltpu.SemaphoreType.DMA,
        pltpu.SemaphoreType.DMA,
        pltpu.SemaphoreType.DMA,
        pltpu.SemaphoreType.DMA,
        pltpu.SemaphoreType.DMA,
    ],
)
def _sc_eikonal(vflat, evx, evy, evz, evt, pick_idx, ptime, sparams,
                pred, lossp,
                sp_v, ev_v, pt_v, ex_v, ey_v, ez_v, et_v,
                cidx_v, vals_v, wgt_v, out_v, la_v,
                sem_in, sem_pt, sem_ev, sem_c, sem_out):
    wid = lax.axis_index("s") * 2 + lax.axis_index("c")
    base0 = wid * _PW
    pltpu.sync_copy(sparams.at[wid], sp_v)
    sx = sp_v[pl.ds(0, 16)]
    sy = sp_v[pl.ds(16, 16)]
    sz = sp_v[pl.ds(32, 16)]
    voff = sp_v[pl.ds(48, 16)].astype(jnp.int32)
    la_v[...] = jnp.zeros((16,), jnp.float32)

    def fire_in(g, p):
        pltpu.async_copy(pick_idx.at[pl.ds(base0 + g * _C, _C)],
                         ev_v.at[p], sem_in)

    def wait_in(g, p):
        pltpu.make_async_copy(pick_idx.at[pl.ds(base0 + g * _C, _C)],
                              ev_v.at[p], sem_in).wait()

    def fire_pt(g, p):
        pltpu.async_copy(ptime.at[pl.ds(base0 + g * _C, _C)],
                         pt_v.at[p], sem_pt)

    def wait_pt(g, p):
        pltpu.make_async_copy(ptime.at[pl.ds(base0 + g * _C, _C)],
                              pt_v.at[p], sem_pt).wait()

    def fire_ev(p):
        for src, dst in ((evx, ex_v), (evy, ey_v), (evz, ez_v), (evt, et_v)):
            pltpu.async_copy(src.at[ev_v.at[p]], dst.at[p], sem_ev)

    def wait_ev(p):
        for src, dst in ((evx, ex_v), (evy, ey_v), (evz, ez_v), (evt, et_v)):
            pltpu.make_async_copy(src.at[ev_v.at[p]], dst.at[p], sem_ev).wait()

    def fire_corner(p):
        pltpu.async_copy(vflat.at[cidx_v.at[p]], vals_v.at[p], sem_c)

    def wait_corner(p):
        pltpu.make_async_copy(vflat.at[cidx_v.at[p]], vals_v.at[p],
                              sem_c).wait()

    def fire_out(g, p):
        pltpu.async_copy(out_v.at[p], pred.at[pl.ds(base0 + g * _C, _C)],
                         sem_out)

    def wait_out(g, p):
        pltpu.make_async_copy(out_v.at[p], pred.at[pl.ds(base0 + g * _C, _C)],
                              sem_out).wait()

    def pass1(p):
        def body16(o):
            ex = ex_v[p, pl.ds(o, 16)]
            ey = ey_v[p, pl.ds(o, 16)]
            ez = ez_v[p, pl.ds(o, 16)]
            et = et_v[p, pl.ds(o, 16)]
            xn = jnp.minimum(jnp.maximum(ex, 0.0), jnp.float32(_NX - 1))
            yn = jnp.minimum(jnp.maximum(ey, 0.0), jnp.float32(_NY - 1))
            zn = jnp.minimum(jnp.maximum(ez, 0.0), jnp.float32(_NZ - 1))
            ix = jnp.minimum(xn.astype(jnp.int32), _NX - 2)
            iy = jnp.minimum(yn.astype(jnp.int32), _NY - 2)
            iz = jnp.minimum(zn.astype(jnp.int32), _NZ - 2)
            fx0 = ix.astype(jnp.float32)
            fy0 = iy.astype(jnp.float32)
            fz0 = iz.astype(jnp.float32)
            fx1 = fx0 + 1.0
            fy1 = fy0 + 1.0
            fz1 = fz0 + 1.0
            lin = voff + ix * (_NY * _NZ) + iy * _NZ + iz
            for k in range(8):
                cidx_v[p, 0, pl.ds(k * _C + o, 16)] = lin + _COFF[k]
            dx0 = fx0 - sx
            dx1 = fx1 - sx
            dy0 = fy0 - sy
            dy1 = fy1 - sy
            dz0 = fz0 - sz
            dz1 = fz1 - sz
            wgt_v[p, 0, pl.ds(o, 16)] = fx1 - xn
            wgt_v[p, 1, pl.ds(o, 16)] = xn - fx0
            wgt_v[p, 2, pl.ds(o, 16)] = fy1 - yn
            wgt_v[p, 3, pl.ds(o, 16)] = yn - fy0
            wgt_v[p, 4, pl.ds(o, 16)] = fz1 - zn
            wgt_v[p, 5, pl.ds(o, 16)] = zn - fz0
            wgt_v[p, 6, pl.ds(o, 16)] = dx0 * dx0
            wgt_v[p, 7, pl.ds(o, 16)] = dx1 * dx1
            wgt_v[p, 8, pl.ds(o, 16)] = dy0 * dy0
            wgt_v[p, 9, pl.ds(o, 16)] = dy1 * dy1
            wgt_v[p, 10, pl.ds(o, 16)] = dz0 * dz0
            wgt_v[p, 11, pl.ds(o, 16)] = dz1 * dz1
            wgt_v[p, 12, pl.ds(o, 16)] = et

        def body(i, c):
            body16(i * 32)
            body16(i * 32 + 16)
            return c

        lax.fori_loop(0, _C // 32, body, 0)

    def pass2(p):
        def body16(o):
            wx = (wgt_v[p, 0, pl.ds(o, 16)], wgt_v[p, 1, pl.ds(o, 16)])
            wy = (wgt_v[p, 2, pl.ds(o, 16)], wgt_v[p, 3, pl.ds(o, 16)])
            wz = (wgt_v[p, 4, pl.ds(o, 16)], wgt_v[p, 5, pl.ds(o, 16)])
            dxs = (wgt_v[p, 6, pl.ds(o, 16)], wgt_v[p, 7, pl.ds(o, 16)])
            dys = (wgt_v[p, 8, pl.ds(o, 16)], wgt_v[p, 9, pl.ds(o, 16)])
            dzs = (wgt_v[p, 10, pl.ds(o, 16)], wgt_v[p, 11, pl.ds(o, 16)])
            et = wgt_v[p, 12, pl.ds(o, 16)]
            tt = None
            for (a, b, cz) in _CORDER:
                d2 = (dxs[a] + dys[b]) + dzs[cz]
                dist = d2 * _rsqrt_newton(d2)
                q = vals_v[p, 0, pl.ds((a * 4 + b * 2 + cz) * _C + o, 16)]
                term = (dist / q) * ((wx[a] * wy[b]) * wz[cz])
                tt = term if tt is None else tt + term
            at = et + tt
            out_v[p, pl.ds(o, 16)] = at
            df = at - pt_v[p, pl.ds(o, 16)]
            la_v[...] = la_v[...] + df * df

        def body(i, c):
            body16(i * 32)
            body16(i * 32 + 16)
            return c

        lax.fori_loop(0, _C // 32, body, 0)

    fire_in(0, 0)
    wait_in(0, 0)
    fire_ev(0)
    fire_in(1, 1)
    fire_pt(0, 0)

    def tick(g, p):
        @pl.when(g < _NCH)
        def _s1():
            wait_ev(p)
            pass1(p)
            fire_corner(p)

        @pl.when(g + 1 < _NCH)
        def _s3():
            wait_in(g + 1, 1 - p)
            fire_ev(1 - p)

        @pl.when(g + 2 < _NCH)
        def _s4():
            fire_in(g + 2, p)

        @pl.when(jnp.logical_and(g >= 1, g <= _NCH))
        def _s2():
            q = 1 - p
            wait_corner(q)
            wait_pt(g - 1, q)

            @pl.when(g >= 3)
            def _drain():
                wait_out(g - 3, q)

            pass2(q)
            fire_out(g - 1, q)

        @pl.when(g + 1 < _NCH)
        def _s5():
            fire_pt(g + 1, 1 - p)

    def iteration(i, carry):
        g = i * 2
        tick(g, 0)
        tick(g + 1, 1)
        return carry

    lax.fori_loop(0, _NCH // 2 + 1, iteration, 0)

    wait_out(_NCH - 2, (_NCH - 2) % 2)
    wait_out(_NCH - 1, (_NCH - 1) % 2)
    pltpu.sync_copy(la_v, lossp.at[wid])


def kernel(vp, vs, station_loc, event_loc_w, event_time_w, pick_event_index,
           phase_time):
    vflat = jnp.concatenate([vp.reshape(-1), vs.reshape(-1)]).reshape(1, -1)
    evx = event_loc_w[:, 0]
    evy = event_loc_w[:, 1]
    evz = event_loc_w[:, 2]
    evt = event_time_w[:, 0]
    wids = jnp.arange(_NW)
    grp = wids // 2
    st = station_loc[grp // 2]
    voff = ((grp % 2) * _NV).astype(jnp.float32)
    cols = jnp.concatenate([st, voff[:, None]], axis=1)
    sparams = jnp.repeat(cols[:, :, None], 16, axis=2).reshape(_NW, 64)
    pred, lossp = _sc_eikonal(vflat, evx, evy, evz, evt, pick_event_index,
                              phase_time, sparams)
    loss = jnp.sum(lossp) / jnp.float32(_PER_GROUP)
    return pred, loss

# --- scband reference (transcript-rebuilt; emitter-appended) ---
"""Pipeline reference for scband-eikonal3-d-12077448036836 (READ-ONLY COPY).

The authoritative reference and input builder live on the scoring server;
editing this copy changes nothing except your own understanding.
"""

import jax, jax.numpy as jnp
import numpy as np

NX = 128; NY = 128; NZ = 128; H = 1.0
NUM_STATION = 8
NUM_EVENT = 50000
PER_GROUP = 16384
N_PICKS = 2 * NUM_STATION * PER_GROUP


def clamp_st(x, lo, hi):
    # straight-through clamp: identity gradient (matches custom Clamp autograd fn)
    return x + jax.lax.stop_gradient(jnp.clip(x, lo, hi) - x)


def interp(table, x, y, z):
    # trilinear interpolation into the 3D travel-time table (8-point gather)
    ix0 = jnp.clip(jnp.floor(x / H), 0, NX - 2).astype(jnp.int32)
    iy0 = jnp.clip(jnp.floor(y / H), 0, NY - 2).astype(jnp.int32)
    iz0 = jnp.clip(jnp.floor(z / H), 0, NZ - 2).astype(jnp.int32)
    ix1 = ix0 + 1; iy1 = iy0 + 1; iz1 = iz0 + 1
    xn = clamp_st(x, 0.0, (NX - 1) * H) / H
    yn = clamp_st(y, 0.0, (NY - 1) * H) / H
    zn = clamp_st(z, 0.0, (NZ - 1) * H) / H
    fx0 = ix0.astype(xn.dtype); fx1 = ix1.astype(xn.dtype)
    fy0 = iy0.astype(xn.dtype); fy1 = iy1.astype(xn.dtype)
    fz0 = iz0.astype(xn.dtype); fz1 = iz1.astype(xn.dtype)
    Q000 = table[ix0, iy0, iz0]
    Q100 = table[ix1, iy0, iz0]
    Q010 = table[ix0, iy1, iz0]
    Q110 = table[ix1, iy1, iz0]
    Q001 = table[ix0, iy0, iz1]
    Q101 = table[ix1, iy0, iz1]
    Q011 = table[ix0, iy1, iz1]
    Q111 = table[ix1, iy1, iz1]
    t = (Q000 * (fx1 - xn) * (fy1 - yn) * (fz1 - zn)
         + Q100 * (xn - fx0) * (fy1 - yn) * (fz1 - zn)
         + Q010 * (fx1 - xn) * (yn - fy0) * (fz1 - zn)
         + Q110 * (xn - fx0) * (yn - fy0) * (fz1 - zn)
         + Q001 * (fx1 - xn) * (fy1 - yn) * (zn - fz0)
         + Q101 * (xn - fx0) * (fy1 - yn) * (zn - fz0)
         + Q011 * (fx1 - xn) * (yn - fy0) * (zn - fz0)
         + Q111 * (xn - fx0) * (yn - fy0) * (zn - fz0))
    return t


def set_u0(v, x, y, z):
    # scatter-set of 8 corner values around the source point (matches Eikonal3D.set_u0)
    ix0 = jnp.clip(jnp.floor(x / H), 0, NX - 2).astype(jnp.int32)
    iy0 = jnp.clip(jnp.floor(y / H), 0, NY - 2).astype(jnp.int32)
    iz0 = jnp.clip(jnp.floor(z / H), 0, NZ - 2).astype(jnp.int32)
    xn = clamp_st(x, 0.0, (NX - 1) * H) / H
    yn = clamp_st(y, 0.0, (NY - 1) * H) / H
    zn = clamp_st(z, 0.0, (NZ - 1) * H) / H
    u0 = jnp.full((NX, NY, NZ), 1000.0, dtype=v.dtype)
    for dx in (0, 1):
        for dy in (0, 1):
            for dz in (0, 1):
                ix = ix0 + dx; iy = iy0 + dy; iz = iz0 + dz
                fx = ix.astype(v.dtype); fy = iy.astype(v.dtype); fz = iz.astype(v.dtype)
                val = jnp.sqrt((xn - fx) ** 2 + (yn - fy) ** 2 + (zn - fz) ** 2) * H / v[ix, iy, iz]
                u0 = u0.at[ix, iy, iz].set(val)
    return u0


def travel_time_table(v, sloc):
    # differentiable surrogate for the external eikonal3d_op: straight-ray travel time
    # dist/v combined with the set_u0 initial condition via a min (fast-sweep fixed point proxy)
    sx, sy, sz = sloc[0], sloc[1], sloc[2]
    u0 = set_u0(v, sx, sy, sz)
    gx = (jnp.arange(NX, dtype=v.dtype) * H)[:, None, None]
    gy = (jnp.arange(NY, dtype=v.dtype) * H)[None, :, None]
    gz = (jnp.arange(NZ, dtype=v.dtype) * H)[None, None, :]
    dist = jnp.sqrt((gx - sx) ** 2 + (gy - sy) ** 2 + (gz - sz) ** 2)
    return jnp.minimum(dist / v, u0)


def setup_inputs(seed: int = 0):
    key = jax.random.key(seed)
    ks = jax.random.split(key, 8)
    vp = 5.0 + jax.random.uniform(ks[0], (NX, NY, NZ), dtype=jnp.float32)
    vs = 3.0 + jax.random.uniform(ks[1], (NX, NY, NZ), dtype=jnp.float32)
    station_loc = jax.random.uniform(ks[2], (NUM_STATION, 3), dtype=jnp.float32) * (NX - 1) * H
    event_loc_w = jax.random.uniform(ks[3], (NUM_EVENT, 3), dtype=jnp.float32) * (NX - 1) * H
    event_time_w = jax.random.normal(ks[4], (NUM_EVENT, 1), dtype=jnp.float32)
    pick_event_index = jax.random.randint(ks[5], (N_PICKS,), 0, NUM_EVENT, dtype=jnp.int32)
    phase_time = jax.random.uniform(ks[6], (N_PICKS,), dtype=jnp.float32) * 40.0
    return {
        "vp": vp,
        "vs": vs,
        "station_loc": station_loc,
        "event_loc_w": event_loc_w,
        "event_time_w": event_time_w,
        "pick_event_index": pick_event_index,
        "phase_time": phase_time,
    }


def reference(vp, vs, station_loc, event_loc_w, event_time_w, pick_event_index, phase_time):
    preds = []
    loss = jnp.float32(0.0)
    g = 0
    for s in range(NUM_STATION):
        for v in (vp, vs):  # P phase then S phase per station
            start = g * PER_GROUP
            g += 1
            ev = pick_event_index[start:start + PER_GROUP]
            eloc = event_loc_w[ev]              # gather event locations
            etime = event_time_w[ev][:, 0]      # gather event origin times
            table = travel_time_table(v, station_loc[s])
            tt = interp(table, eloc[:, 0], eloc[:, 1], eloc[:, 2])
            at = etime + tt
            loss = loss + jnp.mean((at - phase_time[start:start + PER_GROUP]) ** 2)
            preds.append(at)
    pred = jnp.concatenate(preds)
    return pred, loss

if __name__ == "__main__":
    import jax
    _d = setup_inputs()
    print(jax.jit(kernel)(*tuple(_d.values())))

</pallas_src>

<mosaic_0001>
#map = affine_map<(d0, d1) -> (0, 0)>
#map1 = affine_map<(d0, d1) -> (0)>
module attributes {stable_mosaic.version = 14 : i64} {
  func.func @_sc_eikonal(%arg0: i32, %arg1: i32, %arg2: memref<1x4194304xf32, #tpu.memory_space<hbm>>, %arg3: memref<50000xf32, #tpu.memory_space<hbm>>, %arg4: memref<50000xf32, #tpu.memory_space<hbm>>, %arg5: memref<50000xf32, #tpu.memory_space<hbm>>, %arg6: memref<50000xf32, #tpu.memory_space<hbm>>, %arg7: memref<262144xi32, #tpu.memory_space<hbm>>, %arg8: memref<262144xf32, #tpu.memory_space<hbm>>, %arg9: memref<32x64xf32, #tpu.memory_space<hbm>>, %arg10: memref<262144xf32, #tpu.memory_space<hbm>>, %arg11: memref<32x16xf32, #tpu.memory_space<hbm>>, %arg12: memref<64xf32, #tpu.memory_space<vmem>>, %arg13: memref<2x128xi32, #tpu.memory_space<vmem>>, %arg14: memref<2x128xf32, #tpu.memory_space<vmem>>, %arg15: memref<2x128xf32, #tpu.memory_space<vmem>>, %arg16: memref<2x128xf32, #tpu.memory_space<vmem>>, %arg17: memref<2x128xf32, #tpu.memory_space<vmem>>, %arg18: memref<2x128xf32, #tpu.memory_space<vmem>>, %arg19: memref<2x1x1024xi32, #tpu.memory_space<vmem>>, %arg20: memref<2x1x1024xf32, #tpu.memory_space<vmem>>, %arg21: memref<2x16x128xf32, #tpu.memory_space<vmem>>, %arg22: memref<2x128xf32, #tpu.memory_space<vmem>>, %arg23: memref<16xf32, #tpu.memory_space<vmem>>, %arg24: memref<!tpu.dma_semaphore, #tpu.memory_space<semaphore_mem>>, %arg25: memref<!tpu.dma_semaphore, #tpu.memory_space<semaphore_mem>>, %arg26: memref<!tpu.dma_semaphore, #tpu.memory_space<semaphore_mem>>, %arg27: memref<!tpu.dma_semaphore, #tpu.memory_space<semaphore_mem>>, %arg28: memref<!tpu.dma_semaphore, #tpu.memory_space<semaphore_mem>>) attributes {dimension_semantics = [#tpu.dimension_semantics<core_parallel>, #tpu.dimension_semantics<subcore_parallel>], iteration_bounds = array<i64: 2, 16>, scalar_prefetch = 0 : i64, scratch_operands = 17 : i64, tpu.core_type = #tpu.core_type<sc_vector_subcore>, window_params = [{transform_indices = #map}, {transform_indices = #map1}, {transform_indices = #map1}, {transform_indices = #map1}, {transform_indices = #map1}, {transform_indices = #map1}, {transform_indices = #map1}, {transform_indices = #map}, {transform_indices = #map1}, {transform_indices = #map}]} {
    %mul3A = arith.constant 2 : i32
    %mul3A_0 = arith.muli %arg1, %mul3A : i32
    %add3A = arith.addi %mul3A_0, %arg0 : i32
    %mul3A_1 = arith.constant 8192 : i32
    %mul3A_2 = arith.muli %add3A, %mul3A_1 : i32
    "tpu.region"() ({
      %run_scoped3A = tpu.sem_alloc : memref<!tpu.dma_semaphore, #tpu.memory_space<semaphore_mem>>
      %dma_start3A_127 = arith.constant 0 : i32
      %dma_start3A_128 = tpu.memref_slice %arg9[%add3A, %dma_start3A_127] : memref<32x64xf32, #tpu.memory_space<hbm>> -> memref<1x64xf32, #tpu.memory_space<hbm>>
      %dma_start3A_129 = tpu.memref_squeeze %dma_start3A_128 : memref<1x64xf32, #tpu.memory_space<hbm>> -> memref<64xf32, #tpu.memory_space<hbm>>
      %dma_start3A_130 = arith.constant 0 : i32
      %dma_start3A_131 = tpu.memref_slice %arg9[%add3A, %dma_start3A_130] : memref<32x64xf32, #tpu.memory_space<hbm>> -> memref<1x64xf32, #tpu.memory_space<hbm>>
      %dma_start3A_132 = tpu.memref_squeeze %dma_start3A_131 : memref<1x64xf32, #tpu.memory_space<hbm>> -> memref<64xf32, #tpu.memory_space<hbm>>
      tpu.enqueue_dma source(%dma_start3A_132 : memref<64xf32, #tpu.memory_space<hbm>>) target(%arg12 : memref<64xf32, #tpu.memory_space<vmem>>) target_semaphore(%run_scoped3A : memref<!tpu.dma_semaphore, #tpu.memory_space<semaphore_mem>>)
      %dma_wait3A_133 = arith.constant 0 : i32
      %dma_wait3A_134 = tpu.memref_slice %arg9[%add3A, %dma_wait3A_133] : memref<32x64xf32, #tpu.memory_space<hbm>> -> memref<1x64xf32, #tpu.memory_space<hbm>>
      %dma_wait3A_135 = tpu.memref_squeeze %dma_wait3A_134 : memref<1x64xf32, #tpu.memory_space<hbm>> -> memref<64xf32, #tpu.memory_space<hbm>>
      %dma_wait3A_136 = arith.constant 0 : i32
      %dma_wait3A_137 = tpu.memref_slice %arg9[%add3A, %dma_wait3A_136] : memref<32x64xf32, #tpu.memory_space<hbm>> -> memref<1x64xf32, #tpu.memory_space<hbm>>
      %dma_wait3A_138 = tpu.memref_squeeze %dma_wait3A_137 : memref<1x64xf32, #tpu.memory_space<hbm>> -> memref<64xf32, #tpu.memory_space<hbm>>
      tpu.wait_dma2 semaphore(%run_scoped3A : memref<!tpu.dma_semaphore, #tpu.memory_space<semaphore_mem>>) src(%dma_wait3A_138 : memref<64xf32, #tpu.memory_space<hbm>>) dst(%arg12 : memref<64xf32, #tpu.memory_space<vmem>>)
      tpu.yield
    }) : () -> ()
    %get3A = arith.constant 0 : index
    %get3A_3 = tpu.vector_load %arg12[%get3A] {strides = array<i32>} : memref<64xf32, #tpu.memory_space<vmem>>, vector<16xf32>,
    %get3A_4 = vector.shape_cast %get3A_3 : vector<16xf32> to vector<16xf32>
    %get3A_5 = arith.constant 16 : index
    %get3A_6 = tpu.vector_load %arg12[%get3A_5] {strides = array<i32>} : memref<64xf32, #tpu.memory_space<vmem>>, vector<16xf32>,
    %get3A_7 = vector.shape_cast %get3A_6 : vector<16xf32> to vector<16xf32>
    %get3A_8 = arith.constant 32 : index
    %get3A_9 = tpu.vector_load %arg12[%get3A_8] {strides = array<i32>} : memref<64xf32, #tpu.memory_space<vmem>>, vector<16xf32>,
    %get3A_10 = vector.shape_cast %get3A_9 : vector<16xf32> to vector<16xf32>
    %get3A_11 = arith.constant 48 : index
    %get3A_12 = tpu.vector_load %arg12[%get3A_11] {strides = array<i32>} : memref<64xf32, #tpu.memory_space<vmem>>, vector<16xf32>,
    %get3A_13 = vector.shape_cast %get3A_12 : vector<16xf32> to vector<16xf32>
    %convert_element_type3A = arith.fptosi %get3A_13 : vector<16xf32> to vector<16xi32>
    %broadcast_in_dim3A = arith.constant 0.000000e+00 : f32
    %broadcast_in_dim3A_14 = vector.broadcast %broadcast_in_dim3A : f32 to vector<16xf32>
    %swap3A = arith.constant 0 : index
    %swap3A_15 = tpu.vector_load %arg23[%swap3A] {strides = array<i32>} : memref<16xf32, #tpu.memory_space<vmem>>, vector<16xf32>,
    %swap3A_16 = vector.shape_cast %swap3A_15 : vector<16xf32> to vector<16xf32>
    %swap3A_17 = vector.shape_cast %broadcast_in_dim3A_14 : vector<16xf32> to vector<16xf32>
    tpu.vector_store %arg23[%swap3A], %swap3A_17 {strides = array<i32>} : memref<16xf32, #tpu.memory_space<vmem>>, vector<16xf32>,
    %add3A_18 = arith.constant 0 : i32
    %add3A_19 = arith.addi %mul3A_2, %add3A_18 : i32
    %dma_start3A = arith.constant 0 : i32
    %dma_start3A_20 = arith.constant 0 : i32
    %dma_start3A_21 = tpu.memref_slice %arg13[%dma_start3A, %dma_start3A_20] : memref<2x128xi32, #tpu.memory_space<vmem>> -> memref<1x128xi32, #tpu.memory_space<vmem>>
    %dma_start3A_22 = tpu.memref_squeeze %dma_start3A_21 : memref<1x128xi32, #tpu.memory_space<vmem>> -> memref<128xi32, #tpu.memory_space<vmem>>
    %dma_start3A_23 = tpu.memref_slice %arg7[%add3A_19] : memref<262144xi32, #tpu.memory_space<hbm>> -> memref<128xi32, #tpu.memory_space<hbm>>
    %dma_start3A_24 = arith.constant 0 : i32
    %dma_start3A_25 = tpu.memref_slice %arg13[%dma_start3A, %dma_start3A_24] : memref<2x128xi32, #tpu.memory_space<vmem>> -> memref<1x128xi32, #tpu.memory_space<vmem>>
    %dma_start3A_26 = tpu.memref_squeeze %dma_start3A_25 : memref<1x128xi32, #tpu.memory_space<vmem>> -> memref<128xi32, #tpu.memory_space<vmem>>
    %dma_start3A_27 = tpu.memref_slice %arg7[%add3A_19] : memref<262144xi32, #tpu.memory_space<hbm>> -> memref<128xi32, #tpu.memory_space<hbm>>
    tpu.enqueue_dma source(%dma_start3A_27 : memref<128xi32, #tpu.memory_space<hbm>>) target(%dma_start3A_26 : memref<128xi32, #tpu.memory_space<vmem>>) target_semaphore(%arg24 : memref<!tpu.dma_semaphore, #tpu.memory_space<semaphore_mem>>)
    %add3A_28 = arith.constant 0 : i32
    %add3A_29 = arith.addi %mul3A_2, %add3A_28 : i32
    %dma_wait3A = arith.constant 0 : i32
    %dma_wait3A_30 = arith.constant 0 : i32
    %dma_wait3A_31 = tpu.memref_slice %arg13[%dma_wait3A, %dma_wait3A_30] : memref<2x128xi32, #tpu.memory_space<vmem>> -> memref<1x128xi32, #tpu.memory_space<vmem>>
    %dma_wait3A_32 = tpu.memref_squeeze %dma_wait3A_31 : memref<1x128xi32, #tpu.memory_space<vmem>> -> memref<128xi32, #tpu.memory_space<vmem>>
    %dma_wait3A_33 = tpu.memref_slice %arg7[%add3A_29] : memref<262144xi32, #tpu.memory_space<hbm>> -> memref<128xi32, #tpu.memory_space<hbm>>
    %dma_wait3A_34 = arith.constant 0 : i32
    %dma_wait3A_35 = tpu.memref_slice %arg13[%dma_wait3A, %dma_wait3A_34] : memref<2x128xi32, #tpu.memory_space<vmem>> -> memref<1x128xi32, #tpu.memory_space<vmem>>
    %dma_wait3A_36 = tpu.memref_squeeze %dma_wait3A_35 : memref<1x128xi32, #tpu.memory_space<vmem>> -> memref<128xi32, #tpu.memory_space<vmem>>
    %dma_wait3A_37 = tpu.memref_slice %arg7[%add3A_29] : memref<262144xi32, #tpu.memory_space<hbm>> -> memref<128xi32, #tpu.memory_space<hbm>>
    tpu.wait_dma2 semaphore(%arg24 : memref<!tpu.dma_semaphore, #tpu.memory_space<semaphore_mem>>) src(%dma_wait3A_37 : memref<128xi32, #tpu.memory_space<hbm>>) dst(%dma_wait3A_36 : memref<128xi32, #tpu.memory_space<vmem>>)
    %dma_start3A_38 = arith.constant 0 : i32
    %dma_start3A_39 = arith.constant 0 : i32
    %dma_start3A_40 = arith.constant 0 : i32
    %dma_start3A_41 = tpu.memref_slice %arg15[%dma_start3A_39, %dma_start3A_40] : memref<2x128xf32, #tpu.memory_space<vmem>> -> memref<1x128xf32, #tpu.memory_space<vmem>>
    %dma_start3A_42 = tpu.memref_squeeze %dma_start3A_41 : memref<1x128xf32, #tpu.memory_space<vmem>> -> memref<128xf32, #tpu.memory_space<vmem>>
    %dma_start3A_43 = arith.constant 0 : i32
    %dma_start3A_44 = tpu.memref_slice %arg13[%dma_start3A_38, %dma_start3A_43] : memref<2x128xi32, #tpu.memory_space<vmem>> -> memref<1x128xi32, #tpu.memory_space<vmem>>
    %dma_start3A_45 = tpu.memref_squeeze %dma_start3A_44 : memref<1x128xi32, #tpu.memory_space<vmem>> -> memref<128xi32, #tpu.memory_space<vmem>>
    %dma_start3A_46 = arith.constant 0 : i32
    %dma_start3A_47 = tpu.memref_slice %arg3[%dma_start3A_46] : memref<50000xf32, #tpu.memory_space<hbm>> -> memref<50000xf32, #tpu.memory_space<hbm>>
    tpu.enqueue_indirect_dma source(%dma_start3A_47 : memref<50000xf32, #tpu.memory_space<hbm>>) target(%dma_start3A_42 : memref<128xf32, #tpu.memory_space<vmem>>) offsets(%dma_start3A_45 : memref<128xi32, #tpu.memory_space<vmem>>) semaphore(%arg26 : memref<!tpu.dma_semaphore, #tpu.memory_space<semaphore_mem>>)
    %dma_start3A_48 = arith.constant 0 : i32
    %dma_start3A_49 = arith.constant 0 : i32
    %dma_start3A_50 = arith.constant 0 : i32
    %dma_start3A_51 = tpu.memref_slice %arg16[%dma_start3A_49, %dma_start3A_50] : memref<2x128xf32, #tpu.memory_space<vmem>> -> memref<1x128xf32, #tpu.memory_space<vmem>>
    %dma_start3A_52 = tpu.memref_squeeze %dma_start3A_51 : memref<1x128xf32, #tpu.memory_space<vmem>> -> memref<128xf32, #tpu.memory_space<vmem>>
    %dma_start3A_53 = arith.constant 0 : i32
    %dma_start3A_54 = tpu.memref_slice %arg13[%dma_start3A_48, %dma_start3A_53] : memref<2x128xi32, #tpu.memory_space<vmem>> -> memref<1x128xi32, #tpu.memory_space<vmem>>
    %dma_start3A_55 = tpu.memref_squeeze %dma_start3A_54 : memref<1x128xi32, #tpu.memory_space<vmem>> -> memref<128xi32, #tpu.memory_space<vmem>>
    %dma_start3A_56 = arith.constant 0 : i32
    %dma_start3A_57 = tpu.memref_slice %arg4[%dma_start3A_56] : memref<50000xf32, #tpu.memory_space<hbm>> -> memref<50000xf32, #tpu.memory_space<hbm>>
    tpu.enqueue_indirect_dma source(%dma_start3A_57 : memref<50000xf32, #tpu.memory_space<hbm>>) target(%dma_start3A_52 : memref<128xf32, #tpu.memory_space<vmem>>) offsets(%dma_start3A_55 : memref<128xi32, #tpu.memory_space<vmem>>) semaphore(%arg26 : memref<!tpu.dma_semaphore, #tpu.memory_space<semaphore_mem>>)
    %dma_start3A_58 = arith.constant 0 : i32
    %dma_start3A_59 = arith.constant 0 : i32
    %dma_start3A_60 = arith.constant 0 : i32
    %dma_start3A_61 = tpu.memref_slice %arg17[%dma_start3A_59, %dma_start3A_60] : memref<2x128xf32, #tpu.memory_space<vmem>> -> memref<1x128xf32, #tpu.memory_space<vmem>>
    %dma_start3A_62 = tpu.memref_squeeze %dma_start3A_61 : memref<1x128xf32, #tpu.memory_space<vmem>> -> memref<128xf32, #tpu.memory_space<vmem>>
    %dma_start3A_63 = arith.constant 0 : i32
    %dma_start3A_64 = tpu.memref_slice %arg13[%dma_start3A_58, %dma_start3A_63] : memref<2x128xi32, #tpu.memory_space<vmem>> -> memref<1x128xi32, #tpu.memory_space<vmem>>
    %dma_start3A_65 = tpu.memref_squeeze %dma_start3A_64 : memref<1x128xi32, #tpu.memory_space<vmem>> -> memref<128xi32, #tpu.memory_space<vmem>>
    %dma_start3A_66 = arith.constant 0 : i32
    %dma_start3A_67 = tpu.memref_slice %arg5[%dma_start3A_66] : memref<50000xf32, #tpu.memory_space<hbm>> -> memref<50000xf32, #tpu.memory_space<hbm>>
    tpu.enqueue_indirect_dma source(%dma_start3A_67 : memref<50000xf32, #tpu.memory_space<hbm>>) target(%dma_start3A_62 : memref<128xf32, #tpu.memory_space<vmem>>) offsets(%dma_start3A_65 : memref<128xi32, #tpu.memory_space<vmem>>) semaphore(%arg26 : memref<!tpu.dma_semaphore, #tpu.memory_space<semaphore_mem>>)
    %dma_start3A_68 = arith.constant 0 : i32
    %dma_start3A_69 = arith.constant 0 : i32
    %dma_start3A_70 = arith.constant 0 : i32
    %dma_start3A_71 = tpu.memref_slice %arg18[%dma_start3A_69, %dma_start3A_70] : memref<2x128xf32, #tpu.memory_space<vmem>> -> memref<1x128xf32, #tpu.memory_space<vmem>>
    %dma_start3A_72 = tpu.memref_squeeze %dma_start3A_71 : memref<1x128xf32, #tpu.memory_space<vmem>> -> memref<128xf32, #tpu.memory_space<vmem>>
    %dma_start3A_73 = arith.constant 0 : i32
    %dma_start3A_74 = tpu.memref_slice %arg13[%dma_start3A_68, %dma_start3A_73] : memref<2x128xi32, #tpu.memory_space<vmem>> -> memref<1x128xi32, #tpu.memory_space<vmem>>
    %dma_start3A_75 = tpu.memref_squeeze %dma_start3A_74 : memref<1x128xi32, #tpu.memory_space<vmem>> -> memref<128xi32, #tpu.memory_space<vmem>>
    %dma_start3A_76 = arith.constant 0 : i32
    %dma_start3A_77 = tpu.memref_slice %arg6[%dma_start3A_76] : memref<50000xf32, #tpu.memory_space<hbm>> -> memref<50000xf32, #tpu.memory_space<hbm>>
    tpu.enqueue_indirect_dma source(%dma_start3A_77 : memref<50000xf32, #tpu.memory_space<hbm>>) target(%dma_start3A_72 : memref<128xf32, #tpu.memory_space<vmem>>) offsets(%dma_start3A_75 : memref<128xi32, #tpu.memory_space<vmem>>) semaphore(%arg26 : memref<!tpu.dma_semaphore, #tpu.memory_space<semaphore_mem>>)
    %add3A_78 = arith.constant 128 : i32
    %add3A_79 = arith.addi %mul3A_2, %add3A_78 : i32
    %dma_start3A_80 = arith.constant 1 : i32
    %dma_start3A_81 = arith.constant 0 : i32
    %dma_start3A_82 = tpu.memref_slice %arg13[%dma_start3A_80, %dma_start3A_81] : memref<2x128xi32, #tpu.memory_space<vmem>> -> memref<1x128xi32, #tpu.memory_space<vmem>>
    %dma_start3A_83 = tpu.memref_squeeze %dma_start3A_82 : memref<1x128xi32, #tpu.memory_space<vmem>> -> memref<128xi32, #tpu.memory_space<vmem>>
    %dma_start3A_84 = tpu.memref_slice %arg7[%add3A_79] : memref<262144xi32, #tpu.memory_space<hbm>> -> memref<128xi32, #tpu.memory_space<hbm>>
    %dma_start3A_85 = arith.constant 0 : i32
    %dma_start3A_86 = tpu.memref_slice %arg13[%dma_start3A_80, %dma_start3A_85] : memref<2x128xi32, #tpu.memory_space<vmem>> -> memref<1x128xi32, #tpu.memory_space<vmem>>
    %dma_start3A_87 = tpu.memref_squeeze %dma_start3A_86 : memref<1x128xi32, #tpu.memory_space<vmem>> -> memref<128xi32, #tpu.memory_space<vmem>>
    %dma_start3A_88 = tpu.memref_slice %arg7[%add3A_79] : memref<262144xi32, #tpu.memory_space<hbm>> -> memref<128xi32, #tpu.memory_space<hbm>>
    tpu.enqueue_dma source(%dma_start3A_88 : memref<128xi32, #tpu.memory_space<hbm>>) target(%dma_start3A_87 : memref<128xi32, #tpu.memory_space<vmem>>) target_semaphore(%arg24 : memref<!tpu.dma_semaphore, #tpu.memory_space<semaphore_mem>>)
    %add3A_89 = arith.constant 0 : i32
    %add3A_90 = arith.addi %mul3A_2, %add3A_89 : i32
    %dma_start3A_91 = arith.constant 0 : i32
    %dma_start3A_92 = arith.constant 0 : i32
    %dma_start3A_93 = tpu.memref_slice %arg14[%dma_start3A_91, %dma_start3A_92] : memref<2x128xf32, #tpu.memory_space<vmem>> -> memref<1x128xf32, #tpu.memory_space<vmem>>
    %dma_start3A_94 = tpu.memref_squeeze %dma_start3A_93 : memref<1x128xf32, #tpu.memory_space<vmem>> -> memref<128xf32, #tpu.memory_space<vmem>>
    %dma_start3A_95 = tpu.memref_slice %arg8[%add3A_90] : memref<262144xf32, #tpu.memory_space<hbm>> -> memref<128xf32, #tpu.memory_space<hbm>>
    %dma_start3A_96 = arith.constant 0 : i32
    %dma_start3A_97 = tpu.memref_slice %arg14[%dma_start3A_91, %dma_start3A_96] : memref<2x128xf32, #tpu.memory_space<vmem>> -> memref<1x128xf32, #tpu.memory_space<vmem>>
    %dma_start3A_98 = tpu.memref_squeeze %dma_start3A_97 : memref<1x128xf32, #tpu.memory_space<vmem>> -> memref<128xf32, #tpu.memory_space<vmem>>
    %dma_start3A_99 = tpu.memref_slice %arg8[%add3A_90] : memref<262144xf32, #tpu.memory_space<hbm>> -> memref<128xf32, #tpu.memory_space<hbm>>
    tpu.enqueue_dma source(%dma_start3A_99 : memref<128xf32, #tpu.memory_space<hbm>>) target(%dma_start3A_98 : memref<128xf32, #tpu.memory_space<vmem>>) target_semaphore(%arg25 : memref<!tpu.dma_semaphore, #tpu.memory_space<semaphore_mem>>)
    %scan3A = arith.constant 0 : i32
    %scan3A_100 = arith.constant 0 : i32
    %scan3A_101 = arith.constant 33 : i32
    %scan3A_102 = arith.addi %scan3A_100, %scan3A_101 : i32
    %scan3A_103 = arith.constant 1 : i32
    scf.for %scan3A_127 = %scan3A_100 to %scan3A_102 step %scan3A_103  : i32 {
      %mul3A_128 = arith.constant 2 : i32
      %mul3A_129 = arith.muli %scan3A_127, %mul3A_128 : i32
      %lt3A = arith.constant 64 : i32
      %lt3A_130 = arith.cmpi slt, %mul3A_129, %lt3A : i32
      %convert_element_type3A_131 = arith.extui %lt3A_130 : i1 to i32
      %cond3A = arith.constant 0 : i32
      %cond3A_132 = arith.cmpi ne, %convert_element_type3A_131, %cond3A : i32
      scf.if %cond3A_132 {
        %dma_wait3A_195 = arith.constant 0 : i32
        %dma_wait3A_196 = arith.constant 0 : i32
        %dma_wait3A_197 = arith.constant 0 : i32
        %dma_wait3A_198 = tpu.memref_slice %arg15[%dma_wait3A_196, %dma_wait3A_197] : memref<2x128xf32, #tpu.memory_space<vmem>> -> memref<1x128xf32, #tpu.memory_space<vmem>>
        %dma_wait3A_199 = tpu.memref_squeeze %dma_wait3A_198 : memref<1x128xf32, #tpu.memory_space<vmem>> -> memref<128xf32, #tpu.memory_space<vmem>>
        %dma_wait3A_200 = arith.constant 0 : i32
        %dma_wait3A_201 = tpu.memref_slice %arg13[%dma_wait3A_195, %dma_wait3A_200] : memref<2x128xi32, #tpu.memory_space<vmem>> -> memref<1x128xi32, #tpu.memory_space<vmem>>
        %dma_wait3A_202 = tpu.memref_squeeze %dma_wait3A_201 : memref<1x128xi32, #tpu.memory_space<vmem>> -> memref<128xi32, #tpu.memory_space<vmem>>
        %dma_wait3A_203 = arith.constant 0 : i32
        %dma_wait3A_204 = tpu.memref_slice %arg3[%dma_wait3A_203] : memref<50000xf32, #tpu.memory_space<hbm>> -> memref<50000xf32, #tpu.memory_space<hbm>>
        tpu.wait_indirect_dma semaphore(%arg26 : memref<!tpu.dma_semaphore, #tpu.memory_space<semaphore_mem>>) src(%dma_wait3A_204 : memref<50000xf32, #tpu.memory_space<hbm>>) dst(%dma_wait3A_199 : memref<128xf32, #tpu.memory_space<vmem>>)
        %dma_wait3A_205 = arith.constant 0 : i32
        %dma_wait3A_206 = arith.constant 0 : i32
        %dma_wait3A_207 = arith.constant 0 : i32
        %dma_wait3A_208 = tpu.memref_slice %arg16[%dma_wait3A_206, %dma_wait3A_207] : memref<2x128xf32, #tpu.memory_space<vmem>> -> memref<1x128xf32, #tpu.memory_space<vmem>>
        %dma_wait3A_209 = tpu.memref_squeeze %dma_wait3A_208 : memref<1x128xf32, #tpu.memory_space<vmem>> -> memref<128xf32, #tpu.memory_space<vmem>>
        %dma_wait3A_210 = arith.constant 0 : i32
        %dma_wait3A_211 = tpu.memref_slice %arg13[%dma_wait3A_205, %dma_wait3A_210] : memref<2x128xi32, #tpu.memory_space<vmem>> -> memref<1x128xi32, #tpu.memory_space<vmem>>
        %dma_wait3A_212 = tpu.memref_squeeze %dma_wait3A_211 : memref<1x128xi32, #tpu.memory_space<vmem>> -> memref<128xi32, #tpu.memory_space<vmem>>
        %dma_wait3A_213 = arith.constant 0 : i32
        %dma_wait3A_214 = tpu.memref_slice %arg4[%dma_wait3A_213] : memref<50000xf32, #tpu.memory_space<hbm>> -> memref<50000xf32, #tpu.memory_space<hbm>>
        tpu.wait_indirect_dma semaphore(%arg26 : memref<!tpu.dma_semaphore, #tpu.memory_space<semaphore_mem>>) src(%dma_wait3A_214 : memref<50000xf32, #tpu.memory_space<hbm>>) dst(%dma_wait3A_209 : memref<128xf32, #tpu.memory_space<vmem>>)
        %dma_wait3A_215 = arith.constant 0 : i32
        %dma_wait3A_216 = arith.constant 0 : i32
        %dma_wait3A_217 = arith.constant 0 : i32
        %dma_wait3A_218 = tpu.memref_slice %arg17[%dma_wait3A_216, %dma_wait3A_217] : memref<2x128xf32, #tpu.memory_space<vmem>> -> memref<1x128xf32, #tpu.memory_space<vmem>>
        %dma_wait3A_219 = tpu.memref_squeeze %dma_wait3A_218 : memref<1x128xf32, #tpu.memory_space<vmem>> -> memref<128xf32, #tpu.memory_space<vmem>>
        %dma_wait3A_220 = arith.constant 0 : i32
        %dma_wait3A_221 = tpu.memref_slice %arg13[%dma_wait3A_215, %dma_wait3A_220] : memref<2x128xi32, #tpu.memory_space<vmem>> -> memref<1x128xi32, #tpu.memory_space<vmem>>
        %dma_wait3A_222 = tpu.memref_squeeze %dma_wait3A_221 : memref<1x128xi32, #tpu.memory_space<vmem>> -> memref<128xi32, #tpu.memory_space<vmem>>
        %dma_wait3A_223 = arith.constant 0 : i32
        %dma_wait3A_224 = tpu.memref_slice %arg5[%dma_wait3A_223] : memref<50000xf32, #tpu.memory_space<hbm>> -> memref<50000xf32, #tpu.memory_space<hbm>>
        tpu.wait_indirect_dma semaphore(%arg26 : memref<!tpu.dma_semaphore, #tpu.memory_space<semaphore_mem>>) src(%dma_wait3A_224 : memref<50000xf32, #tpu.memory_space<hbm>>) dst(%dma_wait3A_219 : memref<128xf32, #tpu.memory_space<vmem>>)
        %dma_wait3A_225 = arith.constant 0 : i32
        %dma_wait3A_226 = arith.constant 0 : i32
        %dma_wait3A_227 = arith.constant 0 : i32
        %dma_wait3A_228 = tpu.memref_slice %arg18[%dma_wait3A_226, %dma_wait3A_227] : memref<2x128xf32, #tpu.memory_space<vmem>> -> memref<1x128xf32, #tpu.memory_space<vmem>>
        %dma_wait3A_229 = tpu.memref_squeeze %dma_wait3A_228 : memref<1x128xf32, #tpu.memory_space<vmem>> -> memref<128xf32, #tpu.memory_space<vmem>>
        %dma_wait3A_230 = arith.constant 0 : i32
        %dma_wait3A_231 = tpu.memref_slice %arg13[%dma_wait3A_225, %dma_wait3A_230] : memref<2x128xi32, #tpu.memory_space<vmem>> -> memref<1x128xi32, #tpu.memory_space<vmem>>
        %dma_wait3A_232 = tpu.memref_squeeze %dma_wait3A_231 : memref<1x128xi32, #tpu.memory_space<vmem>> -> memref<128xi32, #tpu.memory_space<vmem>>
        %dma_wait3A_233 = arith.constant 0 : i32
        %dma_wait3A_234 = tpu.memref_slice %arg6[%dma_wait3A_233] : memref<50000xf32, #tpu.memory_space<hbm>> -> memref<50000xf32, #tpu.memory_space<hbm>>
        tpu.wait_indirect_dma semaphore(%arg26 : memref<!tpu.dma_semaphore, #tpu.memory_space<semaphore_mem>>) src(%dma_wait3A_234 : memref<50000xf32, #tpu.memory_space<hbm>>) dst(%dma_wait3A_229 : memref<128xf32, #tpu.memory_space<vmem>>)
        %scan3A_235 = arith.constant 0 : i32
        %scan3A_236 = arith.constant 0 : i32
        %scan3A_237 = arith.constant 4 : i32
        %scan3A_238 = arith.addi %scan3A_236, %scan3A_237 : i32
        %scan3A_239 = arith.constant 1 : i32
        scf.for %scan3A_254 = %scan3A_236 to %scan3A_238 step %scan3A_239  : i32 {
          %mul3A_255 = arith.constant 32 : i32
          %mul3A_256 = arith.muli %scan3A_254, %mul3A_255 : i32
          %get3A_257 = arith.constant 0 : i32
          %get3A_258 = arith.index_cast %get3A_257 : i32 to index
          %get3A_259 = arith.index_cast %mul3A_256 : i32 to index
          %get3A_260 = tpu.vector_load %arg15[%get3A_258, %get3A_259] {strides = array<i32>} : memref<2x128xf32, #tpu.memory_space<vmem>>, vector<1x16xf32>,
          %get3A_261 = vector.shape_cast %get3A_260 : vector<1x16xf32> to vector<16xf32>
          %get3A_262 = arith.constant 0 : i32
          %get3A_263 = arith.index_cast %get3A_262 : i32 to index
          %get3A_264 = arith.index_cast %mul3A_256 : i32 to index
          %get3A_265 = tpu.vector_load %arg16[%get3A_263, %get3A_264] {strides = array<i32>} : memref<2x128xf32, #tpu.memory_space<vmem>>, vector<1x16xf32>,
          %get3A_266 = vector.shape_cast %get3A_265 : vector<1x16xf32> to vector<16xf32>
          %get3A_267 = arith.constant 0 : i32
          %get3A_268 = arith.index_cast %get3A_267 : i32 to index
          %get3A_269 = arith.index_cast %mul3A_256 : i32 to index
          %get3A_270 = tpu.vector_load %arg17[%get3A_268, %get3A_269] {strides = array<i32>} : memref<2x128xf32, #tpu.memory_space<vmem>>, vector<1x16xf32>,
          %get3A_271 = vector.shape_cast %get3A_270 : vector<1x16xf32> to vector<16xf32>
          %get3A_272 = arith.constant 0 : i32
          %get3A_273 = arith.index_cast %get3A_272 : i32 to index
          %get3A_274 = arith.index_cast %mul3A_256 : i32 to index
          %get3A_275 = tpu.vector_load %arg18[%get3A_273, %get3A_274] {strides = array<i32>} : memref<2x128xf32, #tpu.memory_space<vmem>>, vector<1x16xf32>,
          %get3A_276 = vector.shape_cast %get3A_275 : vector<1x16xf32> to vector<16xf32>
          %max3A = arith.constant 0.000000e+00 : f32
          %max3A_277 = vector.broadcast %max3A : f32 to vector<16xf32>
          %max3A_278 = arith.maximumf %get3A_261, %max3A_277 : vector<16xf32>
          %min3A = arith.constant 1.270000e+02 : f32
          %min3A_279 = vector.broadcast %min3A : f32 to vector<16xf32>
          %min3A_280 = arith.minimumf %max3A_278, %min3A_279 : vector<16xf32>
          %max3A_281 = arith.constant 0.000000e+00 : f32
          %max3A_282 = vector.broadcast %max3A_281 : f32 to vector<16xf32>
          %max3A_283 = arith.maximumf %get3A_266, %max3A_282 : vector<16xf32>
          %min3A_284 = arith.constant 1.270000e+02 : f32
          %min3A_285 = vector.broadcast %min3A_284 : f32 to vector<16xf32>
          %min3A_286 = arith.minimumf %max3A_283, %min3A_285 : vector<16xf32>
          %max3A_287 = arith.constant 0.000000e+00 : f32
          %max3A_288 = vector.broadcast %max3A_287 : f32 to vector<16xf32>
          %max3A_289 = arith.maximumf %get3A_271, %max3A_288 : vector<16xf32>
          %min3A_290 = arith.constant 1.270000e+02 : f32
          %min3A_291 = vector.broadcast %min3A_290 : f32 to vector<16xf32>
          %min3A_292 = arith.minimumf %max3A_289, %min3A_291 : vector<16xf32>
          %convert_element_type3A_293 = arith.fptosi %min3A_280 : vector<16xf32> to vector<16xi32>
          %min3A_294 = arith.constant 126 : i32
          %min3A_295 = vector.broadcast %min3A_294 : i32 to vector<16xi32>
          %min3A_296 = arith.minsi %convert_element_type3A_293, %min3A_295 : vector<16xi32>
          %convert_element_type3A_297 = arith.fptosi %min3A_286 : vector<16xf32> to vector<16xi32>
          %min3A_298 = arith.constant 126 : i32
          %min3A_299 = vector.broadcast %min3A_298 : i32 to vector<16xi32>
          %min3A_300 = arith.minsi %convert_element_type3A_297, %min3A_299 : vector<16xi32>
          %convert_element_type3A_301 = arith.fptosi %min3A_292 : vector<16xf32> to vector<16xi32>
          %min3A_302 = arith.constant 126 : i32
          %min3A_303 = vector.broadcast %min3A_302 : i32 to vector<16xi32>
          %min3A_304 = arith.minsi %convert_element_type3A_301, %min3A_303 : vector<16xi32>
          %convert_element_type3A_305 = arith.sitofp %min3A_296 : vector<16xi32> to vector<16xf32>
          %convert_element_type3A_306 = arith.sitofp %min3A_300 : vector<16xi32> to vector<16xf32>
          %convert_element_type3A_307 = arith.sitofp %min3A_304 : vector<16xi32> to vector<16xf32>
          %add3A_308 = arith.constant 1.000000e+00 : f32
          %add3A_309 = vector.broadcast %add3A_308 : f32 to vector<16xf32>
          %add3A_310 = arith.addf %convert_element_type3A_305, %add3A_309 : vector<16xf32>
          %add3A_311 = arith.constant 1.000000e+00 : f32
          %add3A_312 = vector.broadcast %add3A_311 : f32 to vector<16xf32>
          %add3A_313 = arith.addf %convert_element_type3A_306, %add3A_312 : vector<16xf32>
          %add3A_314 = arith.constant 1.000000e+00 : f32
          %add3A_315 = vector.broadcast %add3A_314 : f32 to vector<16xf32>
          %add3A_316 = arith.addf %convert_element_type3A_307, %add3A_315 : vector<16xf32>
          %mul3A_317 = arith.constant 16384 : i32
          %mul3A_318 = vector.broadcast %mul3A_317 : i32 to vector<16xi32>
          %mul3A_319 = arith.muli %min3A_296, %mul3A_318 : vector<16xi32>
          %add3A_320 = arith.addi %convert_element_type3A, %mul3A_319 : vector<16xi32>
          %mul3A_321 = arith.constant 128 : i32
          %mul3A_322 = vector.broadcast %mul3A_321 : i32 to vector<16xi32>
          %mul3A_323 = arith.muli %min3A_300, %mul3A_322 : vector<16xi32>
          %add3A_324 = arith.addi %add3A_320, %mul3A_323 : vector<16xi32>
          %add3A_325 = arith.addi %add3A_324, %min3A_304 : vector<16xi32>
          %add3A_326 = arith.constant 0 : i32
          %add3A_327 = vector.broadcast %add3A_326 : i32 to vector<16xi32>
          %add3A_328 = arith.addi %add3A_325, %add3A_327 : vector<16xi32>
          %add3A_329 = arith.constant 0 : i32
          %add3A_330 = arith.addi %add3A_329, %mul3A_256 : i32
          %swap3A_331 = arith.constant 0 : i32
          %swap3A_332 = arith.constant 0 : i32
          %swap3A_333 = arith.index_cast %swap3A_331 : i32 to index
          %swap3A_334 = arith.index_cast %swap3A_332 : i32 to index
          %swap3A_335 = arith.index_cast %add3A_330 : i32 to index
          %swap3A_336 = tpu.vector_load %arg19[%swap3A_333, %swap3A_334, %swap3A_335] {strides = array<i32>} : memref<2x1x1024xi32, #tpu.memory_space<vmem>>, vector<1x1x16xi32>,
          %swap3A_337 = vector.shape_cast %swap3A_336 : vector<1x1x16xi32> to vector<16xi32>
          %swap3A_338 = vector.shape_cast %add3A_328 : vector<16xi32> to vector<1x1x16xi32>
          tpu.vector_store %arg19[%swap3A_333, %swap3A_334, %swap3A_335], %swap3A_338 {strides = array<i32>} : memref<2x1x1024xi32, #tpu.memory_space<vmem>>, vector<1x1x16xi32>,
          %add3A_339 = arith.constant 1 : i32
          %add3A_340 = vector.broadcast %add3A_339 : i32 to vector<16xi32>
          %add3A_341 = arith.addi %add3A_325, %add3A_340 : vector<16xi32>
          %add3A_342 = arith.constant 128 : i32
          %add3A_343 = arith.addi %add3A_342, %mul3A_256 : i32
          %swap3A_344 = arith.constant 0 : i32
          %swap3A_345 = arith.constant 0 : i32
          %swap3A_346 = arith.index_cast %swap3A_344 : i32 to index
          %swap3A_347 = arith.index_cast %swap3A_345 : i32 to index
          %swap3A_348 = arith.index_cast %add3A_343 : i32 to index
          %swap3A_349 = tpu.vector_load %arg19[%swap3A_346, %swap3A_347, %swap3A_348] {strides = array<i32>} : memref<2x1x1024xi32, #tpu.memory_space<vmem>>, vector<1x1x16xi32>,
          %swap3A_350 = vector.shape_cast %swap3A_349 : vector<1x1x16xi32> to vector<16xi32>
          %swap3A_351 = vector.shape_cast %add3A_341 : vector<16xi32> to vector<1x1x16xi32>
          tpu.vector_store %arg19[%swap3A_346, %swap3A_347, %swap3A_348], %swap3A_351 {strides = array<i32>} : memref<2x1x1024xi32, #tpu.memory_space<vmem>>, vector<1x1x16xi32>,
          %add3A_352 = arith.constant 128 : i32
          %add3A_353 = vector.broadcast %add3A_352 : i32 to vector<16xi32>
          %add3A_354 = arith.addi %add3A_325, %add3A_353 : vector<16xi32>
          %add3A_355 = arith.constant 256 : i32
          %add3A_356 = arith.addi %add3A_355, %mul3A_256 : i32
          %swap3A_357 = arith.constant 0 : i32
          %swap3A_358 = arith.constant 0 : i32
          %swap3A_359 = arith.index_cast %swap3A_357 : i32 to index
          %swap3A_360 = arith.index_cast %swap3A_358 : i32 to index
          %swap3A_361 = arith.index_cast %add3A_356 : i32 to index
          %swap3A_362 = tpu.vector_load %arg19[%swap3A_359, %swap3A_360, %swap3A_361] {strides = array<i32>} : memref<2x1x1024xi32, #tpu.memory_space<vmem>>, vector<1x1x16xi32>,
          %swap3A_363 = vector.shape_cast %swap3A_362 : vector<1x1x16xi32> to vector<16xi32>
          %swap3A_364 = vector.shape_cast %add3A_354 : vector<16xi32> to vector<1x1x16xi32>
          tpu.vector_store %arg19[%swap3A_359, %swap3A_360, %swap3A_361], %swap3A_364 {strides = array<i32>} : memref<2x1x1024xi32, #tpu.memory_space<vmem>>, vector<1x1x16xi32>,
          %add3A_365 = arith.constant 129 : i32
          %add3A_366 = vector.broadcast %add3A_365 : i32 to vector<16xi32>
          %add3A_367 = arith.addi %add3A_325, %add3A_366 : vector<16xi32>
          %add3A_368 = arith.constant 384 : i32
          %add3A_369 = arith.addi %add3A_368, %mul3A_256 : i32
          %swap3A_370 = arith.constant 0 : i32
          %swap3A_371 = arith.constant 0 : i32
          %swap3A_372 = arith.index_cast %swap3A_370 : i32 to index
          %swap3A_373 = arith.index_cast %swap3A_371 : i32 to index
          %swap3A_374 = arith.index_cast %add3A_369 : i32 to index
          %swap3A_375 = tpu.vector_load %arg19[%swap3A_372, %swap3A_373, %swap3A_374] {strides = array<i32>} : memref<2x1x1024xi32, #tpu.memory_space<vmem>>, vector<1x1x16xi32>,
          %swap3A_376 = vector.shape_cast %swap3A_375 : vector<1x1x16xi32> to vector<16xi32>
          %swap3A_377 = vector.shape_cast %add3A_367 : vector<16xi32> to vector<1x1x16xi32>
          tpu.vector_store %arg19[%swap3A_372, %swap3A_373, %swap3A_374], %swap3A_377 {strides = array<i32>} : memref<2x1x1024xi32, #tpu.memory_space<vmem>>, vector<1x1x16xi32>,
          %add3A_378 = arith.constant 16384 : i32
          %add3A_379 = vector.broadcast %add3A_378 : i32 to vector<16xi32>
          %add3A_380 = arith.addi %add3A_325, %add3A_379 : vector<16xi32>
          %add3A_381 = arith.constant 512 : i32
          %add3A_382 = arith.addi %add3A_381, %mul3A_256 : i32
          %swap3A_383 = arith.constant 0 : i32
          %swap3A_384 = arith.constant 0 : i32
          %swap3A_385 = arith.index_cast %swap3A_383 : i32 to index
          %swap3A_386 = arith.index_cast %swap3A_384 : i32 to index
          %swap3A_387 = arith.index_cast %add3A_382 : i32 to index
          %swap3A_388 = tpu.vector_load %arg19[%swap3A_385, %swap3A_386, %swap3A_387] {strides = array<i32>} : memref<2x1x1024xi32, #tpu.memory_space<vmem>>, vector<1x1x16xi32>,
          %swap3A_389 = vector.shape_cast %swap3A_388 : vector<1x1x16xi32> to vector<16xi32>
          %swap3A_390 = vector.shape_cast %add3A_380 : vector<16xi32> to vector<1x1x16xi32>
          tpu.vector_store %arg19[%swap3A_385, %swap3A_386, %swap3A_387], %swap3A_390 {strides = array<i32>} : memref<2x1x1024xi32, #tpu.memory_space<vmem>>, vector<1x1x16xi32>,
          %add3A_391 = arith.constant 16385 : i32
          %add3A_392 = vector.broadcast %add3A_391 : i32 to vector<16xi32>
          %add3A_393 = arith.addi %add3A_325, %add3A_392 : vector<16xi32>
          %add3A_394 = arith.constant 640 : i32
          %add3A_395 = arith.addi %add3A_394, %mul3A_256 : i32
          %swap3A_396 = arith.constant 0 : i32
          %swap3A_397 = arith.constant 0 : i32
          %swap3A_398 = arith.index_cast %swap3A_396 : i32 to index
          %swap3A_399 = arith.index_cast %swap3A_397 : i32 to index
          %swap3A_400 = arith.index_cast %add3A_395 : i32 to index
          %swap3A_401 = tpu.vector_load %arg19[%swap3A_398, %swap3A_399, %swap3A_400] {strides = array<i32>} : memref<2x1x1024xi32, #tpu.memory_space<vmem>>, vector<1x1x16xi32>,
          %swap3A_402 = vector.shape_cast %swap3A_401 : vector<1x1x16xi32> to vector<16xi32>
          %swap3A_403 = vector.shape_cast %add3A_393 : vector<16xi32> to vector<1x1x16xi32>
          tpu.vector_store %arg19[%swap3A_398, %swap3A_399, %swap3A_400], %swap3A_403 {strides = array<i32>} : memref<2x1x1024xi32, #tpu.memory_space<vmem>>, vector<1x1x16xi32>,
          %add3A_404 = arith.constant 16512 : i32
          %add3A_405 = vector.broadcast %add3A_404 : i32 to vector<16xi32>
          %add3A_406 = arith.addi %add3A_325, %add3A_405 : vector<16xi32>
          %add3A_407 = arith.constant 768 : i32
          %add3A_408 = arith.addi %add3A_407, %mul3A_256 : i32
          %swap3A_409 = arith.constant 0 : i32
          %swap3A_410 = arith.constant 0 : i32
          %swap3A_411 = arith.index_cast %swap3A_409 : i32 to index
          %swap3A_412 = arith.index_cast %swap3A_410 : i32 to index
          %swap3A_413 = arith.index_cast %add3A_408 : i32 to index
          %swap3A_414 = tpu.vector_load %arg19[%swap3A_411, %swap3A_412, %swap3A_413] {strides = array<i32>} : memref<2x1x1024xi32, #tpu.memory_space<vmem>>, vector<1x1x16xi32>,
          %swap3A_415 = vector.shape_cast %swap3A_414 : vector<1x1x16xi32> to vector<16xi32>
          %swap3A_416 = vector.shape_cast %add3A_406 : vector<16xi32> to vector<1x1x16xi32>
          tpu.vector_store %arg19[%swap3A_411, %swap3A_412, %swap3A_413], %swap3A_416 {strides = array<i32>} : memref<2x1x1024xi32, #tpu.memory_space<vmem>>, vector<1x1x16xi32>,
          %add3A_417 = arith.constant 16513 : i32
          %add3A_418 = vector.broadcast %add3A_417 : i32 to vector<16xi32>
          %add3A_419 = arith.addi %add3A_325, %add3A_418 : vector<16xi32>
          %add3A_420 = arith.constant 896 : i32
          %add3A_421 = arith.addi %add3A_420, %mul3A_256 : i32
          %swap3A_422 = arith.constant 0 : i32
          %swap3A_423 = arith.constant 0 : i32
          %swap3A_424 = arith.index_cast %swap3A_422 : i32 to index
          %swap3A_425 = arith.index_cast %swap3A_423 : i32 to index
          %swap3A_426 = arith.index_cast %add3A_421 : i32 to index
          %swap3A_427 = tpu.vector_load %arg19[%swap3A_424, %swap3A_425, %swap3A_426] {strides = array<i32>} : memref<2x1x1024xi32, #tpu.memory_space<vmem>>, vector<1x1x16xi32>,
          %swap3A_428 = vector.shape_cast %swap3A_427 : vector<1x1x16xi32> to vector<16xi32>
          %swap3A_429 = vector.shape_cast %add3A_419 : vector<16xi32> to vector<1x1x16xi32>
          tpu.vector_store %arg19[%swap3A_424, %swap3A_425, %swap3A_426], %swap3A_429 {strides = array<i32>} : memref<2x1x1024xi32, #tpu.memory_space<vmem>>, vector<1x1x16xi32>,
          %sub3A = arith.subf %convert_element_type3A_305, %get3A_4 : vector<16xf32>
          %sub3A_430 = arith.subf %add3A_310, %get3A_4 : vector<16xf32>
          %sub3A_431 = arith.subf %convert_element_type3A_306, %get3A_7 : vector<16xf32>
          %sub3A_432 = arith.subf %add3A_313, %get3A_7 : vector<16xf32>
          %sub3A_433 = arith.subf %convert_element_type3A_307, %get3A_10 : vector<16xf32>
          %sub3A_434 = arith.subf %add3A_316, %get3A_10 : vector<16xf32>
          %sub3A_435 = arith.subf %add3A_310, %min3A_280 : vector<16xf32>
          %swap3A_436 = arith.constant 0 : i32
          %swap3A_437 = arith.constant 0 : i32
          %swap3A_438 = arith.index_cast %swap3A_436 : i32 to index
          %swap3A_439 = arith.index_cast %swap3A_437 : i32 to index
          %swap3A_440 = arith.index_cast %mul3A_256 : i32 to index
          %swap3A_441 = tpu.vector_load %arg21[%swap3A_438, %swap3A_439, %swap3A_440] {strides = array<i32>} : memref<2x16x128xf32, #tpu.memory_space<vmem>>, vector<1x1x16xf32>,
          %swap3A_442 = vector.shape_cast %swap3A_441 : vector<1x1x16xf32> to vector<16xf32>
          %swap3A_443 = vector.shape_cast %sub3A_435 : vector<16xf32> to vector<1x1x16xf32>
          tpu.vector_store %arg21[%swap3A_438, %swap3A_439, %swap3A_440], %swap3A_443 {strides = array<i32>} : memref<2x16x128xf32, #tpu.memory_space<vmem>>, vector<1x1x16xf32>,
          %sub3A_444 = arith.subf %min3A_280, %convert_element_type3A_305 : vector<16xf32>
          %swap3A_445 = arith.constant 0 : i32
          %swap3A_446 = arith.constant 1 : i32
          %swap3A_447 = arith.index_cast %swap3A_445 : i32 to index
          %swap3A_448 = arith.index_cast %swap3A_446 : i32 to index
          %swap3A_449 = arith.index_cast %mul3A_256 : i32 to index
          %swap3A_450 = tpu.vector_load %arg21[%swap3A_447, %swap3A_448, %swap3A_449] {strides = array<i32>} : memref<2x16x128xf32, #tpu.memory_space<vmem>>, vector<1x1x16xf32>,
          %swap3A_451 = vector.shape_cast %swap3A_450 : vector<1x1x16xf32> to vector<16xf32>
          %swap3A_452 = vector.shape_cast %sub3A_444 : vector<16xf32> to vector<1x1x16xf32>
          tpu.vector_store %arg21[%swap3A_447, %swap3A_448, %swap3A_449], %swap3A_452 {strides = array<i32>} : memref<2x16x128xf32, #tpu.memory_space<vmem>>, vector<1x1x16xf32>,
          %sub3A_453 = arith.subf %add3A_313, %min3A_286 : vector<16xf32>
          %swap3A_454 = arith.constant 0 : i32
          %swap3A_455 = arith.constant 2 : i32
          %swap3A_456 = arith.index_cast %swap3A_454 : i32 to index
          %swap3A_457 = arith.index_cast %swap3A_455 : i32 to index
          %swap3A_458 = arith.index_cast %mul3A_256 : i32 to index
          %swap3A_459 = tpu.vector_load %arg21[%swap3A_456, %swap3A_457, %swap3A_458] {strides = array<i32>} : memref<2x16x128xf32, #tpu.memory_space<vmem>>, vector<1x1x16xf32>,
          %swap3A_460 = vector.shape_cast %swap3A_459 : vector<1x1x16xf32> to vector<16xf32>
          %swap3A_461 = vector.shape_cast %sub3A_453 : vector<16xf32> to vector<1x1x16xf32>
          tpu.vector_store %arg21[%swap3A_456, %swap3A_457, %swap3A_458], %swap3A_461 {strides = array<i32>} : memref<2x16x128xf32, #tpu.memory_space<vmem>>, vector<1x1x16xf32>,
          %sub3A_462 = arith.subf %min3A_286, %convert_element_type3A_306 : vector<16xf32>
          %swap3A_463 = arith.constant 0 : i32
          %swap3A_464 = arith.constant 3 : i32
          %swap3A_465 = arith.index_cast %swap3A_463 : i32 to index
          %swap3A_466 = arith.index_cast %swap3A_464 : i32 to index
          %swap3A_467 = arith.index_cast %mul3A_256 : i32 to index
          %swap3A_468 = tpu.vector_load %arg21[%swap3A_465, %swap3A_466, %swap3A_467] {strides = array<i32>} : memref<2x16x128xf32, #tpu.memory_space<vmem>>, vector<1x1x16xf32>,
          %swap3A_469 = vector.shape_cast %swap3A_468 : vector<1x1x16xf32> to vector<16xf32>
          %swap3A_470 = vector.shape_cast %sub3A_462 : vector<16xf32> to vector<1x1x16xf32>
          tpu.vector_store %arg21[%swap3A_465, %swap3A_466, %swap3A_467], %swap3A_470 {strides = array<i32>} : memref<2x16x128xf32, #tpu.memory_space<vmem>>, vector<1x1x16xf32>,
          %sub3A_471 = arith.subf %add3A_316, %min3A_292 : vector<16xf32>
          %swap3A_472 = arith.constant 0 : i32
          %swap3A_473 = arith.constant 4 : i32
          %swap3A_474 = arith.index_cast %swap3A_472 : i32 to index
          %swap3A_475 = arith.index_cast %swap3A_473 : i32 to index
          %swap3A_476 = arith.index_cast %mul3A_256 : i32 to index
          %swap3A_477 = tpu.vector_load %arg21[%swap3A_474, %swap3A_475, %swap3A_476] {strides = array<i32>} : memref<2x16x128xf32, #tpu.memory_space<vmem>>, vector<1x1x16xf32>,
          %swap3A_478 = vector.shape_cast %swap3A_477 : vector<1x1x16xf32> to vector<16xf32>
          %swap3A_479 = vector.shape_cast %sub3A_471 : vector<16xf32> to vector<1x1x16xf32>
          tpu.vector_store %arg21[%swap3A_474, %swap3A_475, %swap3A_476], %swap3A_479 {strides = array<i32>} : memref<2x16x128xf32, #tpu.memory_space<vmem>>, vector<1x1x16xf32>,
          %sub3A_480 = arith.subf %min3A_292, %convert_element_type3A_307 : vector<16xf32>
          %swap3A_481 = arith.constant 0 : i32
          %swap3A_482 = arith.constant 5 : i32
          %swap3A_483 = arith.index_cast %swap3A_481 : i32 to index
          %swap3A_484 = arith.index_cast %swap3A_482 : i32 to index
          %swap3A_485 = arith.index_cast %mul3A_256 : i32 to index
          %swap3A_486 = tpu.vector_load %arg21[%swap3A_483, %swap3A_484, %swap3A_485] {strides = array<i32>} : memref<2x16x128xf32, #tpu.memory_space<vmem>>, vector<1x1x16xf32>,
          %swap3A_487 = vector.shape_cast %swap3A_486 : vector<1x1x16xf32> to vector<16xf32>
          %swap3A_488 = vector.shape_cast %sub3A_480 : vector<16xf32> to vector<1x1x16xf32>
          tpu.vector_store %arg21[%swap3A_483, %swap3A_484, %swap3A_485], %swap3A_488 {strides = array<i32>} : memref<2x16x128xf32, #tpu.memory_space<vmem>>, vector<1x1x16xf32>,
          %mul3A_489 = arith.mulf %sub3A, %sub3A : vector<16xf32>
          %swap3A_490 = arith.constant 0 : i32
          %swap3A_491 = arith.constant 6 : i32
          %swap3A_492 = arith.index_cast %swap3A_490 : i32 to index
          %swap3A_493 = arith.index_cast %swap3A_491 : i32 to index
          %swap3A_494 = arith.index_cast %mul3A_256 : i32 to index
          %swap3A_495 = tpu.vector_load %arg21[%swap3A_492, %swap3A_493, %swap3A_494] {strides = array<i32>} : memref<2x16x128xf32, #tpu.memory_space<vmem>>, vector<1x1x16xf32>,
          %swap3A_496 = vector.shape_cast %swap3A_495 : vector<1x1x16xf32> to vector<16xf32>
          %swap3A_497 = vector.shape_cast %mul3A_489 : vector<16xf32> to vector<1x1x16xf32>
          tpu.vector_store %arg21[%swap3A_492, %swap3A_493, %swap3A_494], %swap3A_497 {strides = array<i32>} : memref<2x16x128xf32, #tpu.memory_space<vmem>>, vector<1x1x16xf32>,
          %mul3A_498 = arith.mulf %sub3A_430, %sub3A_430 : vector<16xf32>
          %swap3A_499 = arith.constant 0 : i32
          %swap3A_500 = arith.constant 7 : i32
          %swap3A_501 = arith.index_cast %swap3A_499 : i32 to index
          %swap3A_502 = arith.index_cast %swap3A_500 : i32 to index
          %swap3A_503 = arith.index_cast %mul3A_256 : i32 to index
          %swap3A_504 = tpu.vector_load %arg21[%swap3A_501, %swap3A_502, %swap3A_503] {strides = array<i32>} : memref<2x16x128xf32, #tpu.memory_space<vmem>>, vector<1x1x16xf32>,
          %swap3A_505 = vector.shape_cast %swap3A_504 : vector<1x1x16xf32> to vector<16xf32>
          %swap3A_506 = vector.shape_cast %mul3A_498 : vector<16xf32> to vector<1x1x16xf32>
          tpu.vector_store %arg21[%swap3A_501, %swap3A_502, %swap3A_503], %swap3A_506 {strides = array<i32>} : memref<2x16x128xf32, #tpu.memory_space<vmem>>, vector<1x1x16xf32>,
          %mul3A_507 = arith.mulf %sub3A_431, %sub3A_431 : vector<16xf32>
          %swap3A_508 = arith.constant 0 : i32
          %swap3A_509 = arith.constant 8 : i32
          %swap3A_510 = arith.index_cast %swap3A_508 : i32 to index
          %swap3A_511 = arith.index_cast %swap3A_509 : i32 to index
          %swap3A_512 = arith.index_cast %mul3A_256 : i32 to index
          %swap3A_513 = tpu.vector_load %arg21[%swap3A_510, %swap3A_511, %swap3A_512] {strides = array<i32>} : memref<2x16x128xf32, #tpu.memory_space<vmem>>, vector<1x1x16xf32>,
          %swap3A_514 = vector.shape_cast %swap3A_513 : vector<1x1x16xf32> to vector<16xf32>
          %swap3A_515 = vector.shape_cast %mul3A_507 : vector<16xf32> to vector<1x1x16xf32>
          tpu.vector_store %arg21[%swap3A_510, %swap3A_511, %swap3A_512], %swap3A_515 {strides = array<i32>} : memref<2x16x128xf32, #tpu.memory_space<vmem>>, vector<1x1x16xf32>,
          %mul3A_516 = arith.mulf %sub3A_432, %sub3A_432 : vector<16xf32>
          %swap3A_517 = arith.constant 0 : i32
          %swap3A_518 = arith.constant 9 : i32
          %swap3A_519 = arith.index_cast %swap3A_517 : i32 to index
          %swap3A_520 = arith.index_cast %swap3A_518 : i32 to index
          %swap3A_521 = arith.index_cast %mul3A_256 : i32 to index
          %swap3A_522 = tpu.vector_load %arg21[%swap3A_519, %swap3A_520, %swap3A_521] {strides = array<i32>} : memref<2x16x128xf32, #tpu.memory_space<vmem>>, vector<1x1x16xf32>,
          %swap3A_523 = vector.shape_cast %swap3A_522 : vector<1x1x16xf32> to vector<16xf32>
          %swap3A_524 = vector.shape_cast %mul3A_516 : vector<16xf32> to vector<1x1x16xf32>
          tpu.vector_store %arg21[%swap3A_519, %swap3A_520, %swap3A_521], %swap3A_524 {strides = array<i32>} : memref<2x16x128xf32, #tpu.memory_space<vmem>>, vector<1x1x16xf32>,
          %mul3A_525 = arith.mulf %sub3A_433, %sub3A_433 : vector<16xf32>
          %swap3A_526 = arith.constant 0 : i32
          %swap3A_527 = arith.constant 10 : i32
          %swap3A_528 = arith.index_cast %swap3A_526 : i32 to index
          %swap3A_529 = arith.index_cast %swap3A_527 : i32 to index
          %swap3A_530 = arith.index_cast %mul3A_256 : i32 to index
          %swap3A_531 = tpu.vector_load %arg21[%swap3A_528, %swap3A_529, %swap3A_530] {strides = array<i32>} : memref<2x16x128xf32, #tpu.memory_space<vmem>>, vector<1x1x16xf32>,
          %swap3A_532 = vector.shape_cast %swap3A_531 : vector<1x1x16xf32> to vector<16xf32>
          %swap3A_533 = vector.shape_cast %mul3A_525 : vector<16xf32> to vector<1x1x16xf32>
          tpu.vector_store %arg21[%swap3A_528, %swap3A_529, %swap3A_530], %swap3A_533 {strides = array<i32>} : memref<2x16x128xf32, #tpu.memory_space<vmem>>, vector<1x1x16xf32>,
          %mul3A_534 = arith.mulf %sub3A_434, %sub3A_434 : vector<16xf32>
          %swap3A_535 = arith.constant 0 : i32
          %swap3A_536 = arith.constant 11 : i32
          %swap3A_537 = arith.index_cast %swap3A_535 : i32 to index
          %swap3A_538 = arith.index_cast %swap3A_536 : i32 to index
          %swap3A_539 = arith.index_cast %mul3A_256 : i32 to index
          %swap3A_540 = tpu.vector_load %arg21[%swap3A_537, %swap3A_538, %swap3A_539] {strides = array<i32>} : memref<2x16x128xf32, #tpu.memory_space<vmem>>, vector<1x1x16xf32>,
          %swap3A_541 = vector.shape_cast %swap3A_540 : vector<1x1x16xf32> to vector<16xf32>
          %swap3A_542 = vector.shape_cast %mul3A_534 : vector<16xf32> to vector<1x1x16xf32>
          tpu.vector_store %arg21[%swap3A_537, %swap3A_538, %swap3A_539], %swap3A_542 {strides = array<i32>} : memref<2x16x128xf32, #tpu.memory_space<vmem>>, vector<1x1x16xf32>,
          %swap3A_543 = arith.constant 0 : i32
          %swap3A_544 = arith.constant 12 : i32
          %swap3A_545 = arith.index_cast %swap3A_543 : i32 to index
          %swap3A_546 = arith.index_cast %swap3A_544 : i32 to index
          %swap3A_547 = arith.index_cast %mul3A_256 : i32 to index
          %swap3A_548 = tpu.vector_load %arg21[%swap3A_545, %swap3A_546, %swap3A_547] {strides = array<i32>} : memref<2x16x128xf32, #tpu.memory_space<vmem>>, vector<1x1x16xf32>,
          %swap3A_549 = vector.shape_cast %swap3A_548 : vector<1x1x16xf32> to vector<16xf32>
          %swap3A_550 = vector.shape_cast %get3A_276 : vector<16xf32> to vector<1x1x16xf32>
          tpu.vector_store %arg21[%swap3A_545, %swap3A_546, %swap3A_547], %swap3A_550 {strides = array<i32>} : memref<2x16x128xf32, #tpu.memory_space<vmem>>, vector<1x1x16xf32>,
          %mul3A_551 = arith.constant 32 : i32
          %mul3A_552 = arith.muli %scan3A_254, %mul3A_551 : i32
          %add3A_553 = arith.constant 16 : i32
          %add3A_554 = arith.addi %mul3A_552, %add3A_553 : i32
          %get3A_555 = arith.constant 0 : i32
          %get3A_556 = arith.index_cast %get3A_555 : i32 to index
          %get3A_557 = arith.index_cast %add3A_554 : i32 to index
          %get3A_558 = tpu.vector_load %arg15[%get3A_556, %get3A_557] {strides = array<i32>} : memref<2x128xf32, #tpu.memory_space<vmem>>, vector<1x16xf32>,
          %get3A_559 = vector.shape_cast %get3A_558 : vector<1x16xf32> to vector<16xf32>
          %get3A_560 = arith.constant 0 : i32
          %get3A_561 = arith.index_cast %get3A_560 : i32 to index
          %get3A_562 = arith.index_cast %add3A_554 : i32 to index
          %get3A_563 = tpu.vector_load %arg16[%get3A_561, %get3A_562] {strides = array<i32>} : memref<2x128xf32, #tpu.memory_space<vmem>>, vector<1x16xf32>,
          %get3A_564 = vector.shape_cast %get3A_563 : vector<1x16xf32> to vector<16xf32>
          %get3A_565 = arith.constant 0 : i32
          %get3A_566 = arith.index_cast %get3A_565 : i32 to index
          %get3A_567 = arith.index_cast %add3A_554 : i32 to index
          %get3A_568 = tpu.vector_load %arg17[%get3A_566, %get3A_567] {strides = array<i32>} : memref<2x128xf32, #tpu.memory_space<vmem>>, vector<1x16xf32>,
          %get3A_569 = vector.shape_cast %get3A_568 : vector<1x16xf32> to vector<16xf32>
          %get3A_570 = arith.constant 0 : i32
          %get3A_571 = arith.index_cast %get3A_570 : i32 to index
          %get3A_572 = arith.index_cast %add3A_554 : i32 to index
          %get3A_573 = tpu.vector_load %arg18[%get3A_571, %get3A_572] {strides = array<i32>} : memref<2x128xf32, #tpu.memory_space<vmem>>, vector<1x16xf32>,
          %get3A_574 = vector.shape_cast %get3A_573 : vector<1x16xf32> to vector<16xf32>
          %max3A_575 = arith.constant 0.000000e+00 : f32
          %max3A_576 = vector.broadcast %max3A_575 : f32 to vector<16xf32>
          %max3A_577 = arith.maximumf %get3A_559, %max3A_576 : vector<16xf32>
          %min3A_578 = arith.constant 1.270000e+02 : f32
          %min3A_579 = vector.broadcast %min3A_578 : f32 to vector<16xf32>
          %min3A_580 = arith.minimumf %max3A_577, %min3A_579 : vector<16xf32>
          %max3A_581 = arith.constant 0.000000e+00 : f32
          %max3A_582 = vector.broadcast %max3A_581 : f32 to vector<16xf32>
          %max3A_583 = arith.maximumf %get3A_564, %max3A_582 : vector<16xf32>
          %min3A_584 = arith.constant 1.270000e+02 : f32
          %min3A_585 = vector.broadcast %min3A_584 : f32 to vector<16xf32>
          %min3A_586 = arith.minimumf %max3A_583, %min3A_585 : vector<16xf32>
          %max3A_587 = arith.constant 0.000000e+00 : f32
          %max3A_588 = vector.broadcast %max3A_587 : f32 to vector<16xf32>
          %max3A_589 = arith.maximumf %get3A_569, %max3A_588 : vector<16xf32>
          %min3A_590 = arith.constant 1.270000e+02 : f32
          %min3A_591 = vector.broadcast %min3A_590 : f32 to vector<16xf32>
          %min3A_592 = arith.minimumf %max3A_589, %min3A_591 : vector<16xf32>
          %convert_element_type3A_593 = arith.fptosi %min3A_580 : vector<16xf32> to vector<16xi32>
          %min3A_594 = arith.constant 126 : i32
          %min3A_595 = vector.broadcast %min3A_594 : i32 to vector<16xi32>
          %min3A_596 = arith.minsi %convert_element_type3A_593, %min3A_595 : vector<16xi32>
          %convert_element_type3A_597 = arith.fptosi %min3A_586 : vector<16xf32> to vector<16xi32>
          %min3A_598 = arith.constant 126 : i32
          %min3A_599 = vector.broadcast %min3A_598 : i32 to vector<16xi32>
          %min3A_600 = arith.minsi %convert_element_type3A_597, %min3A_599 : vector<16xi32>
          %convert_element_type3A_601 = arith.fptosi %min3A_592 : vector<16xf32> to vector<16xi32>
          %min3A_602 = arith.constant 126 : i32
          %min3A_603 = vector.broadcast %min3A_602 : i32 to vector<16xi32>
          %min3A_604 = arith.minsi %convert_element_type3A_601, %min3A_603 : vector<16xi32>
          %convert_element_type3A_605 = arith.sitofp %min3A_596 : vector<16xi32> to vector<16xf32>
          %convert_element_type3A_606 = arith.sitofp %min3A_600 : vector<16xi32> to vector<16xf32>
          %convert_element_type3A_607 = arith.sitofp %min3A_604 : vector<16xi32> to vector<16xf32>
          %add3A_608 = arith.constant 1.000000e+00 : f32
          %add3A_609 = vector.broadcast %add3A_608 : f32 to vector<16xf32>
          %add3A_610 = arith.addf %convert_element_type3A_605, %add3A_609 : vector<16xf32>
          %add3A_611 = arith.constant 1.000000e+00 : f32
          %add3A_612 = vector.broadcast %add3A_611 : f32 to vector<16xf32>
          %add3A_613 = arith.addf %convert_element_type3A_606, %add3A_612 : vector<16xf32>
          %add3A_614 = arith.constant 1.000000e+00 : f32
          %add3A_615 = vector.broadcast %add3A_614 : f32 to vector<16xf32>
          %add3A_616 = arith.addf %convert_element_type3A_607, %add3A_615 : vector<16xf32>
          %mul3A_617 = arith.constant 16384 : i32
          %mul3A_618 = vector.broadcast %mul3A_617 : i32 to vector<16xi32>
          %mul3A_619 = arith.muli %min3A_596, %mul3A_618 : vector<16xi32>
          %add3A_620 = arith.addi %convert_element_type3A, %mul3A_619 : vector<16xi32>
          %mul3A_621 = arith.constant 128 : i32
          %mul3A_622 = vector.broadcast %mul3A_621 : i32 to vector<16xi32>
          %mul3A_623 = arith.muli %min3A_600, %mul3A_622 : vector<16xi32>
          %add3A_624 = arith.addi %add3A_620, %mul3A_623 : vector<16xi32>
          %add3A_625 = arith.addi %add3A_624, %min3A_604 : vector<16xi32>
          %add3A_626 = arith.constant 0 : i32
          %add3A_627 = vector.broadcast %add3A_626 : i32 to vector<16xi32>
          %add3A_628 = arith.addi %add3A_625, %add3A_627 : vector<16xi32>
          %add3A_629 = arith.constant 0 : i32
          %add3A_630 = arith.addi %add3A_629, %add3A_554 : i32
          %swap3A_631 = arith.constant 0 : i32
          %swap3A_632 = arith.constant 0 : i32
          %swap3A_633 = arith.index_cast %swap3A_631 : i32 to index
          %swap3A_634 = arith.index_cast %swap3A_632 : i32 to index
          %swap3A_635 = arith.index_cast %add3A_630 : i32 to index
          %swap3A_636 = tpu.vector_load %arg19[%swap3A_633, %swap3A_634, %swap3A_635] {strides = array<i32>} : memref<2x1x1024xi32, #tpu.memory_space<vmem>>, vector<1x1x16xi32>,
          %swap3A_637 = vector.shape_cast %swap3A_636 : vector<1x1x16xi32> to vector<16xi32>
          %swap3A_638 = vector.shape_cast %add3A_628 : vector<16xi32> to vector<1x1x16xi32>
          tpu.vector_store %arg19[%swap3A_633, %swap3A_634, %swap3A_635], %swap3A_638 {strides = array<i32>} : memref<2x1x1024xi32, #tpu.memory_space<vmem>>, vector<1x1x16xi32>,
          %add3A_639 = arith.constant 1 : i32
          %add3A_640 = vector.broadcast %add3A_639 : i32 to vector<16xi32>
          %add3A_641 = arith.addi %add3A_625, %add3A_640 : vector<16xi32>
          %add3A_642 = arith.constant 128 : i32
          %add3A_643 = arith.addi %add3A_642, %add3A_554 : i32
          %swap3A_644 = arith.constant 0 : i32
          %swap3A_645 = arith.constant 0 : i32
          %swap3A_646 = arith.index_cast %swap3A_644 : i32 to index
          %swap3A_647 = arith.index_cast %swap3A_645 : i32 to index
          %swap3A_648 = arith.index_cast %add3A_643 : i32 to index
          %swap3A_649 = tpu.vector_load %arg19[%swap3A_646, %swap3A_647, %swap3A_648] {strides = array<i32>} : memref<2x1x1024xi32, #tpu.memory_space<vmem>>, vector<1x1x16xi32>,
          %swap3A_650 = vector.shape_cast %swap3A_649 : vector<1x1x16xi32> to vector<16xi32>
          %swap3A_651 = vector.shape_cast %add3A_641 : vector<16xi32> to vector<1x1x16xi32>
          tpu.vector_store %arg19[%swap3A_646, %swap3A_647, %swap3A_648], %swap3A_651 {strides = array<i32>} : memref<2x1x1024xi32, #tpu.memory_space<vmem>>, vector<1x1x16xi32>,
          %add3A_652 = arith.constant 128 : i32
          %add3A_653 = vector.broadcast %add3A_652 : i32 to vector<16xi32>
          %add3A_654 = arith.addi %add3A_625, %add3A_653 : vector<16xi32>
          %add3A_655 = arith.constant 256 : i32
          %add3A_656 = arith.addi %add3A_655, %add3A_554 : i32
          %swap3A_657 = arith.constant 0 : i32
          %swap3A_658 = arith.constant 0 : i32
          %swap3A_659 = arith.index_cast %swap3A_657 : i32 to index
          %swap3A_660 = arith.index_cast %swap3A_658 : i32 to index
          %swap3A_661 = arith.index_cast %add3A_656 : i32 to index
          %swap3A_662 = tpu.vector_load %arg19[%swap3A_659, %swap3A_660, %swap3A_661] {strides = array<i32>} : memref<2x1x1024xi32, #tpu.memory_space<vmem>>, vector<1x1x16xi32>,
          %swap3A_663 = vector.shape_cast %swap3A_662 : vector<1x1x16xi32> to vector<16xi32>
          %swap3A_664 = vector.shape_cast %add3A_654 : vector<16xi32> to vector<1x1x16xi32>
          tpu.vector_store %arg19[%swap3A_659, %swap3A_660, %swap3A_661], %swap3A_664 {strides = array<i32>} : memref<2x1x1024xi32, #tpu.memory_space<vmem>>, vector<1x1x16xi32>,
          %add3A_665 = arith.constant 129 : i32
          %add3A_666 = vector.broadcast %add3A_665 : i32 to vector<16xi32>
          %add3A_667 = arith.addi %add3A_625, %add3A_666 : vector<16xi32>
          %add3A_668 = arith.constant 384 : i32
          %add3A_669 = arith.addi %add3A_668, %add3A_554 : i32
          %swap3A_670 = arith.constant 0 : i32
          %swap3A_671 = arith.constant 0 : i32
          %swap3A_672 = arith.index_cast %swap3A_670 : i32 to index
          %swap3A_673 = arith.index_cast %swap3A_671 : i32 to index
          %swap3A_674 = arith.index_cast %add3A_669 : i32 to index
          %swap3A_675 = tpu.vector_load %arg19[%swap3A_672, %swap3A_673, %swap3A_674] {strides = array<i32>} : memref<2x1x1024xi32, #tpu.memory_space<vmem>>, vector<1x1x16xi32>,
          %swap3A_676 = vector.shape_cast %swap3A_675 : vector<1x1x16xi32> to vector<16xi32>
          %swap3A_677 = vector.shape_cast %add3A_667 : vector<16xi32> to vector<1x1x16xi32>
          tpu.vector_store %arg19[%swap3A_672, %swap3A_673, %swap3A_674], %swap3A_677 {strides = array<i32>} : memref<2x1x1024xi32, #tpu.memory_space<vmem>>, vector<1x1x16xi32>,
          %add3A_678 = arith.constant 16384 : i32
          %add3A_679 = vector.broadcast %add3A_678 : i32 to vector<16xi32>
          %add3A_680 = arith.addi %add3A_625, %add3A_679 : vector<16xi32>
          %add3A_681 = arith.constant 512 : i32
          %add3A_682 = arith.addi %add3A_681, %add3A_554 : i32
          %swap3A_683 = arith.constant 0 : i32
          %swap3A_684 = arith.constant 0 : i32
          %swap3A_685 = arith.index_cast %swap3A_683 : i32 to index
          %swap3A_686 = arith.index_cast %swap3A_684 : i32 to index
          %swap3A_687 = arith.index_cast %add3A_682 : i32 to index
          %swap3A_688 = tpu.vector_load %arg19[%swap3A_685, %swap3A_686, %swap3A_687] {strides = array<i32>} : memref<2x1x1024xi32, #tpu.memory_space<vmem>>, vector<1x1x16xi32>,
          %swap3A_689 = vector.shape_cast %swap3A_688 : vector<1x1x16xi32> to vector<16xi32>
          %swap3A_690 = vector.shape_cast %add3A_680 : vector<16xi32> to vector<1x1x16xi32>
          tpu.vector_store %arg19[%swap3A_685, %swap3A_686, %swap3A_687], %swap3A_690 {strides = array<i32>} : memref<2x1x1024xi32, #tpu.memory_space<vmem>>, vector<1x1x16xi32>,
          %add3A_691 = arith.constant 16385 : i32
          %add3A_692 = vector.broadcast %add3A_691 : i32 to vector<16xi32>
          %add3A_693 = arith.addi %add3A_625, %add3A_692 : vector<16xi32>
          %add3A_694 = arith.constant 640 : i32
          %add3A_695 = arith.addi %add3A_694, %add3A_554 : i32
          %swap3A_696 = arith.constant 0 : i32
          %swap3A_697 = arith.constant 0 : i32
          %swap3A_698 = arith.index_cast %swap3A_696 : i32 to index
          %swap3A_699 = arith.index_cast %swap3A_697 : i32 to index
          %swap3A_700 = arith.index_cast %add3A_695 : i32 to index
          %swap3A_701 = tpu.vector_load %arg19[%swap3A_698, %swap3A_699, %swap3A_700] {strides = array<i32>} : memref<2x1x1024xi32, #tpu.memory_space<vmem>>, vector<1x1x16xi32>,
          %swap3A_702 = vector.shape_cast %swap3A_701 : vector<1x1x16xi32> to vector<16xi32>
          %swap3A_703 = vector.shape_cast %add3A_693 : vector<16xi32> to vector<1x1x16xi32>
          tpu.vector_store %arg19[%swap3A_698, %swap3A_699, %swap3A_700], %swap3A_703 {strides = array<i32>} : memref<2x1x1024xi32, #tpu.memory_space<vmem>>, vector<1x1x16xi32>,
          %add3A_704 = arith.constant 16512 : i32
          %add3A_705 = vector.broadcast %add3A_704 : i32 to vector<16xi32>
          %add3A_706 = arith.addi %add3A_625, %add3A_705 : vector<16xi32>
          %add3A_707 = arith.constant 768 : i32
          %add3A_708 = arith.addi %add3A_707, %add3A_554 : i32
          %swap3A_709 = arith.constant 0 : i32
          %swap3A_710 = arith.constant 0 : i32
          %swap3A_711 = arith.index_cast %swap3A_709 : i32 to index
          %swap3A_712 = arith.index_cast %swap3A_710 : i32 to index
          %swap3A_713 = arith.index_cast %add3A_708 : i32 to index
          %swap3A_714 = tpu.vector_load %arg19[%swap3A_711, %swap3A_712, %swap3A_713] {strides = array<i32>} : memref<2x1x1024xi32, #tpu.memory_space<vmem>>, vector<1x1x16xi32>,
          %swap3A_715 = vector.shape_cast %swap3A_714 : vector<1x1x16xi32> to vector<16xi32>
          %swap3A_716 = vector.shape_cast %add3A_706 : vector<16xi32> to vector<1x1x16xi32>
          tpu.vector_store %arg19[%swap3A_711, %swap3A_712, %swap3A_713], %swap3A_716 {strides = array<i32>} : memref<2x1x1024xi32, #tpu.memory_space<vmem>>, vector<1x1x16xi32>,
          %add3A_717 = arith.constant 16513 : i32
          %add3A_718 = vector.broadcast %add3A_717 : i32 to vector<16xi32>
          %add3A_719 = arith.addi %add3A_625, %add3A_718 : vector<16xi32>
          %add3A_720 = arith.constant 896 : i32
          %add3A_721 = arith.addi %add3A_720, %add3A_554 : i32
          %swap3A_722 = arith.constant 0 : i32
          %swap3A_723 = arith.constant 0 : i32
          %swap3A_724 = arith.index_cast %swap3A_722 : i32 to index
          %swap3A_725 = arith.index_cast %swap3A_723 : i32 to index
          %swap3A_726 = arith.index_cast %add3A_721 : i32 to index
          %swap3A_727 = tpu.vector_load %arg19[%swap3A_724, %swap3A_725, %swap3A_726] {strides = array<i32>} : memref<2x1x1024xi32, #tpu.memory_space<vmem>>, vector<1x1x16xi32>,
          %swap3A_728 = vector.shape_cast %swap3A_727 : vector<1x1x16xi32> to vector<16xi32>
          %swap3A_729 = vector.shape_cast %add3A_719 : vector<16xi32> to vector<1x1x16xi32>
          tpu.vector_store %arg19[%swap3A_724, %swap3A_725, %swap3A_726], %swap3A_729 {strides = array<i32>} : memref<2x1x1024xi32, #tpu.memory_space<vmem>>, vector<1x1x16xi32>,
          %sub3A_730 = arith.subf %convert_element_type3A_605, %get3A_4 : vector<16xf32>
          %sub3A_731 = arith.subf %add3A_610, %get3A_4 : vector<16xf32>
          %sub3A_732 = arith.subf %convert_element_type3A_606, %get3A_7 : vector<16xf32>
          %sub3A_733 = arith.subf %add3A_613, %get3A_7 : vector<16xf32>
          %sub3A_734 = arith.subf %convert_element_type3A_607, %get3A_10 : vector<16xf32>
          %sub3A_735 = arith.subf %add3A_616, %get3A_10 : vector<16xf32>
          %sub3A_736 = arith.subf %add3A_610, %min3A_580 : vector<16xf32>
          %swap3A_737 = arith.constant 0 : i32
          %swap3A_738 = arith.constant 0 : i32
          %swap3A_739 = arith.index_cast %swap3A_737 : i32 to index
          %swap3A_740 = arith.index_cast %swap3A_738 : i32 to index
          %swap3A_741 = arith.index_cast %add3A_554 : i32 to index
          %swap3A_742 = tpu.vector_load %arg21[%swap3A_739, %swap3A_740, %swap3A_741] {strides = array<i32>} : memref<2x16x128xf32, #tpu.memory_space<vmem>>, vector<1x1x16xf32>,
          %swap3A_743 = vector.shape_cast %swap3A_742 : vector<1x1x16xf32> to vector<16xf32>
          %swap3A_744 = vector.shape_cast %sub3A_736 : vector<16xf32> to vector<1x1x16xf32>
          tpu.vector_store %arg21[%swap3A_739, %swap3A_740, %swap3A_741], %swap3A_744 {strides = array<i32>} : memref<2x16x128xf32, #tpu.memory_space<vmem>>, vector<1x1x16xf32>,
          %sub3A_745 = arith.subf %min3A_580, %convert_element_type3A_605 : vector<16xf32>
          %swap3A_746 = arith.constant 0 : i32
          %swap3A_747 = arith.constant 1 : i32
          %swap3A_748 = arith.index_cast %swap3A_746 : i32 to index
          %swap3A_749 = arith.index_cast %swap3A_747 : i32 to index
          %swap3A_750 = arith.index_cast %add3A_554 : i32 to index
          %swap3A_751 = tpu.vector_load %arg21[%swap3A_748, %swap3A_749, %swap3A_750] {strides = array<i32>} : memref<2x16x128xf32, #tpu.memory_space<vmem>>, vector<1x1x16xf32>,
          %swap3A_752 = vector.shape_cast %swap3A_751 : vector<1x1x16xf32> to vector<16xf32>
          %swap3A_753 = vector.shape_cast %sub3A_745 : vector<16xf32> to vector<1x1x16xf32>
          tpu.vector_store %arg21[%swap3A_748, %swap3A_749, %swap3A_750], %swap3A_753 {strides = array<i32>} : memref<2x16x128xf32, #tpu.memory_space<vmem>>, vector<1x1x16xf32>,
          %sub3A_754 = arith.subf %add3A_613, %min3A_586 : vector<16xf32>
          %swap3A_755 = arith.constant 0 : i32
          %swap3A_756 = arith.constant 2 : i32
          %swap3A_757 = arith.index_cast %swap3A_755 : i32 to index
          %swap3A_758 = arith.index_cast %swap3A_756 : i32 to index
          %swap3A_759 = arith.index_cast %add3A_554 : i32 to index
          %swap3A_760 = tpu.vector_load %arg21[%swap3A_757, %swap3A_758, %swap3A_759] {strides = array<i32>} : memref<2x16x128xf32, #tpu.memory_space<vmem>>, vector<1x1x16xf32>,
          %swap3A_761 = vector.shape_cast %swap3A_760 : vector<1x1x16xf32> to vector<16xf32>
          %swap3A_762 = vector.shape_cast %sub3A_754 : vector<16xf32> to vector<1x1x16xf32>
          tpu.vector_store %arg21[%swap3A_757, %swap3A_758, %swap3A_759], %swap3A_762 {strides = array<i32>} : memref<2x16x128xf32, #tpu.memory_space<vmem>>, vector<1x1x16xf32>,
          %sub3A_763 = arith.subf %min3A_586, %convert_element_type3A_606 : vector<16xf32>
          %swap3A_764 = arith.constant 0 : i32
          %swap3A_765 = arith.constant 3 : i32
          %swap3A_766 = arith.index_cast %swap3A_764 : i32 to index
          %swap3A_767 = arith.index_cast %swap3A_765 : i32 to index
          %swap3A_768 = arith.index_cast %add3A_554 : i32 to index
          %swap3A_769 = tpu.vector_load %arg21[%swap3A_766, %swap3A_767, %swap3A_768] {strides = array<i32>} : memref<2x16x128xf32, #tpu.memory_space<vmem>>, vector<1x1x16xf32>,
          %swap3A_770 = vector.shape_cast %swap3A_769 : vector<1x1x16xf32> to vector<16xf32>
          %swap3A_771 = vector.shape_cast %sub3A_763 : vector<16xf32> to vector<1x1x16xf32>
          tpu.vector_store %arg21[%swap3A_766, %swap3A_767, %swap3A_768], %swap3A_771 {strides = array<i32>} : memref<2x16x128xf32, #tpu.memory_space<vmem>>, vector<1x1x16xf32>,
          %sub3A_772 = arith.subf %add3A_616, %min3A_592 : vector<16xf32>
          %swap3A_773 = arith.constant 0 : i32
          %swap3A_774 = arith.constant 4 : i32
          %swap3A_775 = arith.index_cast %swap3A_773 : i32 to index
          %swap3A_776 = arith.index_cast %swap3A_774 : i32 to index
          %swap3A_777 = arith.index_cast %add3A_554 : i32 to index
          %swap3A_778 = tpu.vector_load %arg21[%swap3A_775, %swap3A_776, %swap3A_777] {strides = array<i32>} : memref<2x16x128xf32, #tpu.memory_space<vmem>>, vector<1x1x16xf32>,
          %swap3A_779 = vector.shape_cast %swap3A_778 : vector<1x1x16xf32> to vector<16xf32>
          %swap3A_780 = vector.shape_cast %sub3A_772 : vector<16xf32> to vector<1x1x16xf32>
          tpu.vector_store %arg21[%swap3A_775, %swap3A_776, %swap3A_777], %swap3A_780 {strides = array<i32>} : memref<2x16x128xf32, #tpu.memory_space<vmem>>, vector<1x1x16xf32>,
          %sub3A_781 = arith.subf %min3A_592, %convert_element_type3A_607 : vector<16xf32>
          %swap3A_782 = arith.constant 0 : i32
          %swap3A_783 = arith.constant 5 : i32
          %swap3A_784 = arith.index_cast %swap3A_782 : i32 to index
          %swap3A_785 = arith.index_cast %swap3A_783 : i32 to index
          %swap3A_786 = arith.index_cast %add3A_554 : i32 to index
          %swap3A_787 = tpu.vector_load %arg21[%swap3A_784, %swap3A_785, %swap3A_786] {strides = array<i32>} : memref<2x16x128xf32, #tpu.memory_space<vmem>>, vector<1x1x16xf32>,
          %swap3A_788 = vector.shape_cast %swap3A_787 : vector<1x1x16xf32> to vector<16xf32>
          %swap3A_789 = vector.shape_cast %sub3A_781 : vector<16xf32> to vector<1x1x16xf32>
          tpu.vector_store %arg21[%swap3A_784, %swap3A_785, %swap3A_786], %swap3A_789 {strides = array<i32>} : memref<2x16x128xf32, #tpu.memory_space<vmem>>, vector<1x1x16xf32>,
          %mul3A_790 = arith.mulf %sub3A_730, %sub3A_730 : vector<16xf32>
          %swap3A_791 = arith.constant 0 : i32
          %swap3A_792 = arith.constant 6 : i32
          %swap3A_793 = arith.index_cast %swap3A_791 : i32 to index
          %swap3A_794 = arith.index_cast %swap3A_792 : i32 to index
          %swap3A_795 = arith.index_cast %add3A_554 : i32 to index
          %swap3A_796 = tpu.vector_load %arg21[%swap3A_793, %swap3A_794, %swap3A_795] {strides = array<i32>} : memref<2x16x128xf32, #tpu.memory_space<vmem>>, vector<1x1x16xf32>,
          %swap3A_797 = vector.shape_cast %swap3A_796 : vector<1x1x16xf32> to vector<16xf32>
          %swap3A_798 = vector.shape_cast %mul3A_790 : vector<16xf32> to vector<1x1x16xf32>
          tpu.vector_store %arg21[%swap3A_793, %swap3A_794, %swap3A_795], %swap3A_798 {strides = array<i32>} : memref<2x16x128xf32, #tpu.memory_space<vmem>>, vector<1x1x16xf32>,
          %mul3A_799 = arith.mulf %sub3A_731, %sub3A_731 : vector<16xf32>
          %swap3A_800 = arith.constant 0 : i32
          %swap3A_801 = arith.constant 7 : i32
          %swap3A_802 = arith.index_cast %swap3A_800 : i32 to index
          %swap3A_803 = arith.index_cast %swap3A_801 : i32 to index
          %swap3A_804 = arith.index_cast %add3A_554 : i32 to index
          %swap3A_805 = tpu.vector_load %arg21[%swap3A_802, %swap3A_803, %swap3A_804] {strides = array<i32>} : memref<2x16x128xf32, #tpu.memory_space<vmem>>, vector<1x1x16xf32>,
          %swap3A_806 = vector.shape_cast %swap3A_805 : vector<1x1x16xf32> to vector<16xf32>
          %swap3A_807 = vector.shape_cast %mul3A_799 : vector<16xf32> to vector<1x1x16xf32>
          tpu.vector_store %arg21[%swap3A_802, %swap3A_803, %swap3A_804], %swap3A_807 {strides = array<i32>} : memref<2x16x128xf32, #tpu.memory_space<vmem>>, vector<1x1x16xf32>,
          %mul3A_808 = arith.mulf %sub3A_732, %sub3A_732 : vector<16xf32>
          %swap3A_809 = arith.constant 0 : i32
          %swap3A_810 = arith.constant 8 : i32
          %swap3A_811 = arith.index_cast %swap3A_809 : i32 to index
          %swap3A_812 = arith.index_cast %swap3A_810 : i32 to index
          %swap3A_813 = arith.index_cast %add3A_554 : i32 to index
          %swap3A_814 = tpu.vector_load %arg21[%swap3A_811, %swap3A_812, %swap3A_813] {strides = array<i32>} : memref<2x16x128xf32, #tpu.memory_space<vmem>>, vector<1x1x16xf32>,
          %swap3A_815 = vector.shape_cast %swap3A_814 : vector<1x1x16xf32> to vector<16xf32>
          %swap3A_816 = vector.shape_cast %mul3A_808 : vector<16xf32> to vector<1x1x16xf32>
          tpu.vector_store %arg21[%swap3A_811, %swap3A_812, %swap3A_813], %swap3A_816 {strides = array<i32>} : memref<2x16x128xf32, #tpu.memory_space<vmem>>, vector<1x1x16xf32>,
          %mul3A_817 = arith.mulf %sub3A_733, %sub3A_733 : vector<16xf32>
          %swap3A_818 = arith.constant 0 : i32
          %swap3A_819 = arith.constant 9 : i32
          %swap3A_820 = arith.index_cast %swap3A_818 : i32 to index
          %swap3A_821 = arith.index_cast %swap3A_819 : i32 to index
          %swap3A_822 = arith.index_cast %add3A_554 : i32 to index
          %swap3A_823 = tpu.vector_load %arg21[%swap3A_820, %swap3A_821, %swap3A_822] {strides = array<i32>} : memref<2x16x128xf32, #tpu.memory_space<vmem>>, vector<1x1x16xf32>,
          %swap3A_824 = vector.shape_cast %swap3A_823 : vector<1x1x16xf32> to vector<16xf32>
          %swap3A_825 = vector.shape_cast %mul3A_817 : vector<16xf32> to vector<1x1x16xf32>
          tpu.vector_store %arg21[%swap3A_820, %swap3A_821, %swap3A_822], %swap3A_825 {strides = array<i32>} : memref<2x16x128xf32, #tpu.memory_space<vmem>>, vector<1x1x16xf32>,
          %mul3A_826 = arith.mulf %sub3A_734, %sub3A_734 : vector<16xf32>
          %swap3A_827 = arith.constant 0 : i32
          %swap3A_828 = arith.constant 10 : i32
          %swap3A_829 = arith.index_cast %swap3A_827 : i32 to index
          %swap3A_830 = arith.index_cast %swap3A_828 : i32 to index
          %swap3A_831 = arith.index_cast %add3A_554 : i32 to index
          %swap3A_832 = tpu.vector_load %arg21[%swap3A_829, %swap3A_830, %swap3A_831] {strides = array<i32>} : memref<2x16x128xf32, #tpu.memory_space<vmem>>, vector<1x1x16xf32>,
          %swap3A_833 = vector.shape_cast %swap3A_832 : vector<1x1x16xf32> to vector<16xf32>
          %swap3A_834 = vector.shape_cast %mul3A_826 : vector<16xf32> to vector<1x1x16xf32>
          tpu.vector_store %arg21[%swap3A_829, %swap3A_830, %swap3A_831], %swap3A_834 {strides = array<i32>} : memref<2x16x128xf32, #tpu.memory_space<vmem>>, vector<1x1x16xf32>,
          %mul3A_835 = arith.mulf %sub3A_735, %sub3A_735 : vector<16xf32>
          %swap3A_836 = arith.constant 0 : i32
          %swap3A_837 = arith.constant 11 : i32
          %swap3A_838 = arith.index_cast %swap3A_836 : i32 to index
          %swap3A_839 = arith.index_cast %swap3A_837 : i32 to index
          %swap3A_840 = arith.index_cast %add3A_554 : i32 to index
          %swap3A_841 = tpu.vector_load %arg21[%swap3A_838, %swap3A_839, %swap3A_840] {strides = array<i32>} : memref<2x16x128xf32, #tpu.memory_space<vmem>>, vector<1x1x16xf32>,
          %swap3A_842 = vector.shape_cast %swap3A_841 : vector<1x1x16xf32> to vector<16xf32>
          %swap3A_843 = vector.shape_cast %mul3A_835 : vector<16xf32> to vector<1x1x16xf32>
          tpu.vector_store %arg21[%swap3A_838, %swap3A_839, %swap3A_840], %swap3A_843 {strides = array<i32>} : memref<2x16x128xf32, #tpu.memory_space<vmem>>, vector<1x1x16xf32>,
          %swap3A_844 = arith.constant 0 : i32
          %swap3A_845 = arith.constant 12 : i32
          %swap3A_846 = arith.index_cast %swap3A_844 : i32 to index
          %swap3A_847 = arith.index_cast %swap3A_845 : i32 to index
          %swap3A_848 = arith.index_cast %add3A_554 : i32 to index
          %swap3A_849 = tpu.vector_load %arg21[%swap3A_846, %swap3A_847, %swap3A_848] {strides = array<i32>} : memref<2x16x128xf32, #tpu.memory_space<vmem>>, vector<1x1x16xf32>,
          %swap3A_850 = vector.shape_cast %swap3A_849 : vector<1x1x16xf32> to vector<16xf32>
          %swap3A_851 = vector.shape_cast %get3A_574 : vector<16xf32> to vector<1x1x16xf32>
          tpu.vector_store %arg21[%swap3A_846, %swap3A_847, %swap3A_848], %swap3A_851 {strides = array<i32>} : memref<2x16x128xf32, #tpu.memory_space<vmem>>, vector<1x1x16xf32>,
        }
        %scan3A_240 = arith.constant 4 : i32
        %dma_start3A_241 = arith.constant 0 : i32
        %dma_start3A_242 = arith.constant 0 : i32
        %dma_start3A_243 = arith.constant 0 : i32
        %dma_start3A_244 = arith.constant 0 : i32
        %dma_start3A_245 = tpu.memref_slice %arg20[%dma_start3A_242, %dma_start3A_243, %dma_start3A_244] : memref<2x1x1024xf32, #tpu.memory_space<vmem>> -> memref<1x1x1024xf32, #tpu.memory_space<vmem>>
        %dma_start3A_246 = tpu.memref_squeeze %dma_start3A_245 : memref<1x1x1024xf32, #tpu.memory_space<vmem>> -> memref<1x1024xf32, #tpu.memory_space<vmem>>
        %dma_start3A_247 = arith.constant 0 : i32
        %dma_start3A_248 = arith.constant 0 : i32
        %dma_start3A_249 = tpu.memref_slice %arg19[%dma_start3A_241, %dma_start3A_247, %dma_start3A_248] : memref<2x1x1024xi32, #tpu.memory_space<vmem>> -> memref<1x1x1024xi32, #tpu.memory_space<vmem>>
        %dma_start3A_250 = tpu.memref_squeeze %dma_start3A_249 : memref<1x1x1024xi32, #tpu.memory_space<vmem>> -> memref<1x1024xi32, #tpu.memory_space<vmem>>
        %dma_start3A_251 = arith.constant 0 : i32
        %dma_start3A_252 = arith.constant 0 : i32
        %dma_start3A_253 = tpu.memref_slice %arg2[%dma_start3A_251, %dma_start3A_252] : memref<1x4194304xf32, #tpu.memory_space<hbm>> -> memref<1x4194304xf32, #tpu.memory_space<hbm>>
        tpu.enqueue_indirect_dma source(%dma_start3A_253 : memref<1x4194304xf32, #tpu.memory_space<hbm>>) target(%dma_start3A_246 : memref<1x1024xf32, #tpu.memory_space<vmem>>) offsets(%dma_start3A_250 : memref<1x1024xi32, #tpu.memory_space<vmem>>) semaphore(%arg27 : memref<!tpu.dma_semaphore, #tpu.memory_space<semaphore_mem>>)
      } else {
      }
      %add3A_133 = arith.constant 1 : i32
      %add3A_134 = arith.addi %mul3A_129, %add3A_133 : i32
      %lt3A_135 = arith.constant 64 : i32
      %lt3A_136 = arith.cmpi slt, %add3A_134, %lt3A_135 : i32
      %convert_element_type3A_137 = arith.extui %lt3A_136 : i1 to i32
      %cond3A_138 = arith.constant 0 : i32
      %cond3A_139 = arith.cmpi ne, %convert_element_type3A_137, %cond3A_138 : i32
      scf.if %cond3A_139 {
        %add3A_195 = arith.constant 1 : i32
        %add3A_196 = arith.addi %mul3A_129, %add3A_195 : i32
        %mul3A_197 = arith.constant 128 : i32
        %mul3A_198 = arith.muli %add3A_196, %mul3A_197 : i32
        %add3A_199 = arith.addi %mul3A_2, %mul3A_198 : i32
        %dma_wait3A_200 = arith.constant 1 : i32
        %dma_wait3A_201 = arith.constant 0 : i32
        %dma_wait3A_202 = tpu.memref_slice %arg13[%dma_wait3A_200, %dma_wait3A_201] : memref<2x128xi32, #tpu.memory_space<vmem>> -> memref<1x128xi32, #tpu.memory_space<vmem>>
        %dma_wait3A_203 = tpu.memref_squeeze %dma_wait3A_202 : memref<1x128xi32, #tpu.memory_space<vmem>> -> memref<128xi32, #tpu.memory_space<vmem>>
        %dma_wait3A_204 = tpu.memref_slice %arg7[%add3A_199] : memref<262144xi32, #tpu.memory_space<hbm>> -> memref<128xi32, #tpu.memory_space<hbm>>
        %dma_wait3A_205 = arith.constant 0 : i32
        %dma_wait3A_206 = tpu.memref_slice %arg13[%dma_wait3A_200, %dma_wait3A_205] : memref<2x128xi32, #tpu.memory_space<vmem>> -> memref<1x128xi32, #tpu.memory_space<vmem>>
        %dma_wait3A_207 = tpu.memref_squeeze %dma_wait3A_206 : memref<1x128xi32, #tpu.memory_space<vmem>> -> memref<128xi32, #tpu.memory_space<vmem>>
        %dma_wait3A_208 = tpu.memref_slice %arg7[%add3A_199] : memref<262144xi32, #tpu.memory_space<hbm>> -> memref<128xi32, #tpu.memory_space<hbm>>
        tpu.wait_dma2 semaphore(%arg24 : memref<!tpu.dma_semaphore, #tpu.memory_space<semaphore_mem>>) src(%dma_wait3A_208 : memref<128xi32, #tpu.memory_space<hbm>>) dst(%dma_wait3A_207 : memref<128xi32, #tpu.memory_space<vmem>>)
        %dma_start3A_209 = arith.constant 1 : i32
        %dma_start3A_210 = arith.constant 1 : i32
        %dma_start3A_211 = arith.constant 0 : i32
        %dma_start3A_212 = tpu.memref_slice %arg15[%dma_start3A_210, %dma_start3A_211] : memref<2x128xf32, #tpu.memory_space<vmem>> -> memref<1x128xf32, #tpu.memory_space<vmem>>
        %dma_start3A_213 = tpu.memref_squeeze %dma_start3A_212 : memref<1x128xf32, #tpu.memory_space<vmem>> -> memref<128xf32, #tpu.memory_space<vmem>>
        %dma_start3A_214 = arith.constant 0 : i32
        %dma_start3A_215 = tpu.memref_slice %arg13[%dma_start3A_209, %dma_start3A_214] : memref<2x128xi32, #tpu.memory_space<vmem>> -> memref<1x128xi32, #tpu.memory_space<vmem>>
        %dma_start3A_216 = tpu.memref_squeeze %dma_start3A_215 : memref<1x128xi32, #tpu.memory_space<vmem>> -> memref<128xi32, #tpu.memory_space<vmem>>
        %dma_start3A_217 = arith.constant 0 : i32
        %dma_start3A_218 = tpu.memref_slice %arg3[%dma_start3A_217] : memref<50000xf32, #tpu.memory_space<hbm>> -> memref<50000xf32, #tpu.memory_space<hbm>>
        tpu.enqueue_indirect_dma source(%dma_start3A_218 : memref<50000xf32, #tpu.memory_space<hbm>>) target(%dma_start3A_213 : memref<128xf32, #tpu.memory_space<vmem>>) offsets(%dma_start3A_216 : memref<128xi32, #tpu.memory_space<vmem>>) semaphore(%arg26 : memref<!tpu.dma_semaphore, #tpu.memory_space<semaphore_mem>>)
        %dma_start3A_219 = arith.constant 1 : i32
        %dma_start3A_220 = arith.constant 1 : i32
        %dma_start3A_221 = arith.constant 0 : i32
        %dma_start3A_222 = tpu.memref_slice %arg16[%dma_start3A_220, %dma_start3A_221] : memref<2x128xf32, #tpu.memory_space<vmem>> -> memref<1x128xf32, #tpu.memory_space<vmem>>
        %dma_start3A_223 = tpu.memref_squeeze %dma_start3A_222 : memref<1x128xf32, #tpu.memory_space<vmem>> -> memref<128xf32, #tpu.memory_space<vmem>>
        %dma_start3A_224 = arith.constant 0 : i32
        %dma_start3A_225 = tpu.memref_slice %arg13[%dma_start3A_219, %dma_start3A_224] : memref<2x128xi32, #tpu.memory_space<vmem>> -> memref<1x128xi32, #tpu.memory_space<vmem>>
        %dma_start3A_226 = tpu.memref_squeeze %dma_start3A_225 : memref<1x128xi32, #tpu.memory_space<vmem>> -> memref<128xi32, #tpu.memory_space<vmem>>
        %dma_start3A_227 = arith.constant 0 : i32
        %dma_start3A_228 = tpu.memref_slice %arg4[%dma_start3A_227] : memref<50000xf32, #tpu.memory_space<hbm>> -> memref<50000xf32, #tpu.memory_space<hbm>>
        tpu.enqueue_indirect_dma source(%dma_start3A_228 : memref<50000xf32, #tpu.memory_space<hbm>>) target(%dma_start3A_223 : memref<128xf32, #tpu.memory_space<vmem>>) offsets(%dma_start3A_226 : memref<128xi32, #tpu.memory_space<vmem>>) semaphore(%arg26 : memref<!tpu.dma_semaphore, #tpu.memory_space<semaphore_mem>>)
        %dma_start3A_229 = arith.constant 1 : i32
        %dma_start3A_230 = arith.constant 1 : i32
        %dma_start3A_231 = arith.constant 0 : i32
        %dma_start3A_232 = tpu.memref_slice %arg17[%dma_start3A_230, %dma_start3A_231] : memref<2x128xf32, #tpu.memory_space<vmem>> -> memref<1x128xf32, #tpu.memory_space<vmem>>
        %dma_start3A_233 = tpu.memref_squeeze %dma_start3A_232 : memref<1x128xf32, #tpu.memory_space<vmem>> -> memref<128xf32, #tpu.memory_space<vmem>>
        %dma_start3A_234 = arith.constant 0 : i32
        %dma_start3A_235 = tpu.memref_slice %arg13[%dma_start3A_229, %dma_start3A_234] : memref<2x128xi32, #tpu.memory_space<vmem>> -> memref<1x128xi32, #tpu.memory_space<vmem>>
        %dma_start3A_236 = tpu.memref_squeeze %dma_start3A_235 : memref<1x128xi32, #tpu.memory_space<vmem>> -> memref<128xi32, #tpu.memory_space<vmem>>
        %dma_start3A_237 = arith.constant 0 : i32
        %dma_start3A_238 = tpu.memref_slice %arg5[%dma_start3A_237] : memref<50000xf32, #tpu.memory_space<hbm>> -> memref<50000xf32, #tpu.memory_space<hbm>>
        tpu.enqueue_indirect_dma source(%dma_start3A_238 : memref<50000xf32, #tpu.memory_space<hbm>>) target(%dma_start3A_233 : memref<128xf32, #tpu.memory_space<vmem>>) offsets(%dma_start3A_236 : memref<128xi32, #tpu.memory_space<vmem>>) semaphore(%arg26 : memref<!tpu.dma_semaphore, #tpu.memory_space<semaphore_mem>>)
        %dma_start3A_239 = arith.constant 1 : i32
        %dma_start3A_240 = arith.constant 1 : i32
        %dma_start3A_241 = arith.constant 0 : i32
        %dma_start3A_242 = tpu.memref_slice %arg18[%dma_start3A_240, %dma_start3A_241] : memref<2x128xf32, #tpu.memory_space<vmem>> -> memref<1x128xf32, #tpu.memory_space<vmem>>
        %dma_start3A_243 = tpu.memref_squeeze %dma_start3A_242 : memref<1x128xf32, #tpu.memory_space<vmem>> -> memref<128xf32, #tpu.memory_space<vmem>>
        %dma_start3A_244 = arith.constant 0 : i32
        %dma_start3A_245 = tpu.memref_slice %arg13[%dma_start3A_239, %dma_start3A_244] : memref<2x128xi32, #tpu.memory_space<vmem>> -> memref<1x128xi32, #tpu.memory_space<vmem>>
        %dma_start3A_246 = tpu.memref_squeeze %dma_start3A_245 : memref<1x128xi32, #tpu.memory_space<vmem>> -> memref<128xi32, #tpu.memory_space<vmem>>
        %dma_start3A_247 = arith.constant 0 : i32
        %dma_start3A_248 = tpu.memref_slice %arg6[%dma_start3A_247] : memref<50000xf32, #tpu.memory_space<hbm>> -> memref<50000xf32, #tpu.memory_space<hbm>>
        tpu.enqueue_indirect_dma source(%dma_start3A_248 : memref<50000xf32, #tpu.memory_space<hbm>>) target(%dma_start3A_243 : memref<128xf32, #tpu.memory_space<vmem>>) offsets(%dma_start3A_246 : memref<128xi32, #tpu.memory_space<vmem>>) semaphore(%arg26 : memref<!tpu.dma_semaphore, #tpu.memory_space<semaphore_mem>>)
      } else {
      }
      %add3A_140 = arith.constant 2 : i32
      %add3A_141 = arith.addi %mul3A_129, %add3A_140 : i32
      %lt3A_142 = arith.constant 64 : i32
      %lt3A_143 = arith.cmpi slt, %add3A_141, %lt3A_142 : i32
      %convert_element_type3A_144 = arith.extui %lt3A_143 : i1 to i32
      %cond3A_145 = arith.constant 0 : i32
      %cond3A_146 = arith.cmpi ne, %convert_element_type3A_144, %cond3A_145 : i32
      scf.if %cond3A_146 {
        %add3A_195 = arith.constant 2 : i32
        %add3A_196 = arith.addi %mul3A_129, %add3A_195 : i32
        %mul3A_197 = arith.constant 128 : i32
        %mul3A_198 = arith.muli %add3A_196, %mul3A_197 : i32
        %add3A_199 = arith.addi %mul3A_2, %mul3A_198 : i32
        %dma_start3A_200 = arith.constant 0 : i32
        %dma_start3A_201 = arith.constant 0 : i32
        %dma_start3A_202 = tpu.memref_slice %arg13[%dma_start3A_200, %dma_start3A_201] : memref<2x128xi32, #tpu.memory_space<vmem>> -> memref<1x128xi32, #tpu.memory_space<vmem>>
        %dma_start3A_203 = tpu.memref_squeeze %dma_start3A_202 : memref<1x128xi32, #tpu.memory_space<vmem>> -> memref<128xi32, #tpu.memory_space<vmem>>
        %dma_start3A_204 = tpu.memref_slice %arg7[%add3A_199] : memref<262144xi32, #tpu.memory_space<hbm>> -> memref<128xi32, #tpu.memory_space<hbm>>
        %dma_start3A_205 = arith.constant 0 : i32
        %dma_start3A_206 = tpu.memref_slice %arg13[%dma_start3A_200, %dma_start3A_205] : memref<2x128xi32, #tpu.memory_space<vmem>> -> memref<1x128xi32, #tpu.memory_space<vmem>>
        %dma_start3A_207 = tpu.memref_squeeze %dma_start3A_206 : memref<1x128xi32, #tpu.memory_space<vmem>> -> memref<128xi32, #tpu.memory_space<vmem>>
        %dma_start3A_208 = tpu.memref_slice %arg7[%add3A_199] : memref<262144xi32, #tpu.memory_space<hbm>> -> memref<128xi32, #tpu.memory_space<hbm>>
        tpu.enqueue_dma source(%dma_start3A_208 : memref<128xi32, #tpu.memory_space<hbm>>) target(%dma_start3A_207 : memref<128xi32, #tpu.memory_space<vmem>>) target_semaphore(%arg24 : memref<!tpu.dma_semaphore, #tpu.memory_space<semaphore_mem>>)
      } else {
      }
      %ge3A = arith.constant 1 : i32
      %ge3A_147 = arith.cmpi sge, %mul3A_129, %ge3A : i32
      %le3A = arith.constant 64 : i32
      %le3A_148 = arith.cmpi sle, %mul3A_129, %le3A : i32
      %and3A = arith.andi %ge3A_147, %le3A_148 : i1
      %convert_element_type3A_149 = arith.extui %and3A : i1 to i32
      %cond3A_150 = arith.constant 0 : i32
      %cond3A_151 = arith.cmpi ne, %convert_element_type3A_149, %cond3A_150 : i32
      scf.if %cond3A_151 {
        %dma_wait3A_195 = arith.constant 1 : i32
        %dma_wait3A_196 = arith.constant 1 : i32
        %dma_wait3A_197 = arith.constant 0 : i32
        %dma_wait3A_198 = arith.constant 0 : i32
        %dma_wait3A_199 = tpu.memref_slice %arg20[%dma_wait3A_196, %dma_wait3A_197, %dma_wait3A_198] : memref<2x1x1024xf32, #tpu.memory_space<vmem>> -> memref<1x1x1024xf32, #tpu.memory_space<vmem>>
        %dma_wait3A_200 = tpu.memref_squeeze %dma_wait3A_199 : memref<1x1x1024xf32, #tpu.memory_space<vmem>> -> memref<1x1024xf32, #tpu.memory_space<vmem>>
        %dma_wait3A_201 = arith.constant 0 : i32
        %dma_wait3A_202 = arith.constant 0 : i32
        %dma_wait3A_203 = tpu.memref_slice %arg19[%dma_wait3A_195, %dma_wait3A_201, %dma_wait3A_202] : memref<2x1x1024xi32, #tpu.memory_space<vmem>> -> memref<1x1x1024xi32, #tpu.memory_space<vmem>>
        %dma_wait3A_204 = tpu.memref_squeeze %dma_wait3A_203 : memref<1x1x1024xi32, #tpu.memory_space<vmem>> -> memref<1x1024xi32, #tpu.memory_space<vmem>>
        %dma_wait3A_205 = arith.constant 0 : i32
        %dma_wait3A_206 = arith.constant 0 : i32
        %dma_wait3A_207 = tpu.memref_slice %arg2[%dma_wait3A_205, %dma_wait3A_206] : memref<1x4194304xf32, #tpu.memory_space<hbm>> -> memref<1x4194304xf32, #tpu.memory_space<hbm>>
        tpu.wait_indirect_dma semaphore(%arg27 : memref<!tpu.dma_semaphore, #tpu.memory_space<semaphore_mem>>) src(%dma_wait3A_207 : memref<1x4194304xf32, #tpu.memory_space<hbm>>) dst(%dma_wait3A_200 : memref<1x1024xf32, #tpu.memory_space<vmem>>)
        %sub3A = arith.constant 1 : i32
        %sub3A_208 = arith.subi %mul3A_129, %sub3A : i32
        %mul3A_209 = arith.constant 128 : i32
        %mul3A_210 = arith.muli %sub3A_208, %mul3A_209 : i32
        %add3A_211 = arith.addi %mul3A_2, %mul3A_210 : i32
        %dma_wait3A_212 = arith.constant 1 : i32
        %dma_wait3A_213 = arith.constant 0 : i32
        %dma_wait3A_214 = tpu.memref_slice %arg14[%dma_wait3A_212, %dma_wait3A_213] : memref<2x128xf32, #tpu.memory_space<vmem>> -> memref<1x128xf32, #tpu.memory_space<vmem>>
        %dma_wait3A_215 = tpu.memref_squeeze %dma_wait3A_214 : memref<1x128xf32, #tpu.memory_space<vmem>> -> memref<128xf32, #tpu.memory_space<vmem>>
        %dma_wait3A_216 = tpu.memref_slice %arg8[%add3A_211] : memref<262144xf32, #tpu.memory_space<hbm>> -> memref<128xf32, #tpu.memory_space<hbm>>
        %dma_wait3A_217 = arith.constant 0 : i32
        %dma_wait3A_218 = tpu.memref_slice %arg14[%dma_wait3A_212, %dma_wait3A_217] : memref<2x128xf32, #tpu.memory_space<vmem>> -> memref<1x128xf32, #tpu.memory_space<vmem>>
        %dma_wait3A_219 = tpu.memref_squeeze %dma_wait3A_218 : memref<1x128xf32, #tpu.memory_space<vmem>> -> memref<128xf32, #tpu.memory_space<vmem>>
        %dma_wait3A_220 = tpu.memref_slice %arg8[%add3A_211] : memref<262144xf32, #tpu.memory_space<hbm>> -> memref<128xf32, #tpu.memory_space<hbm>>
        tpu.wait_dma2 semaphore(%arg25 : memref<!tpu.dma_semaphore, #tpu.memory_space<semaphore_mem>>) src(%dma_wait3A_220 : memref<128xf32, #tpu.memory_space<hbm>>) dst(%dma_wait3A_219 : memref<128xf32, #tpu.memory_space<vmem>>)
        %ge3A_221 = arith.constant 3 : i32
        %ge3A_222 = arith.cmpi sge, %mul3A_129, %ge3A_221 : i32
        %convert_element_type3A_223 = arith.extui %ge3A_222 : i1 to i32
        %cond3A_224 = arith.constant 0 : i32
        %cond3A_225 = arith.cmpi ne, %convert_element_type3A_223, %cond3A_224 : i32
        scf.if %cond3A_225 {
          %sub3A_246 = arith.constant 3 : i32
          %sub3A_247 = arith.subi %mul3A_129, %sub3A_246 : i32
          %mul3A_248 = arith.constant 128 : i32
          %mul3A_249 = arith.muli %sub3A_247, %mul3A_248 : i32
          %add3A_250 = arith.addi %mul3A_2, %mul3A_249 : i32
          %dma_wait3A_251 = arith.constant 1 : i32
          %dma_wait3A_252 = arith.constant 0 : i32
          %dma_wait3A_253 = tpu.memref_slice %arg22[%dma_wait3A_251, %dma_wait3A_252] : memref<2x128xf32, #tpu.memory_space<vmem>> -> memref<1x128xf32, #tpu.memory_space<vmem>>
          %dma_wait3A_254 = tpu.memref_squeeze %dma_wait3A_253 : memref<1x128xf32, #tpu.memory_space<vmem>> -> memref<128xf32, #tpu.memory_space<vmem>>
          %dma_wait3A_255 = tpu.memref_slice %arg10[%add3A_250] : memref<262144xf32, #tpu.memory_space<hbm>> -> memref<128xf32, #tpu.memory_space<hbm>>
          %dma_wait3A_256 = tpu.memref_slice %arg10[%add3A_250] : memref<262144xf32, #tpu.memory_space<hbm>> -> memref<128xf32, #tpu.memory_space<hbm>>
          %dma_wait3A_257 = arith.constant 0 : i32
          %dma_wait3A_258 = tpu.memref_slice %arg22[%dma_wait3A_251, %dma_wait3A_257] : memref<2x128xf32, #tpu.memory_space<vmem>> -> memref<1x128xf32, #tpu.memory_space<vmem>>
          %dma_wait3A_259 = tpu.memref_squeeze %dma_wait3A_258 : memref<1x128xf32, #tpu.memory_space<vmem>> -> memref<128xf32, #tpu.memory_space<vmem>>
          tpu.wait_dma2 semaphore(%arg28 : memref<!tpu.dma_semaphore, #tpu.memory_space<semaphore_mem>>) src(%dma_wait3A_259 : memref<128xf32, #tpu.memory_space<vmem>>) dst(%dma_wait3A_256 : memref<128xf32, #tpu.memory_space<hbm>>)
        } else {
        }
        %scan3A_226 = arith.constant 0 : i32
        %scan3A_227 = arith.constant 0 : i32
        %scan3A_228 = arith.constant 4 : i32
        %scan3A_229 = arith.addi %scan3A_227, %scan3A_228 : i32
        %scan3A_230 = arith.constant 1 : i32
        scf.for %scan3A_246 = %scan3A_227 to %scan3A_229 step %scan3A_230  : i32 {
          %mul3A_247 = arith.constant 32 : i32
          %mul3A_248 = arith.muli %scan3A_246, %mul3A_247 : i32
          %get3A_249 = arith.constant 1 : i32
          %get3A_250 = arith.constant 0 : i32
          %get3A_251 = arith.index_cast %get3A_249 : i32 to index
          %get3A_252 = arith.index_cast %get3A_250 : i32 to index
          %get3A_253 = arith.index_cast %mul3A_248 : i32 to index
          %get3A_254 = tpu.vector_load %arg21[%get3A_251, %get3A_252, %get3A_253] {strides = array<i32>} : memref<2x16x128xf32, #tpu.memory_space<vmem>>, vector<1x1x16xf32>,
          %get3A_255 = vector.shape_cast %get3A_254 : vector<1x1x16xf32> to vector<16xf32>
          %get3A_256 = arith.constant 1 : i32
          %get3A_257 = arith.constant 1 : i32
          %get3A_258 = arith.index_cast %get3A_256 : i32 to index
          %get3A_259 = arith.index_cast %get3A_257 : i32 to index
          %get3A_260 = arith.index_cast %mul3A_248 : i32 to index
          %get3A_261 = tpu.vector_load %arg21[%get3A_258, %get3A_259, %get3A_260] {strides = array<i32>} : memref<2x16x128xf32, #tpu.memory_space<vmem>>, vector<1x1x16xf32>,
          %get3A_262 = vector.shape_cast %get3A_261 : vector<1x1x16xf32> to vector<16xf32>
          %get3A_263 = arith.constant 1 : i32
          %get3A_264 = arith.constant 2 : i32
          %get3A_265 = arith.index_cast %get3A_263 : i32 to index
          %get3A_266 = arith.index_cast %get3A_264 : i32 to index
          %get3A_267 = arith.index_cast %mul3A_248 : i32 to index
          %get3A_268 = tpu.vector_load %arg21[%get3A_265, %get3A_266, %get3A_267] {strides = array<i32>} : memref<2x16x128xf32, #tpu.memory_space<vmem>>, vector<1x1x16xf32>,
          %get3A_269 = vector.shape_cast %get3A_268 : vector<1x1x16xf32> to vector<16xf32>
          %get3A_270 = arith.constant 1 : i32
          %get3A_271 = arith.constant 3 : i32
          %get3A_272 = arith.index_cast %get3A_270 : i32 to index
          %get3A_273 = arith.index_cast %get3A_271 : i32 to index
          %get3A_274 = arith.index_cast %mul3A_248 : i32 to index
          %get3A_275 = tpu.vector_load %arg21[%get3A_272, %get3A_273, %get3A_274] {strides = array<i32>} : memref<2x16x128xf32, #tpu.memory_space<vmem>>, vector<1x1x16xf32>,
          %get3A_276 = vector.shape_cast %get3A_275 : vector<1x1x16xf32> to vector<16xf32>
          %get3A_277 = arith.constant 1 : i32
          %get3A_278 = arith.constant 4 : i32
          %get3A_279 = arith.index_cast %get3A_277 : i32 to index
          %get3A_280 = arith.index_cast %get3A_278 : i32 to index
          %get3A_281 = arith.index_cast %mul3A_248 : i32 to index
          %get3A_282 = tpu.vector_load %arg21[%get3A_279, %get3A_280, %get3A_281] {strides = array<i32>} : memref<2x16x128xf32, #tpu.memory_space<vmem>>, vector<1x1x16xf32>,
          %get3A_283 = vector.shape_cast %get3A_282 : vector<1x1x16xf32> to vector<16xf32>
          %get3A_284 = arith.constant 1 : i32
          %get3A_285 = arith.constant 5 : i32
          %get3A_286 = arith.index_cast %get3A_284 : i32 to index
          %get3A_287 = arith.index_cast %get3A_285 : i32 to index
          %get3A_288 = arith.index_cast %mul3A_248 : i32 to index
          %get3A_289 = tpu.vector_load %arg21[%get3A_286, %get3A_287, %get3A_288] {strides = array<i32>} : memref<2x16x128xf32, #tpu.memory_space<vmem>>, vector<1x1x16xf32>,
          %get3A_290 = vector.shape_cast %get3A_289 : vector<1x1x16xf32> to vector<16xf32>
          %get3A_291 = arith.constant 1 : i32
          %get3A_292 = arith.constant 6 : i32
          %get3A_293 = arith.index_cast %get3A_291 : i32 to index
          %get3A_294 = arith.index_cast %get3A_292 : i32 to index
          %get3A_295 = arith.index_cast %mul3A_248 : i32 to index
          %get3A_296 = tpu.vector_load %arg21[%get3A_293, %get3A_294, %get3A_295] {strides = array<i32>} : memref<2x16x128xf32, #tpu.memory_space<vmem>>, vector<1x1x16xf32>,
          %get3A_297 = vector.shape_cast %get3A_296 : vector<1x1x16xf32> to vector<16xf32>
          %get3A_298 = arith.constant 1 : i32
          %get3A_299 = arith.constant 7 : i32
          %get3A_300 = arith.index_cast %get3A_298 : i32 to index
          %get3A_301 = arith.index_cast %get3A_299 : i32 to index
          %get3A_302 = arith.index_cast %mul3A_248 : i32 to index
          %get3A_303 = tpu.vector_load %arg21[%get3A_300, %get3A_301, %get3A_302] {strides = array<i32>} : memref<2x16x128xf32, #tpu.memory_space<vmem>>, vector<1x1x16xf32>,
          %get3A_304 = vector.shape_cast %get3A_303 : vector<1x1x16xf32> to vector<16xf32>
          %get3A_305 = arith.constant 1 : i32
          %get3A_306 = arith.constant 8 : i32
          %get3A_307 = arith.index_cast %get3A_305 : i32 to index
          %get3A_308 = arith.index_cast %get3A_306 : i32 to index
          %get3A_309 = arith.index_cast %mul3A_248 : i32 to index
          %get3A_310 = tpu.vector_load %arg21[%get3A_307, %get3A_308, %get3A_309] {strides = array<i32>} : memref<2x16x128xf32, #tpu.memory_space<vmem>>, vector<1x1x16xf32>,
          %get3A_311 = vector.shape_cast %get3A_310 : vector<1x1x16xf32> to vector<16xf32>
          %get3A_312 = arith.constant 1 : i32
          %get3A_313 = arith.constant 9 : i32
          %get3A_314 = arith.index_cast %get3A_312 : i32 to index
          %get3A_315 = arith.index_cast %get3A_313 : i32 to index
          %get3A_316 = arith.index_cast %mul3A_248 : i32 to index
          %get3A_317 = tpu.vector_load %arg21[%get3A_314, %get3A_315, %get3A_316] {strides = array<i32>} : memref<2x16x128xf32, #tpu.memory_space<vmem>>, vector<1x1x16xf32>,
          %get3A_318 = vector.shape_cast %get3A_317 : vector<1x1x16xf32> to vector<16xf32>
          %get3A_319 = arith.constant 1 : i32
          %get3A_320 = arith.constant 10 : i32
          %get3A_321 = arith.index_cast %get3A_319 : i32 to index
          %get3A_322 = arith.index_cast %get3A_320 : i32 to index
          %get3A_323 = arith.index_cast %mul3A_248 : i32 to index
          %get3A_324 = tpu.vector_load %arg21[%get3A_321, %get3A_322, %get3A_323] {strides = array<i32>} : memref<2x16x128xf32, #tpu.memory_space<vmem>>, vector<1x1x16xf32>,
          %get3A_325 = vector.shape_cast %get3A_324 : vector<1x1x16xf32> to vector<16xf32>
          %get3A_326 = arith.constant 1 : i32
          %get3A_327 = arith.constant 11 : i32
          %get3A_328 = arith.index_cast %get3A_326 : i32 to index
          %get3A_329 = arith.index_cast %get3A_327 : i32 to index
          %get3A_330 = arith.index_cast %mul3A_248 : i32 to index
          %get3A_331 = tpu.vector_load %arg21[%get3A_328, %get3A_329, %get3A_330] {strides = array<i32>} : memref<2x16x128xf32, #tpu.memory_space<vmem>>, vector<1x1x16xf32>,
          %get3A_332 = vector.shape_cast %get3A_331 : vector<1x1x16xf32> to vector<16xf32>
          %get3A_333 = arith.constant 1 : i32
          %get3A_334 = arith.constant 12 : i32
          %get3A_335 = arith.index_cast %get3A_333 : i32 to index
          %get3A_336 = arith.index_cast %get3A_334 : i32 to index
          %get3A_337 = arith.index_cast %mul3A_248 : i32 to index
          %get3A_338 = tpu.vector_load %arg21[%get3A_335, %get3A_336, %get3A_337] {strides = array<i32>} : memref<2x16x128xf32, #tpu.memory_space<vmem>>, vector<1x1x16xf32>,
          %get3A_339 = vector.shape_cast %get3A_338 : vector<1x1x16xf32> to vector<16xf32>
          %add3A_340 = arith.addf %get3A_297, %get3A_311 : vector<16xf32>
          %add3A_341 = arith.addf %add3A_340, %get3A_325 : vector<16xf32>
          %bitcast_convert_type3A = tpu.bitcast %add3A_341 : vector<16xf32> -> vector<16xi32>
          %shift_right_arithmetic3A = arith.constant 1 : i32
          %shift_right_arithmetic3A_342 = vector.broadcast %shift_right_arithmetic3A : i32 to vector<16xi32>
          %shift_right_arithmetic3A_343 = arith.shrsi %bitcast_convert_type3A, %shift_right_arithmetic3A_342 : vector<16xi32>
          %sub3A_344 = arith.constant 1597463007 : i32
          %sub3A_345 = vector.broadcast %sub3A_344 : i32 to vector<16xi32>
          %sub3A_346 = arith.subi %sub3A_345, %shift_right_arithmetic3A_343 : vector<16xi32>
          %bitcast_convert_type3A_347 = tpu.bitcast %sub3A_346 : vector<16xi32> -> vector<16xf32>
          %mul3A_348 = arith.constant 5.000000e-01 : f32
          %mul3A_349 = vector.broadcast %mul3A_348 : f32 to vector<16xf32>
          %mul3A_350 = arith.mulf %mul3A_349, %add3A_341 : vector<16xf32>
          %mul3A_351 = arith.mulf %mul3A_350, %bitcast_convert_type3A_347 : vector<16xf32>
          %mul3A_352 = arith.mulf %mul3A_351, %bitcast_convert_type3A_347 : vector<16xf32>
          %sub3A_353 = arith.constant 1.500000e+00 : f32
          %sub3A_354 = vector.broadcast %sub3A_353 : f32 to vector<16xf32>
          %sub3A_355 = arith.subf %sub3A_354, %mul3A_352 : vector<16xf32>
          %mul3A_356 = arith.mulf %bitcast_convert_type3A_347, %sub3A_355 : vector<16xf32>
          %mul3A_357 = arith.constant 5.000000e-01 : f32
          %mul3A_358 = vector.broadcast %mul3A_357 : f32 to vector<16xf32>
          %mul3A_359 = arith.mulf %mul3A_358, %add3A_341 : vector<16xf32>
          %mul3A_360 = arith.mulf %mul3A_359, %mul3A_356 : vector<16xf32>
          %mul3A_361 = arith.mulf %mul3A_360, %mul3A_356 : vector<16xf32>
          %sub3A_362 = arith.constant 1.500000e+00 : f32
          %sub3A_363 = vector.broadcast %sub3A_362 : f32 to vector<16xf32>
          %sub3A_364 = arith.subf %sub3A_363, %mul3A_361 : vector<16xf32>
          %mul3A_365 = arith.mulf %mul3A_356, %sub3A_364 : vector<16xf32>
          %mul3A_366 = arith.constant 5.000000e-01 : f32
          %mul3A_367 = vector.broadcast %mul3A_366 : f32 to vector<16xf32>
          %mul3A_368 = arith.mulf %mul3A_367, %add3A_341 : vector<16xf32>
          %mul3A_369 = arith.mulf %mul3A_368, %mul3A_365 : vector<16xf32>
          %mul3A_370 = arith.mulf %mul3A_369, %mul3A_365 : vector<16xf32>
          %sub3A_371 = arith.constant 1.500000e+00 : f32
          %sub3A_372 = vector.broadcast %sub3A_371 : f32 to vector<16xf32>
          %sub3A_373 = arith.subf %sub3A_372, %mul3A_370 : vector<16xf32>
          %mul3A_374 = arith.mulf %mul3A_365, %sub3A_373 : vector<16xf32>
          %mul3A_375 = arith.mulf %add3A_341, %mul3A_374 : vector<16xf32>
          %add3A_376 = arith.constant 0 : i32
          %add3A_377 = arith.addi %add3A_376, %mul3A_248 : i32
          %get3A_378 = arith.constant 1 : i32
          %get3A_379 = arith.constant 0 : i32
          %get3A_380 = arith.index_cast %get3A_378 : i32 to index
          %get3A_381 = arith.index_cast %get3A_379 : i32 to index
          %get3A_382 = arith.index_cast %add3A_377 : i32 to index
          %get3A_383 = tpu.vector_load %arg20[%get3A_380, %get3A_381, %get3A_382] {strides = array<i32>} : memref<2x1x1024xf32, #tpu.memory_space<vmem>>, vector<1x1x16xf32>,
          %get3A_384 = vector.shape_cast %get3A_383 : vector<1x1x16xf32> to vector<16xf32>
          %div3A = arith.divf %mul3A_375, %get3A_384 : vector<16xf32>
          %mul3A_385 = arith.mulf %get3A_255, %get3A_269 : vector<16xf32>
          %mul3A_386 = arith.mulf %mul3A_385, %get3A_283 : vector<16xf32>
          %mul3A_387 = arith.mulf %div3A, %mul3A_386 : vector<16xf32>
          %add3A_388 = arith.addf %get3A_304, %get3A_311 : vector<16xf32>
          %add3A_389 = arith.addf %add3A_388, %get3A_325 : vector<16xf32>
          %bitcast_convert_type3A_390 = tpu.bitcast %add3A_389 : vector<16xf32> -> vector<16xi32>
          %shift_right_arithmetic3A_391 = arith.constant 1 : i32
          %shift_right_arithmetic3A_392 = vector.broadcast %shift_right_arithmetic3A_391 : i32 to vector<16xi32>
          %shift_right_arithmetic3A_393 = arith.shrsi %bitcast_convert_type3A_390, %shift_right_arithmetic3A_392 : vector<16xi32>
          %sub3A_394 = arith.constant 1597463007 : i32
          %sub3A_395 = vector.broadcast %sub3A_394 : i32 to vector<16xi32>
          %sub3A_396 = arith.subi %sub3A_395, %shift_right_arithmetic3A_393 : vector<16xi32>
          %bitcast_convert_type3A_397 = tpu.bitcast %sub3A_396 : vector<16xi32> -> vector<16xf32>
          %mul3A_398 = arith.constant 5.000000e-01 : f32
          %mul3A_399 = vector.broadcast %mul3A_398 : f32 to vector<16xf32>
          %mul3A_400 = arith.mulf %mul3A_399, %add3A_389 : vector<16xf32>
          %mul3A_401 = arith.mulf %mul3A_400, %bitcast_convert_type3A_397 : vector<16xf32>
          %mul3A_402 = arith.mulf %mul3A_401, %bitcast_convert_type3A_397 : vector<16xf32>
          %sub3A_403 = arith.constant 1.500000e+00 : f32
          %sub3A_404 = vector.broadcast %sub3A_403 : f32 to vector<16xf32>
          %sub3A_405 = arith.subf %sub3A_404, %mul3A_402 : vector<16xf32>
          %mul3A_406 = arith.mulf %bitcast_convert_type3A_397, %sub3A_405 : vector<16xf32>
          %mul3A_407 = arith.constant 5.000000e-01 : f32
          %mul3A_408 = vector.broadcast %mul3A_407 : f32 to vector<16xf32>
          %mul3A_409 = arith.mulf %mul3A_408, %add3A_389 : vector<16xf32>
          %mul3A_410 = arith.mulf %mul3A_409, %mul3A_406 : vector<16xf32>
          %mul3A_411 = arith.mulf %mul3A_410, %mul3A_406 : vector<16xf32>
          %sub3A_412 = arith.constant 1.500000e+00 : f32
          %sub3A_413 = vector.broadcast %sub3A_412 : f32 to vector<16xf32>
          %sub3A_414 = arith.subf %sub3A_413, %mul3A_411 : vector<16xf32>
          %mul3A_415 = arith.mulf %mul3A_406, %sub3A_414 : vector<16xf32>
          %mul3A_416 = arith.constant 5.000000e-01 : f32
          %mul3A_417 = vector.broadcast %mul3A_416 : f32 to vector<16xf32>
          %mul3A_418 = arith.mulf %mul3A_417, %add3A_389 : vector<16xf32>
          %mul3A_419 = arith.mulf %mul3A_418, %mul3A_415 : vector<16xf32>
          %mul3A_420 = arith.mulf %mul3A_419, %mul3A_415 : vector<16xf32>
          %sub3A_421 = arith.constant 1.500000e+00 : f32
          %sub3A_422 = vector.broadcast %sub3A_421 : f32 to vector<16xf32>
          %sub3A_423 = arith.subf %sub3A_422, %mul3A_420 : vector<16xf32>
          %mul3A_424 = arith.mulf %mul3A_415, %sub3A_423 : vector<16xf32>
          %mul3A_425 = arith.mulf %add3A_389, %mul3A_424 : vector<16xf32>
          %add3A_426 = arith.constant 512 : i32
          %add3A_427 = arith.addi %add3A_426, %mul3A_248 : i32
          %get3A_428 = arith.constant 1 : i32
          %get3A_429 = arith.constant 0 : i32
          %get3A_430 = arith.index_cast %get3A_428 : i32 to index
          %get3A_431 = arith.index_cast %get3A_429 : i32 to index
          %get3A_432 = arith.index_cast %add3A_427 : i32 to index
          %get3A_433 = tpu.vector_load %arg20[%get3A_430, %get3A_431, %get3A_432] {strides = array<i32>} : memref<2x1x1024xf32, #tpu.memory_space<vmem>>, vector<1x1x16xf32>,
          %get3A_434 = vector.shape_cast %get3A_433 : vector<1x1x16xf32> to vector<16xf32>
          %div3A_435 = arith.divf %mul3A_425, %get3A_434 : vector<16xf32>
          %mul3A_436 = arith.mulf %get3A_262, %get3A_269 : vector<16xf32>
          %mul3A_437 = arith.mulf %mul3A_436, %get3A_283 : vector<16xf32>
          %mul3A_438 = arith.mulf %div3A_435, %mul3A_437 : vector<16xf32>
          %add3A_439 = arith.addf %mul3A_387, %mul3A_438 : vector<16xf32>
          %add3A_440 = arith.addf %get3A_297, %get3A_318 : vector<16xf32>
          %add3A_441 = arith.addf %add3A_440, %get3A_325 : vector<16xf32>
          %bitcast_convert_type3A_442 = tpu.bitcast %add3A_441 : vector<16xf32> -> vector<16xi32>
          %shift_right_arithmetic3A_443 = arith.constant 1 : i32
          %shift_right_arithmetic3A_444 = vector.broadcast %shift_right_arithmetic3A_443 : i32 to vector<16xi32>
          %shift_right_arithmetic3A_445 = arith.shrsi %bitcast_convert_type3A_442, %shift_right_arithmetic3A_444 : vector<16xi32>
          %sub3A_446 = arith.constant 1597463007 : i32
          %sub3A_447 = vector.broadcast %sub3A_446 : i32 to vector<16xi32>
          %sub3A_448 = arith.subi %sub3A_447, %shift_right_arithmetic3A_445 : vector<16xi32>
          %bitcast_convert_type3A_449 = tpu.bitcast %sub3A_448 : vector<16xi32> -> vector<16xf32>
          %mul3A_450 = arith.constant 5.000000e-01 : f32
          %mul3A_451 = vector.broadcast %mul3A_450 : f32 to vector<16xf32>
          %mul3A_452 = arith.mulf %mul3A_451, %add3A_441 : vector<16xf32>
          %mul3A_453 = arith.mulf %mul3A_452, %bitcast_convert_type3A_449 : vector<16xf32>
          %mul3A_454 = arith.mulf %mul3A_453, %bitcast_convert_type3A_449 : vector<16xf32>
          %sub3A_455 = arith.constant 1.500000e+00 : f32
          %sub3A_456 = vector.broadcast %sub3A_455 : f32 to vector<16xf32>
          %sub3A_457 = arith.subf %sub3A_456, %mul3A_454 : vector<16xf32>
          %mul3A_458 = arith.mulf %bitcast_convert_type3A_449, %sub3A_457 : vector<16xf32>
          %mul3A_459 = arith.constant 5.000000e-01 : f32
          %mul3A_460 = vector.broadcast %mul3A_459 : f32 to vector<16xf32>
          %mul3A_461 = arith.mulf %mul3A_460, %add3A_441 : vector<16xf32>
          %mul3A_462 = arith.mulf %mul3A_461, %mul3A_458 : vector<16xf32>
          %mul3A_463 = arith.mulf %mul3A_462, %mul3A_458 : vector<16xf32>
          %sub3A_464 = arith.constant 1.500000e+00 : f32
          %sub3A_465 = vector.broadcast %sub3A_464 : f32 to vector<16xf32>
          %sub3A_466 = arith.subf %sub3A_465, %mul3A_463 : vector<16xf32>
          %mul3A_467 = arith.mulf %mul3A_458, %sub3A_466 : vector<16xf32>
          %mul3A_468 = arith.constant 5.000000e-01 : f32
          %mul3A_469 = vector.broadcast %mul3A_468 : f32 to vector<16xf32>
          %mul3A_470 = arith.mulf %mul3A_469, %add3A_441 : vector<16xf32>
          %mul3A_471 = arith.mulf %mul3A_470, %mul3A_467 : vector<16xf32>
          %mul3A_472 = arith.mulf %mul3A_471, %mul3A_467 : vector<16xf32>
          %sub3A_473 = arith.constant 1.500000e+00 : f32
          %sub3A_474 = vector.broadcast %sub3A_473 : f32 to vector<16xf32>
          %sub3A_475 = arith.subf %sub3A_474, %mul3A_472 : vector<16xf32>
          %mul3A_476 = arith.mulf %mul3A_467, %sub3A_475 : vector<16xf32>
          %mul3A_477 = arith.mulf %add3A_441, %mul3A_476 : vector<16xf32>
          %add3A_478 = arith.constant 256 : i32
          %add3A_479 = arith.addi %add3A_478, %mul3A_248 : i32
          %get3A_480 = arith.constant 1 : i32
          %get3A_481 = arith.constant 0 : i32
          %get3A_482 = arith.index_cast %get3A_480 : i32 to index
          %get3A_483 = arith.index_cast %get3A_481 : i32 to index
          %get3A_484 = arith.index_cast %add3A_479 : i32 to index
          %get3A_485 = tpu.vector_load %arg20[%get3A_482, %get3A_483, %get3A_484] {strides = array<i32>} : memref<2x1x1024xf32, #tpu.memory_space<vmem>>, vector<1x1x16xf32>,
          %get3A_486 = vector.shape_cast %get3A_485 : vector<1x1x16xf32> to vector<16xf32>
          %div3A_487 = arith.divf %mul3A_477, %get3A_486 : vector<16xf32>
          %mul3A_488 = arith.mulf %get3A_255, %get3A_276 : vector<16xf32>
          %mul3A_489 = arith.mulf %mul3A_488, %get3A_283 : vector<16xf32>
          %mul3A_490 = arith.mulf %div3A_487, %mul3A_489 : vector<16xf32>
          %add3A_491 = arith.addf %add3A_439, %mul3A_490 : vector<16xf32>
          %add3A_492 = arith.addf %get3A_304, %get3A_318 : vector<16xf32>
          %add3A_493 = arith.addf %add3A_492, %get3A_325 : vector<16xf32>
          %bitcast_convert_type3A_494 = tpu.bitcast %add3A_493 : vector<16xf32> -> vector<16xi32>
          %shift_right_arithmetic3A_495 = arith.constant 1 : i32
          %shift_right_arithmetic3A_496 = vector.broadcast %shift_right_arithmetic3A_495 : i32 to vector<16xi32>
          %shift_right_arithmetic3A_497 = arith.shrsi %bitcast_convert_type3A_494, %shift_right_arithmetic3A_496 : vector<16xi32>
          %sub3A_498 = arith.constant 1597463007 : i32
          %sub3A_499 = vector.broadcast %sub3A_498 : i32 to vector<16xi32>
          %sub3A_500 = arith.subi %sub3A_499, %shift_right_arithmetic3A_497 : vector<16xi32>
          %bitcast_convert_type3A_501 = tpu.bitcast %sub3A_500 : vector<16xi32> -> vector<16xf32>
          %mul3A_502 = arith.constant 5.000000e-01 : f32
          %mul3A_503 = vector.broadcast %mul3A_502 : f32 to vector<16xf32>
          %mul3A_504 = arith.mulf %mul3A_503, %add3A_493 : vector<16xf32>
          %mul3A_505 = arith.mulf %mul3A_504, %bitcast_convert_type3A_501 : vector<16xf32>
          %mul3A_506 = arith.mulf %mul3A_505, %bitcast_convert_type3A_501 : vector<16xf32>
          %sub3A_507 = arith.constant 1.500000e+00 : f32
          %sub3A_508 = vector.broadcast %sub3A_507 : f32 to vector<16xf32>
          %sub3A_509 = arith.subf %sub3A_508, %mul3A_506 : vector<16xf32>
          %mul3A_510 = arith.mulf %bitcast_convert_type3A_501, %sub3A_509 : vector<16xf32>
          %mul3A_511 = arith.constant 5.000000e-01 : f32
          %mul3A_512 = vector.broadcast %mul3A_511 : f32 to vector<16xf32>
          %mul3A_513 = arith.mulf %mul3A_512, %add3A_493 : vector<16xf32>
          %mul3A_514 = arith.mulf %mul3A_513, %mul3A_510 : vector<16xf32>
          %mul3A_515 = arith.mulf %mul3A_514, %mul3A_510 : vector<16xf32>
          %sub3A_516 = arith.constant 1.500000e+00 : f32
          %sub3A_517 = vector.broadcast %sub3A_516 : f32 to vector<16xf32>
          %sub3A_518 = arith.subf %sub3A_517, %mul3A_515 : vector<16xf32>
          %mul3A_519 = arith.mulf %mul3A_510, %sub3A_518 : vector<16xf32>
          %mul3A_520 = arith.constant 5.000000e-01 : f32
          %mul3A_521 = vector.broadcast %mul3A_520 : f32 to vector<16xf32>
          %mul3A_522 = arith.mulf %mul3A_521, %add3A_493 : vector<16xf32>
          %mul3A_523 = arith.mulf %mul3A_522, %mul3A_519 : vector<16xf32>
          %mul3A_524 = arith.mulf %mul3A_523, %mul3A_519 : vector<16xf32>
          %sub3A_525 = arith.constant 1.500000e+00 : f32
          %sub3A_526 = vector.broadcast %sub3A_525 : f32 to vector<16xf32>
          %sub3A_527 = arith.subf %sub3A_526, %mul3A_524 : vector<16xf32>
          %mul3A_528 = arith.mulf %mul3A_519, %sub3A_527 : vector<16xf32>
          %mul3A_529 = arith.mulf %add3A_493, %mul3A_528 : vector<16xf32>
          %add3A_530 = arith.constant 768 : i32
          %add3A_531 = arith.addi %add3A_530, %mul3A_248 : i32
          %get3A_532 = arith.constant 1 : i32
          %get3A_533 = arith.constant 0 : i32
          %get3A_534 = arith.index_cast %get3A_532 : i32 to index
          %get3A_535 = arith.index_cast %get3A_533 : i32 to index
          %get3A_536 = arith.index_cast %add3A_531 : i32 to index
          %get3A_537 = tpu.vector_load %arg20[%get3A_534, %get3A_535, %get3A_536] {strides = array<i32>} : memref<2x1x1024xf32, #tpu.memory_space<vmem>>, vector<1x1x16xf32>,
          %get3A_538 = vector.shape_cast %get3A_537 : vector<1x1x16xf32> to vector<16xf32>
          %div3A_539 = arith.divf %mul3A_529, %get3A_538 : vector<16xf32>
          %mul3A_540 = arith.mulf %get3A_262, %get3A_276 : vector<16xf32>
          %mul3A_541 = arith.mulf %mul3A_540, %get3A_283 : vector<16xf32>
          %mul3A_542 = arith.mulf %div3A_539, %mul3A_541 : vector<16xf32>
          %add3A_543 = arith.addf %add3A_491, %mul3A_542 : vector<16xf32>
          %add3A_544 = arith.addf %get3A_297, %get3A_311 : vector<16xf32>
          %add3A_545 = arith.addf %add3A_544, %get3A_332 : vector<16xf32>
          %bitcast_convert_type3A_546 = tpu.bitcast %add3A_545 : vector<16xf32> -> vector<16xi32>
          %shift_right_arithmetic3A_547 = arith.constant 1 : i32
          %shift_right_arithmetic3A_548 = vector.broadcast %shift_right_arithmetic3A_547 : i32 to vector<16xi32>
          %shift_right_arithmetic3A_549 = arith.shrsi %bitcast_convert_type3A_546, %shift_right_arithmetic3A_548 : vector<16xi32>
          %sub3A_550 = arith.constant 1597463007 : i32
          %sub3A_551 = vector.broadcast %sub3A_550 : i32 to vector<16xi32>
          %sub3A_552 = arith.subi %sub3A_551, %shift_right_arithmetic3A_549 : vector<16xi32>
          %bitcast_convert_type3A_553 = tpu.bitcast %sub3A_552 : vector<16xi32> -> vector<16xf32>
          %mul3A_554 = arith.constant 5.000000e-01 : f32
          %mul3A_555 = vector.broadcast %mul3A_554 : f32 to vector<16xf32>
          %mul3A_556 = arith.mulf %mul3A_555, %add3A_545 : vector<16xf32>
          %mul3A_557 = arith.mulf %mul3A_556, %bitcast_convert_type3A_553 : vector<16xf32>
          %mul3A_558 = arith.mulf %mul3A_557, %bitcast_convert_type3A_553 : vector<16xf32>
          %sub3A_559 = arith.constant 1.500000e+00 : f32
          %sub3A_560 = vector.broadcast %sub3A_559 : f32 to vector<16xf32>
          %sub3A_561 = arith.subf %sub3A_560, %mul3A_558 : vector<16xf32>
          %mul3A_562 = arith.mulf %bitcast_convert_type3A_553, %sub3A_561 : vector<16xf32>
          %mul3A_563 = arith.constant 5.000000e-01 : f32
          %mul3A_564 = vector.broadcast %mul3A_563 : f32 to vector<16xf32>
          %mul3A_565 = arith.mulf %mul3A_564, %add3A_545 : vector<16xf32>
          %mul3A_566 = arith.mulf %mul3A_565, %mul3A_562 : vector<16xf32>
          %mul3A_567 = arith.mulf %mul3A_566, %mul3A_562 : vector<16xf32>
          %sub3A_568 = arith.constant 1.500000e+00 : f32
          %sub3A_569 = vector.broadcast %sub3A_568 : f32 to vector<16xf32>
          %sub3A_570 = arith.subf %sub3A_569, %mul3A_567 : vector<16xf32>
          %mul3A_571 = arith.mulf %mul3A_562, %sub3A_570 : vector<16xf32>
          %mul3A_572 = arith.constant 5.000000e-01 : f32
          %mul3A_573 = vector.broadcast %mul3A_572 : f32 to vector<16xf32>
          %mul3A_574 = arith.mulf %mul3A_573, %add3A_545 : vector<16xf32>
          %mul3A_575 = arith.mulf %mul3A_574, %mul3A_571 : vector<16xf32>
          %mul3A_576 = arith.mulf %mul3A_575, %mul3A_571 : vector<16xf32>
          %sub3A_577 = arith.constant 1.500000e+00 : f32
          %sub3A_578 = vector.broadcast %sub3A_577 : f32 to vector<16xf32>
          %sub3A_579 = arith.subf %sub3A_578, %mul3A_576 : vector<16xf32>
          %mul3A_580 = arith.mulf %mul3A_571, %sub3A_579 : vector<16xf32>
          %mul3A_581 = arith.mulf %add3A_545, %mul3A_580 : vector<16xf32>
          %add3A_582 = arith.constant 128 : i32
          %add3A_583 = arith.addi %add3A_582, %mul3A_248 : i32
          %get3A_584 = arith.constant 1 : i32
          %get3A_585 = arith.constant 0 : i32
          %get3A_586 = arith.index_cast %get3A_584 : i32 to index
          %get3A_587 = arith.index_cast %get3A_585 : i32 to index
          %get3A_588 = arith.index_cast %add3A_583 : i32 to index
          %get3A_589 = tpu.vector_load %arg20[%get3A_586, %get3A_587, %get3A_588] {strides = array<i32>} : memref<2x1x1024xf32, #tpu.memory_space<vmem>>, vector<1x1x16xf32>,
          %get3A_590 = vector.shape_cast %get3A_589 : vector<1x1x16xf32> to vector<16xf32>
          %div3A_591 = arith.divf %mul3A_581, %get3A_590 : vector<16xf32>
          %mul3A_592 = arith.mulf %get3A_255, %get3A_269 : vector<16xf32>
          %mul3A_593 = arith.mulf %mul3A_592, %get3A_290 : vector<16xf32>
          %mul3A_594 = arith.mulf %div3A_591, %mul3A_593 : vector<16xf32>
          %add3A_595 = arith.addf %add3A_543, %mul3A_594 : vector<16xf32>
          %add3A_596 = arith.addf %get3A_304, %get3A_311 : vector<16xf32>
          %add3A_597 = arith.addf %add3A_596, %get3A_332 : vector<16xf32>
          %bitcast_convert_type3A_598 = tpu.bitcast %add3A_597 : vector<16xf32> -> vector<16xi32>
          %shift_right_arithmetic3A_599 = arith.constant 1 : i32
          %shift_right_arithmetic3A_600 = vector.broadcast %shift_right_arithmetic3A_599 : i32 to vector<16xi32>
          %shift_right_arithmetic3A_601 = arith.shrsi %bitcast_convert_type3A_598, %shift_right_arithmetic3A_600 : vector<16xi32>
          %sub3A_602 = arith.constant 1597463007 : i32
          %sub3A_603 = vector.broadcast %sub3A_602 : i32 to vector<16xi32>
          %sub3A_604 = arith.subi %sub3A_603, %shift_right_arithmetic3A_601 : vector<16xi32>
          %bitcast_convert_type3A_605 = tpu.bitcast %sub3A_604 : vector<16xi32> -> vector<16xf32>
          %mul3A_606 = arith.constant 5.000000e-01 : f32
          %mul3A_607 = vector.broadcast %mul3A_606 : f32 to vector<16xf32>
          %mul3A_608 = arith.mulf %mul3A_607, %add3A_597 : vector<16xf32>
          %mul3A_609 = arith.mulf %mul3A_608, %bitcast_convert_type3A_605 : vector<16xf32>
          %mul3A_610 = arith.mulf %mul3A_609, %bitcast_convert_type3A_605 : vector<16xf32>
          %sub3A_611 = arith.constant 1.500000e+00 : f32
          %sub3A_612 = vector.broadcast %sub3A_611 : f32 to vector<16xf32>
          %sub3A_613 = arith.subf %sub3A_612, %mul3A_610 : vector<16xf32>
          %mul3A_614 = arith.mulf %bitcast_convert_type3A_605, %sub3A_613 : vector<16xf32>
          %mul3A_615 = arith.constant 5.000000e-01 : f32
          %mul3A_616 = vector.broadcast %mul3A_615 : f32 to vector<16xf32>
          %mul3A_617 = arith.mulf %mul3A_616, %add3A_597 : vector<16xf32>
          %mul3A_618 = arith.mulf %mul3A_617, %mul3A_614 : vector<16xf32>
          %mul3A_619 = arith.mulf %mul3A_618, %mul3A_614 : vector<16xf32>
          %sub3A_620 = arith.constant 1.500000e+00 : f32
          %sub3A_621 = vector.broadcast %sub3A_620 : f32 to vector<16xf32>
          %sub3A_622 = arith.subf %sub3A_621, %mul3A_619 : vector<16xf32>
          %mul3A_623 = arith.mulf %mul3A_614, %sub3A_622 : vector<16xf32>
          %mul3A_624 = arith.constant 5.000000e-01 : f32
          %mul3A_625 = vector.broadcast %mul3A_624 : f32 to vector<16xf32>
          %mul3A_626 = arith.mulf %mul3A_625, %add3A_597 : vector<16xf32>
          %mul3A_627 = arith.mulf %mul3A_626, %mul3A_623 : vector<16xf32>
          %mul3A_628 = arith.mulf %mul3A_627, %mul3A_623 : vector<16xf32>
          %sub3A_629 = arith.constant 1.500000e+00 : f32
          %sub3A_630 = vector.broadcast %sub3A_629 : f32 to vector<16xf32>
          %sub3A_631 = arith.subf %sub3A_630, %mul3A_628 : vector<16xf32>
          %mul3A_632 = arith.mulf %mul3A_623, %sub3A_631 : vector<16xf32>
          %mul3A_633 = arith.mulf %add3A_597, %mul3A_632 : vector<16xf32>
          %add3A_634 = arith.constant 640 : i32
          %add3A_635 = arith.addi %add3A_634, %mul3A_248 : i32
          %get3A_636 = arith.constant 1 : i32
          %get3A_637 = arith.constant 0 : i32
          %get3A_638 = arith.index_cast %get3A_636 : i32 to index
          %get3A_639 = arith.index_cast %get3A_637 : i32 to index
          %get3A_640 = arith.index_cast %add3A_635 : i32 to index
          %get3A_641 = tpu.vector_load %arg20[%get3A_638, %get3A_639, %get3A_640] {strides = array<i32>} : memref<2x1x1024xf32, #tpu.memory_space<vmem>>, vector<1x1x16xf32>,
          %get3A_642 = vector.shape_cast %get3A_641 : vector<1x1x16xf32> to vector<16xf32>
          %div3A_643 = arith.divf %mul3A_633, %get3A_642 : vector<16xf32>
          %mul3A_644 = arith.mulf %get3A_262, %get3A_269 : vector<16xf32>
          %mul3A_645 = arith.mulf %mul3A_644, %get3A_290 : vector<16xf32>
          %mul3A_646 = arith.mulf %div3A_643, %mul3A_645 : vector<16xf32>
          %add3A_647 = arith.addf %add3A_595, %mul3A_646 : vector<16xf32>
          %add3A_648 = arith.addf %get3A_297, %get3A_318 : vector<16xf32>
          %add3A_649 = arith.addf %add3A_648, %get3A_332 : vector<16xf32>
          %bitcast_convert_type3A_650 = tpu.bitcast %add3A_649 : vector<16xf32> -> vector<16xi32>
          %shift_right_arithmetic3A_651 = arith.constant 1 : i32
          %shift_right_arithmetic3A_652 = vector.broadcast %shift_right_arithmetic3A_651 : i32 to vector<16xi32>
          %shift_right_arithmetic3A_653 = arith.shrsi %bitcast_convert_type3A_650, %shift_right_arithmetic3A_652 : vector<16xi32>
          %sub3A_654 = arith.constant 1597463007 : i32
          %sub3A_655 = vector.broadcast %sub3A_654 : i32 to vector<16xi32>
          %sub3A_656 = arith.subi %sub3A_655, %shift_right_arithmetic3A_653 : vector<16xi32>
          %bitcast_convert_type3A_657 = tpu.bitcast %sub3A_656 : vector<16xi32> -> vector<16xf32>
          %mul3A_658 = arith.constant 5.000000e-01 : f32
          %mul3A_659 = vector.broadcast %mul3A_658 : f32 to vector<16xf32>
          %mul3A_660 = arith.mulf %mul3A_659, %add3A_649 : vector<16xf32>
          %mul3A_661 = arith.mulf %mul3A_660, %bitcast_convert_type3A_657 : vector<16xf32>
          %mul3A_662 = arith.mulf %mul3A_661, %bitcast_convert_type3A_657 : vector<16xf32>
          %sub3A_663 = arith.constant 1.500000e+00 : f32
          %sub3A_664 = vector.broadcast %sub3A_663 : f32 to vector<16xf32>
          %sub3A_665 = arith.subf %sub3A_664, %mul3A_662 : vector<16xf32>
          %mul3A_666 = arith.mulf %bitcast_convert_type3A_657, %sub3A_665 : vector<16xf32>
          %mul3A_667 = arith.constant 5.000000e-01 : f32
          %mul3A_668 = vector.broadcast %mul3A_667 : f32 to vector<16xf32>
          %mul3A_669 = arith.mulf %mul3A_668, %add3A_649 : vector<16xf32>
          %mul3A_670 = arith.mulf %mul3A_669, %mul3A_666 : vector<16xf32>
          %mul3A_671 = arith.mulf %mul3A_670, %mul3A_666 : vector<16xf32>
          %sub3A_672 = arith.constant 1.500000e+00 : f32
          %sub3A_673 = vector.broadcast %sub3A_672 : f32 to vector<16xf32>
          %sub3A_674 = arith.subf %sub3A_673, %mul3A_671 : vector<16xf32>
          %mul3A_675 = arith.mulf %mul3A_666, %sub3A_674 : vector<16xf32>
          %mul3A_676 = arith.constant 5.000000e-01 : f32
          %mul3A_677 = vector.broadcast %mul3A_676 : f32 to vector<16xf32>
          %mul3A_678 = arith.mulf %mul3A_677, %add3A_649 : vector<16xf32>
          %mul3A_679 = arith.mulf %mul3A_678, %mul3A_675 : vector<16xf32>
          %mul3A_680 = arith.mulf %mul3A_679, %mul3A_675 : vector<16xf32>
          %sub3A_681 = arith.constant 1.500000e+00 : f32
          %sub3A_682 = vector.broadcast %sub3A_681 : f32 to vector<16xf32>
          %sub3A_683 = arith.subf %sub3A_682, %mul3A_680 : vector<16xf32>
          %mul3A_684 = arith.mulf %mul3A_675, %sub3A_683 : vector<16xf32>
          %mul3A_685 = arith.mulf %add3A_649, %mul3A_684 : vector<16xf32>
          %add3A_686 = arith.constant 384 : i32
          %add3A_687 = arith.addi %add3A_686, %mul3A_248 : i32
          %get3A_688 = arith.constant 1 : i32
          %get3A_689 = arith.constant 0 : i32
          %get3A_690 = arith.index_cast %get3A_688 : i32 to index
          %get3A_691 = arith.index_cast %get3A_689 : i32 to index
          %get3A_692 = arith.index_cast %add3A_687 : i32 to index
          %get3A_693 = tpu.vector_load %arg20[%get3A_690, %get3A_691, %get3A_692] {strides = array<i32>} : memref<2x1x1024xf32, #tpu.memory_space<vmem>>, vector<1x1x16xf32>,
          %get3A_694 = vector.shape_cast %get3A_693 : vector<1x1x16xf32> to vector<16xf32>
          %div3A_695 = arith.divf %mul3A_685, %get3A_694 : vector<16xf32>
          %mul3A_696 = arith.mulf %get3A_255, %get3A_276 : vector<16xf32>
          %mul3A_697 = arith.mulf %mul3A_696, %get3A_290 : vector<16xf32>
          %mul3A_698 = arith.mulf %div3A_695, %mul3A_697 : vector<16xf32>
          %add3A_699 = arith.addf %add3A_647, %mul3A_698 : vector<16xf32>
          %add3A_700 = arith.addf %get3A_304, %get3A_318 : vector<16xf32>
          %add3A_701 = arith.addf %add3A_700, %get3A_332 : vector<16xf32>
          %bitcast_convert_type3A_702 = tpu.bitcast %add3A_701 : vector<16xf32> -> vector<16xi32>
          %shift_right_arithmetic3A_703 = arith.constant 1 : i32
          %shift_right_arithmetic3A_704 = vector.broadcast %shift_right_arithmetic3A_703 : i32 to vector<16xi32>
          %shift_right_arithmetic3A_705 = arith.shrsi %bitcast_convert_type3A_702, %shift_right_arithmetic3A_704 : vector<16xi32>
          %sub3A_706 = arith.constant 1597463007 : i32
          %sub3A_707 = vector.broadcast %sub3A_706 : i32 to vector<16xi32>
          %sub3A_708 = arith.subi %sub3A_707, %shift_right_arithmetic3A_705 : vector<16xi32>
          %bitcast_convert_type3A_709 = tpu.bitcast %sub3A_708 : vector<16xi32> -> vector<16xf32>
          %mul3A_710 = arith.constant 5.000000e-01 : f32
          %mul3A_711 = vector.broadcast %mul3A_710 : f32 to vector<16xf32>
          %mul3A_712 = arith.mulf %mul3A_711, %add3A_701 : vector<16xf32>
          %mul3A_713 = arith.mulf %mul3A_712, %bitcast_convert_type3A_709 : vector<16xf32>
          %mul3A_714 = arith.mulf %mul3A_713, %bitcast_convert_type3A_709 : vector<16xf32>
          %sub3A_715 = arith.constant 1.500000e+00 : f32
          %sub3A_716 = vector.broadcast %sub3A_715 : f32 to vector<16xf32>
          %sub3A_717 = arith.subf %sub3A_716, %mul3A_714 : vector<16xf32>
          %mul3A_718 = arith.mulf %bitcast_convert_type3A_709, %sub3A_717 : vector<16xf32>
          %mul3A_719 = arith.constant 5.000000e-01 : f32
          %mul3A_720 = vector.broadcast %mul3A_719 : f32 to vector<16xf32>
          %mul3A_721 = arith.mulf %mul3A_720, %add3A_701 : vector<16xf32>
          %mul3A_722 = arith.mulf %mul3A_721, %mul3A_718 : vector<16xf32>
          %mul3A_723 = arith.mulf %mul3A_722, %mul3A_718 : vector<16xf32>
          %sub3A_724 = arith.constant 1.500000e+00 : f32
          %sub3A_725 = vector.broadcast %sub3A_724 : f32 to vector<16xf32>
          %sub3A_726 = arith.subf %sub3A_725, %mul3A_723 : vector<16xf32>
          %mul3A_727 = arith.mulf %mul3A_718, %sub3A_726 : vector<16xf32>
          %mul3A_728 = arith.constant 5.000000e-01 : f32
          %mul3A_729 = vector.broadcast %mul3A_728 : f32 to vector<16xf32>
          %mul3A_730 = arith.mulf %mul3A_729, %add3A_701 : vector<16xf32>
          %mul3A_731 = arith.mulf %mul3A_730, %mul3A_727 : vector<16xf32>
          %mul3A_732 = arith.mulf %mul3A_731, %mul3A_727 : vector<16xf32>
          %sub3A_733 = arith.constant 1.500000e+00 : f32
          %sub3A_734 = vector.broadcast %sub3A_733 : f32 to vector<16xf32>
          %sub3A_735 = arith.subf %sub3A_734, %mul3A_732 : vector<16xf32>
          %mul3A_736 = arith.mulf %mul3A_727, %sub3A_735 : vector<16xf32>
          %mul3A_737 = arith.mulf %add3A_701, %mul3A_736 : vector<16xf32>
          %add3A_738 = arith.constant 896 : i32
          %add3A_739 = arith.addi %add3A_738, %mul3A_248 : i32
          %get3A_740 = arith.constant 1 : i32
          %get3A_741 = arith.constant 0 : i32
          %get3A_742 = arith.index_cast %get3A_740 : i32 to index
          %get3A_743 = arith.index_cast %get3A_741 : i32 to index
          %get3A_744 = arith.index_cast %add3A_739 : i32 to index
          %get3A_745 = tpu.vector_load %arg20[%get3A_742, %get3A_743, %get3A_744] {strides = array<i32>} : memref<2x1x1024xf32, #tpu.memory_space<vmem>>, vector<1x1x16xf32>,
          %get3A_746 = vector.shape_cast %get3A_745 : vector<1x1x16xf32> to vector<16xf32>
          %div3A_747 = arith.divf %mul3A_737, %get3A_746 : vector<16xf32>
          %mul3A_748 = arith.mulf %get3A_262, %get3A_276 : vector<16xf32>
          %mul3A_749 = arith.mulf %mul3A_748, %get3A_290 : vector<16xf32>
          %mul3A_750 = arith.mulf %div3A_747, %mul3A_749 : vector<16xf32>
          %add3A_751 = arith.addf %add3A_699, %mul3A_750 : vector<16xf32>
          %add3A_752 = arith.addf %get3A_339, %add3A_751 : vector<16xf32>
          %swap3A_753 = arith.constant 1 : i32
          %swap3A_754 = arith.index_cast %swap3A_753 : i32 to index
          %swap3A_755 = arith.index_cast %mul3A_248 : i32 to index
          %swap3A_756 = tpu.vector_load %arg22[%swap3A_754, %swap3A_755] {strides = array<i32>} : memref<2x128xf32, #tpu.memory_space<vmem>>, vector<1x16xf32>,
          %swap3A_757 = vector.shape_cast %swap3A_756 : vector<1x16xf32> to vector<16xf32>
          %swap3A_758 = vector.shape_cast %add3A_752 : vector<16xf32> to vector<1x16xf32>
          tpu.vector_store %arg22[%swap3A_754, %swap3A_755], %swap3A_758 {strides = array<i32>} : memref<2x128xf32, #tpu.memory_space<vmem>>, vector<1x16xf32>,
          %get3A_759 = arith.constant 1 : i32
          %get3A_760 = arith.index_cast %get3A_759 : i32 to index
          %get3A_761 = arith.index_cast %mul3A_248 : i32 to index
          %get3A_762 = tpu.vector_load %arg14[%get3A_760, %get3A_761] {strides = array<i32>} : memref<2x128xf32, #tpu.memory_space<vmem>>, vector<1x16xf32>,
          %get3A_763 = vector.shape_cast %get3A_762 : vector<1x16xf32> to vector<16xf32>
          %sub3A_764 = arith.subf %add3A_752, %get3A_763 : vector<16xf32>
          %get3A_765 = arith.constant 0 : index
          %get3A_766 = tpu.vector_load %arg23[%get3A_765] {strides = array<i32>} : memref<16xf32, #tpu.memory_space<vmem>>, vector<16xf32>,
          %get3A_767 = vector.shape_cast %get3A_766 : vector<16xf32> to vector<16xf32>
          %mul3A_768 = arith.mulf %sub3A_764, %sub3A_764 : vector<16xf32>
          %add3A_769 = arith.addf %get3A_767, %mul3A_768 : vector<16xf32>
          %swap3A_770 = arith.constant 0 : index
          %swap3A_771 = tpu.vector_load %arg23[%swap3A_770] {strides = array<i32>} : memref<16xf32, #tpu.memory_space<vmem>>, vector<16xf32>,
          %swap3A_772 = vector.shape_cast %swap3A_771 : vector<16xf32> to vector<16xf32>
          %swap3A_773 = vector.shape_cast %add3A_769 : vector<16xf32> to vector<16xf32>
          tpu.vector_store %arg23[%swap3A_770], %swap3A_773 {strides = array<i32>} : memref<16xf32, #tpu.memory_space<vmem>>, vector<16xf32>,
          %mul3A_774 = arith.constant 32 : i32
          %mul3A_775 = arith.muli %scan3A_246, %mul3A_774 : i32
          %add3A_776 = arith.constant 16 : i32
          %add3A_777 = arith.addi %mul3A_775, %add3A_776 : i32
          %get3A_778 = arith.constant 1 : i32
          %get3A_779 = arith.constant 0 : i32
          %get3A_780 = arith.index_cast %get3A_778 : i32 to index
          %get3A_781 = arith.index_cast %get3A_779 : i32 to index
          %get3A_782 = arith.index_cast %add3A_777 : i32 to index
          %get3A_783 = tpu.vector_load %arg21[%get3A_780, %get3A_781, %get3A_782] {strides = array<i32>} : memref<2x16x128xf32, #tpu.memory_space<vmem>>, vector<1x1x16xf32>,
          %get3A_784 = vector.shape_cast %get3A_783 : vector<1x1x16xf32> to vector<16xf32>
          %get3A_785 = arith.constant 1 : i32
          %get3A_786 = arith.constant 1 : i32
          %get3A_787 = arith.index_cast %get3A_785 : i32 to index
          %get3A_788 = arith.index_cast %get3A_786 : i32 to index
          %get3A_789 = arith.index_cast %add3A_777 : i32 to index
          %get3A_790 = tpu.vector_load %arg21[%get3A_787, %get3A_788, %get3A_789] {strides = array<i32>} : memref<2x16x128xf32, #tpu.memory_space<vmem>>, vector<1x1x16xf32>,
          %get3A_791 = vector.shape_cast %get3A_790 : vector<1x1x16xf32> to vector<16xf32>
          %get3A_792 = arith.constant 1 : i32
          %get3A_793 = arith.constant 2 : i32
          %get3A_794 = arith.index_cast %get3A_792 : i32 to index
          %get3A_795 = arith.index_cast %get3A_793 : i32 to index
          %get3A_796 = arith.index_cast %add3A_777 : i32 to index
          %get3A_797 = tpu.vector_load %arg21[%get3A_794, %get3A_795, %get3A_796] {strides = array<i32>} : memref<2x16x128xf32, #tpu.memory_space<vmem>>, vector<1x1x16xf32>,
          %get3A_798 = vector.shape_cast %get3A_797 : vector<1x1x16xf32> to vector<16xf32>
          %get3A_799 = arith.constant 1 : i32
          %get3A_800 = arith.constant 3 : i32
          %get3A_801 = arith.index_cast %get3A_799 : i32 to index
          %get3A_802 = arith.index_cast %get3A_800 : i32 to index
          %get3A_803 = arith.index_cast %add3A_777 : i32 to index
          %get3A_804 = tpu.vector_load %arg21[%get3A_801, %get3A_802, %get3A_803] {strides = array<i32>} : memref<2x16x128xf32, #tpu.memory_space<vmem>>, vector<1x1x16xf32>,
          %get3A_805 = vector.shape_cast %get3A_804 : vector<1x1x16xf32> to vector<16xf32>
          %get3A_806 = arith.constant 1 : i32
          %get3A_807 = arith.constant 4 : i32
          %get3A_808 = arith.index_cast %get3A_806 : i32 to index
          %get3A_809 = arith.index_cast %get3A_807 : i32 to index
          %get3A_810 = arith.index_cast %add3A_777 : i32 to index
          %get3A_811 = tpu.vector_load %arg21[%get3A_808, %get3A_809, %get3A_810] {strides = array<i32>} : memref<2x16x128xf32, #tpu.memory_space<vmem>>, vector<1x1x16xf32>,
          %get3A_812 = vector.shape_cast %get3A_811 : vector<1x1x16xf32> to vector<16xf32>
          %get3A_813 = arith.constant 1 : i32
          %get3A_814 = arith.constant 5 : i32
          %get3A_815 = arith.index_cast %get3A_813 : i32 to index
          %get3A_816 = arith.index_cast %get3A_814 : i32 to index
          %get3A_817 = arith.index_cast %add3A_777 : i32 to index
          %get3A_818 = tpu.vector_load %arg21[%get3A_815, %get3A_816, %get3A_817] {strides = array<i32>} : memref<2x16x128xf32, #tpu.memory_space<vmem>>, vector<1x1x16xf32>,
          %get3A_819 = vector.shape_cast %get3A_818 : vector<1x1x16xf32> to vector<16xf32>
          %get3A_820 = arith.constant 1 : i32
          %get3A_821 = arith.constant 6 : i32
          %get3A_822 = arith.index_cast %get3A_820 : i32 to index
          %get3A_823 = arith.index_cast %get3A_821 : i32 to index
          %get3A_824 = arith.index_cast %add3A_777 : i32 to index
          %get3A_825 = tpu.vector_load %arg21[%get3A_822, %get3A_823, %get3A_824] {strides = array<i32>} : memref<2x16x128xf32, #tpu.memory_space<vmem>>, vector<1x1x16xf32>,
          %get3A_826 = vector.shape_cast %get3A_825 : vector<1x1x16xf32> to vector<16xf32>
          %get3A_827 = arith.constant 1 : i32
          %get3A_828 = arith.constant 7 : i32
          %get3A_829 = arith.index_cast %get3A_827 : i32 to index
          %get3A_830 = arith.index_cast %get3A_828 : i32 to index
          %get3A_831 = arith.index_cast %add3A_777 : i32 to index
          %get3A_832 = tpu.vector_load %arg21[%get3A_829, %get3A_830, %get3A_831] {strides = array<i32>} : memref<2x16x128xf32, #tpu.memory_space<vmem>>, vector<1x1x16xf32>,
          %get3A_833 = vector.shape_cast %get3A_832 : vector<1x1x16xf32> to vector<16xf32>
          %get3A_834 = arith.constant 1 : i32
          %get3A_835 = arith.constant 8 : i32
          %get3A_836 = arith.index_cast %get3A_834 : i32 to index
          %get3A_837 = arith.index_cast %get3A_835 : i32 to index
          %get3A_838 = arith.index_cast %add3A_777 : i32 to index
          %get3A_839 = tpu.vector_load %arg21[%get3A_836, %get3A_837, %get3A_838] {strides = array<i32>} : memref<2x16x128xf32, #tpu.memory_space<vmem>>, vector<1x1x16xf32>,
          %get3A_840 = vector.shape_cast %get3A_839 : vector<1x1x16xf32> to vector<16xf32>
          %get3A_841 = arith.constant 1 : i32
          %get3A_842 = arith.constant 9 : i32
          %get3A_843 = arith.index_cast %get3A_841 : i32 to index
          %get3A_844 = arith.index_cast %get3A_842 : i32 to index
          %get3A_845 = arith.index_cast %add3A_777 : i32 to index
          %get3A_846 = tpu.vector_load %arg21[%get3A_843, %get3A_844, %get3A_845] {strides = array<i32>} : memref<2x16x128xf32, #tpu.memory_space<vmem>>, vector<1x1x16xf32>,
          %get3A_847 = vector.shape_cast %get3A_846 : vector<1x1x16xf32> to vector<16xf32>
          %get3A_848 = arith.constant 1 : i32
          %get3A_849 = arith.constant 10 : i32
          %get3A_850 = arith.index_cast %get3A_848 : i32 to index
          %get3A_851 = arith.index_cast %get3A_849 : i32 to index
          %get3A_852 = arith.index_cast %add3A_777 : i32 to index
          %get3A_853 = tpu.vector_load %arg21[%get3A_850, %get3A_851, %get3A_852] {strides = array<i32>} : memref<2x16x128xf32, #tpu.memory_space<vmem>>, vector<1x1x16xf32>,
          %get3A_854 = vector.shape_cast %get3A_853 : vector<1x1x16xf32> to vector<16xf32>
          %get3A_855 = arith.constant 1 : i32
          %get3A_856 = arith.constant 11 : i32
          %get3A_857 = arith.index_cast %get3A_855 : i32 to index
          %get3A_858 = arith.index_cast %get3A_856 : i32 to index
          %get3A_859 = arith.index_cast %add3A_777 : i32 to index
          %get3A_860 = tpu.vector_load %arg21[%get3A_857, %get3A_858, %get3A_859] {strides = array<i32>} : memref<2x16x128xf32, #tpu.memory_space<vmem>>, vector<1x1x16xf32>,
          %get3A_861 = vector.shape_cast %get3A_860 : vector<1x1x16xf32> to vector<16xf32>
          %get3A_862 = arith.constant 1 : i32
          %get3A_863 = arith.constant 12 : i32
          %get3A_864 = arith.index_cast %get3A_862 : i32 to index
          %get3A_865 = arith.index_cast %get3A_863 : i32 to index
          %get3A_866 = arith.index_cast %add3A_777 : i32 to index
          %get3A_867 = tpu.vector_load %arg21[%get3A_864, %get3A_865, %get3A_866] {strides = array<i32>} : memref<2x16x128xf32, #tpu.memory_space<vmem>>, vector<1x1x16xf32>,
          %get3A_868 = vector.shape_cast %get3A_867 : vector<1x1x16xf32> to vector<16xf32>
          %add3A_869 = arith.addf %get3A_826, %get3A_840 : vector<16xf32>
          %add3A_870 = arith.addf %add3A_869, %get3A_854 : vector<16xf32>
          %bitcast_convert_type3A_871 = tpu.bitcast %add3A_870 : vector<16xf32> -> vector<16xi32>
          %shift_right_arithmetic3A_872 = arith.constant 1 : i32
          %shift_right_arithmetic3A_873 = vector.broadcast %shift_right_arithmetic3A_872 : i32 to vector<16xi32>
          %shift_right_arithmetic3A_874 = arith.shrsi %bitcast_convert_type3A_871, %shift_right_arithmetic3A_873 : vector<16xi32>
          %sub3A_875 = arith.constant 1597463007 : i32
          %sub3A_876 = vector.broadcast %sub3A_875 : i32 to vector<16xi32>
          %sub3A_877 = arith.subi %sub3A_876, %shift_right_arithmetic3A_874 : vector<16xi32>
          %bitcast_convert_type3A_878 = tpu.bitcast %sub3A_877 : vector<16xi32> -> vector<16xf32>
          %mul3A_879 = arith.constant 5.000000e-01 : f32
          %mul3A_880 = vector.broadcast %mul3A_879 : f32 to vector<16xf32>
          %mul3A_881 = arith.mulf %mul3A_880, %add3A_870 : vector<16xf32>
          %mul3A_882 = arith.mulf %mul3A_881, %bitcast_convert_type3A_878 : vector<16xf32>
          %mul3A_883 = arith.mulf %mul3A_882, %bitcast_convert_type3A_878 : vector<16xf32>
          %sub3A_884 = arith.constant 1.500000e+00 : f32
          %sub3A_885 = vector.broadcast %sub3A_884 : f32 to vector<16xf32>
          %sub3A_886 = arith.subf %sub3A_885, %mul3A_883 : vector<16xf32>
          %mul3A_887 = arith.mulf %bitcast_convert_type3A_878, %sub3A_886 : vector<16xf32>
          %mul3A_888 = arith.constant 5.000000e-01 : f32
          %mul3A_889 = vector.broadcast %mul3A_888 : f32 to vector<16xf32>
          %mul3A_890 = arith.mulf %mul3A_889, %add3A_870 : vector<16xf32>
          %mul3A_891 = arith.mulf %mul3A_890, %mul3A_887 : vector<16xf32>
          %mul3A_892 = arith.mulf %mul3A_891, %mul3A_887 : vector<16xf32>
          %sub3A_893 = arith.constant 1.500000e+00 : f32
          %sub3A_894 = vector.broadcast %sub3A_893 : f32 to vector<16xf32>
          %sub3A_895 = arith.subf %sub3A_894, %mul3A_892 : vector<16xf32>
          %mul3A_896 = arith.mulf %mul3A_887, %sub3A_895 : vector<16xf32>
          %mul3A_897 = arith.constant 5.000000e-01 : f32
          %mul3A_898 = vector.broadcast %mul3A_897 : f32 to vector<16xf32>
          %mul3A_899 = arith.mulf %mul3A_898, %add3A_870 : vector<16xf32>
          %mul3A_900 = arith.mulf %mul3A_899, %mul3A_896 : vector<16xf32>
          %mul3A_901 = arith.mulf %mul3A_900, %mul3A_896 : vector<16xf32>
          %sub3A_902 = arith.constant 1.500000e+00 : f32
          %sub3A_903 = vector.broadcast %sub3A_902 : f32 to vector<16xf32>
          %sub3A_904 = arith.subf %sub3A_903, %mul3A_901 : vector<16xf32>
          %mul3A_905 = arith.mulf %mul3A_896, %sub3A_904 : vector<16xf32>
          %mul3A_906 = arith.mulf %add3A_870, %mul3A_905 : vector<16xf32>
          %add3A_907 = arith.constant 0 : i32
          %add3A_908 = arith.addi %add3A_907, %add3A_777 : i32
          %get3A_909 = arith.constant 1 : i32
          %get3A_910 = arith.constant 0 : i32
          %get3A_911 = arith.index_cast %get3A_909 : i32 to index
          %get3A_912 = arith.index_cast %get3A_910 : i32 to index
          %get3A_913 = arith.index_cast %add3A_908 : i32 to index
          %get3A_914 = tpu.vector_load %arg20[%get3A_911, %get3A_912, %get3A_913] {strides = array<i32>} : memref<2x1x1024xf32, #tpu.memory_space<vmem>>, vector<1x1x16xf32>,
          %get3A_915 = vector.shape_cast %get3A_914 : vector<1x1x16xf32> to vector<16xf32>
          %div3A_916 = arith.divf %mul3A_906, %get3A_915 : vector<16xf32>
          %mul3A_917 = arith.mulf %get3A_784, %get3A_798 : vector<16xf32>
          %mul3A_918 = arith.mulf %mul3A_917, %get3A_812 : vector<16xf32>
          %mul3A_919 = arith.mulf %div3A_916, %mul3A_918 : vector<16xf32>
          %add3A_920 = arith.addf %get3A_833, %get3A_840 : vector<16xf32>
          %add3A_921 = arith.addf %add3A_920, %get3A_854 : vector<16xf32>
          %bitcast_convert_type3A_922 = tpu.bitcast %add3A_921 : vector<16xf32> -> vector<16xi32>
          %shift_right_arithmetic3A_923 = arith.constant 1 : i32
          %shift_right_arithmetic3A_924 = vector.broadcast %shift_right_arithmetic3A_923 : i32 to vector<16xi32>
          %shift_right_arithmetic3A_925 = arith.shrsi %bitcast_convert_type3A_922, %shift_right_arithmetic3A_924 : vector<16xi32>
          %sub3A_926 = arith.constant 1597463007 : i32
          %sub3A_927 = vector.broadcast %sub3A_926 : i32 to vector<16xi32>
          %sub3A_928 = arith.subi %sub3A_927, %shift_right_arithmetic3A_925 : vector<16xi32>
          %bitcast_convert_type3A_929 = tpu.bitcast %sub3A_928 : vector<16xi32> -> vector<16xf32>
          %mul3A_930 = arith.constant 5.000000e-01 : f32
          %mul3A_931 = vector.broadcast %mul3A_930 : f32 to vector<16xf32>
          %mul3A_932 = arith.mulf %mul3A_931, %add3A_921 : vector<16xf32>
          %mul3A_933 = arith.mulf %mul3A_932, %bitcast_convert_type3A_929 : vector<16xf32>
          %mul3A_934 = arith.mulf %mul3A_933, %bitcast_convert_type3A_929 : vector<16xf32>
          %sub3A_935 = arith.constant 1.500000e+00 : f32
          %sub3A_936 = vector.broadcast %sub3A_935 : f32 to vector<16xf32>
          %sub3A_937 = arith.subf %sub3A_936, %mul3A_934 : vector<16xf32>
          %mul3A_938 = arith.mulf %bitcast_convert_type3A_929, %sub3A_937 : vector<16xf32>
          %mul3A_939 = arith.constant 5.000000e-01 : f32
          %mul3A_940 = vector.broadcast %mul3A_939 : f32 to vector<16xf32>
          %mul3A_941 = arith.mulf %mul3A_940, %add3A_921 : vector<16xf32>
          %mul3A_942 = arith.mulf %mul3A_941, %mul3A_938 : vector<16xf32>
          %mul3A_943 = arith.mulf %mul3A_942, %mul3A_938 : vector<16xf32>
          %sub3A_944 = arith.constant 1.500000e+00 : f32
          %sub3A_945 = vector.broadcast %sub3A_944 : f32 to vector<16xf32>
          %sub3A_946 = arith.subf %sub3A_945, %mul3A_943 : vector<16xf32>
          %mul3A_947 = arith.mulf %mul3A_938, %sub3A_946 : vector<16xf32>
          %mul3A_948 = arith.constant 5.000000e-01 : f32
          %mul3A_949 = vector.broadcast %mul3A_948 : f32 to vector<16xf32>
          %mul3A_950 = arith.mulf %mul3A_949, %add3A_921 : vector<16xf32>
          %mul3A_951 = arith.mulf %mul3A_950, %mul3A_947 : vector<16xf32>
          %mul3A_952 = arith.mulf %mul3A_951, %mul3A_947 : vector<16xf32>
          %sub3A_953 = arith.constant 1.500000e+00 : f32
          %sub3A_954 = vector.broadcast %sub3A_953 : f32 to vector<16xf32>
          %sub3A_955 = arith.subf %sub3A_954, %mul3A_952 : vector<16xf32>
          %mul3A_956 = arith.mulf %mul3A_947, %sub3A_955 : vector<16xf32>
          %mul3A_957 = arith.mulf %add3A_921, %mul3A_956 : vector<16xf32>
          %add3A_958 = arith.constant 512 : i32
          %add3A_959 = arith.addi %add3A_958, %add3A_777 : i32
          %get3A_960 = arith.constant 1 : i32
          %get3A_961 = arith.constant 0 : i32
          %get3A_962 = arith.index_cast %get3A_960 : i32 to index
          %get3A_963 = arith.index_cast %get3A_961 : i32 to index
          %get3A_964 = arith.index_cast %add3A_959 : i32 to index
          %get3A_965 = tpu.vector_load %arg20[%get3A_962, %get3A_963, %get3A_964] {strides = array<i32>} : memref<2x1x1024xf32, #tpu.memory_space<vmem>>, vector<1x1x16xf32>,
          %get3A_966 = vector.shape_cast %get3A_965 : vector<1x1x16xf32> to vector<16xf32>
          %div3A_967 = arith.divf %mul3A_957, %get3A_966 : vector<16xf32>
          %mul3A_968 = arith.mulf %get3A_791, %get3A_798 : vector<16xf32>
          %mul3A_969 = arith.mulf %mul3A_968, %get3A_812 : vector<16xf32>
          %mul3A_970 = arith.mulf %div3A_967, %mul3A_969 : vector<16xf32>
          %add3A_971 = arith.addf %mul3A_919, %mul3A_970 : vector<16xf32>
          %add3A_972 = arith.addf %get3A_826, %get3A_847 : vector<16xf32>
          %add3A_973 = arith.addf %add3A_972, %get3A_854 : vector<16xf32>
          %bitcast_convert_type3A_974 = tpu.bitcast %add3A_973 : vector<16xf32> -> vector<16xi32>
          %shift_right_arithmetic3A_975 = arith.constant 1 : i32
          %shift_right_arithmetic3A_976 = vector.broadcast %shift_right_arithmetic3A_975 : i32 to vector<16xi32>
          %shift_right_arithmetic3A_977 = arith.shrsi %bitcast_convert_type3A_974, %shift_right_arithmetic3A_976 : vector<16xi32>
          %sub3A_978 = arith.constant 1597463007 : i32
          %sub3A_979 = vector.broadcast %sub3A_978 : i32 to vector<16xi32>
          %sub3A_980 = arith.subi %sub3A_979, %shift_right_arithmetic3A_977 : vector<16xi32>
          %bitcast_convert_type3A_981 = tpu.bitcast %sub3A_980 : vector<16xi32> -> vector<16xf32>
          %mul3A_982 = arith.constant 5.000000e-01 : f32
          %mul3A_983 = vector.broadcast %mul3A_982 : f32 to vector<16xf32>
          %mul3A_984 = arith.mulf %mul3A_983, %add3A_973 : vector<16xf32>
          %mul3A_985 = arith.mulf %mul3A_984, %bitcast_convert_type3A_981 : vector<16xf32>
          %mul3A_986 = arith.mulf %mul3A_985, %bitcast_convert_type3A_981 : vector<16xf32>
          %sub3A_987 = arith.constant 1.500000e+00 : f32
          %sub3A_988 = vector.broadcast %sub3A_987 : f32 to vector<16xf32>
          %sub3A_989 = arith.subf %sub3A_988, %mul3A_986 : vector<16xf32>
          %mul3A_990 = arith.mulf %bitcast_convert_type3A_981, %sub3A_989 : vector<16xf32>
          %mul3A_991 = arith.constant 5.000000e-01 : f32
          %mul3A_992 = vector.broadcast %mul3A_991 : f32 to vector<16xf32>
          %mul3A_993 = arith.mulf %mul3A_992, %add3A_973 : vector<16xf32>
          %mul3A_994 = arith.mulf %mul3A_993, %mul3A_990 : vector<16xf32>
          %mul3A_995 = arith.mulf %mul3A_994, %mul3A_990 : vector<16xf32>
          %sub3A_996 = arith.constant 1.500000e+00 : f32
          %sub3A_997 = vector.broadcast %sub3A_996 : f32 to vector<16xf32>
          %sub3A_998 = arith.subf %sub3A_997, %mul3A_995 : vector<16xf32>
          %mul3A_999 = arith.mulf %mul3A_990, %sub3A_998 : vector<16xf32>
          %mul3A_1000 = arith.constant 5.000000e-01 : f32
          %mul3A_1001 = vector.broadcast %mul3A_1000 : f32 to vector<16xf32>
          %mul3A_1002 = arith.mulf %mul3A_1001, %add3A_973 : vector<16xf32>
          %mul3A_1003 = arith.mulf %mul3A_1002, %mul3A_999 : vector<16xf32>
          %mul3A_1004 = arith.mulf %mul3A_1003, %mul3A_999 : vector<16xf32>
          %sub3A_1005 = arith.constant 1.500000e+00 : f32
          %sub3A_1006 = vector.broadcast %sub3A_1005 : f32 to vector<16xf32>
          %sub3A_1007 = arith.subf %sub3A_1006, %mul3A_1004 : vector<16xf32>
          %mul3A_1008 = arith.mulf %mul3A_999, %sub3A_1007 : vector<16xf32>
          %mul3A_1009 = arith.mulf %add3A_973, %mul3A_1008 : vector<16xf32>
          %add3A_1010 = arith.constant 256 : i32
          %add3A_1011 = arith.addi %add3A_1010, %add3A_777 : i32
          %get3A_1012 = arith.constant 1 : i32
          %get3A_1013 = arith.constant 0 : i32
          %get3A_1014 = arith.index_cast %get3A_1012 : i32 to index
          %get3A_1015 = arith.index_cast %get3A_1013 : i32 to index
          %get3A_1016 = arith.index_cast %add3A_1011 : i32 to index
          %get3A_1017 = tpu.vector_load %arg20[%get3A_1014, %get3A_1015, %get3A_1016] {strides = array<i32>} : memref<2x1x1024xf32, #tpu.memory_space<vmem>>, vector<1x1x16xf32>,
          %get3A_1018 = vector.shape_cast %get3A_1017 : vector<1x1x16xf32> to vector<16xf32>
          %div3A_1019 = arith.divf %mul3A_1009, %get3A_1018 : vector<16xf32>
          %mul3A_1020 = arith.mulf %get3A_784, %get3A_805 : vector<16xf32>
          %mul3A_1021 = arith.mulf %mul3A_1020, %get3A_812 : vector<16xf32>
          %mul3A_1022 = arith.mulf %div3A_1019, %mul3A_1021 : vector<16xf32>
          %add3A_1023 = arith.addf %add3A_971, %mul3A_1022 : vector<16xf32>
          %add3A_1024 = arith.addf %get3A_833, %get3A_847 : vector<16xf32>
          %add3A_1025 = arith.addf %add3A_1024, %get3A_854 : vector<16xf32>
          %bitcast_convert_type3A_1026 = tpu.bitcast %add3A_1025 : vector<16xf32> -> vector<16xi32>
          %shift_right_arithmetic3A_1027 = arith.constant 1 : i32
          %shift_right_arithmetic3A_1028 = vector.broadcast %shift_right_arithmetic3A_1027 : i32 to vector<16xi32>
          %shift_right_arithmetic3A_1029 = arith.shrsi %bitcast_convert_type3A_1026, %shift_right_arithmetic3A_1028 : vector<16xi32>
          %sub3A_1030 = arith.constant 1597463007 : i32
          %sub3A_1031 = vector.broadcast %sub3A_1030 : i32 to vector<16xi32>
          %sub3A_1032 = arith.subi %sub3A_1031, %shift_right_arithmetic3A_1029 : vector<16xi32>
          %bitcast_convert_type3A_1033 = tpu.bitcast %sub3A_1032 : vector<16xi32> -> vector<16xf32>
          %mul3A_1034 = arith.constant 5.000000e-01 : f32
          %mul3A_1035 = vector.broadcast %mul3A_1034 : f32 to vector<16xf32>
          %mul3A_1036 = arith.mulf %mul3A_1035, %add3A_1025 : vector<16xf32>
          %mul3A_1037 = arith.mulf %mul3A_1036, %bitcast_convert_type3A_1033 : vector<16xf32>
          %mul3A_1038 = arith.mulf %mul3A_1037, %bitcast_convert_type3A_1033 : vector<16xf32>
          %sub3A_1039 = arith.constant 1.500000e+00 : f32
          %sub3A_1040 = vector.broadcast %sub3A_1039 : f32 to vector<16xf32>
          %sub3A_1041 = arith.subf %sub3A_1040, %mul3A_1038 : vector<16xf32>
          %mul3A_1042 = arith.mulf %bitcast_convert_type3A_1033, %sub3A_1041 : vector<16xf32>
          %mul3A_1043 = arith.constant 5.000000e-01 : f32
          %mul3A_1044 = vector.broadcast %mul3A_1043 : f32 to vector<16xf32>
          %mul3A_1045 = arith.mulf %mul3A_1044, %add3A_1025 : vector<16xf32>
          %mul3A_1046 = arith.mulf %mul3A_1045, %mul3A_1042 : vector<16xf32>
          %mul3A_1047 = arith.mulf %mul3A_1046, %mul3A_1042 : vector<16xf32>
          %sub3A_1048 = arith.constant 1.500000e+00 : f32
          %sub3A_1049 = vector.broadcast %sub3A_1048 : f32 to vector<16xf32>
          %sub3A_1050 = arith.subf %sub3A_1049, %mul3A_1047 : vector<16xf32>
          %mul3A_1051 = arith.mulf %mul3A_1042, %sub3A_1050 : vector<16xf32>
          %mul3A_1052 = arith.constant 5.000000e-01 : f32
          %mul3A_1053 = vector.broadcast %mul3A_1052 : f32 to vector<16xf32>
          %mul3A_1054 = arith.mulf %mul3A_1053, %add3A_1025 : vector<16xf32>
          %mul3A_1055 = arith.mulf %mul3A_1054, %mul3A_1051 : vector<16xf32>
          %mul3A_1056 = arith.mulf %mul3A_1055, %mul3A_1051 : vector<16xf32>
          %sub3A_1057 = arith.constant 1.500000e+00 : f32
          %sub3A_1058 = vector.broadcast %sub3A_1057 : f32 to vector<16xf32>
          %sub3A_1059 = arith.subf %sub3A_1058, %mul3A_1056 : vector<16xf32>
          %mul3A_1060 = arith.mulf %mul3A_1051, %sub3A_1059 : vector<16xf32>
          %mul3A_1061 = arith.mulf %add3A_1025, %mul3A_1060 : vector<16xf32>
          %add3A_1062 = arith.constant 768 : i32
          %add3A_1063 = arith.addi %add3A_1062, %add3A_777 : i32
          %get3A_1064 = arith.constant 1 : i32
          %get3A_1065 = arith.constant 0 : i32
          %get3A_1066 = arith.index_cast %get3A_1064 : i32 to index
          %get3A_1067 = arith.index_cast %get3A_1065 : i32 to index
          %get3A_1068 = arith.index_cast %add3A_1063 : i32 to index
          %get3A_1069 = tpu.vector_load %arg20[%get3A_1066, %get3A_1067, %get3A_1068] {strides = array<i32>} : memref<2x1x1024xf32, #tpu.memory_space<vmem>>, vector<1x1x16xf32>,
          %get3A_1070 = vector.shape_cast %get3A_1069 : vector<1x1x16xf32> to vector<16xf32>
          %div3A_1071 = arith.divf %mul3A_1061, %get3A_1070 : vector<16xf32>
          %mul3A_1072 = arith.mulf %get3A_791, %get3A_805 : vector<16xf32>
          %mul3A_1073 = arith.mulf %mul3A_1072, %get3A_812 : vector<16xf32>
          %mul3A_1074 = arith.mulf %div3A_1071, %mul3A_1073 : vector<16xf32>
          %add3A_1075 = arith.addf %add3A_1023, %mul3A_1074 : vector<16xf32>
          %add3A_1076 = arith.addf %get3A_826, %get3A_840 : vector<16xf32>
          %add3A_1077 = arith.addf %add3A_1076, %get3A_861 : vector<16xf32>
          %bitcast_convert_type3A_1078 = tpu.bitcast %add3A_1077 : vector<16xf32> -> vector<16xi32>
          %shift_right_arithmetic3A_1079 = arith.constant 1 : i32
          %shift_right_arithmetic3A_1080 = vector.broadcast %shift_right_arithmetic3A_1079 : i32 to vector<16xi32>
          %shift_right_arithmetic3A_1081 = arith.shrsi %bitcast_convert_type3A_1078, %shift_right_arithmetic3A_1080 : vector<16xi32>
          %sub3A_1082 = arith.constant 1597463007 : i32
          %sub3A_1083 = vector.broadcast %sub3A_1082 : i32 to vector<16xi32>
          %sub3A_1084 = arith.subi %sub3A_1083, %shift_right_arithmetic3A_1081 : vector<16xi32>
          %bitcast_convert_type3A_1085 = tpu.bitcast %sub3A_1084 : vector<16xi32> -> vector<16xf32>
          %mul3A_1086 = arith.constant 5.000000e-01 : f32
          %mul3A_1087 = vector.broadcast %mul3A_1086 : f32 to vector<16xf32>
          %mul3A_1088 = arith.mulf %mul3A_1087, %add3A_1077 : vector<16xf32>
          %mul3A_1089 = arith.mulf %mul3A_1088, %bitcast_convert_type3A_1085 : vector<16xf32>
          %mul3A_1090 = arith.mulf %mul3A_1089, %bitcast_convert_type3A_1085 : vector<16xf32>
          %sub3A_1091 = arith.constant 1.500000e+00 : f32
          %sub3A_1092 = vector.broadcast %sub3A_1091 : f32 to vector<16xf32>
          %sub3A_1093 = arith.subf %sub3A_1092, %mul3A_1090 : vector<16xf32>
          %mul3A_1094 = arith.mulf %bitcast_convert_type3A_1085, %sub3A_1093 : vector<16xf32>
          %mul3A_1095 = arith.constant 5.000000e-01 : f32
          %mul3A_1096 = vector.broadcast %mul3A_1095 : f32 to vector<16xf32>
          %mul3A_1097 = arith.mulf %mul3A_1096, %add3A_1077 : vector<16xf32>
          %mul3A_1098 = arith.mulf %mul3A_1097, %mul3A_1094 : vector<16xf32>
          %mul3A_1099 = arith.mulf %mul3A_1098, %mul3A_1094 : vector<16xf32>
          %sub3A_1100 = arith.constant 1.500000e+00 : f32
          %sub3A_1101 = vector.broadcast %sub3A_1100 : f32 to vector<16xf32>
          %sub3A_1102 = arith.subf %sub3A_1101, %mul3A_1099 : vector<16xf32>
          %mul3A_1103 = arith.mulf %mul3A_1094, %sub3A_1102 : vector<16xf32>
          %mul3A_1104 = arith.constant 5.000000e-01 : f32
          %mul3A_1105 = vector.broadcast %mul3A_1104 : f32 to vector<16xf32>
          %mul3A_1106 = arith.mulf %mul3A_1105, %add3A_1077 : vector<16xf32>
          %mul3A_1107 = arith.mulf %mul3A_1106, %mul3A_1103 : vector<16xf32>
          %mul3A_1108 = arith.mulf %mul3A_1107, %mul3A_1103 : vector<16xf32>
          %sub3A_1109 = arith.constant 1.500000e+00 : f32
          %sub3A_1110 = vector.broadcast %sub3A_1109 : f32 to vector<16xf32>
          %sub3A_1111 = arith.subf %sub3A_1110, %mul3A_1108 : vector<16xf32>
          %mul3A_1112 = arith.mulf %mul3A_1103, %sub3A_1111 : vector<16xf32>
          %mul3A_1113 = arith.mulf %add3A_1077, %mul3A_1112 : vector<16xf32>
          %add3A_1114 = arith.constant 128 : i32
          %add3A_1115 = arith.addi %add3A_1114, %add3A_777 : i32
          %get3A_1116 = arith.constant 1 : i32
          %get3A_1117 = arith.constant 0 : i32
          %get3A_1118 = arith.index_cast %get3A_1116 : i32 to index
          %get3A_1119 = arith.index_cast %get3A_1117 : i32 to index
          %get3A_1120 = arith.index_cast %add3A_1115 : i32 to index
          %get3A_1121 = tpu.vector_load %arg20[%get3A_1118, %get3A_1119, %get3A_1120] {strides = array<i32>} : memref<2x1x1024xf32, #tpu.memory_space<vmem>>, vector<1x1x16xf32>,
          %get3A_1122 = vector.shape_cast %get3A_1121 : vector<1x1x16xf32> to vector<16xf32>
          %div3A_1123 = arith.divf %mul3A_1113, %get3A_1122 : vector<16xf32>
          %mul3A_1124 = arith.mulf %get3A_784, %get3A_798 : vector<16xf32>
          %mul3A_1125 = arith.mulf %mul3A_1124, %get3A_819 : vector<16xf32>
          %mul3A_1126 = arith.mulf %div3A_1123, %mul3A_1125 : vector<16xf32>
          %add3A_1127 = arith.addf %add3A_1075, %mul3A_1126 : vector<16xf32>
          %add3A_1128 = arith.addf %get3A_833, %get3A_840 : vector<16xf32>
          %add3A_1129 = arith.addf %add3A_1128, %get3A_861 : vector<16xf32>
          %bitcast_convert_type3A_1130 = tpu.bitcast %add3A_1129 : vector<16xf32> -> vector<16xi32>
          %shift_right_arithmetic3A_1131 = arith.constant 1 : i32
          %shift_right_arithmetic3A_1132 = vector.broadcast %shift_right_arithmetic3A_1131 : i32 to vector<16xi32>
          %shift_right_arithmetic3A_1133 = arith.shrsi %bitcast_convert_type3A_1130, %shift_right_arithmetic3A_1132 : vector<16xi32>
          %sub3A_1134 = arith.constant 1597463007 : i32
          %sub3A_1135 = vector.broadcast %sub3A_1134 : i32 to vector<16xi32>
          %sub3A_1136 = arith.subi %sub3A_1135, %shift_right_arithmetic3A_1133 : vector<16xi32>
          %bitcast_convert_type3A_1137 = tpu.bitcast %sub3A_1136 : vector<16xi32> -> vector<16xf32>
          %mul3A_1138 = arith.constant 5.000000e-01 : f32
          %mul3A_1139 = vector.broadcast %mul3A_1138 : f32 to vector<16xf32>
          %mul3A_1140 = arith.mulf %mul3A_1139, %add3A_1129 : vector<16xf32>
          %mul3A_1141 = arith.mulf %mul3A_1140, %bitcast_convert_type3A_1137 : vector<16xf32>
          %mul3A_1142 = arith.mulf %mul3A_1141, %bitcast_convert_type3A_1137 : vector<16xf32>
          %sub3A_1143 = arith.constant 1.500000e+00 : f32
          %sub3A_1144 = vector.broadcast %sub3A_1143 : f32 to vector<16xf32>
          %sub3A_1145 = arith.subf %sub3A_1144, %mul3A_1142 : vector<16xf32>
          %mul3A_1146 = arith.mulf %bitcast_convert_type3A_1137, %sub3A_1145 : vector<16xf32>
          %mul3A_1147 = arith.constant 5.000000e-01 : f32
          %mul3A_1148 = vector.broadcast %mul3A_1147 : f32 to vector<16xf32>
          %mul3A_1149 = arith.mulf %mul3A_1148, %add3A_1129 : vector<16xf32>
          %mul3A_1150 = arith.mulf %mul3A_1149, %mul3A_1146 : vector<16xf32>
          %mul3A_1151 = arith.mulf %mul3A_1150, %mul3A_1146 : vector<16xf32>
          %sub3A_1152 = arith.constant 1.500000e+00 : f32
          %sub3A_1153 = vector.broadcast %sub3A_1152 : f32 to vector<16xf32>
          %sub3A_1154 = arith.subf %sub3A_1153, %mul3A_1151 : vector<16xf32>
          %mul3A_1155 = arith.mulf %mul3A_1146, %sub3A_1154 : vector<16xf32>
          %mul3A_1156 = arith.constant 5.000000e-01 : f32
          %mul3A_1157 = vector.broadcast %mul3A_1156 : f32 to vector<16xf32>
          %mul3A_1158 = arith.mulf %mul3A_1157, %add3A_1129 : vector<16xf32>
          %mul3A_1159 = arith.mulf %mul3A_1158, %mul3A_1155 : vector<16xf32>
          %mul3A_1160 = arith.mulf %mul3A_1159, %mul3A_1155 : vector<16xf32>
          %sub3A_1161 = arith.constant 1.500000e+00 : f32
          %sub3A_1162 = vector.broadcast %sub3A_1161 : f32 to vector<16xf32>
          %sub3A_1163 = arith.subf %sub3A_1162, %mul3A_1160 : vector<16xf32>
          %mul3A_1164 = arith.mulf %mul3A_1155, %sub3A_1163 : vector<16xf32>
          %mul3A_1165 = arith.mulf %add3A_1129, %mul3A_1164 : vector<16xf32>
          %add3A_1166 = arith.constant 640 : i32
          %add3A_1167 = arith.addi %add3A_1166, %add3A_777 : i32
          %get3A_1168 = arith.constant 1 : i32
          %get3A_1169 = arith.constant 0 : i32
          %get3A_1170 = arith.index_cast %get3A_1168 : i32 to index
          %get3A_1171 = arith.index_cast %get3A_1169 : i32 to index
          %get3A_1172 = arith.index_cast %add3A_1167 : i32 to index
          %get3A_1173 = tpu.vector_load %arg20[%get3A_1170, %get3A_1171, %get3A_1172] {strides = array<i32>} : memref<2x1x1024xf32, #tpu.memory_space<vmem>>, vector<1x1x16xf32>,
          %get3A_1174 = vector.shape_cast %get3A_1173 : vector<1x1x16xf32> to vector<16xf32>
          %div3A_1175 = arith.divf %mul3A_1165, %get3A_1174 : vector<16xf32>
          %mul3A_1176 = arith.mulf %get3A_791, %get3A_798 : vector<16xf32>
          %mul3A_1177 = arith.mulf %mul3A_1176, %get3A_819 : vector<16xf32>
          %mul3A_1178 = arith.mulf %div3A_1175, %mul3A_1177 : vector<16xf32>
          %add3A_1179 = arith.addf %add3A_1127, %mul3A_1178 : vector<16xf32>
          %add3A_1180 = arith.addf %get3A_826, %get3A_847 : vector<16xf32>
          %add3A_1181 = arith.addf %add3A_1180, %get3A_861 : vector<16xf32>
          %bitcast_convert_type3A_1182 = tpu.bitcast %add3A_1181 : vector<16xf32> -> vector<16xi32>
          %shift_right_arithmetic3A_1183 = arith.constant 1 : i32
          %shift_right_arithmetic3A_1184 = vector.broadcast %shift_right_arithmetic3A_1183 : i32 to vector<16xi32>
          %shift_right_arithmetic3A_1185 = arith.shrsi %bitcast_convert_type3A_1182, %shift_right_arithmetic3A_1184 : vector<16xi32>
          %sub3A_1186 = arith.constant 1597463007 : i32
          %sub3A_1187 = vector.broadcast %sub3A_1186 : i32 to vector<16xi32>
          %sub3A_1188 = arith.subi %sub3A_1187, %shift_right_arithmetic3A_1185 : vector<16xi32>
          %bitcast_convert_type3A_1189 = tpu.bitcast %sub3A_1188 : vector<16xi32> -> vector<16xf32>
          %mul3A_1190 = arith.constant 5.000000e-01 : f32
          %mul3A_1191 = vector.broadcast %mul3A_1190 : f32 to vector<16xf32>
          %mul3A_1192 = arith.mulf %mul3A_1191, %add3A_1181 : vector<16xf32>
          %mul3A_1193 = arith.mulf %mul3A_1192, %bitcast_convert_type3A_1189 : vector<16xf32>
          %mul3A_1194 = arith.mulf %mul3A_1193, %bitcast_convert_type3A_1189 : vector<16xf32>
          %sub3A_1195 = arith.constant 1.500000e+00 : f32
          %sub3A_1196 = vector.broadcast %sub3A_1195 : f32 to vector<16xf32>
          %sub3A_1197 = arith.subf %sub3A_1196, %mul3A_1194 : vector<16xf32>
          %mul3A_1198 = arith.mulf %bitcast_convert_type3A_1189, %sub3A_1197 : vector<16xf32>
          %mul3A_1199 = arith.constant 5.000000e-01 : f32
          %mul3A_1200 = vector.broadcast %mul3A_1199 : f32 to vector<16xf32>
          %mul3A_1201 = arith.mulf %mul3A_1200, %add3A_1181 : vector<16xf32>
          %mul3A_1202 = arith.mulf %mul3A_1201, %mul3A_1198 : vector<16xf32>
          %mul3A_1203 = arith.mulf %mul3A_1202, %mul3A_1198 : vector<16xf32>
          %sub3A_1204 = arith.constant 1.500000e+00 : f32
          %sub3A_1205 = vector.broadcast %sub3A_1204 : f32 to vector<16xf32>
          %sub3A_1206 = arith.subf %sub3A_1205, %mul3A_1203 : vector<16xf32>
          %mul3A_1207 = arith.mulf %mul3A_1198, %sub3A_1206 : vector<16xf32>
          %mul3A_1208 = arith.constant 5.000000e-01 : f32
          %mul3A_1209 = vector.broadcast %mul3A_1208 : f32 to vector<16xf32>
          %mul3A_1210 = arith.mulf %mul3A_1209, %add3A_1181 : vector<16xf32>
          %mul3A_1211 = arith.mulf %mul3A_1210, %mul3A_1207 : vector<16xf32>
          %mul3A_1212 = arith.mulf %mul3A_1211, %mul3A_1207 : vector<16xf32>
          %sub3A_1213 = arith.constant 1.500000e+00 : f32
          %sub3A_1214 = vector.broadcast %sub3A_1213 : f32 to vector<16xf32>
          %sub3A_1215 = arith.subf %sub3A_1214, %mul3A_1212 : vector<16xf32>
          %mul3A_1216 = arith.mulf %mul3A_1207, %sub3A_1215 : vector<16xf32>
          %mul3A_1217 = arith.mulf %add3A_1181, %mul3A_1216 : vector<16xf32>
          %add3A_1218 = arith.constant 384 : i32
          %add3A_1219 = arith.addi %add3A_1218, %add3A_777 : i32
          %get3A_1220 = arith.constant 1 : i32
          %get3A_1221 = arith.constant 0 : i32
          %get3A_1222 = arith.index_cast %get3A_1220 : i32 to index
          %get3A_1223 = arith.index_cast %get3A_1221 : i32 to index
          %get3A_1224 = arith.index_cast %add3A_1219 : i32 to index
          %get3A_1225 = tpu.vector_load %arg20[%get3A_1222, %get3A_1223, %get3A_1224] {strides = array<i32>} : memref<2x1x1024xf32, #tpu.memory_space<vmem>>, vector<1x1x16xf32>,
          %get3A_1226 = vector.shape_cast %get3A_1225 : vector<1x1x16xf32> to vector<16xf32>
          %div3A_1227 = arith.divf %mul3A_1217, %get3A_1226 : vector<16xf32>
          %mul3A_1228 = arith.mulf %get3A_784, %get3A_805 : vector<16xf32>
          %mul3A_1229 = arith.mulf %mul3A_1228, %get3A_819 : vector<16xf32>
          %mul3A_1230 = arith.mulf %div3A_1227, %mul3A_1229 : vector<16xf32>
          %add3A_1231 = arith.addf %add3A_1179, %mul3A_1230 : vector<16xf32>
          %add3A_1232 = arith.addf %get3A_833, %get3A_847 : vector<16xf32>
          %add3A_1233 = arith.addf %add3A_1232, %get3A_861 : vector<16xf32>
          %bitcast_convert_type3A_1234 = tpu.bitcast %add3A_1233 : vector<16xf32> -> vector<16xi32>
          %shift_right_arithmetic3A_1235 = arith.constant 1 : i32
          %shift_right_arithmetic3A_1236 = vector.broadcast %shift_right_arithmetic3A_1235 : i32 to vector<16xi32>
          %shift_right_arithmetic3A_1237 = arith.shrsi %bitcast_convert_type3A_1234, %shift_right_arithmetic3A_1236 : vector<16xi32>
          %sub3A_1238 = arith.constant 1597463007 : i32
          %sub3A_1239 = vector.broadcast %sub3A_1238 : i32 to vector<16xi32>
          %sub3A_1240 = arith.subi %sub3A_1239, %shift_right_arithmetic3A_1237 : vector<16xi32>
          %bitcast_convert_type3A_1241 = tpu.bitcast %sub3A_1240 : vector<16xi32> -> vector<16xf32>
          %mul3A_1242 = arith.constant 5.000000e-01 : f32
          %mul3A_1243 = vector.broadcast %mul3A_1242 : f32 to vector<16xf32>
          %mul3A_1244 = arith.mulf %mul3A_1243, %add3A_1233 : vector<16xf32>
          %mul3A_1245 = arith.mulf %mul3A_1244, %bitcast_convert_type3A_1241 : vector<16xf32>
          %mul3A_1246 = arith.mulf %mul3A_1245, %bitcast_convert_type3A_1241 : vector<16xf32>
          %sub3A_1247 = arith.constant 1.500000e+00 : f32
          %sub3A_1248 = vector.broadcast %sub3A_1247 : f32 to vector<16xf32>
          %sub3A_1249 = arith.subf %sub3A_1248, %mul3A_1246 : vector<16xf32>
          %mul3A_1250 = arith.mulf %bitcast_convert_type3A_1241, %sub3A_1249 : vector<16xf32>
          %mul3A_1251 = arith.constant 5.000000e-01 : f32
          %mul3A_1252 = vector.broadcast %mul3A_1251 : f32 to vector<16xf32>
          %mul3A_1253 = arith.mulf %mul3A_1252, %add3A_1233 : vector<16xf32>
          %mul3A_1254 = arith.mulf %mul3A_1253, %mul3A_1250 : vector<16xf32>
          %mul3A_1255 = arith.mulf %mul3A_1254, %mul3A_1250 : vector<16xf32>
          %sub3A_1256 = arith.constant 1.500000e+00 : f32
          %sub3A_1257 = vector.broadcast %sub3A_1256 : f32 to vector<16xf32>
          %sub3A_1258 = arith.subf %sub3A_1257, %mul3A_1255 : vector<16xf32>
          %mul3A_1259 = arith.mulf %mul3A_1250, %sub3A_1258 : vector<16xf32>
          %mul3A_1260 = arith.constant 5.000000e-01 : f32
          %mul3A_1261 = vector.broadcast %mul3A_1260 : f32 to vector<16xf32>
          %mul3A_1262 = arith.mulf %mul3A_1261, %add3A_1233 : vector<16xf32>
          %mul3A_1263 = arith.mulf %mul3A_1262, %mul3A_1259 : vector<16xf32>
          %mul3A_1264 = arith.mulf %mul3A_1263, %mul3A_1259 : vector<16xf32>
          %sub3A_1265 = arith.constant 1.500000e+00 : f32
          %sub3A_1266 = vector.broadcast %sub3A_1265 : f32 to vector<16xf32>
          %sub3A_1267 = arith.subf %sub3A_1266, %mul3A_1264 : vector<16xf32>
          %mul3A_1268 = arith.mulf %mul3A_1259, %sub3A_1267 : vector<16xf32>
          %mul3A_1269 = arith.mulf %add3A_1233, %mul3A_1268 : vector<16xf32>
          %add3A_1270 = arith.constant 896 : i32
          %add3A_1271 = arith.addi %add3A_1270, %add3A_777 : i32
          %get3A_1272 = arith.constant 1 : i32
          %get3A_1273 = arith.constant 0 : i32
          %get3A_1274 = arith.index_cast %get3A_1272 : i32 to index
          %get3A_1275 = arith.index_cast %get3A_1273 : i32 to index
          %get3A_1276 = arith.index_cast %add3A_1271 : i32 to index
          %get3A_1277 = tpu.vector_load %arg20[%get3A_1274, %get3A_1275, %get3A_1276] {strides = array<i32>} : memref<2x1x1024xf32, #tpu.memory_space<vmem>>, vector<1x1x16xf32>,
          %get3A_1278 = vector.shape_cast %get3A_1277 : vector<1x1x16xf32> to vector<16xf32>
          %div3A_1279 = arith.divf %mul3A_1269, %get3A_1278 : vector<16xf32>
          %mul3A_1280 = arith.mulf %get3A_791, %get3A_805 : vector<16xf32>
          %mul3A_1281 = arith.mulf %mul3A_1280, %get3A_819 : vector<16xf32>
          %mul3A_1282 = arith.mulf %div3A_1279, %mul3A_1281 : vector<16xf32>
          %add3A_1283 = arith.addf %add3A_1231, %mul3A_1282 : vector<16xf32>
          %add3A_1284 = arith.addf %get3A_868, %add3A_1283 : vector<16xf32>
          %swap3A_1285 = arith.constant 1 : i32
          %swap3A_1286 = arith.index_cast %swap3A_1285 : i32 to index
          %swap3A_1287 = arith.index_cast %add3A_777 : i32 to index
          %swap3A_1288 = tpu.vector_load %arg22[%swap3A_1286, %swap3A_1287] {strides = array<i32>} : memref<2x128xf32, #tpu.memory_space<vmem>>, vector<1x16xf32>,
          %swap3A_1289 = vector.shape_cast %swap3A_1288 : vector<1x16xf32> to vector<16xf32>
          %swap3A_1290 = vector.shape_cast %add3A_1284 : vector<16xf32> to vector<1x16xf32>
          tpu.vector_store %arg22[%swap3A_1286, %swap3A_1287], %swap3A_1290 {strides = array<i32>} : memref<2x128xf32, #tpu.memory_space<vmem>>, vector<1x16xf32>,
          %get3A_1291 = arith.constant 1 : i32
          %get3A_1292 = arith.index_cast %get3A_1291 : i32 to index
          %get3A_1293 = arith.index_cast %add3A_777 : i32 to index
          %get3A_1294 = tpu.vector_load %arg14[%get3A_1292, %get3A_1293] {strides = array<i32>} : memref<2x128xf32, #tpu.memory_space<vmem>>, vector<1x16xf32>,
          %get3A_1295 = vector.shape_cast %get3A_1294 : vector<1x16xf32> to vector<16xf32>
          %sub3A_1296 = arith.subf %add3A_1284, %get3A_1295 : vector<16xf32>
          %get3A_1297 = arith.constant 0 : index
          %get3A_1298 = tpu.vector_load %arg23[%get3A_1297] {strides = array<i32>} : memref<16xf32, #tpu.memory_space<vmem>>, vector<16xf32>,
          %get3A_1299 = vector.shape_cast %get3A_1298 : vector<16xf32> to vector<16xf32>
          %mul3A_1300 = arith.mulf %sub3A_1296, %sub3A_1296 : vector<16xf32>
          %add3A_1301 = arith.addf %get3A_1299, %mul3A_1300 : vector<16xf32>
          %swap3A_1302 = arith.constant 0 : index
          %swap3A_1303 = tpu.vector_load %arg23[%swap3A_1302] {strides = array<i32>} : memref<16xf32, #tpu.memory_space<vmem>>, vector<16xf32>,
          %swap3A_1304 = vector.shape_cast %swap3A_1303 : vector<16xf32> to vector<16xf32>
          %swap3A_1305 = vector.shape_cast %add3A_1301 : vector<16xf32> to vector<16xf32>
          tpu.vector_store %arg23[%swap3A_1302], %swap3A_1305 {strides = array<i32>} : memref<16xf32, #tpu.memory_space<vmem>>, vector<16xf32>,
        }
        %scan3A_231 = arith.constant 4 : i32
        %sub3A_232 = arith.constant 1 : i32
        %sub3A_233 = arith.subi %mul3A_129, %sub3A_232 : i32
        %mul3A_234 = arith.constant 128 : i32
        %mul3A_235 = arith.muli %sub3A_233, %mul3A_234 : i32
        %add3A_236 = arith.addi %mul3A_2, %mul3A_235 : i32
        %dma_start3A_237 = arith.constant 1 : i32
        %dma_start3A_238 = arith.constant 0 : i32
        %dma_start3A_239 = tpu.memref_slice %arg22[%dma_start3A_237, %dma_start3A_238] : memref<2x128xf32, #tpu.memory_space<vmem>> -> memref<1x128xf32, #tpu.memory_space<vmem>>
        %dma_start3A_240 = tpu.memref_squeeze %dma_start3A_239 : memref<1x128xf32, #tpu.memory_space<vmem>> -> memref<128xf32, #tpu.memory_space<vmem>>
        %dma_start3A_241 = tpu.memref_slice %arg10[%add3A_236] : memref<262144xf32, #tpu.memory_space<hbm>> -> memref<128xf32, #tpu.memory_space<hbm>>
        %dma_start3A_242 = tpu.memref_slice %arg10[%add3A_236] : memref<262144xf32, #tpu.memory_space<hbm>> -> memref<128xf32, #tpu.memory_space<hbm>>
        %dma_start3A_243 = arith.constant 0 : i32
        %dma_start3A_244 = tpu.memref_slice %arg22[%dma_start3A_237, %dma_start3A_243] : memref<2x128xf32, #tpu.memory_space<vmem>> -> memref<1x128xf32, #tpu.memory_space<vmem>>
        %dma_start3A_245 = tpu.memref_squeeze %dma_start3A_244 : memref<1x128xf32, #tpu.memory_space<vmem>> -> memref<128xf32, #tpu.memory_space<vmem>>
        tpu.enqueue_dma source(%dma_start3A_245 : memref<128xf32, #tpu.memory_space<vmem>>) target(%dma_start3A_242 : memref<128xf32, #tpu.memory_space<hbm>>) target_semaphore(%arg28 : memref<!tpu.dma_semaphore, #tpu.memory_space<semaphore_mem>>)
      } else {
      }
      %add3A_152 = arith.constant 1 : i32
      %add3A_153 = arith.addi %mul3A_129, %add3A_152 : i32
      %lt3A_154 = arith.constant 64 : i32
      %lt3A_155 = arith.cmpi slt, %add3A_153, %lt3A_154 : i32
      %convert_element_type3A_156 = arith.extui %lt3A_155 : i1 to i32
      %cond3A_157 = arith.constant 0 : i32
      %cond3A_158 = arith.cmpi ne, %convert_element_type3A_156, %cond3A_157 : i32
      scf.if %cond3A_158 {
        %add3A_195 = arith.constant 1 : i32
        %add3A_196 = arith.addi %mul3A_129, %add3A_195 : i32
        %mul3A_197 = arith.constant 128 : i32
        %mul3A_198 = arith.muli %add3A_196, %mul3A_197 : i32
        %add3A_199 = arith.addi %mul3A_2, %mul3A_198 : i32
        %dma_start3A_200 = arith.constant 1 : i32
        %dma_start3A_201 = arith.constant 0 : i32
        %dma_start3A_202 = tpu.memref_slice %arg14[%dma_start3A_200, %dma_start3A_201] : memref<2x128xf32, #tpu.memory_space<vmem>> -> memref<1x128xf32, #tpu.memory_space<vmem>>
        %dma_start3A_203 = tpu.memref_squeeze %dma_start3A_202 : memref<1x128xf32, #tpu.memory_space<vmem>> -> memref<128xf32, #tpu.memory_space<vmem>>
        %dma_start3A_204 = tpu.memref_slice %arg8[%add3A_199] : memref<262144xf32, #tpu.memory_space<hbm>> -> memref<128xf32, #tpu.memory_space<hbm>>
        %dma_start3A_205 = arith.constant 0 : i32
        %dma_start3A_206 = tpu.memref_slice %arg14[%dma_start3A_200, %dma_start3A_205] : memref<2x128xf32, #tpu.memory_space<vmem>> -> memref<1x128xf32, #tpu.memory_space<vmem>>
        %dma_start3A_207 = tpu.memref_squeeze %dma_start3A_206 : memref<1x128xf32, #tpu.memory_space<vmem>> -> memref<128xf32, #tpu.memory_space<vmem>>
        %dma_start3A_208 = tpu.memref_slice %arg8[%add3A_199] : memref<262144xf32, #tpu.memory_space<hbm>> -> memref<128xf32, #tpu.memory_space<hbm>>
        tpu.enqueue_dma source(%dma_start3A_208 : memref<128xf32, #tpu.memory_space<hbm>>) target(%dma_start3A_207 : memref<128xf32, #tpu.memory_space<vmem>>) target_semaphore(%arg25 : memref<!tpu.dma_semaphore, #tpu.memory_space<semaphore_mem>>)
      } else {
      }
      %add3A_159 = arith.constant 1 : i32
      %add3A_160 = arith.addi %mul3A_129, %add3A_159 : i32
      %lt3A_161 = arith.constant 64 : i32
      %lt3A_162 = arith.cmpi slt, %add3A_160, %lt3A_161 : i32
      %convert_element_type3A_163 = arith.extui %lt3A_162 : i1 to i32
      %cond3A_164 = arith.constant 0 : i32
      %cond3A_165 = arith.cmpi ne, %convert_element_type3A_163, %cond3A_164 : i32
      scf.if %cond3A_165 {
        %dma_wait3A_195 = arith.constant 1 : i32
        %dma_wait3A_196 = arith.constant 1 : i32
        %dma_wait3A_197 = arith.constant 0 : i32
        %dma_wait3A_198 = tpu.memref_slice %arg15[%dma_wait3A_196, %dma_wait3A_197] : memref<2x128xf32, #tpu.memory_space<vmem>> -> memref<1x128xf32, #tpu.memory_space<vmem>>
        %dma_wait3A_199 = tpu.memref_squeeze %dma_wait3A_198 : memref<1x128xf32, #tpu.memory_space<vmem>> -> memref<128xf32, #tpu.memory_space<vmem>>
        %dma_wait3A_200 = arith.constant 0 : i32
        %dma_wait3A_201 = tpu.memref_slice %arg13[%dma_wait3A_195, %dma_wait3A_200] : memref<2x128xi32, #tpu.memory_space<vmem>> -> memref<1x128xi32, #tpu.memory_space<vmem>>
        %dma_wait3A_202 = tpu.memref_squeeze %dma_wait3A_201 : memref<1x128xi32, #tpu.memory_space<vmem>> -> memref<128xi32, #tpu.memory_space<vmem>>
        %dma_wait3A_203 = arith.constant 0 : i32
        %dma_wait3A_204 = tpu.memref_slice %arg3[%dma_wait3A_203] : memref<50000xf32, #tpu.memory_space<hbm>> -> memref<50000xf32, #tpu.memory_space<hbm>>
        tpu.wait_indirect_dma semaphore(%arg26 : memref<!tpu.dma_semaphore, #tpu.memory_space<semaphore_mem>>) src(%dma_wait3A_204 : memref<50000xf32, #tpu.memory_space<hbm>>) dst(%dma_wait3A_199 : memref<128xf32, #tpu.memory_space<vmem>>)
        %dma_wait3A_205 = arith.constant 1 : i32
        %dma_wait3A_206 = arith.constant 1 : i32
        %dma_wait3A_207 = arith.constant 0 : i32
        %dma_wait3A_208 = tpu.memref_slice %arg16[%dma_wait3A_206, %dma_wait3A_207] : memref<2x128xf32, #tpu.memory_space<vmem>> -> memref<1x128xf32, #tpu.memory_space<vmem>>
        %dma_wait3A_209 = tpu.memref_squeeze %dma_wait3A_208 : memref<1x128xf32, #tpu.memory_space<vmem>> -> memref<128xf32, #tpu.memory_space<vmem>>
        %dma_wait3A_210 = arith.constant 0 : i32
        %dma_wait3A_211 = tpu.memref_slice %arg13[%dma_wait3A_205, %dma_wait3A_210] : memref<2x128xi32, #tpu.memory_space<vmem>> -> memref<1x128xi32, #tpu.memory_space<vmem>>
        %dma_wait3A_212 = tpu.memref_squeeze %dma_wait3A_211 : memref<1x128xi32, #tpu.memory_space<vmem>> -> memref<128xi32, #tpu.memory_space<vmem>>
        %dma_wait3A_213 = arith.constant 0 : i32
        %dma_wait3A_214 = tpu.memref_slice %arg4[%dma_wait3A_213] : memref<50000xf32, #tpu.memory_space<hbm>> -> memref<50000xf32, #tpu.memory_space<hbm>>
        tpu.wait_indirect_dma semaphore(%arg26 : memref<!tpu.dma_semaphore, #tpu.memory_space<semaphore_mem>>) src(%dma_wait3A_214 : memref<50000xf32, #tpu.memory_space<hbm>>) dst(%dma_wait3A_209 : memref<128xf32, #tpu.memory_space<vmem>>)
        %dma_wait3A_215 = arith.constant 1 : i32
        %dma_wait3A_216 = arith.constant 1 : i32
        %dma_wait3A_217 = arith.constant 0 : i32
        %dma_wait3A_218 = tpu.memref_slice %arg17[%dma_wait3A_216, %dma_wait3A_217] : memref<2x128xf32, #tpu.memory_space<vmem>> -> memref<1x128xf32, #tpu.memory_space<vmem>>
        %dma_wait3A_219 = tpu.memref_squeeze %dma_wait3A_218 : memref<1x128xf32, #tpu.memory_space<vmem>> -> memref<128xf32, #tpu.memory_space<vmem>>
        %dma_wait3A_220 = arith.constant 0 : i32
        %dma_wait3A_221 = tpu.memref_slice %arg13[%dma_wait3A_215, %dma_wait3A_220] : memref<2x128xi32, #tpu.memory_space<vmem>> -> memref<1x128xi32, #tpu.memory_space<vmem>>
        %dma_wait3A_222 = tpu.memref_squeeze %dma_wait3A_221 : memref<1x128xi32, #tpu.memory_space<vmem>> -> memref<128xi32, #tpu.memory_space<vmem>>
        %dma_wait3A_223 = arith.constant 0 : i32
        %dma_wait3A_224 = tpu.memref_slice %arg5[%dma_wait3A_223] : memref<50000xf32, #tpu.memory_space<hbm>> -> memref<50000xf32, #tpu.memory_space<hbm>>
        tpu.wait_indirect_dma semaphore(%arg26 : memref<!tpu.dma_semaphore, #tpu.memory_space<semaphore_mem>>) src(%dma_wait3A_224 : memref<50000xf32, #tpu.memory_space<hbm>>) dst(%dma_wait3A_219 : memref<128xf32, #tpu.memory_space<vmem>>)
        %dma_wait3A_225 = arith.constant 1 : i32
        %dma_wait3A_226 = arith.constant 1 : i32
        %dma_wait3A_227 = arith.constant 0 : i32
        %dma_wait3A_228 = tpu.memref_slice %arg18[%dma_wait3A_226, %dma_wait3A_227] : memref<2x128xf32, #tpu.memory_space<vmem>> -> memref<1x128xf32, #tpu.memory_space<vmem>>
        %dma_wait3A_229 = tpu.memref_squeeze %dma_wait3A_228 : memref<1x128xf32, #tpu.memory_space<vmem>> -> memref<128xf32, #tpu.memory_space<vmem>>
        %dma_wait3A_230 = arith.constant 0 : i32
        %dma_wait3A_231 = tpu.memref_slice %arg13[%dma_wait3A_225, %dma_wait3A_230] : memref<2x128xi32, #tpu.memory_space<vmem>> -> memref<1x128xi32, #tpu.memory_space<vmem>>
        %dma_wait3A_232 = tpu.memref_squeeze %dma_wait3A_231 : memref<1x128xi32, #tpu.memory_space<vmem>> -> memref<128xi32, #tpu.memory_space<vmem>>
        %dma_wait3A_233 = arith.constant 0 : i32
        %dma_wait3A_234 = tpu.memref_slice %arg6[%dma_wait3A_233] : memref<50000xf32, #tpu.memory_space<hbm>> -> memref<50000xf32, #tpu.memory_space<hbm>>
        tpu.wait_indirect_dma semaphore(%arg26 : memref<!tpu.dma_semaphore, #tpu.memory_space<semaphore_mem>>) src(%dma_wait3A_234 : memref<50000xf32, #tpu.memory_space<hbm>>) dst(%dma_wait3A_229 : memref<128xf32, #tpu.memory_space<vmem>>)
        %scan3A_235 = arith.constant 0 : i32
        %scan3A_236 = arith.constant 0 : i32
        %scan3A_237 = arith.constant 4 : i32
        %scan3A_238 = arith.addi %scan3A_236, %scan3A_237 : i32
        %scan3A_239 = arith.constant 1 : i32
        scf.for %scan3A_254 = %scan3A_236 to %scan3A_238 step %scan3A_239  : i32 {
          %mul3A_255 = arith.constant 32 : i32
          %mul3A_256 = arith.muli %scan3A_254, %mul3A_255 : i32
          %get3A_257 = arith.constant 1 : i32
          %get3A_258 = arith.index_cast %get3A_257 : i32 to index
          %get3A_259 = arith.index_cast %mul3A_256 : i32 to index
          %get3A_260 = tpu.vector_load %arg15[%get3A_258, %get3A_259] {strides = array<i32>} : memref<2x128xf32, #tpu.memory_space<vmem>>, vector<1x16xf32>,
          %get3A_261 = vector.shape_cast %get3A_260 : vector<1x16xf32> to vector<16xf32>
          %get3A_262 = arith.constant 1 : i32
          %get3A_263 = arith.index_cast %get3A_262 : i32 to index
          %get3A_264 = arith.index_cast %mul3A_256 : i32 to index
          %get3A_265 = tpu.vector_load %arg16[%get3A_263, %get3A_264] {strides = array<i32>} : memref<2x128xf32, #tpu.memory_space<vmem>>, vector<1x16xf32>,
          %get3A_266 = vector.shape_cast %get3A_265 : vector<1x16xf32> to vector<16xf32>
          %get3A_267 = arith.constant 1 : i32
          %get3A_268 = arith.index_cast %get3A_267 : i32 to index
          %get3A_269 = arith.index_cast %mul3A_256 : i32 to index
          %get3A_270 = tpu.vector_load %arg17[%get3A_268, %get3A_269] {strides = array<i32>} : memref<2x128xf32, #tpu.memory_space<vmem>>, vector<1x16xf32>,
          %get3A_271 = vector.shape_cast %get3A_270 : vector<1x16xf32> to vector<16xf32>
          %get3A_272 = arith.constant 1 : i32
          %get3A_273 = arith.index_cast %get3A_272 : i32 to index
          %get3A_274 = arith.index_cast %mul3A_256 : i32 to index
          %get3A_275 = tpu.vector_load %arg18[%get3A_273, %get3A_274] {strides = array<i32>} : memref<2x128xf32, #tpu.memory_space<vmem>>, vector<1x16xf32>,
          %get3A_276 = vector.shape_cast %get3A_275 : vector<1x16xf32> to vector<16xf32>
          %max3A = arith.constant 0.000000e+00 : f32
          %max3A_277 = vector.broadcast %max3A : f32 to vector<16xf32>
          %max3A_278 = arith.maximumf %get3A_261, %max3A_277 : vector<16xf32>
          %min3A = arith.constant 1.270000e+02 : f32
          %min3A_279 = vector.broadcast %min3A : f32 to vector<16xf32>
          %min3A_280 = arith.minimumf %max3A_278, %min3A_279 : vector<16xf32>
          %max3A_281 = arith.constant 0.000000e+00 : f32
          %max3A_282 = vector.broadcast %max3A_281 : f32 to vector<16xf32>
          %max3A_283 = arith.maximumf %get3A_266, %max3A_282 : vector<16xf32>
          %min3A_284 = arith.constant 1.270000e+02 : f32
          %min3A_285 = vector.broadcast %min3A_284 : f32 to vector<16xf32>
          %min3A_286 = arith.minimumf %max3A_283, %min3A_285 : vector<16xf32>
          %max3A_287 = arith.constant 0.000000e+00 : f32
          %max3A_288 = vector.broadcast %max3A_287 : f32 to vector<16xf32>
          %max3A_289 = arith.maximumf %get3A_271, %max3A_288 : vector<16xf32>
          %min3A_290 = arith.constant 1.270000e+02 : f32
          %min3A_291 = vector.broadcast %min3A_290 : f32 to vector<16xf32>
          %min3A_292 = arith.minimumf %max3A_289, %min3A_291 : vector<16xf32>
          %convert_element_type3A_293 = arith.fptosi %min3A_280 : vector<16xf32> to vector<16xi32>
          %min3A_294 = arith.constant 126 : i32
          %min3A_295 = vector.broadcast %min3A_294 : i32 to vector<16xi32>
          %min3A_296 = arith.minsi %convert_element_type3A_293, %min3A_295 : vector<16xi32>
          %convert_element_type3A_297 = arith.fptosi %min3A_286 : vector<16xf32> to vector<16xi32>
          %min3A_298 = arith.constant 126 : i32
          %min3A_299 = vector.broadcast %min3A_298 : i32 to vector<16xi32>
          %min3A_300 = arith.minsi %convert_element_type3A_297, %min3A_299 : vector<16xi32>
          %convert_element_type3A_301 = arith.fptosi %min3A_292 : vector<16xf32> to vector<16xi32>
          %min3A_302 = arith.constant 126 : i32
          %min3A_303 = vector.broadcast %min3A_302 : i32 to vector<16xi32>
          %min3A_304 = arith.minsi %convert_element_type3A_301, %min3A_303 : vector<16xi32>
          %convert_element_type3A_305 = arith.sitofp %min3A_296 : vector<16xi32> to vector<16xf32>
          %convert_element_type3A_306 = arith.sitofp %min3A_300 : vector<16xi32> to vector<16xf32>
          %convert_element_type3A_307 = arith.sitofp %min3A_304 : vector<16xi32> to vector<16xf32>
          %add3A_308 = arith.constant 1.000000e+00 : f32
          %add3A_309 = vector.broadcast %add3A_308 : f32 to vector<16xf32>
          %add3A_310 = arith.addf %convert_element_type3A_305, %add3A_309 : vector<16xf32>
          %add3A_311 = arith.constant 1.000000e+00 : f32
          %add3A_312 = vector.broadcast %add3A_311 : f32 to vector<16xf32>
          %add3A_313 = arith.addf %convert_element_type3A_306, %add3A_312 : vector<16xf32>
          %add3A_314 = arith.constant 1.000000e+00 : f32
          %add3A_315 = vector.broadcast %add3A_314 : f32 to vector<16xf32>
          %add3A_316 = arith.addf %convert_element_type3A_307, %add3A_315 : vector<16xf32>
          %mul3A_317 = arith.constant 16384 : i32
          %mul3A_318 = vector.broadcast %mul3A_317 : i32 to vector<16xi32>
          %mul3A_319 = arith.muli %min3A_296, %mul3A_318 : vector<16xi32>
          %add3A_320 = arith.addi %convert_element_type3A, %mul3A_319 : vector<16xi32>
          %mul3A_321 = arith.constant 128 : i32
          %mul3A_322 = vector.broadcast %mul3A_321 : i32 to vector<16xi32>
          %mul3A_323 = arith.muli %min3A_300, %mul3A_322 : vector<16xi32>
          %add3A_324 = arith.addi %add3A_320, %mul3A_323 : vector<16xi32>
          %add3A_325 = arith.addi %add3A_324, %min3A_304 : vector<16xi32>
          %add3A_326 = arith.constant 0 : i32
          %add3A_327 = vector.broadcast %add3A_326 : i32 to vector<16xi32>
          %add3A_328 = arith.addi %add3A_325, %add3A_327 : vector<16xi32>
          %add3A_329 = arith.constant 0 : i32
          %add3A_330 = arith.addi %add3A_329, %mul3A_256 : i32
          %swap3A_331 = arith.constant 1 : i32
          %swap3A_332 = arith.constant 0 : i32
          %swap3A_333 = arith.index_cast %swap3A_331 : i32 to index
          %swap3A_334 = arith.index_cast %swap3A_332 : i32 to index
          %swap3A_335 = arith.index_cast %add3A_330 : i32 to index
          %swap3A_336 = tpu.vector_load %arg19[%swap3A_333, %swap3A_334, %swap3A_335] {strides = array<i32>} : memref<2x1x1024xi32, #tpu.memory_space<vmem>>, vector<1x1x16xi32>,
          %swap3A_337 = vector.shape_cast %swap3A_336 : vector<1x1x16xi32> to vector<16xi32>
          %swap3A_338 = vector.shape_cast %add3A_328 : vector<16xi32> to vector<1x1x16xi32>
          tpu.vector_store %arg19[%swap3A_333, %swap3A_334, %swap3A_335], %swap3A_338 {strides = array<i32>} : memref<2x1x1024xi32, #tpu.memory_space<vmem>>, vector<1x1x16xi32>,
          %add3A_339 = arith.constant 1 : i32
          %add3A_340 = vector.broadcast %add3A_339 : i32 to vector<16xi32>
          %add3A_341 = arith.addi %add3A_325, %add3A_340 : vector<16xi32>
          %add3A_342 = arith.constant 128 : i32
          %add3A_343 = arith.addi %add3A_342, %mul3A_256 : i32
          %swap3A_344 = arith.constant 1 : i32
          %swap3A_345 = arith.constant 0 : i32
          %swap3A_346 = arith.index_cast %swap3A_344 : i32 to index
          %swap3A_347 = arith.index_cast %swap3A_345 : i32 to index
          %swap3A_348 = arith.index_cast %add3A_343 : i32 to index
          %swap3A_349 = tpu.vector_load %arg19[%swap3A_346, %swap3A_347, %swap3A_348] {strides = array<i32>} : memref<2x1x1024xi32, #tpu.memory_space<vmem>>, vector<1x1x16xi32>,
          %swap3A_350 = vector.shape_cast %swap3A_349 : vector<1x1x16xi32> to vector<16xi32>
          %swap3A_351 = vector.shape_cast %add3A_341 : vector<16xi32> to vector<1x1x16xi32>
          tpu.vector_store %arg19[%swap3A_346, %swap3A_347, %swap3A_348], %swap3A_351 {strides = array<i32>} : memref<2x1x1024xi32, #tpu.memory_space<vmem>>, vector<1x1x16xi32>,
          %add3A_352 = arith.constant 128 : i32
          %add3A_353 = vector.broadcast %add3A_352 : i32 to vector<16xi32>
          %add3A_354 = arith.addi %add3A_325, %add3A_353 : vector<16xi32>
          %add3A_355 = arith.constant 256 : i32
          %add3A_356 = arith.addi %add3A_355, %mul3A_256 : i32
          %swap3A_357 = arith.constant 1 : i32
          %swap3A_358 = arith.constant 0 : i32
          %swap3A_359 = arith.index_cast %swap3A_357 : i32 to index
          %swap3A_360 = arith.index_cast %swap3A_358 : i32 to index
          %swap3A_361 = arith.index_cast %add3A_356 : i32 to index
          %swap3A_362 = tpu.vector_load %arg19[%swap3A_359, %swap3A_360, %swap3A_361] {strides = array<i32>} : memref<2x1x1024xi32, #tpu.memory_space<vmem>>, vector<1x1x16xi32>,
          %swap3A_363 = vector.shape_cast %swap3A_362 : vector<1x1x16xi32> to vector<16xi32>
          %swap3A_364 = vector.shape_cast %add3A_354 : vector<16xi32> to vector<1x1x16xi32>
          tpu.vector_store %arg19[%swap3A_359, %swap3A_360, %swap3A_361], %swap3A_364 {strides = array<i32>} : memref<2x1x1024xi32, #tpu.memory_space<vmem>>, vector<1x1x16xi32>,
          %add3A_365 = arith.constant 129 : i32
          %add3A_366 = vector.broadcast %add3A_365 : i32 to vector<16xi32>
          %add3A_367 = arith.addi %add3A_325, %add3A_366 : vector<16xi32>
          %add3A_368 = arith.constant 384 : i32
          %add3A_369 = arith.addi %add3A_368, %mul3A_256 : i32
          %swap3A_370 = arith.constant 1 : i32
          %swap3A_371 = arith.constant 0 : i32
          %swap3A_372 = arith.index_cast %swap3A_370 : i32 to index
          %swap3A_373 = arith.index_cast %swap3A_371 : i32 to index
          %swap3A_374 = arith.index_cast %add3A_369 : i32 to index
          %swap3A_375 = tpu.vector_load %arg19[%swap3A_372, %swap3A_373, %swap3A_374] {strides = array<i32>} : memref<2x1x1024xi32, #tpu.memory_space<vmem>>, vector<1x1x16xi32>,
          %swap3A_376 = vector.shape_cast %swap3A_375 : vector<1x1x16xi32> to vector<16xi32>
          %swap3A_377 = vector.shape_cast %add3A_367 : vector<16xi32> to vector<1x1x16xi32>
          tpu.vector_store %arg19[%swap3A_372, %swap3A_373, %swap3A_374], %swap3A_377 {strides = array<i32>} : memref<2x1x1024xi32, #tpu.memory_space<vmem>>, vector<1x1x16xi32>,
          %add3A_378 = arith.constant 16384 : i32
          %add3A_379 = vector.broadcast %add3A_378 : i32 to vector<16xi32>
          %add3A_380 = arith.addi %add3A_325, %add3A_379 : vector<16xi32>
          %add3A_381 = arith.constant 512 : i32
          %add3A_382 = arith.addi %add3A_381, %mul3A_256 : i32
          %swap3A_383 = arith.constant 1 : i32
          %swap3A_384 = arith.constant 0 : i32
          %swap3A_385 = arith.index_cast %swap3A_383 : i32 to index
          %swap3A_386 = arith.index_cast %swap3A_384 : i32 to index
          %swap3A_387 = arith.index_cast %add3A_382 : i32 to index
          %swap3A_388 = tpu.vector_load %arg19[%swap3A_385, %swap3A_386, %swap3A_387] {strides = array<i32>} : memref<2x1x1024xi32, #tpu.memory_space<vmem>>, vector<1x1x16xi32>,
          %swap3A_389 = vector.shape_cast %swap3A_388 : vector<1x1x16xi32> to vector<16xi32>
          %swap3A_390 = vector.shape_cast %add3A_380 : vector<16xi32> to vector<1x1x16xi32>
          tpu.vector_store %arg19[%swap3A_385, %swap3A_386, %swap3A_387], %swap3A_390 {strides = array<i32>} : memref<2x1x1024xi32, #tpu.memory_space<vmem>>, vector<1x1x16xi32>,
          %add3A_391 = arith.constant 16385 : i32
          %add3A_392 = vector.broadcast %add3A_391 : i32 to vector<16xi32>
          %add3A_393 = arith.addi %add3A_325, %add3A_392 : vector<16xi32>
          %add3A_394 = arith.constant 640 : i32
          %add3A_395 = arith.addi %add3A_394, %mul3A_256 : i32
          %swap3A_396 = arith.constant 1 : i32
          %swap3A_397 = arith.constant 0 : i32
          %swap3A_398 = arith.index_cast %swap3A_396 : i32 to index
          %swap3A_399 = arith.index_cast %swap3A_397 : i32 to index
          %swap3A_400 = arith.index_cast %add3A_395 : i32 to index
          %swap3A_401 = tpu.vector_load %arg19[%swap3A_398, %swap3A_399, %swap3A_400] {strides = array<i32>} : memref<2x1x1024xi32, #tpu.memory_space<vmem>>, vector<1x1x16xi32>,
          %swap3A_402 = vector.shape_cast %swap3A_401 : vector<1x1x16xi32> to vector<16xi32>
          %swap3A_403 = vector.shape_cast %add3A_393 : vector<16xi32> to vector<1x1x16xi32>
          tpu.vector_store %arg19[%swap3A_398, %swap3A_399, %swap3A_400], %swap3A_403 {strides = array<i32>} : memref<2x1x1024xi32, #tpu.memory_space<vmem>>, vector<1x1x16xi32>,
          %add3A_404 = arith.constant 16512 : i32
          %add3A_405 = vector.broadcast %add3A_404 : i32 to vector<16xi32>
          %add3A_406 = arith.addi %add3A_325, %add3A_405 : vector<16xi32>
          %add3A_407 = arith.constant 768 : i32
          %add3A_408 = arith.addi %add3A_407, %mul3A_256 : i32
          %swap3A_409 = arith.constant 1 : i32
          %swap3A_410 = arith.constant 0 : i32
          %swap3A_411 = arith.index_cast %swap3A_409 : i32 to index
          %swap3A_412 = arith.index_cast %swap3A_410 : i32 to index
          %swap3A_413 = arith.index_cast %add3A_408 : i32 to index
          %swap3A_414 = tpu.vector_load %arg19[%swap3A_411, %swap3A_412, %swap3A_413] {strides = array<i32>} : memref<2x1x1024xi32, #tpu.memory_space<vmem>>, vector<1x1x16xi32>,
          %swap3A_415 = vector.shape_cast %swap3A_414 : vector<1x1x16xi32> to vector<16xi32>
          %swap3A_416 = vector.shape_cast %add3A_406 : vector<16xi32> to vector<1x1x16xi32>
          tpu.vector_store %arg19[%swap3A_411, %swap3A_412, %swap3A_413], %swap3A_416 {strides = array<i32>} : memref<2x1x1024xi32, #tpu.memory_space<vmem>>, vector<1x1x16xi32>,
          %add3A_417 = arith.constant 16513 : i32
          %add3A_418 = vector.broadcast %add3A_417 : i32 to vector<16xi32>
          %add3A_419 = arith.addi %add3A_325, %add3A_418 : vector<16xi32>
          %add3A_420 = arith.constant 896 : i32
          %add3A_421 = arith.addi %add3A_420, %mul3A_256 : i32
          %swap3A_422 = arith.constant 1 : i32
          %swap3A_423 = arith.constant 0 : i32
          %swap3A_424 = arith.index_cast %swap3A_422 : i32 to index
          %swap3A_425 = arith.index_cast %swap3A_423 : i32 to index
          %swap3A_426 = arith.index_cast %add3A_421 : i32 to index
          %swap3A_427 = tpu.vector_load %arg19[%swap3A_424, %swap3A_425, %swap3A_426] {strides = array<i32>} : memref<2x1x1024xi32, #tpu.memory_space<vmem>>, vector<1x1x16xi32>,
          %swap3A_428 = vector.shape_cast %swap3A_427 : vector<1x1x16xi32> to vector<16xi32>
          %swap3A_429 = vector.shape_cast %add3A_419 : vector<16xi32> to vector<1x1x16xi32>
          tpu.vector_store %arg19[%swap3A_424, %swap3A_425, %swap3A_426], %swap3A_429 {strides = array<i32>} : memref<2x1x1024xi32, #tpu.memory_space<vmem>>, vector<1x1x16xi32>,
          %sub3A = arith.subf %convert_element_type3A_305, %get3A_4 : vector<16xf32>
          %sub3A_430 = arith.subf %add3A_310, %get3A_4 : vector<16xf32>
          %sub3A_431 = arith.subf %convert_element_type3A_306, %get3A_7 : vector<16xf32>
          %sub3A_432 = arith.subf %add3A_313, %get3A_7 : vector<16xf32>
          %sub3A_433 = arith.subf %convert_element_type3A_307, %get3A_10 : vector<16xf32>
          %sub3A_434 = arith.subf %add3A_316, %get3A_10 : vector<16xf32>
          %sub3A_435 = arith.subf %add3A_310, %min3A_280 : vector<16xf32>
          %swap3A_436 = arith.constant 1 : i32
          %swap3A_437 = arith.constant 0 : i32
          %swap3A_438 = arith.index_cast %swap3A_436 : i32 to index
          %swap3A_439 = arith.index_cast %swap3A_437 : i32 to index
          %swap3A_440 = arith.index_cast %mul3A_256 : i32 to index
          %swap3A_441 = tpu.vector_load %arg21[%swap3A_438, %swap3A_439, %swap3A_440] {strides = array<i32>} : memref<2x16x128xf32, #tpu.memory_space<vmem>>, vector<1x1x16xf32>,
          %swap3A_442 = vector.shape_cast %swap3A_441 : vector<1x1x16xf32> to vector<16xf32>
          %swap3A_443 = vector.shape_cast %sub3A_435 : vector<16xf32> to vector<1x1x16xf32>
          tpu.vector_store %arg21[%swap3A_438, %swap3A_439, %swap3A_440], %swap3A_443 {strides = array<i32>} : memref<2x16x128xf32, #tpu.memory_space<vmem>>, vector<1x1x16xf32>,
          %sub3A_444 = arith.subf %min3A_280, %convert_element_type3A_305 : vector<16xf32>
          %swap3A_445 = arith.constant 1 : i32
          %swap3A_446 = arith.constant 1 : i32
          %swap3A_447 = arith.index_cast %swap3A_445 : i32 to index
          %swap3A_448 = arith.index_cast %swap3A_446 : i32 to index
          %swap3A_449 = arith.index_cast %mul3A_256 : i32 to index
          %swap3A_450 = tpu.vector_load %arg21[%swap3A_447, %swap3A_448, %swap3A_449] {strides = array<i32>} : memref<2x16x128xf32, #tpu.memory_space<vmem>>, vector<1x1x16xf32>,
          %swap3A_451 = vector.shape_cast %swap3A_450 : vector<1x1x16xf32> to vector<16xf32>
          %swap3A_452 = vector.shape_cast %sub3A_444 : vector<16xf32> to vector<1x1x16xf32>
          tpu.vector_store %arg21[%swap3A_447, %swap3A_448, %swap3A_449], %swap3A_452 {strides = array<i32>} : memref<2x16x128xf32, #tpu.memory_space<vmem>>, vector<1x1x16xf32>,
          %sub3A_453 = arith.subf %add3A_313, %min3A_286 : vector<16xf32>
          %swap3A_454 = arith.constant 1 : i32
          %swap3A_455 = arith.constant 2 : i32
          %swap3A_456 = arith.index_cast %swap3A_454 : i32 to index
          %swap3A_457 = arith.index_cast %swap3A_455 : i32 to index
          %swap3A_458 = arith.index_cast %mul3A_256 : i32 to index
          %swap3A_459 = tpu.vector_load %arg21[%swap3A_456, %swap3A_457, %swap3A_458] {strides = array<i32>} : memref<2x16x128xf32, #tpu.memory_space<vmem>>, vector<1x1x16xf32>,
          %swap3A_460 = vector.shape_cast %swap3A_459 : vector<1x1x16xf32> to vector<16xf32>
          %swap3A_461 = vector.shape_cast %sub3A_453 : vector<16xf32> to vector<1x1x16xf32>
          tpu.vector_store %arg21[%swap3A_456, %swap3A_457, %swap3A_458], %swap3A_461 {strides = array<i32>} : memref<2x16x128xf32, #tpu.memory_space<vmem>>, vector<1x1x16xf32>,
          %sub3A_462 = arith.subf %min3A_286, %convert_element_type3A_306 : vector<16xf32>
          %swap3A_463 = arith.constant 1 : i32
          %swap3A_464 = arith.constant 3 : i32
          %swap3A_465 = arith.index_cast %swap3A_463 : i32 to index
          %swap3A_466 = arith.index_cast %swap3A_464 : i32 to index
          %swap3A_467 = arith.index_cast %mul3A_256 : i32 to index
          %swap3A_468 = tpu.vector_load %arg21[%swap3A_465, %swap3A_466, %swap3A_467] {strides = array<i32>} : memref<2x16x128xf32, #tpu.memory_space<vmem>>, vector<1x1x16xf32>,
          %swap3A_469 = vector.shape_cast %swap3A_468 : vector<1x1x16xf32> to vector<16xf32>
          %swap3A_470 = vector.shape_cast %sub3A_462 : vector<16xf32> to vector<1x1x16xf32>
          tpu.vector_store %arg21[%swap3A_465, %swap3A_466, %swap3A_467], %swap3A_470 {strides = array<i32>} : memref<2x16x128xf32, #tpu.memory_space<vmem>>, vector<1x1x16xf32>,
          %sub3A_471 = arith.subf %add3A_316, %min3A_292 : vector<16xf32>
          %swap3A_472 = arith.constant 1 : i32
          %swap3A_473 = arith.constant 4 : i32
          %swap3A_474 = arith.index_cast %swap3A_472 : i32 to index
          %swap3A_475 = arith.index_cast %swap3A_473 : i32 to index
          %swap3A_476 = arith.index_cast %mul3A_256 : i32 to index
          %swap3A_477 = tpu.vector_load %arg21[%swap3A_474, %swap3A_475, %swap3A_476] {strides = array<i32>} : memref<2x16x128xf32, #tpu.memory_space<vmem>>, vector<1x1x16xf32>,
          %swap3A_478 = vector.shape_cast %swap3A_477 : vector<1x1x16xf32> to vector<16xf32>
          %swap3A_479 = vector.shape_cast %sub3A_471 : vector<16xf32> to vector<1x1x16xf32>
          tpu.vector_store %arg21[%swap3A_474, %swap3A_475, %swap3A_476], %swap3A_479 {strides = array<i32>} : memref<2x16x128xf32, #tpu.memory_space<vmem>>, vector<1x1x16xf32>,
          %sub3A_480 = arith.subf %min3A_292, %convert_element_type3A_307 : vector<16xf32>
          %swap3A_481 = arith.constant 1 : i32
          %swap3A_482 = arith.constant 5 : i32
          %swap3A_483 = arith.index_cast %swap3A_481 : i32 to index
          %swap3A_484 = arith.index_cast %swap3A_482 : i32 to index
          %swap3A_485 = arith.index_cast %mul3A_256 : i32 to index
          %swap3A_486 = tpu.vector_load %arg21[%swap3A_483, %swap3A_484, %swap3A_485] {strides = array<i32>} : memref<2x16x128xf32, #tpu.memory_space<vmem>>, vector<1x1x16xf32>,
          %swap3A_487 = vector.shape_cast %swap3A_486 : vector<1x1x16xf32> to vector<16xf32>
          %swap3A_488 = vector.shape_cast %sub3A_480 : vector<16xf32> to vector<1x1x16xf32>
          tpu.vector_store %arg21[%swap3A_483, %swap3A_484, %swap3A_485], %swap3A_488 {strides = array<i32>} : memref<2x16x128xf32, #tpu.memory_space<vmem>>, vector<1x1x16xf32>,
          %mul3A_489 = arith.mulf %sub3A, %sub3A : vector<16xf32>
          %swap3A_490 = arith.constant 1 : i32
          %swap3A_491 = arith.constant 6 : i32
          %swap3A_492 = arith.index_cast %swap3A_490 : i32 to index
          %swap3A_493 = arith.index_cast %swap3A_491 : i32 to index
          %swap3A_494 = arith.index_cast %mul3A_256 : i32 to index
          %swap3A_495 = tpu.vector_load %arg21[%swap3A_492, %swap3A_493, %swap3A_494] {strides = array<i32>} : memref<2x16x128xf32, #tpu.memory_space<vmem>>, vector<1x1x16xf32>,
          %swap3A_496 = vector.shape_cast %swap3A_495 : vector<1x1x16xf32> to vector<16xf32>
          %swap3A_497 = vector.shape_cast %mul3A_489 : vector<16xf32> to vector<1x1x16xf32>
          tpu.vector_store %arg21[%swap3A_492, %swap3A_493, %swap3A_494], %swap3A_497 {strides = array<i32>} : memref<2x16x128xf32, #tpu.memory_space<vmem>>, vector<1x1x16xf32>,
          %mul3A_498 = arith.mulf %sub3A_430, %sub3A_430 : vector<16xf32>
          %swap3A_499 = arith.constant 1 : i32
          %swap3A_500 = arith.constant 7 : i32
          %swap3A_501 = arith.index_cast %swap3A_499 : i32 to index
          %swap3A_502 = arith.index_cast %swap3A_500 : i32 to index
          %swap3A_503 = arith.index_cast %mul3A_256 : i32 to index
          %swap3A_504 = tpu.vector_load %arg21[%swap3A_501, %swap3A_502, %swap3A_503] {strides = array<i32>} : memref<2x16x128xf32, #tpu.memory_space<vmem>>, vector<1x1x16xf32>,
          %swap3A_505 = vector.shape_cast %swap3A_504 : vector<1x1x16xf32> to vector<16xf32>
          %swap3A_506 = vector.shape_cast %mul3A_498 : vector<16xf32> to vector<1x1x16xf32>
          tpu.vector_store %arg21[%swap3A_501, %swap3A_502, %swap3A_503], %swap3A_506 {strides = array<i32>} : memref<2x16x128xf32, #tpu.memory_space<vmem>>, vector<1x1x16xf32>,
          %mul3A_507 = arith.mulf %sub3A_431, %sub3A_431 : vector<16xf32>
          %swap3A_508 = arith.constant 1 : i32
          %swap3A_509 = arith.constant 8 : i32
          %swap3A_510 = arith.index_cast %swap3A_508 : i32 to index
          %swap3A_511 = arith.index_cast %swap3A_509 : i32 to index
          %swap3A_512 = arith.index_cast %mul3A_256 : i32 to index
          %swap3A_513 = tpu.vector_load %arg21[%swap3A_510, %swap3A_511, %swap3A_512] {strides = array<i32>} : memref<2x16x128xf32, #tpu.memory_space<vmem>>, vector<1x1x16xf32>,
          %swap3A_514 = vector.shape_cast %swap3A_513 : vector<1x1x16xf32> to vector<16xf32>
          %swap3A_515 = vector.shape_cast %mul3A_507 : vector<16xf32> to vector<1x1x16xf32>
          tpu.vector_store %arg21[%swap3A_510, %swap3A_511, %swap3A_512], %swap3A_515 {strides = array<i32>} : memref<2x16x128xf32, #tpu.memory_space<vmem>>, vector<1x1x16xf32>,
          %mul3A_516 = arith.mulf %sub3A_432, %sub3A_432 : vector<16xf32>
          %swap3A_517 = arith.constant 1 : i32
          %swap3A_518 = arith.constant 9 : i32
          %swap3A_519 = arith.index_cast %swap3A_517 : i32 to index
          %swap3A_520 = arith.index_cast %swap3A_518 : i32 to index
          %swap3A_521 = arith.index_cast %mul3A_256 : i32 to index
          %swap3A_522 = tpu.vector_load %arg21[%swap3A_519, %swap3A_520, %swap3A_521] {strides = array<i32>} : memref<2x16x128xf32, #tpu.memory_space<vmem>>, vector<1x1x16xf32>,
          %swap3A_523 = vector.shape_cast %swap3A_522 : vector<1x1x16xf32> to vector<16xf32>
          %swap3A_524 = vector.shape_cast %mul3A_516 : vector<16xf32> to vector<1x1x16xf32>
          tpu.vector_store %arg21[%swap3A_519, %swap3A_520, %swap3A_521], %swap3A_524 {strides = array<i32>} : memref<2x16x128xf32, #tpu.memory_space<vmem>>, vector<1x1x16xf32>,
          %mul3A_525 = arith.mulf %sub3A_433, %sub3A_433 : vector<16xf32>
          %swap3A_526 = arith.constant 1 : i32
          %swap3A_527 = arith.constant 10 : i32
          %swap3A_528 = arith.index_cast %swap3A_526 : i32 to index
          %swap3A_529 = arith.index_cast %swap3A_527 : i32 to index
          %swap3A_530 = arith.index_cast %mul3A_256 : i32 to index
          %swap3A_531 = tpu.vector_load %arg21[%swap3A_528, %swap3A_529, %swap3A_530] {strides = array<i32>} : memref<2x16x128xf32, #tpu.memory_space<vmem>>, vector<1x1x16xf32>,
          %swap3A_532 = vector.shape_cast %swap3A_531 : vector<1x1x16xf32> to vector<16xf32>
          %swap3A_533 = vector.shape_cast %mul3A_525 : vector<16xf32> to vector<1x1x16xf32>
          tpu.vector_store %arg21[%swap3A_528, %swap3A_529, %swap3A_530], %swap3A_533 {strides = array<i32>} : memref<2x16x128xf32, #tpu.memory_space<vmem>>, vector<1x1x16xf32>,
          %mul3A_534 = arith.mulf %sub3A_434, %sub3A_434 : vector<16xf32>
          %swap3A_535 = arith.constant 1 : i32
          %swap3A_536 = arith.constant 11 : i32
          %swap3A_537 = arith.index_cast %swap3A_535 : i32 to index
          %swap3A_538 = arith.index_cast %swap3A_536 : i32 to index
          %swap3A_539 = arith.index_cast %mul3A_256 : i32 to index
          %swap3A_540 = tpu.vector_load %arg21[%swap3A_537, %swap3A_538, %swap3A_539] {strides = array<i32>} : memref<2x16x128xf32, #tpu.memory_space<vmem>>, vector<1x1x16xf32>,
          %swap3A_541 = vector.shape_cast %swap3A_540 : vector<1x1x16xf32> to vector<16xf32>
          %swap3A_542 = vector.shape_cast %mul3A_534 : vector<16xf32> to vector<1x1x16xf32>
          tpu.vector_store %arg21[%swap3A_537, %swap3A_538, %swap3A_539], %swap3A_542 {strides = array<i32>} : memref<2x16x128xf32, #tpu.memory_space<vmem>>, vector<1x1x16xf32>,
          %swap3A_543 = arith.constant 1 : i32
          %swap3A_544 = arith.constant 12 : i32
          %swap3A_545 = arith.index_cast %swap3A_543 : i32 to index
          %swap3A_546 = arith.index_cast %swap3A_544 : i32 to index
          %swap3A_547 = arith.index_cast %mul3A_256 : i32 to index
          %swap3A_548 = tpu.vector_load %arg21[%swap3A_545, %swap3A_546, %swap3A_547] {strides = array<i32>} : memref<2x16x128xf32, #tpu.memory_space<vmem>>, vector<1x1x16xf32>,
          %swap3A_549 = vector.shape_cast %swap3A_548 : vector<1x1x16xf32> to vector<16xf32>
          %swap3A_550 = vector.shape_cast %get3A_276 : vector<16xf32> to vector<1x1x16xf32>
          tpu.vector_store %arg21[%swap3A_545, %swap3A_546, %swap3A_547], %swap3A_550 {strides = array<i32>} : memref<2x16x128xf32, #tpu.memory_space<vmem>>, vector<1x1x16xf32>,
          %mul3A_551 = arith.constant 32 : i32
          %mul3A_552 = arith.muli %scan3A_254, %mul3A_551 : i32
          %add3A_553 = arith.constant 16 : i32
          %add3A_554 = arith.addi %mul3A_552, %add3A_553 : i32
          %get3A_555 = arith.constant 1 : i32
          %get3A_556 = arith.index_cast %get3A_555 : i32 to index
          %get3A_557 = arith.index_cast %add3A_554 : i32 to index
          %get3A_558 = tpu.vector_load %arg15[%get3A_556, %get3A_557] {strides = array<i32>} : memref<2x128xf32, #tpu.memory_space<vmem>>, vector<1x16xf32>,
          %get3A_559 = vector.shape_cast %get3A_558 : vector<1x16xf32> to vector<16xf32>
          %get3A_560 = arith.constant 1 : i32
          %get3A_561 = arith.index_cast %get3A_560 : i32 to index
          %get3A_562 = arith.index_cast %add3A_554 : i32 to index
          %get3A_563 = tpu.vector_load %arg16[%get3A_561, %get3A_562] {strides = array<i32>} : memref<2x128xf32, #tpu.memory_space<vmem>>, vector<1x16xf32>,
          %get3A_564 = vector.shape_cast %get3A_563 : vector<1x16xf32> to vector<16xf32>
          %get3A_565 = arith.constant 1 : i32
          %get3A_566 = arith.index_cast %get3A_565 : i32 to index
          %get3A_567 = arith.index_cast %add3A_554 : i32 to index
          %get3A_568 = tpu.vector_load %arg17[%get3A_566, %get3A_567] {strides = array<i32>} : memref<2x128xf32, #tpu.memory_space<vmem>>, vector<1x16xf32>,
          %get3A_569 = vector.shape_cast %get3A_568 : vector<1x16xf32> to vector<16xf32>
          %get3A_570 = arith.constant 1 : i32
          %get3A_571 = arith.index_cast %get3A_570 : i32 to index
          %get3A_572 = arith.index_cast %add3A_554 : i32 to index
          %get3A_573 = tpu.vector_load %arg18[%get3A_571, %get3A_572] {strides = array<i32>} : memref<2x128xf32, #tpu.memory_space<vmem>>, vector<1x16xf32>,
          %get3A_574 = vector.shape_cast %get3A_573 : vector<1x16xf32> to vector<16xf32>
          %max3A_575 = arith.constant 0.000000e+00 : f32
          %max3A_576 = vector.broadcast %max3A_575 : f32 to vector<16xf32>
          %max3A_577 = arith.maximumf %get3A_559, %max3A_576 : vector<16xf32>
          %min3A_578 = arith.constant 1.270000e+02 : f32
          %min3A_579 = vector.broadcast %min3A_578 : f32 to vector<16xf32>
          %min3A_580 = arith.minimumf %max3A_577, %min3A_579 : vector<16xf32>
          %max3A_581 = arith.constant 0.000000e+00 : f32
          %max3A_582 = vector.broadcast %max3A_581 : f32 to vector<16xf32>
          %max3A_583 = arith.maximumf %get3A_564, %max3A_582 : vector<16xf32>
          %min3A_584 = arith.constant 1.270000e+02 : f32
          %min3A_585 = vector.broadcast %min3A_584 : f32 to vector<16xf32>
          %min3A_586 = arith.minimumf %max3A_583, %min3A_585 : vector<16xf32>
          %max3A_587 = arith.constant 0.000000e+00 : f32
          %max3A_588 = vector.broadcast %max3A_587 : f32 to vector<16xf32>
          %max3A_589 = arith.maximumf %get3A_569, %max3A_588 : vector<16xf32>
          %min3A_590 = arith.constant 1.270000e+02 : f32
          %min3A_591 = vector.broadcast %min3A_590 : f32 to vector<16xf32>
          %min3A_592 = arith.minimumf %max3A_589, %min3A_591 : vector<16xf32>
          %convert_element_type3A_593 = arith.fptosi %min3A_580 : vector<16xf32> to vector<16xi32>
          %min3A_594 = arith.constant 126 : i32
          %min3A_595 = vector.broadcast %min3A_594 : i32 to vector<16xi32>
          %min3A_596 = arith.minsi %convert_element_type3A_593, %min3A_595 : vector<16xi32>
          %convert_element_type3A_597 = arith.fptosi %min3A_586 : vector<16xf32> to vector<16xi32>
          %min3A_598 = arith.constant 126 : i32
          %min3A_599 = vector.broadcast %min3A_598 : i32 to vector<16xi32>
          %min3A_600 = arith.minsi %convert_element_type3A_597, %min3A_599 : vector<16xi32>
          %convert_element_type3A_601 = arith.fptosi %min3A_592 : vector<16xf32> to vector<16xi32>
          %min3A_602 = arith.constant 126 : i32
          %min3A_603 = vector.broadcast %min3A_602 : i32 to vector<16xi32>
          %min3A_604 = arith.minsi %convert_element_type3A_601, %min3A_603 : vector<16xi32>
          %convert_element_type3A_605 = arith.sitofp %min3A_596 : vector<16xi32> to vector<16xf32>
          %convert_element_type3A_606 = arith.sitofp %min3A_600 : vector<16xi32> to vector<16xf32>
          %convert_element_type3A_607 = arith.sitofp %min3A_604 : vector<16xi32> to vector<16xf32>
          %add3A_608 = arith.constant 1.000000e+00 : f32
          %add3A_609 = vector.broadcast %add3A_608 : f32 to vector<16xf32>
          %add3A_610 = arith.addf %convert_element_type3A_605, %add3A_609 : vector<16xf32>
          %add3A_611 = arith.constant 1.000000e+00 : f32
          %add3A_612 = vector.broadcast %add3A_611 : f32 to vector<16xf32>
          %add3A_613 = arith.addf %convert_element_type3A_606, %add3A_612 : vector<16xf32>
          %add3A_614 = arith.constant 1.000000e+00 : f32
          %add3A_615 = vector.broadcast %add3A_614 : f32 to vector<16xf32>
          %add3A_616 = arith.addf %convert_element_type3A_607, %add3A_615 : vector<16xf32>
          %mul3A_617 = arith.constant 16384 : i32
          %mul3A_618 = vector.broadcast %mul3A_617 : i32 to vector<16xi32>
          %mul3A_619 = arith.muli %min3A_596, %mul3A_618 : vector<16xi32>
          %add3A_620 = arith.addi %convert_element_type3A, %mul3A_619 : vector<16xi32>
          %mul3A_621 = arith.constant 128 : i32
          %mul3A_622 = vector.broadcast %mul3A_621 : i32 to vector<16xi32>
          %mul3A_623 = arith.muli %min3A_600, %mul3A_622 : vector<16xi32>
          %add3A_624 = arith.addi %add3A_620, %mul3A_623 : vector<16xi32>
          %add3A_625 = arith.addi %add3A_624, %min3A_604 : vector<16xi32>
          %add3A_626 = arith.constant 0 : i32
          %add3A_627 = vector.broadcast %add3A_626 : i32 to vector<16xi32>
          %add3A_628 = arith.addi %add3A_625, %add3A_627 : vector<16xi32>
          %add3A_629 = arith.constant 0 : i32
          %add3A_630 = arith.addi %add3A_629, %add3A_554 : i32
          %swap3A_631 = arith.constant 1 : i32
          %swap3A_632 = arith.constant 0 : i32
          %swap3A_633 = arith.index_cast %swap3A_631 : i32 to index
          %swap3A_634 = arith.index_cast %swap3A_632 : i32 to index
          %swap3A_635 = arith.index_cast %add3A_630 : i32 to index
          %swap3A_636 = tpu.vector_load %arg19[%swap3A_633, %swap3A_634, %swap3A_635] {strides = array<i32>} : memref<2x1x1024xi32, #tpu.memory_space<vmem>>, vector<1x1x16xi32>,
          %swap3A_637 = vector.shape_cast %swap3A_636 : vector<1x1x16xi32> to vector<16xi32>
          %swap3A_638 = vector.shape_cast %add3A_628 : vector<16xi32> to vector<1x1x16xi32>
          tpu.vector_store %arg19[%swap3A_633, %swap3A_634, %swap3A_635], %swap3A_638 {strides = array<i32>} : memref<2x1x1024xi32, #tpu.memory_space<vmem>>, vector<1x1x16xi32>,
          %add3A_639 = arith.constant 1 : i32
          %add3A_640 = vector.broadcast %add3A_639 : i32 to vector<16xi32>
          %add3A_641 = arith.addi %add3A_625, %add3A_640 : vector<16xi32>
          %add3A_642 = arith.constant 128 : i32
          %add3A_643 = arith.addi %add3A_642, %add3A_554 : i32
          %swap3A_644 = arith.constant 1 : i32
          %swap3A_645 = arith.constant 0 : i32
          %swap3A_646 = arith.index_cast %swap3A_644 : i32 to index
          %swap3A_647 = arith.index_cast %swap3A_645 : i32 to index
          %swap3A_648 = arith.index_cast %add3A_643 : i32 to index
          %swap3A_649 = tpu.vector_load %arg19[%swap3A_646, %swap3A_647, %swap3A_648] {strides = array<i32>} : memref<2x1x1024xi32, #tpu.memory_space<vmem>>, vector<1x1x16xi32>,
          %swap3A_650 = vector.shape_cast %swap3A_649 : vector<1x1x16xi32> to vector<16xi32>
          %swap3A_651 = vector.shape_cast %add3A_641 : vector<16xi32> to vector<1x1x16xi32>
          tpu.vector_store %arg19[%swap3A_646, %swap3A_647, %swap3A_648], %swap3A_651 {strides = array<i32>} : memref<2x1x1024xi32, #tpu.memory_space<vmem>>, vector<1x1x16xi32>,
          %add3A_652 = arith.constant 128 : i32
          %add3A_653 = vector.broadcast %add3A_652 : i32 to vector<16xi32>
          %add3A_654 = arith.addi %add3A_625, %add3A_653 : vector<16xi32>
          %add3A_655 = arith.constant 256 : i32
          %add3A_656 = arith.addi %add3A_655, %add3A_554 : i32
          %swap3A_657 = arith.constant 1 : i32
          %swap3A_658 = arith.constant 0 : i32
          %swap3A_659 = arith.index_cast %swap3A_657 : i32 to index
          %swap3A_660 = arith.index_cast %swap3A_658 : i32 to index
          %swap3A_661 = arith.index_cast %add3A_656 : i32 to index
          %swap3A_662 = tpu.vector_load %arg19[%swap3A_659, %swap3A_660, %swap3A_661] {strides = array<i32>} : memref<2x1x1024xi32, #tpu.memory_space<vmem>>, vector<1x1x16xi32>,
          %swap3A_663 = vector.shape_cast %swap3A_662 : vector<1x1x16xi32> to vector<16xi32>
          %swap3A_664 = vector.shape_cast %add3A_654 : vector<16xi32> to vector<1x1x16xi32>
          tpu.vector_store %arg19[%swap3A_659, %swap3A_660, %swap3A_661], %swap3A_664 {strides = array<i32>} : memref<2x1x1024xi32, #tpu.memory_space<vmem>>, vector<1x1x16xi32>,
          %add3A_665 = arith.constant 129 : i32
          %add3A_666 = vector.broadcast %add3A_665 : i32 to vector<16xi32>
          %add3A_667 = arith.addi %add3A_625, %add3A_666 : vector<16xi32>
          %add3A_668 = arith.constant 384 : i32
          %add3A_669 = arith.addi %add3A_668, %add3A_554 : i32
          %swap3A_670 = arith.constant 1 : i32
          %swap3A_671 = arith.constant 0 : i32
          %swap3A_672 = arith.index_cast %swap3A_670 : i32 to index
          %swap3A_673 = arith.index_cast %swap3A_671 : i32 to index
          %swap3A_674 = arith.index_cast %add3A_669 : i32 to index
          %swap3A_675 = tpu.vector_load %arg19[%swap3A_672, %swap3A_673, %swap3A_674] {strides = array<i32>} : memref<2x1x1024xi32, #tpu.memory_space<vmem>>, vector<1x1x16xi32>,
          %swap3A_676 = vector.shape_cast %swap3A_675 : vector<1x1x16xi32> to vector<16xi32>
          %swap3A_677 = vector.shape_cast %add3A_667 : vector<16xi32> to vector<1x1x16xi32>
          tpu.vector_store %arg19[%swap3A_672, %swap3A_673, %swap3A_674], %swap3A_677 {strides = array<i32>} : memref<2x1x1024xi32, #tpu.memory_space<vmem>>, vector<1x1x16xi32>,
          %add3A_678 = arith.constant 16384 : i32
          %add3A_679 = vector.broadcast %add3A_678 : i32 to vector<16xi32>
          %add3A_680 = arith.addi %add3A_625, %add3A_679 : vector<16xi32>
          %add3A_681 = arith.constant 512 : i32
          %add3A_682 = arith.addi %add3A_681, %add3A_554 : i32
          %swap3A_683 = arith.constant 1 : i32
          %swap3A_684 = arith.constant 0 : i32
          %swap3A_685 = arith.index_cast %swap3A_683 : i32 to index
          %swap3A_686 = arith.index_cast %swap3A_684 : i32 to index
          %swap3A_687 = arith.index_cast %add3A_682 : i32 to index
          %swap3A_688 = tpu.vector_load %arg19[%swap3A_685, %swap3A_686, %swap3A_687] {strides = array<i32>} : memref<2x1x1024xi32, #tpu.memory_space<vmem>>, vector<1x1x16xi32>,
          %swap3A_689 = vector.shape_cast %swap3A_688 : vector<1x1x16xi32> to vector<16xi32>
          %swap3A_690 = vector.shape_cast %add3A_680 : vector<16xi32> to vector<1x1x16xi32>
          tpu.vector_store %arg19[%swap3A_685, %swap3A_686, %swap3A_687], %swap3A_690 {strides = array<i32>} : memref<2x1x1024xi32, #tpu.memory_space<vmem>>, vector<1x1x16xi32>,
          %add3A_691 = arith.constant 16385 : i32
          %add3A_692 = vector.broadcast %add3A_691 : i32 to vector<16xi32>
          %add3A_693 = arith.addi %add3A_625, %add3A_692 : vector<16xi32>
          %add3A_694 = arith.constant 640 : i32
          %add3A_695 = arith.addi %add3A_694, %add3A_554 : i32
          %swap3A_696 = arith.constant 1 : i32
          %swap3A_697 = arith.constant 0 : i32
          %swap3A_698 = arith.index_cast %swap3A_696 : i32 to index
          %swap3A_699 = arith.index_cast %swap3A_697 : i32 to index
          %swap3A_700 = arith.index_cast %add3A_695 : i32 to index
          %swap3A_701 = tpu.vector_load %arg19[%swap3A_698, %swap3A_699, %swap3A_700] {strides = array<i32>} : memref<2x1x1024xi32, #tpu.memory_space<vmem>>, vector<1x1x16xi32>,
          %swap3A_702 = vector.shape_cast %swap3A_701 : vector<1x1x16xi32> to vector<16xi32>
          %swap3A_703 = vector.shape_cast %add3A_693 : vector<16xi32> to vector<1x1x16xi32>
          tpu.vector_store %arg19[%swap3A_698, %swap3A_699, %swap3A_700], %swap3A_703 {strides = array<i32>} : memref<2x1x1024xi32, #tpu.memory_space<vmem>>, vector<1x1x16xi32>,
          %add3A_704 = arith.constant 16512 : i32
          %add3A_705 = vector.broadcast %add3A_704 : i32 to vector<16xi32>
          %add3A_706 = arith.addi %add3A_625, %add3A_705 : vector<16xi32>
          %add3A_707 = arith.constant 768 : i32
          %add3A_708 = arith.addi %add3A_707, %add3A_554 : i32
          %swap3A_709 = arith.constant 1 : i32
          %swap3A_710 = arith.constant 0 : i32
          %swap3A_711 = arith.index_cast %swap3A_709 : i32 to index
          %swap3A_712 = arith.index_cast %swap3A_710 : i32 to index
          %swap3A_713 = arith.index_cast %add3A_708 : i32 to index
          %swap3A_714 = tpu.vector_load %arg19[%swap3A_711, %swap3A_712, %swap3A_713] {strides = array<i32>} : memref<2x1x1024xi32, #tpu.memory_space<vmem>>, vector<1x1x16xi32>,
          %swap3A_715 = vector.shape_cast %swap3A_714 : vector<1x1x16xi32> to vector<16xi32>
          %swap3A_716 = vector.shape_cast %add3A_706 : vector<16xi32> to vector<1x1x16xi32>
          tpu.vector_store %arg19[%swap3A_711, %swap3A_712, %swap3A_713], %swap3A_716 {strides = array<i32>} : memref<2x1x1024xi32, #tpu.memory_space<vmem>>, vector<1x1x16xi32>,
          %add3A_717 = arith.constant 16513 : i32
          %add3A_718 = vector.broadcast %add3A_717 : i32 to vector<16xi32>
          %add3A_719 = arith.addi %add3A_625, %add3A_718 : vector<16xi32>
          %add3A_720 = arith.constant 896 : i32
          %add3A_721 = arith.addi %add3A_720, %add3A_554 : i32
          %swap3A_722 = arith.constant 1 : i32
          %swap3A_723 = arith.constant 0 : i32
          %swap3A_724 = arith.index_cast %swap3A_722 : i32 to index
          %swap3A_725 = arith.index_cast %swap3A_723 : i32 to index
          %swap3A_726 = arith.index_cast %add3A_721 : i32 to index
          %swap3A_727 = tpu.vector_load %arg19[%swap3A_724, %swap3A_725, %swap3A_726] {strides = array<i32>} : memref<2x1x1024xi32, #tpu.memory_space<vmem>>, vector<1x1x16xi32>,
          %swap3A_728 = vector.shape_cast %swap3A_727 : vector<1x1x16xi32> to vector<16xi32>
          %swap3A_729 = vector.shape_cast %add3A_719 : vector<16xi32> to vector<1x1x16xi32>
          tpu.vector_store %arg19[%swap3A_724, %swap3A_725, %swap3A_726], %swap3A_729 {strides = array<i32>} : memref<2x1x1024xi32, #tpu.memory_space<vmem>>, vector<1x1x16xi32>,
          %sub3A_730 = arith.subf %convert_element_type3A_605, %get3A_4 : vector<16xf32>
          %sub3A_731 = arith.subf %add3A_610, %get3A_4 : vector<16xf32>
          %sub3A_732 = arith.subf %convert_element_type3A_606, %get3A_7 : vector<16xf32>
          %sub3A_733 = arith.subf %add3A_613, %get3A_7 : vector<16xf32>
          %sub3A_734 = arith.subf %convert_element_type3A_607, %get3A_10 : vector<16xf32>
          %sub3A_735 = arith.subf %add3A_616, %get3A_10 : vector<16xf32>
          %sub3A_736 = arith.subf %add3A_610, %min3A_580 : vector<16xf32>
          %swap3A_737 = arith.constant 1 : i32
          %swap3A_738 = arith.constant 0 : i32
          %swap3A_739 = arith.index_cast %swap3A_737 : i32 to index
          %swap3A_740 = arith.index_cast %swap3A_738 : i32 to index
          %swap3A_741 = arith.index_cast %add3A_554 : i32 to index
          %swap3A_742 = tpu.vector_load %arg21[%swap3A_739, %swap3A_740, %swap3A_741] {strides = array<i32>} : memref<2x16x128xf32, #tpu.memory_space<vmem>>, vector<1x1x16xf32>,
          %swap3A_743 = vector.shape_cast %swap3A_742 : vector<1x1x16xf32> to vector<16xf32>
          %swap3A_744 = vector.shape_cast %sub3A_736 : vector<16xf32> to vector<1x1x16xf32>
          tpu.vector_store %arg21[%swap3A_739, %swap3A_740, %swap3A_741], %swap3A_744 {strides = array<i32>} : memref<2x16x128xf32, #tpu.memory_space<vmem>>, vector<1x1x16xf32>,
          %sub3A_745 = arith.subf %min3A_580, %convert_element_type3A_605 : vector<16xf32>
          %swap3A_746 = arith.constant 1 : i32
          %swap3A_747 = arith.constant 1 : i32
          %swap3A_748 = arith.index_cast %swap3A_746 : i32 to index
          %swap3A_749 = arith.index_cast %swap3A_747 : i32 to index
          %swap3A_750 = arith.index_cast %add3A_554 : i32 to index
          %swap3A_751 = tpu.vector_load %arg21[%swap3A_748, %swap3A_749, %swap3A_750] {strides = array<i32>} : memref<2x16x128xf32, #tpu.memory_space<vmem>>, vector<1x1x16xf32>,
          %swap3A_752 = vector.shape_cast %swap3A_751 : vector<1x1x16xf32> to vector<16xf32>
          %swap3A_753 = vector.shape_cast %sub3A_745 : vector<16xf32> to vector<1x1x16xf32>
          tpu.vector_store %arg21[%swap3A_748, %swap3A_749, %swap3A_750], %swap3A_753 {strides = array<i32>} : memref<2x16x128xf32, #tpu.memory_space<vmem>>, vector<1x1x16xf32>,
          %sub3A_754 = arith.subf %add3A_613, %min3A_586 : vector<16xf32>
          %swap3A_755 = arith.constant 1 : i32
          %swap3A_756 = arith.constant 2 : i32
          %swap3A_757 = arith.index_cast %swap3A_755 : i32 to index
          %swap3A_758 = arith.index_cast %swap3A_756 : i32 to index
          %swap3A_759 = arith.index_cast %add3A_554 : i32 to index
          %swap3A_760 = tpu.vector_load %arg21[%swap3A_757, %swap3A_758, %swap3A_759] {strides = array<i32>} : memref<2x16x128xf32, #tpu.memory_space<vmem>>, vector<1x1x16xf32>,
          %swap3A_761 = vector.shape_cast %swap3A_760 : vector<1x1x16xf32> to vector<16xf32>
          %swap3A_762 = vector.shape_cast %sub3A_754 : vector<16xf32> to vector<1x1x16xf32>
          tpu.vector_store %arg21[%swap3A_757, %swap3A_758, %swap3A_759], %swap3A_762 {strides = array<i32>} : memref<2x16x128xf32, #tpu.memory_space<vmem>>, vector<1x1x16xf32>,
          %sub3A_763 = arith.subf %min3A_586, %convert_element_type3A_606 : vector<16xf32>
          %swap3A_764 = arith.constant 1 : i32
          %swap3A_765 = arith.constant 3 : i32
          %swap3A_766 = arith.index_cast %swap3A_764 : i32 to index
          %swap3A_767 = arith.index_cast %swap3A_765 : i32 to index
          %swap3A_768 = arith.index_cast %add3A_554 : i32 to index
          %swap3A_769 = tpu.vector_load %arg21[%swap3A_766, %swap3A_767, %swap3A_768] {strides = array<i32>} : memref<2x16x128xf32, #tpu.memory_space<vmem>>, vector<1x1x16xf32>,
          %swap3A_770 = vector.shape_cast %swap3A_769 : vector<1x1x16xf32> to vector<16xf32>
          %swap3A_771 = vector.shape_cast %sub3A_763 : vector<16xf32> to vector<1x1x16xf32>
          tpu.vector_store %arg21[%swap3A_766, %swap3A_767, %swap3A_768], %swap3A_771 {strides = array<i32>} : memref<2x16x128xf32, #tpu.memory_space<vmem>>, vector<1x1x16xf32>,
          %sub3A_772 = arith.subf %add3A_616, %min3A_592 : vector<16xf32>
          %swap3A_773 = arith.constant 1 : i32
          %swap3A_774 = arith.constant 4 : i32
          %swap3A_775 = arith.index_cast %swap3A_773 : i32 to index
          %swap3A_776 = arith.index_cast %swap3A_774 : i32 to index
          %swap3A_777 = arith.index_cast %add3A_554 : i32 to index
          %swap3A_778 = tpu.vector_load %arg21[%swap3A_775, %swap3A_776, %swap3A_777] {strides = array<i32>} : memref<2x16x128xf32, #tpu.memory_space<vmem>>, vector<1x1x16xf32>,
          %swap3A_779 = vector.shape_cast %swap3A_778 : vector<1x1x16xf32> to vector<16xf32>
          %swap3A_780 = vector.shape_cast %sub3A_772 : vector<16xf32> to vector<1x1x16xf32>
          tpu.vector_store %arg21[%swap3A_775, %swap3A_776, %swap3A_777], %swap3A_780 {strides = array<i32>} : memref<2x16x128xf32, #tpu.memory_space<vmem>>, vector<1x1x16xf32>,
          %sub3A_781 = arith.subf %min3A_592, %convert_element_type3A_607 : vector<16xf32>
          %swap3A_782 = arith.constant 1 : i32
          %swap3A_783 = arith.constant 5 : i32
          %swap3A_784 = arith.index_cast %swap3A_782 : i32 to index
          %swap3A_785 = arith.index_cast %swap3A_783 : i32 to index
          %swap3A_786 = arith.index_cast %add3A_554 : i32 to index
          %swap3A_787 = tpu.vector_load %arg21[%swap3A_784, %swap3A_785, %swap3A_786] {strides = array<i32>} : memref<2x16x128xf32, #tpu.memory_space<vmem>>, vector<1x1x16xf32>,
          %swap3A_788 = vector.shape_cast %swap3A_787 : vector<1x1x16xf32> to vector<16xf32>
          %swap3A_789 = vector.shape_cast %sub3A_781 : vector<16xf32> to vector<1x1x16xf32>
          tpu.vector_store %arg21[%swap3A_784, %swap3A_785, %swap3A_786], %swap3A_789 {strides = array<i32>} : memref<2x16x128xf32, #tpu.memory_space<vmem>>, vector<1x1x16xf32>,
          %mul3A_790 = arith.mulf %sub3A_730, %sub3A_730 : vector<16xf32>
          %swap3A_791 = arith.constant 1 : i32
          %swap3A_792 = arith.constant 6 : i32
          %swap3A_793 = arith.index_cast %swap3A_791 : i32 to index
          %swap3A_794 = arith.index_cast %swap3A_792 : i32 to index
          %swap3A_795 = arith.index_cast %add3A_554 : i32 to index
          %swap3A_796 = tpu.vector_load %arg21[%swap3A_793, %swap3A_794, %swap3A_795] {strides = array<i32>} : memref<2x16x128xf32, #tpu.memory_space<vmem>>, vector<1x1x16xf32>,
          %swap3A_797 = vector.shape_cast %swap3A_796 : vector<1x1x16xf32> to vector<16xf32>
          %swap3A_798 = vector.shape_cast %mul3A_790 : vector<16xf32> to vector<1x1x16xf32>
          tpu.vector_store %arg21[%swap3A_793, %swap3A_794, %swap3A_795], %swap3A_798 {strides = array<i32>} : memref<2x16x128xf32, #tpu.memory_space<vmem>>, vector<1x1x16xf32>,
          %mul3A_799 = arith.mulf %sub3A_731, %sub3A_731 : vector<16xf32>
          %swap3A_800 = arith.constant 1 : i32
          %swap3A_801 = arith.constant 7 : i32
          %swap3A_802 = arith.index_cast %swap3A_800 : i32 to index
          %swap3A_803 = arith.index_cast %swap3A_801 : i32 to index
          %swap3A_804 = arith.index_cast %add3A_554 : i32 to index
          %swap3A_805 = tpu.vector_load %arg21[%swap3A_802, %swap3A_803, %swap3A_804] {strides = array<i32>} : memref<2x16x128xf32, #tpu.memory_space<vmem>>, vector<1x1x16xf32>,
          %swap3A_806 = vector.shape_cast %swap3A_805 : vector<1x1x16xf32> to vector<16xf32>
          %swap3A_807 = vector.shape_cast %mul3A_799 : vector<16xf32> to vector<1x1x16xf32>
          tpu.vector_store %arg21[%swap3A_802, %swap3A_803, %swap3A_804], %swap3A_807 {strides = array<i32>} : memref<2x16x128xf32, #tpu.memory_space<vmem>>, vector<1x1x16xf32>,
          %mul3A_808 = arith.mulf %sub3A_732, %sub3A_732 : vector<16xf32>
          %swap3A_809 = arith.constant 1 : i32
          %swap3A_810 = arith.constant 8 : i32
          %swap3A_811 = arith.index_cast %swap3A_809 : i32 to index
          %swap3A_812 = arith.index_cast %swap3A_810 : i32 to index
          %swap3A_813 = arith.index_cast %add3A_554 : i32 to index
          %swap3A_814 = tpu.vector_load %arg21[%swap3A_811, %swap3A_812, %swap3A_813] {strides = array<i32>} : memref<2x16x128xf32, #tpu.memory_space<vmem>>, vector<1x1x16xf32>,
          %swap3A_815 = vector.shape_cast %swap3A_814 : vector<1x1x16xf32> to vector<16xf32>
          %swap3A_816 = vector.shape_cast %mul3A_808 : vector<16xf32> to vector<1x1x16xf32>
          tpu.vector_store %arg21[%swap3A_811, %swap3A_812, %swap3A_813], %swap3A_816 {strides = array<i32>} : memref<2x16x128xf32, #tpu.memory_space<vmem>>, vector<1x1x16xf32>,
          %mul3A_817 = arith.mulf %sub3A_733, %sub3A_733 : vector<16xf32>
          %swap3A_818 = arith.constant 1 : i32
          %swap3A_819 = arith.constant 9 : i32
          %swap3A_820 = arith.index_cast %swap3A_818 : i32 to index
          %swap3A_821 = arith.index_cast %swap3A_819 : i32 to index
          %swap3A_822 = arith.index_cast %add3A_554 : i32 to index
          %swap3A_823 = tpu.vector_load %arg21[%swap3A_820, %swap3A_821, %swap3A_822] {strides = array<i32>} : memref<2x16x128xf32, #tpu.memory_space<vmem>>, vector<1x1x16xf32>,
          %swap3A_824 = vector.shape_cast %swap3A_823 : vector<1x1x16xf32> to vector<16xf32>
          %swap3A_825 = vector.shape_cast %mul3A_817 : vector<16xf32> to vector<1x1x16xf32>
          tpu.vector_store %arg21[%swap3A_820, %swap3A_821, %swap3A_822], %swap3A_825 {strides = array<i32>} : memref<2x16x128xf32, #tpu.memory_space<vmem>>, vector<1x1x16xf32>,
          %mul3A_826 = arith.mulf %sub3A_734, %sub3A_734 : vector<16xf32>
          %swap3A_827 = arith.constant 1 : i32
          %swap3A_828 = arith.constant 10 : i32
          %swap3A_829 = arith.index_cast %swap3A_827 : i32 to index
          %swap3A_830 = arith.index_cast %swap3A_828 : i32 to index
          %swap3A_831 = arith.index_cast %add3A_554 : i32 to index
          %swap3A_832 = tpu.vector_load %arg21[%swap3A_829, %swap3A_830, %swap3A_831] {strides = array<i32>} : memref<2x16x128xf32, #tpu.memory_space<vmem>>, vector<1x1x16xf32>,
          %swap3A_833 = vector.shape_cast %swap3A_832 : vector<1x1x16xf32> to vector<16xf32>
          %swap3A_834 = vector.shape_cast %mul3A_826 : vector<16xf32> to vector<1x1x16xf32>
          tpu.vector_store %arg21[%swap3A_829, %swap3A_830, %swap3A_831], %swap3A_834 {strides = array<i32>} : memref<2x16x128xf32, #tpu.memory_space<vmem>>, vector<1x1x16xf32>,
          %mul3A_835 = arith.mulf %sub3A_735, %sub3A_735 : vector<16xf32>
          %swap3A_836 = arith.constant 1 : i32
          %swap3A_837 = arith.constant 11 : i32
          %swap3A_838 = arith.index_cast %swap3A_836 : i32 to index
          %swap3A_839 = arith.index_cast %swap3A_837 : i32 to index
          %swap3A_840 = arith.index_cast %add3A_554 : i32 to index
          %swap3A_841 = tpu.vector_load %arg21[%swap3A_838, %swap3A_839, %swap3A_840] {strides = array<i32>} : memref<2x16x128xf32, #tpu.memory_space<vmem>>, vector<1x1x16xf32>,
          %swap3A_842 = vector.shape_cast %swap3A_841 : vector<1x1x16xf32> to vector<16xf32>
          %swap3A_843 = vector.shape_cast %mul3A_835 : vector<16xf32> to vector<1x1x16xf32>
          tpu.vector_store %arg21[%swap3A_838, %swap3A_839, %swap3A_840], %swap3A_843 {strides = array<i32>} : memref<2x16x128xf32, #tpu.memory_space<vmem>>, vector<1x1x16xf32>,
          %swap3A_844 = arith.constant 1 : i32
          %swap3A_845 = arith.constant 12 : i32
          %swap3A_846 = arith.index_cast %swap3A_844 : i32 to index
          %swap3A_847 = arith.index_cast %swap3A_845 : i32 to index
          %swap3A_848 = arith.index_cast %add3A_554 : i32 to index
          %swap3A_849 = tpu.vector_load %arg21[%swap3A_846, %swap3A_847, %swap3A_848] {strides = array<i32>} : memref<2x16x128xf32, #tpu.memory_space<vmem>>, vector<1x1x16xf32>,
          %swap3A_850 = vector.shape_cast %swap3A_849 : vector<1x1x16xf32> to vector<16xf32>
          %swap3A_851 = vector.shape_cast %get3A_574 : vector<16xf32> to vector<1x1x16xf32>
          tpu.vector_store %arg21[%swap3A_846, %swap3A_847, %swap3A_848], %swap3A_851 {strides = array<i32>} : memref<2x16x128xf32, #tpu.memory_space<vmem>>, vector<1x1x16xf32>,
        }
        %scan3A_240 = arith.constant 4 : i32
        %dma_start3A_241 = arith.constant 1 : i32
        %dma_start3A_242 = arith.constant 1 : i32
        %dma_start3A_243 = arith.constant 0 : i32
        %dma_start3A_244 = arith.constant 0 : i32
        %dma_start3A_245 = tpu.memref_slice %arg20[%dma_start3A_242, %dma_start3A_243, %dma_start3A_244] : memref<2x1x1024xf32, #tpu.memory_space<vmem>> -> memref<1x1x1024xf32, #tpu.memory_space<vmem>>
        %dma_start3A_246 = tpu.memref_squeeze %dma_start3A_245 : memref<1x1x1024xf32, #tpu.memory_space<vmem>> -> memref<1x1024xf32, #tpu.memory_space<vmem>>
        %dma_start3A_247 = arith.constant 0 : i32
        %dma_start3A_248 = arith.constant 0 : i32
        %dma_start3A_249 = tpu.memref_slice %arg19[%dma_start3A_241, %dma_start3A_247, %dma_start3A_248] : memref<2x1x1024xi32, #tpu.memory_space<vmem>> -> memref<1x1x1024xi32, #tpu.memory_space<vmem>>
        %dma_start3A_250 = tpu.memref_squeeze %dma_start3A_249 : memref<1x1x1024xi32, #tpu.memory_space<vmem>> -> memref<1x1024xi32, #tpu.memory_space<vmem>>
        %dma_start3A_251 = arith.constant 0 : i32
        %dma_start3A_252 = arith.constant 0 : i32
        %dma_start3A_253 = tpu.memref_slice %arg2[%dma_start3A_251, %dma_start3A_252] : memref<1x4194304xf32, #tpu.memory_space<hbm>> -> memref<1x4194304xf32, #tpu.memory_space<hbm>>
        tpu.enqueue_indirect_dma source(%dma_start3A_253 : memref<1x4194304xf32, #tpu.memory_space<hbm>>) target(%dma_start3A_246 : memref<1x1024xf32, #tpu.memory_space<vmem>>) offsets(%dma_start3A_250 : memref<1x1024xi32, #tpu.memory_space<vmem>>) semaphore(%arg27 : memref<!tpu.dma_semaphore, #tpu.memory_space<semaphore_mem>>)
      } else {
      }
      %add3A_166 = arith.constant 1 : i32
      %add3A_167 = arith.addi %add3A_160, %add3A_166 : i32
      %lt3A_168 = arith.constant 64 : i32
      %lt3A_169 = arith.cmpi slt, %add3A_167, %lt3A_168 : i32
      %convert_element_type3A_170 = arith.extui %lt3A_169 : i1 to i32
      %cond3A_171 = arith.constant 0 : i32
      %cond3A_172 = arith.cmpi ne, %convert_element_type3A_170, %cond3A_171 : i32
      scf.if %cond3A_172 {
        %add3A_195 = arith.constant 1 : i32
        %add3A_196 = arith.addi %add3A_160, %add3A_195 : i32
        %mul3A_197 = arith.constant 128 : i32
        %mul3A_198 = arith.muli %add3A_196, %mul3A_197 : i32
        %add3A_199 = arith.addi %mul3A_2, %mul3A_198 : i32
        %dma_wait3A_200 = arith.constant 0 : i32
        %dma_wait3A_201 = arith.constant 0 : i32
        %dma_wait3A_202 = tpu.memref_slice %arg13[%dma_wait3A_200, %dma_wait3A_201] : memref<2x128xi32, #tpu.memory_space<vmem>> -> memref<1x128xi32, #tpu.memory_space<vmem>>
        %dma_wait3A_203 = tpu.memref_squeeze %dma_wait3A_202 : memref<1x128xi32, #tpu.memory_space<vmem>> -> memref<128xi32, #tpu.memory_space<vmem>>
        %dma_wait3A_204 = tpu.memref_slice %arg7[%add3A_199] : memref<262144xi32, #tpu.memory_space<hbm>> -> memref<128xi32, #tpu.memory_space<hbm>>
        %dma_wait3A_205 = arith.constant 0 : i32
        %dma_wait3A_206 = tpu.memref_slice %arg13[%dma_wait3A_200, %dma_wait3A_205] : memref<2x128xi32, #tpu.memory_space<vmem>> -> memref<1x128xi32, #tpu.memory_space<vmem>>
        %dma_wait3A_207 = tpu.memref_squeeze %dma_wait3A_206 : memref<1x128xi32, #tpu.memory_space<vmem>> -> memref<128xi32, #tpu.memory_space<vmem>>
        %dma_wait3A_208 = tpu.memref_slice %arg7[%add3A_199] : memref<262144xi32, #tpu.memory_space<hbm>> -> memref<128xi32, #tpu.memory_space<hbm>>
        tpu.wait_dma2 semaphore(%arg24 : memref<!tpu.dma_semaphore, #tpu.memory_space<semaphore_mem>>) src(%dma_wait3A_208 : memref<128xi32, #tpu.memory_space<hbm>>) dst(%dma_wait3A_207 : memref<128xi32, #tpu.memory_space<vmem>>)
        %dma_start3A_209 = arith.constant 0 : i32
        %dma_start3A_210 = arith.constant 0 : i32
        %dma_start3A_211 = arith.constant 0 : i32
        %dma_start3A_212 = tpu.memref_slice %arg15[%dma_start3A_210, %dma_start3A_211] : memref<2x128xf32, #tpu.memory_space<vmem>> -> memref<1x128xf32, #tpu.memory_space<vmem>>
        %dma_start3A_213 = tpu.memref_squeeze %dma_start3A_212 : memref<1x128xf32, #tpu.memory_space<vmem>> -> memref<128xf32, #tpu.memory_space<vmem>>
        %dma_start3A_214 = arith.constant 0 : i32
        %dma_start3A_215 = tpu.memref_slice %arg13[%dma_start3A_209, %dma_start3A_214] : memref<2x128xi32, #tpu.memory_space<vmem>> -> memref<1x128xi32, #tpu.memory_space<vmem>>
        %dma_start3A_216 = tpu.memref_squeeze %dma_start3A_215 : memref<1x128xi32, #tpu.memory_space<vmem>> -> memref<128xi32, #tpu.memory_space<vmem>>
        %dma_start3A_217 = arith.constant 0 : i32
        %dma_start3A_218 = tpu.memref_slice %arg3[%dma_start3A_217] : memref<50000xf32, #tpu.memory_space<hbm>> -> memref<50000xf32, #tpu.memory_space<hbm>>
        tpu.enqueue_indirect_dma source(%dma_start3A_218 : memref<50000xf32, #tpu.memory_space<hbm>>) target(%dma_start3A_213 : memref<128xf32, #tpu.memory_space<vmem>>) offsets(%dma_start3A_216 : memref<128xi32, #tpu.memory_space<vmem>>) semaphore(%arg26 : memref<!tpu.dma_semaphore, #tpu.memory_space<semaphore_mem>>)
        %dma_start3A_219 = arith.constant 0 : i32
        %dma_start3A_220 = arith.constant 0 : i32
        %dma_start3A_221 = arith.constant 0 : i32
        %dma_start3A_222 = tpu.memref_slice %arg16[%dma_start3A_220, %dma_start3A_221] : memref<2x128xf32, #tpu.memory_space<vmem>> -> memref<1x128xf32, #tpu.memory_space<vmem>>
        %dma_start3A_223 = tpu.memref_squeeze %dma_start3A_222 : memref<1x128xf32, #tpu.memory_space<vmem>> -> memref<128xf32, #tpu.memory_space<vmem>>
        %dma_start3A_224 = arith.constant 0 : i32
        %dma_start3A_225 = tpu.memref_slice %arg13[%dma_start3A_219, %dma_start3A_224] : memref<2x128xi32, #tpu.memory_space<vmem>> -> memref<1x128xi32, #tpu.memory_space<vmem>>
        %dma_start3A_226 = tpu.memref_squeeze %dma_start3A_225 : memref<1x128xi32, #tpu.memory_space<vmem>> -> memref<128xi32, #tpu.memory_space<vmem>>
        %dma_start3A_227 = arith.constant 0 : i32
        %dma_start3A_228 = tpu.memref_slice %arg4[%dma_start3A_227] : memref<50000xf32, #tpu.memory_space<hbm>> -> memref<50000xf32, #tpu.memory_space<hbm>>
        tpu.enqueue_indirect_dma source(%dma_start3A_228 : memref<50000xf32, #tpu.memory_space<hbm>>) target(%dma_start3A_223 : memref<128xf32, #tpu.memory_space<vmem>>) offsets(%dma_start3A_226 : memref<128xi32, #tpu.memory_space<vmem>>) semaphore(%arg26 : memref<!tpu.dma_semaphore, #tpu.memory_space<semaphore_mem>>)
        %dma_start3A_229 = arith.constant 0 : i32
        %dma_start3A_230 = arith.constant 0 : i32
        %dma_start3A_231 = arith.constant 0 : i32
        %dma_start3A_232 = tpu.memref_slice %arg17[%dma_start3A_230, %dma_start3A_231] : memref<2x128xf32, #tpu.memory_space<vmem>> -> memref<1x128xf32, #tpu.memory_space<vmem>>
        %dma_start3A_233 = tpu.memref_squeeze %dma_start3A_232 : memref<1x128xf32, #tpu.memory_space<vmem>> -> memref<128xf32, #tpu.memory_space<vmem>>
        %dma_start3A_234 = arith.constant 0 : i32
        %dma_start3A_235 = tpu.memref_slice %arg13[%dma_start3A_229, %dma_start3A_234] : memref<2x128xi32, #tpu.memory_space<vmem>> -> memref<1x128xi32, #tpu.memory_space<vmem>>
        %dma_start3A_236 = tpu.memref_squeeze %dma_start3A_235 : memref<1x128xi32, #tpu.memory_space<vmem>> -> memref<128xi32, #tpu.memory_space<vmem>>
        %dma_start3A_237 = arith.constant 0 : i32
        %dma_start3A_238 = tpu.memref_slice %arg5[%dma_start3A_237] : memref<50000xf32, #tpu.memory_space<hbm>> -> memref<50000xf32, #tpu.memory_space<hbm>>
        tpu.enqueue_indirect_dma source(%dma_start3A_238 : memref<50000xf32, #tpu.memory_space<hbm>>) target(%dma_start3A_233 : memref<128xf32, #tpu.memory_space<vmem>>) offsets(%dma_start3A_236 : memref<128xi32, #tpu.memory_space<vmem>>) semaphore(%arg26 : memref<!tpu.dma_semaphore, #tpu.memory_space<semaphore_mem>>)
        %dma_start3A_239 = arith.constant 0 : i32
        %dma_start3A_240 = arith.constant 0 : i32
        %dma_start3A_241 = arith.constant 0 : i32
        %dma_start3A_242 = tpu.memref_slice %arg18[%dma_start3A_240, %dma_start3A_241] : memref<2x128xf32, #tpu.memory_space<vmem>> -> memref<1x128xf32, #tpu.memory_space<vmem>>
        %dma_start3A_243 = tpu.memref_squeeze %dma_start3A_242 : memref<1x128xf32, #tpu.memory_space<vmem>> -> memref<128xf32, #tpu.memory_space<vmem>>
        %dma_start3A_244 = arith.constant 0 : i32
        %dma_start3A_245 = tpu.memref_slice %arg13[%dma_start3A_239, %dma_start3A_244] : memref<2x128xi32, #tpu.memory_space<vmem>> -> memref<1x128xi32, #tpu.memory_space<vmem>>
        %dma_start3A_246 = tpu.memref_squeeze %dma_start3A_245 : memref<1x128xi32, #tpu.memory_space<vmem>> -> memref<128xi32, #tpu.memory_space<vmem>>
        %dma_start3A_247 = arith.constant 0 : i32
        %dma_start3A_248 = tpu.memref_slice %arg6[%dma_start3A_247] : memref<50000xf32, #tpu.memory_space<hbm>> -> memref<50000xf32, #tpu.memory_space<hbm>>
        tpu.enqueue_indirect_dma source(%dma_start3A_248 : memref<50000xf32, #tpu.memory_space<hbm>>) target(%dma_start3A_243 : memref<128xf32, #tpu.memory_space<vmem>>) offsets(%dma_start3A_246 : memref<128xi32, #tpu.memory_space<vmem>>) semaphore(%arg26 : memref<!tpu.dma_semaphore, #tpu.memory_space<semaphore_mem>>)
      } else {
      }
      %add3A_173 = arith.constant 2 : i32
      %add3A_174 = arith.addi %add3A_160, %add3A_173 : i32
      %lt3A_175 = arith.constant 64 : i32
      %lt3A_176 = arith.cmpi slt, %add3A_174, %lt3A_175 : i32
      %convert_element_type3A_177 = arith.extui %lt3A_176 : i1 to i32
      %cond3A_178 = arith.constant 0 : i32
      %cond3A_179 = arith.cmpi ne, %convert_element_type3A_177, %cond3A_178 : i32
      scf.if %cond3A_179 {
        %add3A_195 = arith.constant 2 : i32
        %add3A_196 = arith.addi %add3A_160, %add3A_195 : i32
        %mul3A_197 = arith.constant 128 : i32
        %mul3A_198 = arith.muli %add3A_196, %mul3A_197 : i32
        %add3A_199 = arith.addi %mul3A_2, %mul3A_198 : i32
        %dma_start3A_200 = arith.constant 1 : i32
        %dma_start3A_201 = arith.constant 0 : i32
        %dma_start3A_202 = tpu.memref_slice %arg13[%dma_start3A_200, %dma_start3A_201] : memref<2x128xi32, #tpu.memory_space<vmem>> -> memref<1x128xi32, #tpu.memory_space<vmem>>
        %dma_start3A_203 = tpu.memref_squeeze %dma_start3A_202 : memref<1x128xi32, #tpu.memory_space<vmem>> -> memref<128xi32, #tpu.memory_space<vmem>>
        %dma_start3A_204 = tpu.memref_slice %arg7[%add3A_199] : memref<262144xi32, #tpu.memory_space<hbm>> -> memref<128xi32, #tpu.memory_space<hbm>>
        %dma_start3A_205 = arith.constant 0 : i32
        %dma_start3A_206 = tpu.memref_slice %arg13[%dma_start3A_200, %dma_start3A_205] : memref<2x128xi32, #tpu.memory_space<vmem>> -> memref<1x128xi32, #tpu.memory_space<vmem>>
        %dma_start3A_207 = tpu.memref_squeeze %dma_start3A_206 : memref<1x128xi32, #tpu.memory_space<vmem>> -> memref<128xi32, #tpu.memory_space<vmem>>
        %dma_start3A_208 = tpu.memref_slice %arg7[%add3A_199] : memref<262144xi32, #tpu.memory_space<hbm>> -> memref<128xi32, #tpu.memory_space<hbm>>
        tpu.enqueue_dma source(%dma_start3A_208 : memref<128xi32, #tpu.memory_space<hbm>>) target(%dma_start3A_207 : memref<128xi32, #tpu.memory_space<vmem>>) target_semaphore(%arg24 : memref<!tpu.dma_semaphore, #tpu.memory_space<semaphore_mem>>)
      } else {
      }
      %ge3A_180 = arith.constant 1 : i32
      %ge3A_181 = arith.cmpi sge, %add3A_160, %ge3A_180 : i32
      %le3A_182 = arith.constant 64 : i32
      %le3A_183 = arith.cmpi sle, %add3A_160, %le3A_182 : i32
      %and3A_184 = arith.andi %ge3A_181, %le3A_183 : i1
      %convert_element_type3A_185 = arith.extui %and3A_184 : i1 to i32
      %cond3A_186 = arith.constant 0 : i32
      %cond3A_187 = arith.cmpi ne, %convert_element_type3A_185, %cond3A_186 : i32
      scf.if %cond3A_187 {
        %dma_wait3A_195 = arith.constant 0 : i32
        %dma_wait3A_196 = arith.constant 0 : i32
        %dma_wait3A_197 = arith.constant 0 : i32
        %dma_wait3A_198 = arith.constant 0 : i32
        %dma_wait3A_199 = tpu.memref_slice %arg20[%dma_wait3A_196, %dma_wait3A_197, %dma_wait3A_198] : memref<2x1x1024xf32, #tpu.memory_space<vmem>> -> memref<1x1x1024xf32, #tpu.memory_space<vmem>>
        %dma_wait3A_200 = tpu.memref_squeeze %dma_wait3A_199 : memref<1x1x1024xf32, #tpu.memory_space<vmem>> -> memref<1x1024xf32, #tpu.memory_space<vmem>>
        %dma_wait3A_201 = arith.constant 0 : i32
        %dma_wait3A_202 = arith.constant 0 : i32
        %dma_wait3A_203 = tpu.memref_slice %arg19[%dma_wait3A_195, %dma_wait3A_201, %dma_wait3A_202] : memref<2x1x1024xi32, #tpu.memory_space<vmem>> -> memref<1x1x1024xi32, #tpu.memory_space<vmem>>
        %dma_wait3A_204 = tpu.memref_squeeze %dma_wait3A_203 : memref<1x1x1024xi32, #tpu.memory_space<vmem>> -> memref<1x1024xi32, #tpu.memory_space<vmem>>
        %dma_wait3A_205 = arith.constant 0 : i32
        %dma_wait3A_206 = arith.constant 0 : i32
        %dma_wait3A_207 = tpu.memref_slice %arg2[%dma_wait3A_205, %dma_wait3A_206] : memref<1x4194304xf32, #tpu.memory_space<hbm>> -> memref<1x4194304xf32, #tpu.memory_space<hbm>>
        tpu.wait_indirect_dma semaphore(%arg27 : memref<!tpu.dma_semaphore, #tpu.memory_space<semaphore_mem>>) src(%dma_wait3A_207 : memref<1x4194304xf32, #tpu.memory_space<hbm>>) dst(%dma_wait3A_200 : memref<1x1024xf32, #tpu.memory_space<vmem>>)
        %sub3A = arith.constant 1 : i32
        %sub3A_208 = arith.subi %add3A_160, %sub3A : i32
        %mul3A_209 = arith.constant 128 : i32
        %mul3A_210 = arith.muli %sub3A_208, %mul3A_209 : i32
        %add3A_211 = arith.addi %mul3A_2, %mul3A_210 : i32
        %dma_wait3A_212 = arith.constant 0 : i32
        %dma_wait3A_213 = arith.constant 0 : i32
        %dma_wait3A_214 = tpu.memref_slice %arg14[%dma_wait3A_212, %dma_wait3A_213] : memref<2x128xf32, #tpu.memory_space<vmem>> -> memref<1x128xf32, #tpu.memory_space<vmem>>
        %dma_wait3A_215 = tpu.memref_squeeze %dma_wait3A_214 : memref<1x128xf32, #tpu.memory_space<vmem>> -> memref<128xf32, #tpu.memory_space<vmem>>
        %dma_wait3A_216 = tpu.memref_slice %arg8[%add3A_211] : memref<262144xf32, #tpu.memory_space<hbm>> -> memref<128xf32, #tpu.memory_space<hbm>>
        %dma_wait3A_217 = arith.constant 0 : i32
        %dma_wait3A_218 = tpu.memref_slice %arg14[%dma_wait3A_212, %dma_wait3A_217] : memref<2x128xf32, #tpu.memory_space<vmem>> -> memref<1x128xf32, #tpu.memory_space<vmem>>
        %dma_wait3A_219 = tpu.memref_squeeze %dma_wait3A_218 : memref<1x128xf32, #tpu.memory_space<vmem>> -> memref<128xf32, #tpu.memory_space<vmem>>
        %dma_wait3A_220 = tpu.memref_slice %arg8[%add3A_211] : memref<262144xf32, #tpu.memory_space<hbm>> -> memref<128xf32, #tpu.memory_space<hbm>>
        tpu.wait_dma2 semaphore(%arg25 : memref<!tpu.dma_semaphore, #tpu.memory_space<semaphore_mem>>) src(%dma_wait3A_220 : memref<128xf32, #tpu.memory_space<hbm>>) dst(%dma_wait3A_219 : memref<128xf32, #tpu.memory_space<vmem>>)
        %ge3A_221 = arith.constant 3 : i32
        %ge3A_222 = arith.cmpi sge, %add3A_160, %ge3A_221 : i32
        %convert_element_type3A_223 = arith.extui %ge3A_222 : i1 to i32
        %cond3A_224 = arith.constant 0 : i32
        %cond3A_225 = arith.cmpi ne, %convert_element_type3A_223, %cond3A_224 : i32
        scf.if %cond3A_225 {
          %sub3A_246 = arith.constant 3 : i32
          %sub3A_247 = arith.subi %add3A_160, %sub3A_246 : i32
          %mul3A_248 = arith.constant 128 : i32
          %mul3A_249 = arith.muli %sub3A_247, %mul3A_248 : i32
          %add3A_250 = arith.addi %mul3A_2, %mul3A_249 : i32
          %dma_wait3A_251 = arith.constant 0 : i32
          %dma_wait3A_252 = arith.constant 0 : i32
          %dma_wait3A_253 = tpu.memref_slice %arg22[%dma_wait3A_251, %dma_wait3A_252] : memref<2x128xf32, #tpu.memory_space<vmem>> -> memref<1x128xf32, #tpu.memory_space<vmem>>
          %dma_wait3A_254 = tpu.memref_squeeze %dma_wait3A_253 : memref<1x128xf32, #tpu.memory_space<vmem>> -> memref<128xf32, #tpu.memory_space<vmem>>
          %dma_wait3A_255 = tpu.memref_slice %arg10[%add3A_250] : memref<262144xf32, #tpu.memory_space<hbm>> -> memref<128xf32, #tpu.memory_space<hbm>>
          %dma_wait3A_256 = tpu.memref_slice %arg10[%add3A_250] : memref<262144xf32, #tpu.memory_space<hbm>> -> memref<128xf32, #tpu.memory_space<hbm>>
          %dma_wait3A_257 = arith.constant 0 : i32
          %dma_wait3A_258 = tpu.memref_slice %arg22[%dma_wait3A_251, %dma_wait3A_257] : memref<2x128xf32, #tpu.memory_space<vmem>> -> memref<1x128xf32, #tpu.memory_space<vmem>>
          %dma_wait3A_259 = tpu.memref_squeeze %dma_wait3A_258 : memref<1x128xf32, #tpu.memory_space<vmem>> -> memref<128xf32, #tpu.memory_space<vmem>>
          tpu.wait_dma2 semaphore(%arg28 : memref<!tpu.dma_semaphore, #tpu.memory_space<semaphore_mem>>) src(%dma_wait3A_259 : memref<128xf32, #tpu.memory_space<vmem>>) dst(%dma_wait3A_256 : memref<128xf32, #tpu.memory_space<hbm>>)
        } else {
        }
        %scan3A_226 = arith.constant 0 : i32
        %scan3A_227 = arith.constant 0 : i32
        %scan3A_228 = arith.constant 4 : i32
        %scan3A_229 = arith.addi %scan3A_227, %scan3A_228 : i32
        %scan3A_230 = arith.constant 1 : i32
        scf.for %scan3A_246 = %scan3A_227 to %scan3A_229 step %scan3A_230  : i32 {
          %mul3A_247 = arith.constant 32 : i32
          %mul3A_248 = arith.muli %scan3A_246, %mul3A_247 : i32
          %get3A_249 = arith.constant 0 : i32
          %get3A_250 = arith.constant 0 : i32
          %get3A_251 = arith.index_cast %get3A_249 : i32 to index
          %get3A_252 = arith.index_cast %get3A_250 : i32 to index
          %get3A_253 = arith.index_cast %mul3A_248 : i32 to index
          %get3A_254 = tpu.vector_load %arg21[%get3A_251, %get3A_252, %get3A_253] {strides = array<i32>} : memref<2x16x128xf32, #tpu.memory_space<vmem>>, vector<1x1x16xf32>,
          %get3A_255 = vector.shape_cast %get3A_254 : vector<1x1x16xf32> to vector<16xf32>
          %get3A_256 = arith.constant 0 : i32
          %get3A_257 = arith.constant 1 : i32
          %get3A_258 = arith.index_cast %get3A_256 : i32 to index
          %get3A_259 = arith.index_cast %get3A_257 : i32 to index
          %get3A_260 = arith.index_cast %mul3A_248 : i32 to index
          %get3A_261 = tpu.vector_load %arg21[%get3A_258, %get3A_259, %get3A_260] {strides = array<i32>} : memref<2x16x128xf32, #tpu.memory_space<vmem>>, vector<1x1x16xf32>,
          %get3A_262 = vector.shape_cast %get3A_261 : vector<1x1x16xf32> to vector<16xf32>
          %get3A_263 = arith.constant 0 : i32
          %get3A_264 = arith.constant 2 : i32
          %get3A_265 = arith.index_cast %get3A_263 : i32 to index
          %get3A_266 = arith.index_cast %get3A_264 : i32 to index
          %get3A_267 = arith.index_cast %mul3A_248 : i32 to index
          %get3A_268 = tpu.vector_load %arg21[%get3A_265, %get3A_266, %get3A_267] {strides = array<i32>} : memref<2x16x128xf32, #tpu.memory_space<vmem>>, vector<1x1x16xf32>,
          %get3A_269 = vector.shape_cast %get3A_268 : vector<1x1x16xf32> to vector<16xf32>
          %get3A_270 = arith.constant 0 : i32
          %get3A_271 = arith.constant 3 : i32
          %get3A_272 = arith.index_cast %get3A_270 : i32 to index
          %get3A_273 = arith.index_cast %get3A_271 : i32 to index
          %get3A_274 = arith.index_cast %mul3A_248 : i32 to index
          %get3A_275 = tpu.vector_load %arg21[%get3A_272, %get3A_273, %get3A_274] {strides = array<i32>} : memref<2x16x128xf32, #tpu.memory_space<vmem>>, vector<1x1x16xf32>,
          %get3A_276 = vector.shape_cast %get3A_275 : vector<1x1x16xf32> to vector<16xf32>
          %get3A_277 = arith.constant 0 : i32
          %get3A_278 = arith.constant 4 : i32
          %get3A_279 = arith.index_cast %get3A_277 : i32 to index
          %get3A_280 = arith.index_cast %get3A_278 : i32 to index
          %get3A_281 = arith.index_cast %mul3A_248 : i32 to index
          %get3A_282 = tpu.vector_load %arg21[%get3A_279, %get3A_280, %get3A_281] {strides = array<i32>} : memref<2x16x128xf32, #tpu.memory_space<vmem>>, vector<1x1x16xf32>,
          %get3A_283 = vector.shape_cast %get3A_282 : vector<1x1x16xf32> to vector<16xf32>
          %get3A_284 = arith.constant 0 : i32
          %get3A_285 = arith.constant 5 : i32
          %get3A_286 = arith.index_cast %get3A_284 : i32 to index
          %get3A_287 = arith.index_cast %get3A_285 : i32 to index
          %get3A_288 = arith.index_cast %mul3A_248 : i32 to index
          %get3A_289 = tpu.vector_load %arg21[%get3A_286, %get3A_287, %get3A_288] {strides = array<i32>} : memref<2x16x128xf32, #tpu.memory_space<vmem>>, vector<1x1x16xf32>,
          %get3A_290 = vector.shape_cast %get3A_289 : vector<1x1x16xf32> to vector<16xf32>
          %get3A_291 = arith.constant 0 : i32
          %get3A_292 = arith.constant 6 : i32
          %get3A_293 = arith.index_cast %get3A_291 : i32 to index
          %get3A_294 = arith.index_cast %get3A_292 : i32 to index
          %get3A_295 = arith.index_cast %mul3A_248 : i32 to index
          %get3A_296 = tpu.vector_load %arg21[%get3A_293, %get3A_294, %get3A_295] {strides = array<i32>} : memref<2x16x128xf32, #tpu.memory_space<vmem>>, vector<1x1x16xf32>,
          %get3A_297 = vector.shape_cast %get3A_296 : vector<1x1x16xf32> to vector<16xf32>
          %get3A_298 = arith.constant 0 : i32
          %get3A_299 = arith.constant 7 : i32
          %get3A_300 = arith.index_cast %get3A_298 : i32 to index
          %get3A_301 = arith.index_cast %get3A_299 : i32 to index
          %get3A_302 = arith.index_cast %mul3A_248 : i32 to index
          %get3A_303 = tpu.vector_load %arg21[%get3A_300, %get3A_301, %get3A_302] {strides = array<i32>} : memref<2x16x128xf32, #tpu.memory_space<vmem>>, vector<1x1x16xf32>,
          %get3A_304 = vector.shape_cast %get3A_303 : vector<1x1x16xf32> to vector<16xf32>
          %get3A_305 = arith.constant 0 : i32
          %get3A_306 = arith.constant 8 : i32
          %get3A_307 = arith.index_cast %get3A_305 : i32 to index
          %get3A_308 = arith.index_cast %get3A_306 : i32 to index
          %get3A_309 = arith.index_cast %mul3A_248 : i32 to index
          %get3A_310 = tpu.vector_load %arg21[%get3A_307, %get3A_308, %get3A_309] {strides = array<i32>} : memref<2x16x128xf32, #tpu.memory_space<vmem>>, vector<1x1x16xf32>,
          %get3A_311 = vector.shape_cast %get3A_310 : vector<1x1x16xf32> to vector<16xf32>
          %get3A_312 = arith.constant 0 : i32
          %get3A_313 = arith.constant 9 : i32
          %get3A_314 = arith.index_cast %get3A_312 : i32 to index
          %get3A_315 = arith.index_cast %get3A_313 : i32 to index
          %get3A_316 = arith.index_cast %mul3A_248 : i32 to index
          %get3A_317 = tpu.vector_load %arg21[%get3A_314, %get3A_315, %get3A_316] {strides = array<i32>} : memref<2x16x128xf32, #tpu.memory_space<vmem>>, vector<1x1x16xf32>,
          %get3A_318 = vector.shape_cast %get3A_317 : vector<1x1x16xf32> to vector<16xf32>
          %get3A_319 = arith.constant 0 : i32
          %get3A_320 = arith.constant 10 : i32
          %get3A_321 = arith.index_cast %get3A_319 : i32 to index
          %get3A_322 = arith.index_cast %get3A_320 : i32 to index
          %get3A_323 = arith.index_cast %mul3A_248 : i32 to index
          %get3A_324 = tpu.vector_load %arg21[%get3A_321, %get3A_322, %get3A_323] {strides = array<i32>} : memref<2x16x128xf32, #tpu.memory_space<vmem>>, vector<1x1x16xf32>,
          %get3A_325 = vector.shape_cast %get3A_324 : vector<1x1x16xf32> to vector<16xf32>
          %get3A_326 = arith.constant 0 : i32
          %get3A_327 = arith.constant 11 : i32
          %get3A_328 = arith.index_cast %get3A_326 : i32 to index
          %get3A_329 = arith.index_cast %get3A_327 : i32 to index
          %get3A_330 = arith.index_cast %mul3A_248 : i32 to index
          %get3A_331 = tpu.vector_load %arg21[%get3A_328, %get3A_329, %get3A_330] {strides = array<i32>} : memref<2x16x128xf32, #tpu.memory_space<vmem>>, vector<1x1x16xf32>,
          %get3A_332 = vector.shape_cast %get3A_331 : vector<1x1x16xf32> to vector<16xf32>
          %get3A_333 = arith.constant 0 : i32
          %get3A_334 = arith.constant 12 : i32
          %get3A_335 = arith.index_cast %get3A_333 : i32 to index
          %get3A_336 = arith.index_cast %get3A_334 : i32 to index
          %get3A_337 = arith.index_cast %mul3A_248 : i32 to index
          %get3A_338 = tpu.vector_load %arg21[%get3A_335, %get3A_336, %get3A_337] {strides = array<i32>} : memref<2x16x128xf32, #tpu.memory_space<vmem>>, vector<1x1x16xf32>,
          %get3A_339 = vector.shape_cast %get3A_338 : vector<1x1x16xf32> to vector<16xf32>
          %add3A_340 = arith.addf %get3A_297, %get3A_311 : vector<16xf32>
          %add3A_341 = arith.addf %add3A_340, %get3A_325 : vector<16xf32>
          %bitcast_convert_type3A = tpu.bitcast %add3A_341 : vector<16xf32> -> vector<16xi32>
          %shift_right_arithmetic3A = arith.constant 1 : i32
          %shift_right_arithmetic3A_342 = vector.broadcast %shift_right_arithmetic3A : i32 to vector<16xi32>
          %shift_right_arithmetic3A_343 = arith.shrsi %bitcast_convert_type3A, %shift_right_arithmetic3A_342 : vector<16xi32>
          %sub3A_344 = arith.constant 1597463007 : i32
          %sub3A_345 = vector.broadcast %sub3A_344 : i32 to vector<16xi32>
          %sub3A_346 = arith.subi %sub3A_345, %shift_right_arithmetic3A_343 : vector<16xi32>
          %bitcast_convert_type3A_347 = tpu.bitcast %sub3A_346 : vector<16xi32> -> vector<16xf32>
          %mul3A_348 = arith.constant 5.000000e-01 : f32
          %mul3A_349 = vector.broadcast %mul3A_348 : f32 to vector<16xf32>
          %mul3A_350 = arith.mulf %mul3A_349, %add3A_341 : vector<16xf32>
          %mul3A_351 = arith.mulf %mul3A_350, %bitcast_convert_type3A_347 : vector<16xf32>
          %mul3A_352 = arith.mulf %mul3A_351, %bitcast_convert_type3A_347 : vector<16xf32>
          %sub3A_353 = arith.constant 1.500000e+00 : f32
          %sub3A_354 = vector.broadcast %sub3A_353 : f32 to vector<16xf32>
          %sub3A_355 = arith.subf %sub3A_354, %mul3A_352 : vector<16xf32>
          %mul3A_356 = arith.mulf %bitcast_convert_type3A_347, %sub3A_355 : vector<16xf32>
          %mul3A_357 = arith.constant 5.000000e-01 : f32
          %mul3A_358 = vector.broadcast %mul3A_357 : f32 to vector<16xf32>
          %mul3A_359 = arith.mulf %mul3A_358, %add3A_341 : vector<16xf32>
          %mul3A_360 = arith.mulf %mul3A_359, %mul3A_356 : vector<16xf32>
          %mul3A_361 = arith.mulf %mul3A_360, %mul3A_356 : vector<16xf32>
          %sub3A_362 = arith.constant 1.500000e+00 : f32
          %sub3A_363 = vector.broadcast %sub3A_362 : f32 to vector<16xf32>
          %sub3A_364 = arith.subf %sub3A_363, %mul3A_361 : vector<16xf32>
          %mul3A_365 = arith.mulf %mul3A_356, %sub3A_364 : vector<16xf32>
          %mul3A_366 = arith.constant 5.000000e-01 : f32
          %mul3A_367 = vector.broadcast %mul3A_366 : f32 to vector<16xf32>
          %mul3A_368 = arith.mulf %mul3A_367, %add3A_341 : vector<16xf32>
          %mul3A_369 = arith.mulf %mul3A_368, %mul3A_365 : vector<16xf32>
          %mul3A_370 = arith.mulf %mul3A_369, %mul3A_365 : vector<16xf32>
          %sub3A_371 = arith.constant 1.500000e+00 : f32
          %sub3A_372 = vector.broadcast %sub3A_371 : f32 to vector<16xf32>
          %sub3A_373 = arith.subf %sub3A_372, %mul3A_370 : vector<16xf32>
          %mul3A_374 = arith.mulf %mul3A_365, %sub3A_373 : vector<16xf32>
          %mul3A_375 = arith.mulf %add3A_341, %mul3A_374 : vector<16xf32>
          %add3A_376 = arith.constant 0 : i32
          %add3A_377 = arith.addi %add3A_376, %mul3A_248 : i32
          %get3A_378 = arith.constant 0 : i32
          %get3A_379 = arith.constant 0 : i32
          %get3A_380 = arith.index_cast %get3A_378 : i32 to index
          %get3A_381 = arith.index_cast %get3A_379 : i32 to index
          %get3A_382 = arith.index_cast %add3A_377 : i32 to index
          %get3A_383 = tpu.vector_load %arg20[%get3A_380, %get3A_381, %get3A_382] {strides = array<i32>} : memref<2x1x1024xf32, #tpu.memory_space<vmem>>, vector<1x1x16xf32>,
          %get3A_384 = vector.shape_cast %get3A_383 : vector<1x1x16xf32> to vector<16xf32>
          %div3A = arith.divf %mul3A_375, %get3A_384 : vector<16xf32>
          %mul3A_385 = arith.mulf %get3A_255, %get3A_269 : vector<16xf32>
          %mul3A_386 = arith.mulf %mul3A_385, %get3A_283 : vector<16xf32>
          %mul3A_387 = arith.mulf %div3A, %mul3A_386 : vector<16xf32>
          %add3A_388 = arith.addf %get3A_304, %get3A_311 : vector<16xf32>
          %add3A_389 = arith.addf %add3A_388, %get3A_325 : vector<16xf32>
          %bitcast_convert_type3A_390 = tpu.bitcast %add3A_389 : vector<16xf32> -> vector<16xi32>
          %shift_right_arithmetic3A_391 = arith.constant 1 : i32
          %shift_right_arithmetic3A_392 = vector.broadcast %shift_right_arithmetic3A_391 : i32 to vector<16xi32>
          %shift_right_arithmetic3A_393 = arith.shrsi %bitcast_convert_type3A_390, %shift_right_arithmetic3A_392 : vector<16xi32>
          %sub3A_394 = arith.constant 1597463007 : i32
          %sub3A_395 = vector.broadcast %sub3A_394 : i32 to vector<16xi32>
          %sub3A_396 = arith.subi %sub3A_395, %shift_right_arithmetic3A_393 : vector<16xi32>
          %bitcast_convert_type3A_397 = tpu.bitcast %sub3A_396 : vector<16xi32> -> vector<16xf32>
          %mul3A_398 = arith.constant 5.000000e-01 : f32
          %mul3A_399 = vector.broadcast %mul3A_398 : f32 to vector<16xf32>
          %mul3A_400 = arith.mulf %mul3A_399, %add3A_389 : vector<16xf32>
          %mul3A_401 = arith.mulf %mul3A_400, %bitcast_convert_type3A_397 : vector<16xf32>
          %mul3A_402 = arith.mulf %mul3A_401, %bitcast_convert_type3A_397 : vector<16xf32>
          %sub3A_403 = arith.constant 1.500000e+00 : f32
          %sub3A_404 = vector.broadcast %sub3A_403 : f32 to vector<16xf32>
          %sub3A_405 = arith.subf %sub3A_404, %mul3A_402 : vector<16xf32>
          %mul3A_406 = arith.mulf %bitcast_convert_type3A_397, %sub3A_405 : vector<16xf32>
          %mul3A_407 = arith.constant 5.000000e-01 : f32
          %mul3A_408 = vector.broadcast %mul3A_407 : f32 to vector<16xf32>
          %mul3A_409 = arith.mulf %mul3A_408, %add3A_389 : vector<16xf32>
          %mul3A_410 = arith.mulf %mul3A_409, %mul3A_406 : vector<16xf32>
          %mul3A_411 = arith.mulf %mul3A_410, %mul3A_406 : vector<16xf32>
          %sub3A_412 = arith.constant 1.500000e+00 : f32
          %sub3A_413 = vector.broadcast %sub3A_412 : f32 to vector<16xf32>
          %sub3A_414 = arith.subf %sub3A_413, %mul3A_411 : vector<16xf32>
          %mul3A_415 = arith.mulf %mul3A_406, %sub3A_414 : vector<16xf32>
          %mul3A_416 = arith.constant 5.000000e-01 : f32
          %mul3A_417 = vector.broadcast %mul3A_416 : f32 to vector<16xf32>
          %mul3A_418 = arith.mulf %mul3A_417, %add3A_389 : vector<16xf32>
          %mul3A_419 = arith.mulf %mul3A_418, %mul3A_415 : vector<16xf32>
          %mul3A_420 = arith.mulf %mul3A_419, %mul3A_415 : vector<16xf32>
          %sub3A_421 = arith.constant 1.500000e+00 : f32
          %sub3A_422 = vector.broadcast %sub3A_421 : f32 to vector<16xf32>
          %sub3A_423 = arith.subf %sub3A_422, %mul3A_420 : vector<16xf32>
          %mul3A_424 = arith.mulf %mul3A_415, %sub3A_423 : vector<16xf32>
          %mul3A_425 = arith.mulf %add3A_389, %mul3A_424 : vector<16xf32>
          %add3A_426 = arith.constant 512 : i32
          %add3A_427 = arith.addi %add3A_426, %mul3A_248 : i32
          %get3A_428 = arith.constant 0 : i32
          %get3A_429 = arith.constant 0 : i32
          %get3A_430 = arith.index_cast %get3A_428 : i32 to index
          %get3A_431 = arith.index_cast %get3A_429 : i32 to index
          %get3A_432 = arith.index_cast %add3A_427 : i32 to index
          %get3A_433 = tpu.vector_load %arg20[%get3A_430, %get3A_431, %get3A_432] {strides = array<i32>} : memref<2x1x1024xf32, #tpu.memory_space<vmem>>, vector<1x1x16xf32>,
          %get3A_434 = vector.shape_cast %get3A_433 : vector<1x1x16xf32> to vector<16xf32>
          %div3A_435 = arith.divf %mul3A_425, %get3A_434 : vector<16xf32>
          %mul3A_436 = arith.mulf %get3A_262, %get3A_269 : vector<16xf32>
          %mul3A_437 = arith.mulf %mul3A_436, %get3A_283 : vector<16xf32>
          %mul3A_438 = arith.mulf %div3A_435, %mul3A_437 : vector<16xf32>
          %add3A_439 = arith.addf %mul3A_387, %mul3A_438 : vector<16xf32>
          %add3A_440 = arith.addf %get3A_297, %get3A_318 : vector<16xf32>
          %add3A_441 = arith.addf %add3A_440, %get3A_325 : vector<16xf32>
          %bitcast_convert_type3A_442 = tpu.bitcast %add3A_441 : vector<16xf32> -> vector<16xi32>
          %shift_right_arithmetic3A_443 = arith.constant 1 : i32
          %shift_right_arithmetic3A_444 = vector.broadcast %shift_right_arithmetic3A_443 : i32 to vector<16xi32>
          %shift_right_arithmetic3A_445 = arith.shrsi %bitcast_convert_type3A_442, %shift_right_arithmetic3A_444 : vector<16xi32>
          %sub3A_446 = arith.constant 1597463007 : i32
          %sub3A_447 = vector.broadcast %sub3A_446 : i32 to vector<16xi32>
          %sub3A_448 = arith.subi %sub3A_447, %shift_right_arithmetic3A_445 : vector<16xi32>
          %bitcast_convert_type3A_449 = tpu.bitcast %sub3A_448 : vector<16xi32> -> vector<16xf32>
          %mul3A_450 = arith.constant 5.000000e-01 : f32
          %mul3A_451 = vector.broadcast %mul3A_450 : f32 to vector<16xf32>
          %mul3A_452 = arith.mulf %mul3A_451, %add3A_441 : vector<16xf32>
          %mul3A_453 = arith.mulf %mul3A_452, %bitcast_convert_type3A_449 : vector<16xf32>
          %mul3A_454 = arith.mulf %mul3A_453, %bitcast_convert_type3A_449 : vector<16xf32>
          %sub3A_455 = arith.constant 1.500000e+00 : f32
          %sub3A_456 = vector.broadcast %sub3A_455 : f32 to vector<16xf32>
          %sub3A_457 = arith.subf %sub3A_456, %mul3A_454 : vector<16xf32>
          %mul3A_458 = arith.mulf %bitcast_convert_type3A_449, %sub3A_457 : vector<16xf32>
          %mul3A_459 = arith.constant 5.000000e-01 : f32
          %mul3A_460 = vector.broadcast %mul3A_459 : f32 to vector<16xf32>
          %mul3A_461 = arith.mulf %mul3A_460, %add3A_441 : vector<16xf32>
          %mul3A_462 = arith.mulf %mul3A_461, %mul3A_458 : vector<16xf32>
          %mul3A_463 = arith.mulf %mul3A_462, %mul3A_458 : vector<16xf32>
          %sub3A_464 = arith.constant 1.500000e+00 : f32
          %sub3A_465 = vector.broadcast %sub3A_464 : f32 to vector<16xf32>
          %sub3A_466 = arith.subf %sub3A_465, %mul3A_463 : vector<16xf32>
          %mul3A_467 = arith.mulf %mul3A_458, %sub3A_466 : vector<16xf32>
          %mul3A_468 = arith.constant 5.000000e-01 : f32
          %mul3A_469 = vector.broadcast %mul3A_468 : f32 to vector<16xf32>
          %mul3A_470 = arith.mulf %mul3A_469, %add3A_441 : vector<16xf32>
          %mul3A_471 = arith.mulf %mul3A_470, %mul3A_467 : vector<16xf32>
          %mul3A_472 = arith.mulf %mul3A_471, %mul3A_467 : vector<16xf32>
          %sub3A_473 = arith.constant 1.500000e+00 : f32
          %sub3A_474 = vector.broadcast %sub3A_473 : f32 to vector<16xf32>
          %sub3A_475 = arith.subf %sub3A_474, %mul3A_472 : vector<16xf32>
          %mul3A_476 = arith.mulf %mul3A_467, %sub3A_475 : vector<16xf32>
          %mul3A_477 = arith.mulf %add3A_441, %mul3A_476 : vector<16xf32>
          %add3A_478 = arith.constant 256 : i32
          %add3A_479 = arith.addi %add3A_478, %mul3A_248 : i32
          %get3A_480 = arith.constant 0 : i32
          %get3A_481 = arith.constant 0 : i32
          %get3A_482 = arith.index_cast %get3A_480 : i32 to index
          %get3A_483 = arith.index_cast %get3A_481 : i32 to index
          %get3A_484 = arith.index_cast %add3A_479 : i32 to index
          %get3A_485 = tpu.vector_load %arg20[%get3A_482, %get3A_483, %get3A_484] {strides = array<i32>} : memref<2x1x1024xf32, #tpu.memory_space<vmem>>, vector<1x1x16xf32>,
          %get3A_486 = vector.shape_cast %get3A_485 : vector<1x1x16xf32> to vector<16xf32>
          %div3A_487 = arith.divf %mul3A_477, %get3A_486 : vector<16xf32>
          %mul3A_488 = arith.mulf %get3A_255, %get3A_276 : vector<16xf32>
          %mul3A_489 = arith.mulf %mul3A_488, %get3A_283 : vector<16xf32>
          %mul3A_490 = arith.mulf %div3A_487, %mul3A_489 : vector<16xf32>
          %add3A_491 = arith.addf %add3A_439, %mul3A_490 : vector<16xf32>
          %add3A_492 = arith.addf %get3A_304, %get3A_318 : vector<16xf32>
          %add3A_493 = arith.addf %add3A_492, %get3A_325 : vector<16xf32>
          %bitcast_convert_type3A_494 = tpu.bitcast %add3A_493 : vector<16xf32> -> vector<16xi32>
          %shift_right_arithmetic3A_495 = arith.constant 1 : i32
          %shift_right_arithmetic3A_496 = vector.broadcast %shift_right_arithmetic3A_495 : i32 to vector<16xi32>
          %shift_right_arithmetic3A_497 = arith.shrsi %bitcast_convert_type3A_494, %shift_right_arithmetic3A_496 : vector<16xi32>
          %sub3A_498 = arith.constant 1597463007 : i32
          %sub3A_499 = vector.broadcast %sub3A_498 : i32 to vector<16xi32>
          %sub3A_500 = arith.subi %sub3A_499, %shift_right_arithmetic3A_497 : vector<16xi32>
          %bitcast_convert_type3A_501 = tpu.bitcast %sub3A_500 : vector<16xi32> -> vector<16xf32>
          %mul3A_502 = arith.constant 5.000000e-01 : f32
          %mul3A_503 = vector.broadcast %mul3A_502 : f32 to vector<16xf32>
          %mul3A_504 = arith.mulf %mul3A_503, %add3A_493 : vector<16xf32>
          %mul3A_505 = arith.mulf %mul3A_504, %bitcast_convert_type3A_501 : vector<16xf32>
          %mul3A_506 = arith.mulf %mul3A_505, %bitcast_convert_type3A_501 : vector<16xf32>
          %sub3A_507 = arith.constant 1.500000e+00 : f32
          %sub3A_508 = vector.broadcast %sub3A_507 : f32 to vector<16xf32>
          %sub3A_509 = arith.subf %sub3A_508, %mul3A_506 : vector<16xf32>
          %mul3A_510 = arith.mulf %bitcast_convert_type3A_501, %sub3A_509 : vector<16xf32>
          %mul3A_511 = arith.constant 5.000000e-01 : f32
          %mul3A_512 = vector.broadcast %mul3A_511 : f32 to vector<16xf32>
          %mul3A_513 = arith.mulf %mul3A_512, %add3A_493 : vector<16xf32>
          %mul3A_514 = arith.mulf %mul3A_513, %mul3A_510 : vector<16xf32>
          %mul3A_515 = arith.mulf %mul3A_514, %mul3A_510 : vector<16xf32>
          %sub3A_516 = arith.constant 1.500000e+00 : f32
          %sub3A_517 = vector.broadcast %sub3A_516 : f32 to vector<16xf32>
          %sub3A_518 = arith.subf %sub3A_517, %mul3A_515 : vector<16xf32>
          %mul3A_519 = arith.mulf %mul3A_510, %sub3A_518 : vector<16xf32>
          %mul3A_520 = arith.constant 5.000000e-01 : f32
          %mul3A_521 = vector.broadcast %mul3A_520 : f32 to vector<16xf32>
          %mul3A_522 = arith.mulf %mul3A_521, %add3A_493 : vector<16xf32>
          %mul3A_523 = arith.mulf %mul3A_522, %mul3A_519 : vector<16xf32>
          %mul3A_524 = arith.mulf %mul3A_523, %mul3A_519 : vector<16xf32>
          %sub3A_525 = arith.constant 1.500000e+00 : f32
          %sub3A_526 = vector.broadcast %sub3A_525 : f32 to vector<16xf32>
          %sub3A_527 = arith.subf %sub3A_526, %mul3A_524 : vector<16xf32>
          %mul3A_528 = arith.mulf %mul3A_519, %sub3A_527 : vector<16xf32>
          %mul3A_529 = arith.mulf %add3A_493, %mul3A_528 : vector<16xf32>
          %add3A_530 = arith.constant 768 : i32
          %add3A_531 = arith.addi %add3A_530, %mul3A_248 : i32
          %get3A_532 = arith.constant 0 : i32
          %get3A_533 = arith.constant 0 : i32
          %get3A_534 = arith.index_cast %get3A_532 : i32 to index
          %get3A_535 = arith.index_cast %get3A_533 : i32 to index
          %get3A_536 = arith.index_cast %add3A_531 : i32 to index
          %get3A_537 = tpu.vector_load %arg20[%get3A_534, %get3A_535, %get3A_536] {strides = array<i32>} : memref<2x1x1024xf32, #tpu.memory_space<vmem>>, vector<1x1x16xf32>,
          %get3A_538 = vector.shape_cast %get3A_537 : vector<1x1x16xf32> to vector<16xf32>
          %div3A_539 = arith.divf %mul3A_529, %get3A_538 : vector<16xf32>
          %mul3A_540 = arith.mulf %get3A_262, %get3A_276 : vector<16xf32>
          %mul3A_541 = arith.mulf %mul3A_540, %get3A_283 : vector<16xf32>
          %mul3A_542 = arith.mulf %div3A_539, %mul3A_541 : vector<16xf32>
          %add3A_543 = arith.addf %add3A_491, %mul3A_542 : vector<16xf32>
          %add3A_544 = arith.addf %get3A_297, %get3A_311 : vector<16xf32>
          %add3A_545 = arith.addf %add3A_544, %get3A_332 : vector<16xf32>
          %bitcast_convert_type3A_546 = tpu.bitcast %add3A_545 : vector<16xf32> -> vector<16xi32>
          %shift_right_arithmetic3A_547 = arith.constant 1 : i32
          %shift_right_arithmetic3A_548 = vector.broadcast %shift_right_arithmetic3A_547 : i32 to vector<16xi32>
          %shift_right_arithmetic3A_549 = arith.shrsi %bitcast_convert_type3A_546, %shift_right_arithmetic3A_548 : vector<16xi32>
          %sub3A_550 = arith.constant 1597463007 : i32
          %sub3A_551 = vector.broadcast %sub3A_550 : i32 to vector<16xi32>
          %sub3A_552 = arith.subi %sub3A_551, %shift_right_arithmetic3A_549 : vector<16xi32>
          %bitcast_convert_type3A_553 = tpu.bitcast %sub3A_552 : vector<16xi32> -> vector<16xf32>
          %mul3A_554 = arith.constant 5.000000e-01 : f32
          %mul3A_555 = vector.broadcast %mul3A_554 : f32 to vector<16xf32>
          %mul3A_556 = arith.mulf %mul3A_555, %add3A_545 : vector<16xf32>
          %mul3A_557 = arith.mulf %mul3A_556, %bitcast_convert_type3A_553 : vector<16xf32>
          %mul3A_558 = arith.mulf %mul3A_557, %bitcast_convert_type3A_553 : vector<16xf32>
          %sub3A_559 = arith.constant 1.500000e+00 : f32
          %sub3A_560 = vector.broadcast %sub3A_559 : f32 to vector<16xf32>
          %sub3A_561 = arith.subf %sub3A_560, %mul3A_558 : vector<16xf32>
          %mul3A_562 = arith.mulf %bitcast_convert_type3A_553, %sub3A_561 : vector<16xf32>
          %mul3A_563 = arith.constant 5.000000e-01 : f32
          %mul3A_564 = vector.broadcast %mul3A_563 : f32 to vector<16xf32>
          %mul3A_565 = arith.mulf %mul3A_564, %add3A_545 : vector<16xf32>
          %mul3A_566 = arith.mulf %mul3A_565, %mul3A_562 : vector<16xf32>
          %mul3A_567 = arith.mulf %mul3A_566, %mul3A_562 : vector<16xf32>
          %sub3A_568 = arith.constant 1.500000e+00 : f32
          %sub3A_569 = vector.broadcast %sub3A_568 : f32 to vector<16xf32>
          %sub3A_570 = arith.subf %sub3A_569, %mul3A_567 : vector<16xf32>
          %mul3A_571 = arith.mulf %mul3A_562, %sub3A_570 : vector<16xf32>
          %mul3A_572 = arith.constant 5.000000e-01 : f32
          %mul3A_573 = vector.broadcast %mul3A_572 : f32 to vector<16xf32>
          %mul3A_574 = arith.mulf %mul3A_573, %add3A_545 : vector<16xf32>
          %mul3A_575 = arith.mulf %mul3A_574, %mul3A_571 : vector<16xf32>
          %mul3A_576 = arith.mulf %mul3A_575, %mul3A_571 : vector<16xf32>
          %sub3A_577 = arith.constant 1.500000e+00 : f32
          %sub3A_578 = vector.broadcast %sub3A_577 : f32 to vector<16xf32>
          %sub3A_579 = arith.subf %sub3A_578, %mul3A_576 : vector<16xf32>
          %mul3A_580 = arith.mulf %mul3A_571, %sub3A_579 : vector<16xf32>
          %mul3A_581 = arith.mulf %add3A_545, %mul3A_580 : vector<16xf32>
          %add3A_582 = arith.constant 128 : i32
          %add3A_583 = arith.addi %add3A_582, %mul3A_248 : i32
          %get3A_584 = arith.constant 0 : i32
          %get3A_585 = arith.constant 0 : i32
          %get3A_586 = arith.index_cast %get3A_584 : i32 to index
          %get3A_587 = arith.index_cast %get3A_585 : i32 to index
          %get3A_588 = arith.index_cast %add3A_583 : i32 to index
          %get3A_589 = tpu.vector_load %arg20[%get3A_586, %get3A_587, %get3A_588] {strides = array<i32>} : memref<2x1x1024xf32, #tpu.memory_space<vmem>>, vector<1x1x16xf32>,
          %get3A_590 = vector.shape_cast %get3A_589 : vector<1x1x16xf32> to vector<16xf32>
          %div3A_591 = arith.divf %mul3A_581, %get3A_590 : vector<16xf32>
          %mul3A_592 = arith.mulf %get3A_255, %get3A_269 : vector<16xf32>
          %mul3A_593 = arith.mulf %mul3A_592, %get3A_290 : vector<16xf32>
          %mul3A_594 = arith.mulf %div3A_591, %mul3A_593 : vector<16xf32>
          %add3A_595 = arith.addf %add3A_543, %mul3A_594 : vector<16xf32>
          %add3A_596 = arith.addf %get3A_304, %get3A_311 : vector<16xf32>
          %add3A_597 = arith.addf %add3A_596, %get3A_332 : vector<16xf32>
          %bitcast_convert_type3A_598 = tpu.bitcast %add3A_597 : vector<16xf32> -> vector<16xi32>
          %shift_right_arithmetic3A_599 = arith.constant 1 : i32
          %shift_right_arithmetic3A_600 = vector.broadcast %shift_right_arithmetic3A_599 : i32 to vector<16xi32>
          %shift_right_arithmetic3A_601 = arith.shrsi %bitcast_convert_type3A_598, %shift_right_arithmetic3A_600 : vector<16xi32>
          %sub3A_602 = arith.constant 1597463007 : i32
          %sub3A_603 = vector.broadcast %sub3A_602 : i32 to vector<16xi32>
          %sub3A_604 = arith.subi %sub3A_603, %shift_right_arithmetic3A_601 : vector<16xi32>
          %bitcast_convert_type3A_605 = tpu.bitcast %sub3A_604 : vector<16xi32> -> vector<16xf32>
          %mul3A_606 = arith.constant 5.000000e-01 : f32
          %mul3A_607 = vector.broadcast %mul3A_606 : f32 to vector<16xf32>
          %mul3A_608 = arith.mulf %mul3A_607, %add3A_597 : vector<16xf32>
          %mul3A_609 = arith.mulf %mul3A_608, %bitcast_convert_type3A_605 : vector<16xf32>
          %mul3A_610 = arith.mulf %mul3A_609, %bitcast_convert_type3A_605 : vector<16xf32>
          %sub3A_611 = arith.constant 1.500000e+00 : f32
          %sub3A_612 = vector.broadcast %sub3A_611 : f32 to vector<16xf32>
          %sub3A_613 = arith.subf %sub3A_612, %mul3A_610 : vector<16xf32>
          %mul3A_614 = arith.mulf %bitcast_convert_type3A_605, %sub3A_613 : vector<16xf32>
          %mul3A_615 = arith.constant 5.000000e-01 : f32
          %mul3A_616 = vector.broadcast %mul3A_615 : f32 to vector<16xf32>
          %mul3A_617 = arith.mulf %mul3A_616, %add3A_597 : vector<16xf32>
          %mul3A_618 = arith.mulf %mul3A_617, %mul3A_614 : vector<16xf32>
          %mul3A_619 = arith.mulf %mul3A_618, %mul3A_614 : vector<16xf32>
          %sub3A_620 = arith.constant 1.500000e+00 : f32
          %sub3A_621 = vector.broadcast %sub3A_620 : f32 to vector<16xf32>
          %sub3A_622 = arith.subf %sub3A_621, %mul3A_619 : vector<16xf32>
          %mul3A_623 = arith.mulf %mul3A_614, %sub3A_622 : vector<16xf32>
          %mul3A_624 = arith.constant 5.000000e-01 : f32
          %mul3A_625 = vector.broadcast %mul3A_624 : f32 to vector<16xf32>
          %mul3A_626 = arith.mulf %mul3A_625, %add3A_597 : vector<16xf32>
          %mul3A_627 = arith.mulf %mul3A_626, %mul3A_623 : vector<16xf32>
          %mul3A_628 = arith.mulf %mul3A_627, %mul3A_623 : vector<16xf32>
          %sub3A_629 = arith.constant 1.500000e+00 : f32
          %sub3A_630 = vector.broadcast %sub3A_629 : f32 to vector<16xf32>
          %sub3A_631 = arith.subf %sub3A_630, %mul3A_628 : vector<16xf32>
          %mul3A_632 = arith.mulf %mul3A_623, %sub3A_631 : vector<16xf32>
          %mul3A_633 = arith.mulf %add3A_597, %mul3A_632 : vector<16xf32>
          %add3A_634 = arith.constant 640 : i32
          %add3A_635 = arith.addi %add3A_634, %mul3A_248 : i32
          %get3A_636 = arith.constant 0 : i32
          %get3A_637 = arith.constant 0 : i32
          %get3A_638 = arith.index_cast %get3A_636 : i32 to index
          %get3A_639 = arith.index_cast %get3A_637 : i32 to index
          %get3A_640 = arith.index_cast %add3A_635 : i32 to index
          %get3A_641 = tpu.vector_load %arg20[%get3A_638, %get3A_639, %get3A_640] {strides = array<i32>} : memref<2x1x1024xf32, #tpu.memory_space<vmem>>, vector<1x1x16xf32>,
          %get3A_642 = vector.shape_cast %get3A_641 : vector<1x1x16xf32> to vector<16xf32>
          %div3A_643 = arith.divf %mul3A_633, %get3A_642 : vector<16xf32>
          %mul3A_644 = arith.mulf %get3A_262, %get3A_269 : vector<16xf32>
          %mul3A_645 = arith.mulf %mul3A_644, %get3A_290 : vector<16xf32>
          %mul3A_646 = arith.mulf %div3A_643, %mul3A_645 : vector<16xf32>
          %add3A_647 = arith.addf %add3A_595, %mul3A_646 : vector<16xf32>
          %add3A_648 = arith.addf %get3A_297, %get3A_318 : vector<16xf32>
          %add3A_649 = arith.addf %add3A_648, %get3A_332 : vector<16xf32>
          %bitcast_convert_type3A_650 = tpu.bitcast %add3A_649 : vector<16xf32> -> vector<16xi32>
          %shift_right_arithmetic3A_651 = arith.constant 1 : i32
          %shift_right_arithmetic3A_652 = vector.broadcast %shift_right_arithmetic3A_651 : i32 to vector<16xi32>
          %shift_right_arithmetic3A_653 = arith.shrsi %bitcast_convert_type3A_650, %shift_right_arithmetic3A_652 : vector<16xi32>
          %sub3A_654 = arith.constant 1597463007 : i32
          %sub3A_655 = vector.broadcast %sub3A_654 : i32 to vector<16xi32>
          %sub3A_656 = arith.subi %sub3A_655, %shift_right_arithmetic3A_653 : vector<16xi32>
          %bitcast_convert_type3A_657 = tpu.bitcast %sub3A_656 : vector<16xi32> -> vector<16xf32>
          %mul3A_658 = arith.constant 5.000000e-01 : f32
          %mul3A_659 = vector.broadcast %mul3A_658 : f32 to vector<16xf32>
          %mul3A_660 = arith.mulf %mul3A_659, %add3A_649 : vector<16xf32>
          %mul3A_661 = arith.mulf %mul3A_660, %bitcast_convert_type3A_657 : vector<16xf32>
          %mul3A_662 = arith.mulf %mul3A_661, %bitcast_convert_type3A_657 : vector<16xf32>
          %sub3A_663 = arith.constant 1.500000e+00 : f32
          %sub3A_664 = vector.broadcast %sub3A_663 : f32 to vector<16xf32>
          %sub3A_665 = arith.subf %sub3A_664, %mul3A_662 : vector<16xf32>
          %mul3A_666 = arith.mulf %bitcast_convert_type3A_657, %sub3A_665 : vector<16xf32>
          %mul3A_667 = arith.constant 5.000000e-01 : f32
          %mul3A_668 = vector.broadcast %mul3A_667 : f32 to vector<16xf32>
          %mul3A_669 = arith.mulf %mul3A_668, %add3A_649 : vector<16xf32>
          %mul3A_670 = arith.mulf %mul3A_669, %mul3A_666 : vector<16xf32>
          %mul3A_671 = arith.mulf %mul3A_670, %mul3A_666 : vector<16xf32>
          %sub3A_672 = arith.constant 1.500000e+00 : f32
          %sub3A_673 = vector.broadcast %sub3A_672 : f32 to vector<16xf32>
          %sub3A_674 = arith.subf %sub3A_673, %mul3A_671 : vector<16xf32>
          %mul3A_675 = arith.mulf %mul3A_666, %sub3A_674 : vector<16xf32>
          %mul3A_676 = arith.constant 5.000000e-01 : f32
          %mul3A_677 = vector.broadcast %mul3A_676 : f32 to vector<16xf32>
          %mul3A_678 = arith.mulf %mul3A_677, %add3A_649 : vector<16xf32>
          %mul3A_679 = arith.mulf %mul3A_678, %mul3A_675 : vector<16xf32>
          %mul3A_680 = arith.mulf %mul3A_679, %mul3A_675 : vector<16xf32>
          %sub3A_681 = arith.constant 1.500000e+00 : f32
          %sub3A_682 = vector.broadcast %sub3A_681 : f32 to vector<16xf32>
          %sub3A_683 = arith.subf %sub3A_682, %mul3A_680 : vector<16xf32>
          %mul3A_684 = arith.mulf %mul3A_675, %sub3A_683 : vector<16xf32>
          %mul3A_685 = arith.mulf %add3A_649, %mul3A_684 : vector<16xf32>
          %add3A_686 = arith.constant 384 : i32
          %add3A_687 = arith.addi %add3A_686, %mul3A_248 : i32
          %get3A_688 = arith.constant 0 : i32
          %get3A_689 = arith.constant 0 : i32
          %get3A_690 = arith.index_cast %get3A_688 : i32 to index
          %get3A_691 = arith.index_cast %get3A_689 : i32 to index
          %get3A_692 = arith.index_cast %add3A_687 : i32 to index
          %get3A_693 = tpu.vector_load %arg20[%get3A_690, %get3A_691, %get3A_692] {strides = array<i32>} : memref<2x1x1024xf32, #tpu.memory_space<vmem>>, vector<1x1x16xf32>,
          %get3A_694 = vector.shape_cast %get3A_693 : vector<1x1x16xf32> to vector<16xf32>
          %div3A_695 = arith.divf %mul3A_685, %get3A_694 : vector<16xf32>
          %mul3A_696 = arith.mulf %get3A_255, %get3A_276 : vector<16xf32>
          %mul3A_697 = arith.mulf %mul3A_696, %get3A_290 : vector<16xf32>
          %mul3A_698 = arith.mulf %div3A_695, %mul3A_697 : vector<16xf32>
          %add3A_699 = arith.addf %add3A_647, %mul3A_698 : vector<16xf32>
          %add3A_700 = arith.addf %get3A_304, %get3A_318 : vector<16xf32>
          %add3A_701 = arith.addf %add3A_700, %get3A_332 : vector<16xf32>
          %bitcast_convert_type3A_702 = tpu.bitcast %add3A_701 : vector<16xf32> -> vector<16xi32>
          %shift_right_arithmetic3A_703 = arith.constant 1 : i32
          %shift_right_arithmetic3A_704 = vector.broadcast %shift_right_arithmetic3A_703 : i32 to vector<16xi32>
          %shift_right_arithmetic3A_705 = arith.shrsi %bitcast_convert_type3A_702, %shift_right_arithmetic3A_704 : vector<16xi32>
          %sub3A_706 = arith.constant 1597463007 : i32
          %sub3A_707 = vector.broadcast %sub3A_706 : i32 to vector<16xi32>
          %sub3A_708 = arith.subi %sub3A_707, %shift_right_arithmetic3A_705 : vector<16xi32>
          %bitcast_convert_type3A_709 = tpu.bitcast %sub3A_708 : vector<16xi32> -> vector<16xf32>
          %mul3A_710 = arith.constant 5.000000e-01 : f32
          %mul3A_711 = vector.broadcast %mul3A_710 : f32 to vector<16xf32>
          %mul3A_712 = arith.mulf %mul3A_711, %add3A_701 : vector<16xf32>
          %mul3A_713 = arith.mulf %mul3A_712, %bitcast_convert_type3A_709 : vector<16xf32>
          %mul3A_714 = arith.mulf %mul3A_713, %bitcast_convert_type3A_709 : vector<16xf32>
          %sub3A_715 = arith.constant 1.500000e+00 : f32
          %sub3A_716 = vector.broadcast %sub3A_715 : f32 to vector<16xf32>
          %sub3A_717 = arith.subf %sub3A_716, %mul3A_714 : vector<16xf32>
          %mul3A_718 = arith.mulf %bitcast_convert_type3A_709, %sub3A_717 : vector<16xf32>
          %mul3A_719 = arith.constant 5.000000e-01 : f32
          %mul3A_720 = vector.broadcast %mul3A_719 : f32 to vector<16xf32>
          %mul3A_721 = arith.mulf %mul3A_720, %add3A_701 : vector<16xf32>
          %mul3A_722 = arith.mulf %mul3A_721, %mul3A_718 : vector<16xf32>
          %mul3A_723 = arith.mulf %mul3A_722, %mul3A_718 : vector<16xf32>
          %sub3A_724 = arith.constant 1.500000e+00 : f32
          %sub3A_725 = vector.broadcast %sub3A_724 : f32 to vector<16xf32>
          %sub3A_726 = arith.subf %sub3A_725, %mul3A_723 : vector<16xf32>
          %mul3A_727 = arith.mulf %mul3A_718, %sub3A_726 : vector<16xf32>
          %mul3A_728 = arith.constant 5.000000e-01 : f32
          %mul3A_729 = vector.broadcast %mul3A_728 : f32 to vector<16xf32>
          %mul3A_730 = arith.mulf %mul3A_729, %add3A_701 : vector<16xf32>
          %mul3A_731 = arith.mulf %mul3A_730, %mul3A_727 : vector<16xf32>
          %mul3A_732 = arith.mulf %mul3A_731, %mul3A_727 : vector<16xf32>
          %sub3A_733 = arith.constant 1.500000e+00 : f32
          %sub3A_734 = vector.broadcast %sub3A_733 : f32 to vector<16xf32>
          %sub3A_735 = arith.subf %sub3A_734, %mul3A_732 : vector<16xf32>
          %mul3A_736 = arith.mulf %mul3A_727, %sub3A_735 : vector<16xf32>
          %mul3A_737 = arith.mulf %add3A_701, %mul3A_736 : vector<16xf32>
          %add3A_738 = arith.constant 896 : i32
          %add3A_739 = arith.addi %add3A_738, %mul3A_248 : i32
          %get3A_740 = arith.constant 0 : i32
          %get3A_741 = arith.constant 0 : i32
          %get3A_742 = arith.index_cast %get3A_740 : i32 to index
          %get3A_743 = arith.index_cast %get3A_741 : i32 to index
          %get3A_744 = arith.index_cast %add3A_739 : i32 to index
          %get3A_745 = tpu.vector_load %arg20[%get3A_742, %get3A_743, %get3A_744] {strides = array<i32>} : memref<2x1x1024xf32, #tpu.memory_space<vmem>>, vector<1x1x16xf32>,
          %get3A_746 = vector.shape_cast %get3A_745 : vector<1x1x16xf32> to vector<16xf32>
          %div3A_747 = arith.divf %mul3A_737, %get3A_746 : vector<16xf32>
          %mul3A_748 = arith.mulf %get3A_262, %get3A_276 : vector<16xf32>
          %mul3A_749 = arith.mulf %mul3A_748, %get3A_290 : vector<16xf32>
          %mul3A_750 = arith.mulf %div3A_747, %mul3A_749 : vector<16xf32>
          %add3A_751 = arith.addf %add3A_699, %mul3A_750 : vector<16xf32>
          %add3A_752 = arith.addf %get3A_339, %add3A_751 : vector<16xf32>
          %swap3A_753 = arith.constant 0 : i32
          %swap3A_754 = arith.index_cast %swap3A_753 : i32 to index
          %swap3A_755 = arith.index_cast %mul3A_248 : i32 to index
          %swap3A_756 = tpu.vector_load %arg22[%swap3A_754, %swap3A_755] {strides = array<i32>} : memref<2x128xf32, #tpu.memory_space<vmem>>, vector<1x16xf32>,
          %swap3A_757 = vector.shape_cast %swap3A_756 : vector<1x16xf32> to vector<16xf32>
          %swap3A_758 = vector.shape_cast %add3A_752 : vector<16xf32> to vector<1x16xf32>
          tpu.vector_store %arg22[%swap3A_754, %swap3A_755], %swap3A_758 {strides = array<i32>} : memref<2x128xf32, #tpu.memory_space<vmem>>, vector<1x16xf32>,
          %get3A_759 = arith.constant 0 : i32
          %get3A_760 = arith.index_cast %get3A_759 : i32 to index
          %get3A_761 = arith.index_cast %mul3A_248 : i32 to index
          %get3A_762 = tpu.vector_load %arg14[%get3A_760, %get3A_761] {strides = array<i32>} : memref<2x128xf32, #tpu.memory_space<vmem>>, vector<1x16xf32>,
          %get3A_763 = vector.shape_cast %get3A_762 : vector<1x16xf32> to vector<16xf32>
          %sub3A_764 = arith.subf %add3A_752, %get3A_763 : vector<16xf32>
          %get3A_765 = arith.constant 0 : index
          %get3A_766 = tpu.vector_load %arg23[%get3A_765] {strides = array<i32>} : memref<16xf32, #tpu.memory_space<vmem>>, vector<16xf32>,
          %get3A_767 = vector.shape_cast %get3A_766 : vector<16xf32> to vector<16xf32>
          %mul3A_768 = arith.mulf %sub3A_764, %sub3A_764 : vector<16xf32>
          %add3A_769 = arith.addf %get3A_767, %mul3A_768 : vector<16xf32>
          %swap3A_770 = arith.constant 0 : index
          %swap3A_771 = tpu.vector_load %arg23[%swap3A_770] {strides = array<i32>} : memref<16xf32, #tpu.memory_space<vmem>>, vector<16xf32>,
          %swap3A_772 = vector.shape_cast %swap3A_771 : vector<16xf32> to vector<16xf32>
          %swap3A_773 = vector.shape_cast %add3A_769 : vector<16xf32> to vector<16xf32>
          tpu.vector_store %arg23[%swap3A_770], %swap3A_773 {strides = array<i32>} : memref<16xf32, #tpu.memory_space<vmem>>, vector<16xf32>,
          %mul3A_774 = arith.constant 32 : i32
          %mul3A_775 = arith.muli %scan3A_246, %mul3A_774 : i32
          %add3A_776 = arith.constant 16 : i32
          %add3A_777 = arith.addi %mul3A_775, %add3A_776 : i32
          %get3A_778 = arith.constant 0 : i32
          %get3A_779 = arith.constant 0 : i32
          %get3A_780 = arith.index_cast %get3A_778 : i32 to index
          %get3A_781 = arith.index_cast %get3A_779 : i32 to index
          %get3A_782 = arith.index_cast %add3A_777 : i32 to index
          %get3A_783 = tpu.vector_load %arg21[%get3A_780, %get3A_781, %get3A_782] {strides = array<i32>} : memref<2x16x128xf32, #tpu.memory_space<vmem>>, vector<1x1x16xf32>,
          %get3A_784 = vector.shape_cast %get3A_783 : vector<1x1x16xf32> to vector<16xf32>
          %get3A_785 = arith.constant 0 : i32
          %get3A_786 = arith.constant 1 : i32
          %get3A_787 = arith.index_cast %get3A_785 : i32 to index
          %get3A_788 = arith.index_cast %get3A_786 : i32 to index
          %get3A_789 = arith.index_cast %add3A_777 : i32 to index
          %get3A_790 = tpu.vector_load %arg21[%get3A_787, %get3A_788, %get3A_789] {strides = array<i32>} : memref<2x16x128xf32, #tpu.memory_space<vmem>>, vector<1x1x16xf32>,
          %get3A_791 = vector.shape_cast %get3A_790 : vector<1x1x16xf32> to vector<16xf32>
          %get3A_792 = arith.constant 0 : i32
          %get3A_793 = arith.constant 2 : i32
          %get3A_794 = arith.index_cast %get3A_792 : i32 to index
          %get3A_795 = arith.index_cast %get3A_793 : i32 to index
          %get3A_796 = arith.index_cast %add3A_777 : i32 to index
          %get3A_797 = tpu.vector_load %arg21[%get3A_794, %get3A_795, %get3A_796] {strides = array<i32>} : memref<2x16x128xf32, #tpu.memory_space<vmem>>, vector<1x1x16xf32>,
          %get3A_798 = vector.shape_cast %get3A_797 : vector<1x1x16xf32> to vector<16xf32>
          %get3A_799 = arith.constant 0 : i32
          %get3A_800 = arith.constant 3 : i32
          %get3A_801 = arith.index_cast %get3A_799 : i32 to index
          %get3A_802 = arith.index_cast %get3A_800 : i32 to index
          %get3A_803 = arith.index_cast %add3A_777 : i32 to index
          %get3A_804 = tpu.vector_load %arg21[%get3A_801, %get3A_802, %get3A_803] {strides = array<i32>} : memref<2x16x128xf32, #tpu.memory_space<vmem>>, vector<1x1x16xf32>,
          %get3A_805 = vector.shape_cast %get3A_804 : vector<1x1x16xf32> to vector<16xf32>
          %get3A_806 = arith.constant 0 : i32
          %get3A_807 = arith.constant 4 : i32
          %get3A_808 = arith.index_cast %get3A_806 : i32 to index
          %get3A_809 = arith.index_cast %get3A_807 : i32 to index
          %get3A_810 = arith.index_cast %add3A_777 : i32 to index
          %get3A_811 = tpu.vector_load %arg21[%get3A_808, %get3A_809, %get3A_810] {strides = array<i32>} : memref<2x16x128xf32, #tpu.memory_space<vmem>>, vector<1x1x16xf32>,
          %get3A_812 = vector.shape_cast %get3A_811 : vector<1x1x16xf32> to vector<16xf32>
          %get3A_813 = arith.constant 0 : i32
          %get3A_814 = arith.constant 5 : i32
          %get3A_815 = arith.index_cast %get3A_813 : i32 to index
          %get3A_816 = arith.index_cast %get3A_814 : i32 to index
          %get3A_817 = arith.index_cast %add3A_777 : i32 to index
          %get3A_818 = tpu.vector_load %arg21[%get3A_815, %get3A_816, %get3A_817] {strides = array<i32>} : memref<2x16x128xf32, #tpu.memory_space<vmem>>, vector<1x1x16xf32>,
          %get3A_819 = vector.shape_cast %get3A_818 : vector<1x1x16xf32> to vector<16xf32>
          %get3A_820 = arith.constant 0 : i32
          %get3A_821 = arith.constant 6 : i32
          %get3A_822 = arith.index_cast %get3A_820 : i32 to index
          %get3A_823 = arith.index_cast %get3A_821 : i32 to index
          %get3A_824 = arith.index_cast %add3A_777 : i32 to index
          %get3A_825 = tpu.vector_load %arg21[%get3A_822, %get3A_823, %get3A_824] {strides = array<i32>} : memref<2x16x128xf32, #tpu.memory_space<vmem>>, vector<1x1x16xf32>,
          %get3A_826 = vector.shape_cast %get3A_825 : vector<1x1x16xf32> to vector<16xf32>
          %get3A_827 = arith.constant 0 : i32
          %get3A_828 = arith.constant 7 : i32
          %get3A_829 = arith.index_cast %get3A_827 : i32 to index
          %get3A_830 = arith.index_cast %get3A_828 : i32 to index
          %get3A_831 = arith.index_cast %add3A_777 : i32 to index
          %get3A_832 = tpu.vector_load %arg21[%get3A_829, %get3A_830, %get3A_831] {strides = array<i32>} : memref<2x16x128xf32, #tpu.memory_space<vmem>>, vector<1x1x16xf32>,
          %get3A_833 = vector.shape_cast %get3A_832 : vector<1x1x16xf32> to vector<16xf32>
          %get3A_834 = arith.constant 0 : i32
          %get3A_835 = arith.constant 8 : i32
          %get3A_836 = arith.index_cast %get3A_834 : i32 to index
          %get3A_837 = arith.index_cast %get3A_835 : i32 to index
          %get3A_838 = arith.index_cast %add3A_777 : i32 to index
          %get3A_839 = tpu.vector_load %arg21[%get3A_836, %get3A_837, %get3A_838] {strides = array<i32>} : memref<2x16x128xf32, #tpu.memory_space<vmem>>, vector<1x1x16xf32>,
          %get3A_840 = vector.shape_cast %get3A_839 : vector<1x1x16xf32> to vector<16xf32>
          %get3A_841 = arith.constant 0 : i32
          %get3A_842 = arith.constant 9 : i32
          %get3A_843 = arith.index_cast %get3A_841 : i32 to index
          %get3A_844 = arith.index_cast %get3A_842 : i32 to index
          %get3A_845 = arith.index_cast %add3A_777 : i32 to index
          %get3A_846 = tpu.vector_load %arg21[%get3A_843, %get3A_844, %get3A_845] {strides = array<i32>} : memref<2x16x128xf32, #tpu.memory_space<vmem>>, vector<1x1x16xf32>,
          %get3A_847 = vector.shape_cast %get3A_846 : vector<1x1x16xf32> to vector<16xf32>
          %get3A_848 = arith.constant 0 : i32
          %get3A_849 = arith.constant 10 : i32
          %get3A_850 = arith.index_cast %get3A_848 : i32 to index
          %get3A_851 = arith.index_cast %get3A_849 : i32 to index
          %get3A_852 = arith.index_cast %add3A_777 : i32 to index
          %get3A_853 = tpu.vector_load %arg21[%get3A_850, %get3A_851, %get3A_852] {strides = array<i32>} : memref<2x16x128xf32, #tpu.memory_space<vmem>>, vector<1x1x16xf32>,
          %get3A_854 = vector.shape_cast %get3A_853 : vector<1x1x16xf32> to vector<16xf32>
          %get3A_855 = arith.constant 0 : i32
          %get3A_856 = arith.constant 11 : i32
          %get3A_857 = arith.index_cast %get3A_855 : i32 to index
          %get3A_858 = arith.index_cast %get3A_856 : i32 to index
          %get3A_859 = arith.index_cast %add3A_777 : i32 to index
          %get3A_860 = tpu.vector_load %arg21[%get3A_857, %get3A_858, %get3A_859] {strides = array<i32>} : memref<2x16x128xf32, #tpu.memory_space<vmem>>, vector<1x1x16xf32>,
          %get3A_861 = vector.shape_cast %get3A_860 : vector<1x1x16xf32> to vector<16xf32>
          %get3A_862 = arith.constant 0 : i32
          %get3A_863 = arith.constant 12 : i32
          %get3A_864 = arith.index_cast %get3A_862 : i32 to index
          %get3A_865 = arith.index_cast %get3A_863 : i32 to index
          %get3A_866 = arith.index_cast %add3A_777 : i32 to index
          %get3A_867 = tpu.vector_load %arg21[%get3A_864, %get3A_865, %get3A_866] {strides = array<i32>} : memref<2x16x128xf32, #tpu.memory_space<vmem>>, vector<1x1x16xf32>,
          %get3A_868 = vector.shape_cast %get3A_867 : vector<1x1x16xf32> to vector<16xf32>
          %add3A_869 = arith.addf %get3A_826, %get3A_840 : vector<16xf32>
          %add3A_870 = arith.addf %add3A_869, %get3A_854 : vector<16xf32>
          %bitcast_convert_type3A_871 = tpu.bitcast %add3A_870 : vector<16xf32> -> vector<16xi32>
          %shift_right_arithmetic3A_872 = arith.constant 1 : i32
          %shift_right_arithmetic3A_873 = vector.broadcast %shift_right_arithmetic3A_872 : i32 to vector<16xi32>
          %shift_right_arithmetic3A_874 = arith.shrsi %bitcast_convert_type3A_871, %shift_right_arithmetic3A_873 : vector<16xi32>
          %sub3A_875 = arith.constant 1597463007 : i32
          %sub3A_876 = vector.broadcast %sub3A_875 : i32 to vector<16xi32>
          %sub3A_877 = arith.subi %sub3A_876, %shift_right_arithmetic3A_874 : vector<16xi32>
          %bitcast_convert_type3A_878 = tpu.bitcast %sub3A_877 : vector<16xi32> -> vector<16xf32>
          %mul3A_879 = arith.constant 5.000000e-01 : f32
          %mul3A_880 = vector.broadcast %mul3A_879 : f32 to vector<16xf32>
          %mul3A_881 = arith.mulf %mul3A_880, %add3A_870 : vector<16xf32>
          %mul3A_882 = arith.mulf %mul3A_881, %bitcast_convert_type3A_878 : vector<16xf32>
          %mul3A_883 = arith.mulf %mul3A_882, %bitcast_convert_type3A_878 : vector<16xf32>
          %sub3A_884 = arith.constant 1.500000e+00 : f32
          %sub3A_885 = vector.broadcast %sub3A_884 : f32 to vector<16xf32>
          %sub3A_886 = arith.subf %sub3A_885, %mul3A_883 : vector<16xf32>
          %mul3A_887 = arith.mulf %bitcast_convert_type3A_878, %sub3A_886 : vector<16xf32>
          %mul3A_888 = arith.constant 5.000000e-01 : f32
          %mul3A_889 = vector.broadcast %mul3A_888 : f32 to vector<16xf32>
          %mul3A_890 = arith.mulf %mul3A_889, %add3A_870 : vector<16xf32>
          %mul3A_891 = arith.mulf %mul3A_890, %mul3A_887 : vector<16xf32>
          %mul3A_892 = arith.mulf %mul3A_891, %mul3A_887 : vector<16xf32>
          %sub3A_893 = arith.constant 1.500000e+00 : f32
          %sub3A_894 = vector.broadcast %sub3A_893 : f32 to vector<16xf32>
          %sub3A_895 = arith.subf %sub3A_894, %mul3A_892 : vector<16xf32>
          %mul3A_896 = arith.mulf %mul3A_887, %sub3A_895 : vector<16xf32>
          %mul3A_897 = arith.constant 5.000000e-01 : f32
          %mul3A_898 = vector.broadcast %mul3A_897 : f32 to vector<16xf32>
          %mul3A_899 = arith.mulf %mul3A_898, %add3A_870 : vector<16xf32>
          %mul3A_900 = arith.mulf %mul3A_899, %mul3A_896 : vector<16xf32>
          %mul3A_901 = arith.mulf %mul3A_900, %mul3A_896 : vector<16xf32>
          %sub3A_902 = arith.constant 1.500000e+00 : f32
          %sub3A_903 = vector.broadcast %sub3A_902 : f32 to vector<16xf32>
          %sub3A_904 = arith.subf %sub3A_903, %mul3A_901 : vector<16xf32>
          %mul3A_905 = arith.mulf %mul3A_896, %sub3A_904 : vector<16xf32>
          %mul3A_906 = arith.mulf %add3A_870, %mul3A_905 : vector<16xf32>
          %add3A_907 = arith.constant 0 : i32
          %add3A_908 = arith.addi %add3A_907, %add3A_777 : i32
          %get3A_909 = arith.constant 0 : i32
          %get3A_910 = arith.constant 0 : i32
          %get3A_911 = arith.index_cast %get3A_909 : i32 to index
          %get3A_912 = arith.index_cast %get3A_910 : i32 to index
          %get3A_913 = arith.index_cast %add3A_908 : i32 to index
          %get3A_914 = tpu.vector_load %arg20[%get3A_911, %get3A_912, %get3A_913] {strides = array<i32>} : memref<2x1x1024xf32, #tpu.memory_space<vmem>>, vector<1x1x16xf32>,
          %get3A_915 = vector.shape_cast %get3A_914 : vector<1x1x16xf32> to vector<16xf32>
          %div3A_916 = arith.divf %mul3A_906, %get3A_915 : vector<16xf32>
          %mul3A_917 = arith.mulf %get3A_784, %get3A_798 : vector<16xf32>
          %mul3A_918 = arith.mulf %mul3A_917, %get3A_812 : vector<16xf32>
          %mul3A_919 = arith.mulf %div3A_916, %mul3A_918 : vector<16xf32>
          %add3A_920 = arith.addf %get3A_833, %get3A_840 : vector<16xf32>
          %add3A_921 = arith.addf %add3A_920, %get3A_854 : vector<16xf32>
          %bitcast_convert_type3A_922 = tpu.bitcast %add3A_921 : vector<16xf32> -> vector<16xi32>
          %shift_right_arithmetic3A_923 = arith.constant 1 : i32
          %shift_right_arithmetic3A_924 = vector.broadcast %shift_right_arithmetic3A_923 : i32 to vector<16xi32>
          %shift_right_arithmetic3A_925 = arith.shrsi %bitcast_convert_type3A_922, %shift_right_arithmetic3A_924 : vector<16xi32>
          %sub3A_926 = arith.constant 1597463007 : i32
          %sub3A_927 = vector.broadcast %sub3A_926 : i32 to vector<16xi32>
          %sub3A_928 = arith.subi %sub3A_927, %shift_right_arithmetic3A_925 : vector<16xi32>
          %bitcast_convert_type3A_929 = tpu.bitcast %sub3A_928 : vector<16xi32> -> vector<16xf32>
          %mul3A_930 = arith.constant 5.000000e-01 : f32
          %mul3A_931 = vector.broadcast %mul3A_930 : f32 to vector<16xf32>
          %mul3A_932 = arith.mulf %mul3A_931, %add3A_921 : vector<16xf32>
          %mul3A_933 = arith.mulf %mul3A_932, %bitcast_convert_type3A_929 : vector<16xf32>
          %mul3A_934 = arith.mulf %mul3A_933, %bitcast_convert_type3A_929 : vector<16xf32>
          %sub3A_935 = arith.constant 1.500000e+00 : f32
          %sub3A_936 = vector.broadcast %sub3A_935 : f32 to vector<16xf32>
          %sub3A_937 = arith.subf %sub3A_936, %mul3A_934 : vector<16xf32>
          %mul3A_938 = arith.mulf %bitcast_convert_type3A_929, %sub3A_937 : vector<16xf32>
          %mul3A_939 = arith.constant 5.000000e-01 : f32
          %mul3A_940 = vector.broadcast %mul3A_939 : f32 to vector<16xf32>
          %mul3A_941 = arith.mulf %mul3A_940, %add3A_921 : vector<16xf32>
          %mul3A_942 = arith.mulf %mul3A_941, %mul3A_938 : vector<16xf32>
          %mul3A_943 = arith.mulf %mul3A_942, %mul3A_938 : vector<16xf32>
          %sub3A_944 = arith.constant 1.500000e+00 : f32
          %sub3A_945 = vector.broadcast %sub3A_944 : f32 to vector<16xf32>
          %sub3A_946 = arith.subf %sub3A_945, %mul3A_943 : vector<16xf32>
          %mul3A_947 = arith.mulf %mul3A_938, %sub3A_946 : vector<16xf32>
          %mul3A_948 = arith.constant 5.000000e-01 : f32
          %mul3A_949 = vector.broadcast %mul3A_948 : f32 to vector<16xf32>
          %mul3A_950 = arith.mulf %mul3A_949, %add3A_921 : vector<16xf32>
          %mul3A_951 = arith.mulf %mul3A_950, %mul3A_947 : vector<16xf32>
          %mul3A_952 = arith.mulf %mul3A_951, %mul3A_947 : vector<16xf32>
          %sub3A_953 = arith.constant 1.500000e+00 : f32
          %sub3A_954 = vector.broadcast %sub3A_953 : f32 to vector<16xf32>
          %sub3A_955 = arith.subf %sub3A_954, %mul3A_952 : vector<16xf32>
          %mul3A_956 = arith.mulf %mul3A_947, %sub3A_955 : vector<16xf32>
          %mul3A_957 = arith.mulf %add3A_921, %mul3A_956 : vector<16xf32>
          %add3A_958 = arith.constant 512 : i32
          %add3A_959 = arith.addi %add3A_958, %add3A_777 : i32
          %get3A_960 = arith.constant 0 : i32
          %get3A_961 = arith.constant 0 : i32
          %get3A_962 = arith.index_cast %get3A_960 : i32 to index
          %get3A_963 = arith.index_cast %get3A_961 : i32 to index
          %get3A_964 = arith.index_cast %add3A_959 : i32 to index
          %get3A_965 = tpu.vector_load %arg20[%get3A_962, %get3A_963, %get3A_964] {strides = array<i32>} : memref<2x1x1024xf32, #tpu.memory_space<vmem>>, vector<1x1x16xf32>,
          %get3A_966 = vector.shape_cast %get3A_965 : vector<1x1x16xf32> to vector<16xf32>
          %div3A_967 = arith.divf %mul3A_957, %get3A_966 : vector<16xf32>
          %mul3A_968 = arith.mulf %get3A_791, %get3A_798 : vector<16xf32>
          %mul3A_969 = arith.mulf %mul3A_968, %get3A_812 : vector<16xf32>
          %mul3A_970 = arith.mulf %div3A_967, %mul3A_969 : vector<16xf32>
          %add3A_971 = arith.addf %mul3A_919, %mul3A_970 : vector<16xf32>
          %add3A_972 = arith.addf %get3A_826, %get3A_847 : vector<16xf32>
          %add3A_973 = arith.addf %add3A_972, %get3A_854 : vector<16xf32>
          %bitcast_convert_type3A_974 = tpu.bitcast %add3A_973 : vector<16xf32> -> vector<16xi32>
          %shift_right_arithmetic3A_975 = arith.constant 1 : i32
          %shift_right_arithmetic3A_976 = vector.broadcast %shift_right_arithmetic3A_975 : i32 to vector<16xi32>
          %shift_right_arithmetic3A_977 = arith.shrsi %bitcast_convert_type3A_974, %shift_right_arithmetic3A_976 : vector<16xi32>
          %sub3A_978 = arith.constant 1597463007 : i32
          %sub3A_979 = vector.broadcast %sub3A_978 : i32 to vector<16xi32>
          %sub3A_980 = arith.subi %sub3A_979, %shift_right_arithmetic3A_977 : vector<16xi32>
          %bitcast_convert_type3A_981 = tpu.bitcast %sub3A_980 : vector<16xi32> -> vector<16xf32>
          %mul3A_982 = arith.constant 5.000000e-01 : f32
          %mul3A_983 = vector.broadcast %mul3A_982 : f32 to vector<16xf32>
          %mul3A_984 = arith.mulf %mul3A_983, %add3A_973 : vector<16xf32>
          %mul3A_985 = arith.mulf %mul3A_984, %bitcast_convert_type3A_981 : vector<16xf32>
          %mul3A_986 = arith.mulf %mul3A_985, %bitcast_convert_type3A_981 : vector<16xf32>
          %sub3A_987 = arith.constant 1.500000e+00 : f32
          %sub3A_988 = vector.broadcast %sub3A_987 : f32 to vector<16xf32>
          %sub3A_989 = arith.subf %sub3A_988, %mul3A_986 : vector<16xf32>
          %mul3A_990 = arith.mulf %bitcast_convert_type3A_981, %sub3A_989 : vector<16xf32>
          %mul3A_991 = arith.constant 5.000000e-01 : f32
          %mul3A_992 = vector.broadcast %mul3A_991 : f32 to vector<16xf32>
          %mul3A_993 = arith.mulf %mul3A_992, %add3A_973 : vector<16xf32>
          %mul3A_994 = arith.mulf %mul3A_993, %mul3A_990 : vector<16xf32>
          %mul3A_995 = arith.mulf %mul3A_994, %mul3A_990 : vector<16xf32>
          %sub3A_996 = arith.constant 1.500000e+00 : f32
          %sub3A_997 = vector.broadcast %sub3A_996 : f32 to vector<16xf32>
          %sub3A_998 = arith.subf %sub3A_997, %mul3A_995 : vector<16xf32>
          %mul3A_999 = arith.mulf %mul3A_990, %sub3A_998 : vector<16xf32>
          %mul3A_1000 = arith.constant 5.000000e-01 : f32
          %mul3A_1001 = vector.broadcast %mul3A_1000 : f32 to vector<16xf32>
          %mul3A_1002 = arith.mulf %mul3A_1001, %add3A_973 : vector<16xf32>
          %mul3A_1003 = arith.mulf %mul3A_1002, %mul3A_999 : vector<16xf32>
          %mul3A_1004 = arith.mulf %mul3A_1003, %mul3A_999 : vector<16xf32>
          %sub3A_1005 = arith.constant 1.500000e+00 : f32
          %sub3A_1006 = vector.broadcast %sub3A_1005 : f32 to vector<16xf32>
          %sub3A_1007 = arith.subf %sub3A_1006, %mul3A_1004 : vector<16xf32>
          %mul3A_1008 = arith.mulf %mul3A_999, %sub3A_1007 : vector<16xf32>
          %mul3A_1009 = arith.mulf %add3A_973, %mul3A_1008 : vector<16xf32>
          %add3A_1010 = arith.constant 256 : i32
          %add3A_1011 = arith.addi %add3A_1010, %add3A_777 : i32
          %get3A_1012 = arith.constant 0 : i32
          %get3A_1013 = arith.constant 0 : i32
          %get3A_1014 = arith.index_cast %get3A_1012 : i32 to index
          %get3A_1015 = arith.index_cast %get3A_1013 : i32 to index
          %get3A_1016 = arith.index_cast %add3A_1011 : i32 to index
          %get3A_1017 = tpu.vector_load %arg20[%get3A_1014, %get3A_1015, %get3A_1016] {strides = array<i32>} : memref<2x1x1024xf32, #tpu.memory_space<vmem>>, vector<1x1x16xf32>,
          %get3A_1018 = vector.shape_cast %get3A_1017 : vector<1x1x16xf32> to vector<16xf32>
          %div3A_1019 = arith.divf %mul3A_1009, %get3A_1018 : vector<16xf32>
          %mul3A_1020 = arith.mulf %get3A_784, %get3A_805 : vector<16xf32>
          %mul3A_1021 = arith.mulf %mul3A_1020, %get3A_812 : vector<16xf32>
          %mul3A_1022 = arith.mulf %div3A_1019, %mul3A_1021 : vector<16xf32>
          %add3A_1023 = arith.addf %add3A_971, %mul3A_1022 : vector<16xf32>
          %add3A_1024 = arith.addf %get3A_833, %get3A_847 : vector<16xf32>
          %add3A_1025 = arith.addf %add3A_1024, %get3A_854 : vector<16xf32>
          %bitcast_convert_type3A_1026 = tpu.bitcast %add3A_1025 : vector<16xf32> -> vector<16xi32>
          %shift_right_arithmetic3A_1027 = arith.constant 1 : i32
          %shift_right_arithmetic3A_1028 = vector.broadcast %shift_right_arithmetic3A_1027 : i32 to vector<16xi32>
          %shift_right_arithmetic3A_1029 = arith.shrsi %bitcast_convert_type3A_1026, %shift_right_arithmetic3A_1028 : vector<16xi32>
          %sub3A_1030 = arith.constant 1597463007 : i32
          %sub3A_1031 = vector.broadcast %sub3A_1030 : i32 to vector<16xi32>
          %sub3A_1032 = arith.subi %sub3A_1031, %shift_right_arithmetic3A_1029 : vector<16xi32>
          %bitcast_convert_type3A_1033 = tpu.bitcast %sub3A_1032 : vector<16xi32> -> vector<16xf32>
          %mul3A_1034 = arith.constant 5.000000e-01 : f32
          %mul3A_1035 = vector.broadcast %mul3A_1034 : f32 to vector<16xf32>
          %mul3A_1036 = arith.mulf %mul3A_1035, %add3A_1025 : vector<16xf32>
          %mul3A_1037 = arith.mulf %mul3A_1036, %bitcast_convert_type3A_1033 : vector<16xf32>
          %mul3A_1038 = arith.mulf %mul3A_1037, %bitcast_convert_type3A_1033 : vector<16xf32>
          %sub3A_1039 = arith.constant 1.500000e+00 : f32
          %sub3A_1040 = vector.broadcast %sub3A_1039 : f32 to vector<16xf32>
          %sub3A_1041 = arith.subf %sub3A_1040, %mul3A_1038 : vector<16xf32>
          %mul3A_1042 = arith.mulf %bitcast_convert_type3A_1033, %sub3A_1041 : vector<16xf32>
          %mul3A_1043 = arith.constant 5.000000e-01 : f32
          %mul3A_1044 = vector.broadcast %mul3A_1043 : f32 to vector<16xf32>
          %mul3A_1045 = arith.mulf %mul3A_1044, %add3A_1025 : vector<16xf32>
          %mul3A_1046 = arith.mulf %mul3A_1045, %mul3A_1042 : vector<16xf32>
          %mul3A_1047 = arith.mulf %mul3A_1046, %mul3A_1042 : vector<16xf32>
          %sub3A_1048 = arith.constant 1.500000e+00 : f32
          %sub3A_1049 = vector.broadcast %sub3A_1048 : f32 to vector<16xf32>
          %sub3A_1050 = arith.subf %sub3A_1049, %mul3A_1047 : vector<16xf32>
          %mul3A_1051 = arith.mulf %mul3A_1042, %sub3A_1050 : vector<16xf32>
          %mul3A_1052 = arith.constant 5.000000e-01 : f32
          %mul3A_1053 = vector.broadcast %mul3A_1052 : f32 to vector<16xf32>
          %mul3A_1054 = arith.mulf %mul3A_1053, %add3A_1025 : vector<16xf32>
          %mul3A_1055 = arith.mulf %mul3A_1054, %mul3A_1051 : vector<16xf32>
          %mul3A_1056 = arith.mulf %mul3A_1055, %mul3A_1051 : vector<16xf32>
          %sub3A_1057 = arith.constant 1.500000e+00 : f32
          %sub3A_1058 = vector.broadcast %sub3A_1057 : f32 to vector<16xf32>
          %sub3A_1059 = arith.subf %sub3A_1058, %mul3A_1056 : vector<16xf32>
          %mul3A_1060 = arith.mulf %mul3A_1051, %sub3A_1059 : vector<16xf32>
          %mul3A_1061 = arith.mulf %add3A_1025, %mul3A_1060 : vector<16xf32>
          %add3A_1062 = arith.constant 768 : i32
          %add3A_1063 = arith.addi %add3A_1062, %add3A_777 : i32
          %get3A_1064 = arith.constant 0 : i32
          %get3A_1065 = arith.constant 0 : i32
          %get3A_1066 = arith.index_cast %get3A_1064 : i32 to index
          %get3A_1067 = arith.index_cast %get3A_1065 : i32 to index
          %get3A_1068 = arith.index_cast %add3A_1063 : i32 to index
          %get3A_1069 = tpu.vector_load %arg20[%get3A_1066, %get3A_1067, %get3A_1068] {strides = array<i32>} : memref<2x1x1024xf32, #tpu.memory_space<vmem>>, vector<1x1x16xf32>,
          %get3A_1070 = vector.shape_cast %get3A_1069 : vector<1x1x16xf32> to vector<16xf32>
          %div3A_1071 = arith.divf %mul3A_1061, %get3A_1070 : vector<16xf32>
          %mul3A_1072 = arith.mulf %get3A_791, %get3A_805 : vector<16xf32>
          %mul3A_1073 = arith.mulf %mul3A_1072, %get3A_812 : vector<16xf32>
          %mul3A_1074 = arith.mulf %div3A_1071, %mul3A_1073 : vector<16xf32>
          %add3A_1075 = arith.addf %add3A_1023, %mul3A_1074 : vector<16xf32>
          %add3A_1076 = arith.addf %get3A_826, %get3A_840 : vector<16xf32>
          %add3A_1077 = arith.addf %add3A_1076, %get3A_861 : vector<16xf32>
          %bitcast_convert_type3A_1078 = tpu.bitcast %add3A_1077 : vector<16xf32> -> vector<16xi32>
          %shift_right_arithmetic3A_1079 = arith.constant 1 : i32
          %shift_right_arithmetic3A_1080 = vector.broadcast %shift_right_arithmetic3A_1079 : i32 to vector<16xi32>
          %shift_right_arithmetic3A_1081 = arith.shrsi %bitcast_convert_type3A_1078, %shift_right_arithmetic3A_1080 : vector<16xi32>
          %sub3A_1082 = arith.constant 1597463007 : i32
          %sub3A_1083 = vector.broadcast %sub3A_1082 : i32 to vector<16xi32>
          %sub3A_1084 = arith.subi %sub3A_1083, %shift_right_arithmetic3A_1081 : vector<16xi32>
          %bitcast_convert_type3A_1085 = tpu.bitcast %sub3A_1084 : vector<16xi32> -> vector<16xf32>
          %mul3A_1086 = arith.constant 5.000000e-01 : f32
          %mul3A_1087 = vector.broadcast %mul3A_1086 : f32 to vector<16xf32>
          %mul3A_1088 = arith.mulf %mul3A_1087, %add3A_1077 : vector<16xf32>
          %mul3A_1089 = arith.mulf %mul3A_1088, %bitcast_convert_type3A_1085 : vector<16xf32>
          %mul3A_1090 = arith.mulf %mul3A_1089, %bitcast_convert_type3A_1085 : vector<16xf32>
          %sub3A_1091 = arith.constant 1.500000e+00 : f32
          %sub3A_1092 = vector.broadcast %sub3A_1091 : f32 to vector<16xf32>
          %sub3A_1093 = arith.subf %sub3A_1092, %mul3A_1090 : vector<16xf32>
          %mul3A_1094 = arith.mulf %bitcast_convert_type3A_1085, %sub3A_1093 : vector<16xf32>
          %mul3A_1095 = arith.constant 5.000000e-01 : f32
          %mul3A_1096 = vector.broadcast %mul3A_1095 : f32 to vector<16xf32>
          %mul3A_1097 = arith.mulf %mul3A_1096, %add3A_1077 : vector<16xf32>
          %mul3A_1098 = arith.mulf %mul3A_1097, %mul3A_1094 : vector<16xf32>
          %mul3A_1099 = arith.mulf %mul3A_1098, %mul3A_1094 : vector<16xf32>
          %sub3A_1100 = arith.constant 1.500000e+00 : f32
          %sub3A_1101 = vector.broadcast %sub3A_1100 : f32 to vector<16xf32>
          %sub3A_1102 = arith.subf %sub3A_1101, %mul3A_1099 : vector<16xf32>
          %mul3A_1103 = arith.mulf %mul3A_1094, %sub3A_1102 : vector<16xf32>
          %mul3A_1104 = arith.constant 5.000000e-01 : f32
          %mul3A_1105 = vector.broadcast %mul3A_1104 : f32 to vector<16xf32>
          %mul3A_1106 = arith.mulf %mul3A_1105, %add3A_1077 : vector<16xf32>
          %mul3A_1107 = arith.mulf %mul3A_1106, %mul3A_1103 : vector<16xf32>
          %mul3A_1108 = arith.mulf %mul3A_1107, %mul3A_1103 : vector<16xf32>
          %sub3A_1109 = arith.constant 1.500000e+00 : f32
          %sub3A_1110 = vector.broadcast %sub3A_1109 : f32 to vector<16xf32>
          %sub3A_1111 = arith.subf %sub3A_1110, %mul3A_1108 : vector<16xf32>
          %mul3A_1112 = arith.mulf %mul3A_1103, %sub3A_1111 : vector<16xf32>
          %mul3A_1113 = arith.mulf %add3A_1077, %mul3A_1112 : vector<16xf32>
          %add3A_1114 = arith.constant 128 : i32
          %add3A_1115 = arith.addi %add3A_1114, %add3A_777 : i32
          %get3A_1116 = arith.constant 0 : i32
          %get3A_1117 = arith.constant 0 : i32
          %get3A_1118 = arith.index_cast %get3A_1116 : i32 to index
          %get3A_1119 = arith.index_cast %get3A_1117 : i32 to index
          %get3A_1120 = arith.index_cast %add3A_1115 : i32 to index
          %get3A_1121 = tpu.vector_load %arg20[%get3A_1118, %get3A_1119, %get3A_1120] {strides = array<i32>} : memref<2x1x1024xf32, #tpu.memory_space<vmem>>, vector<1x1x16xf32>,
          %get3A_1122 = vector.shape_cast %get3A_1121 : vector<1x1x16xf32> to vector<16xf32>
          %div3A_1123 = arith.divf %mul3A_1113, %get3A_1122 : vector<16xf32>
          %mul3A_1124 = arith.mulf %get3A_784, %get3A_798 : vector<16xf32>
          %mul3A_1125 = arith.mulf %mul3A_1124, %get3A_819 : vector<16xf32>
          %mul3A_1126 = arith.mulf %div3A_1123, %mul3A_1125 : vector<16xf32>
          %add3A_1127 = arith.addf %add3A_1075, %mul3A_1126 : vector<16xf32>
          %add3A_1128 = arith.addf %get3A_833, %get3A_840 : vector<16xf32>
          %add3A_1129 = arith.addf %add3A_1128, %get3A_861 : vector<16xf32>
          %bitcast_convert_type3A_1130 = tpu.bitcast %add3A_1129 : vector<16xf32> -> vector<16xi32>
          %shift_right_arithmetic3A_1131 = arith.constant 1 : i32
          %shift_right_arithmetic3A_1132 = vector.broadcast %shift_right_arithmetic3A_1131 : i32 to vector<16xi32>
          %shift_right_arithmetic3A_1133 = arith.shrsi %bitcast_convert_type3A_1130, %shift_right_arithmetic3A_1132 : vector<16xi32>
          %sub3A_1134 = arith.constant 1597463007 : i32
          %sub3A_1135 = vector.broadcast %sub3A_1134 : i32 to vector<16xi32>
          %sub3A_1136 = arith.subi %sub3A_1135, %shift_right_arithmetic3A_1133 : vector<16xi32>
          %bitcast_convert_type3A_1137 = tpu.bitcast %sub3A_1136 : vector<16xi32> -> vector<16xf32>
          %mul3A_1138 = arith.constant 5.000000e-01 : f32
          %mul3A_1139 = vector.broadcast %mul3A_1138 : f32 to vector<16xf32>
          %mul3A_1140 = arith.mulf %mul3A_1139, %add3A_1129 : vector<16xf32>
          %mul3A_1141 = arith.mulf %mul3A_1140, %bitcast_convert_type3A_1137 : vector<16xf32>
          %mul3A_1142 = arith.mulf %mul3A_1141, %bitcast_convert_type3A_1137 : vector<16xf32>
          %sub3A_1143 = arith.constant 1.500000e+00 : f32
          %sub3A_1144 = vector.broadcast %sub3A_1143 : f32 to vector<16xf32>
          %sub3A_1145 = arith.subf %sub3A_1144, %mul3A_1142 : vector<16xf32>
          %mul3A_1146 = arith.mulf %bitcast_convert_type3A_1137, %sub3A_1145 : vector<16xf32>
          %mul3A_1147 = arith.constant 5.000000e-01 : f32
          %mul3A_1148 = vector.broadcast %mul3A_1147 : f32 to vector<16xf32>
          %mul3A_1149 = arith.mulf %mul3A_1148, %add3A_1129 : vector<16xf32>
          %mul3A_1150 = arith.mulf %mul3A_1149, %mul3A_1146 : vector<16xf32>
          %mul3A_1151 = arith.mulf %mul3A_1150, %mul3A_1146 : vector<16xf32>
          %sub3A_1152 = arith.constant 1.500000e+00 : f32
          %sub3A_1153 = vector.broadcast %sub3A_1152 : f32 to vector<16xf32>
          %sub3A_1154 = arith.subf %sub3A_1153, %mul3A_1151 : vector<16xf32>
          %mul3A_1155 = arith.mulf %mul3A_1146, %sub3A_1154 : vector<16xf32>
          %mul3A_1156 = arith.constant 5.000000e-01 : f32
          %mul3A_1157 = vector.broadcast %mul3A_1156 : f32 to vector<16xf32>
          %mul3A_1158 = arith.mulf %mul3A_1157, %add3A_1129 : vector<16xf32>
          %mul3A_1159 = arith.mulf %mul3A_1158, %mul3A_1155 : vector<16xf32>
          %mul3A_1160 = arith.mulf %mul3A_1159, %mul3A_1155 : vector<16xf32>
          %sub3A_1161 = arith.constant 1.500000e+00 : f32
          %sub3A_1162 = vector.broadcast %sub3A_1161 : f32 to vector<16xf32>
          %sub3A_1163 = arith.subf %sub3A_1162, %mul3A_1160 : vector<16xf32>
          %mul3A_1164 = arith.mulf %mul3A_1155, %sub3A_1163 : vector<16xf32>
          %mul3A_1165 = arith.mulf %add3A_1129, %mul3A_1164 : vector<16xf32>
          %add3A_1166 = arith.constant 640 : i32
          %add3A_1167 = arith.addi %add3A_1166, %add3A_777 : i32
          %get3A_1168 = arith.constant 0 : i32
          %get3A_1169 = arith.constant 0 : i32
          %get3A_1170 = arith.index_cast %get3A_1168 : i32 to index
          %get3A_1171 = arith.index_cast %get3A_1169 : i32 to index
          %get3A_1172 = arith.index_cast %add3A_1167 : i32 to index
          %get3A_1173 = tpu.vector_load %arg20[%get3A_1170, %get3A_1171, %get3A_1172] {strides = array<i32>} : memref<2x1x1024xf32, #tpu.memory_space<vmem>>, vector<1x1x16xf32>,
          %get3A_1174 = vector.shape_cast %get3A_1173 : vector<1x1x16xf32> to vector<16xf32>
          %div3A_1175 = arith.divf %mul3A_1165, %get3A_1174 : vector<16xf32>
          %mul3A_1176 = arith.mulf %get3A_791, %get3A_798 : vector<16xf32>
          %mul3A_1177 = arith.mulf %mul3A_1176, %get3A_819 : vector<16xf32>
          %mul3A_1178 = arith.mulf %div3A_1175, %mul3A_1177 : vector<16xf32>
          %add3A_1179 = arith.addf %add3A_1127, %mul3A_1178 : vector<16xf32>
          %add3A_1180 = arith.addf %get3A_826, %get3A_847 : vector<16xf32>
          %add3A_1181 = arith.addf %add3A_1180, %get3A_861 : vector<16xf32>
          %bitcast_convert_type3A_1182 = tpu.bitcast %add3A_1181 : vector<16xf32> -> vector<16xi32>
          %shift_right_arithmetic3A_1183 = arith.constant 1 : i32
          %shift_right_arithmetic3A_1184 = vector.broadcast %shift_right_arithmetic3A_1183 : i32 to vector<16xi32>
          %shift_right_arithmetic3A_1185 = arith.shrsi %bitcast_convert_type3A_1182, %shift_right_arithmetic3A_1184 : vector<16xi32>
          %sub3A_1186 = arith.constant 1597463007 : i32
          %sub3A_1187 = vector.broadcast %sub3A_1186 : i32 to vector<16xi32>
          %sub3A_1188 = arith.subi %sub3A_1187, %shift_right_arithmetic3A_1185 : vector<16xi32>
          %bitcast_convert_type3A_1189 = tpu.bitcast %sub3A_1188 : vector<16xi32> -> vector<16xf32>
          %mul3A_1190 = arith.constant 5.000000e-01 : f32
          %mul3A_1191 = vector.broadcast %mul3A_1190 : f32 to vector<16xf32>
          %mul3A_1192 = arith.mulf %mul3A_1191, %add3A_1181 : vector<16xf32>
          %mul3A_1193 = arith.mulf %mul3A_1192, %bitcast_convert_type3A_1189 : vector<16xf32>
          %mul3A_1194 = arith.mulf %mul3A_1193, %bitcast_convert_type3A_1189 : vector<16xf32>
          %sub3A_1195 = arith.constant 1.500000e+00 : f32
          %sub3A_1196 = vector.broadcast %sub3A_1195 : f32 to vector<16xf32>
          %sub3A_1197 = arith.subf %sub3A_1196, %mul3A_1194 : vector<16xf32>
          %mul3A_1198 = arith.mulf %bitcast_convert_type3A_1189, %sub3A_1197 : vector<16xf32>
          %mul3A_1199 = arith.constant 5.000000e-01 : f32
          %mul3A_1200 = vector.broadcast %mul3A_1199 : f32 to vector<16xf32>
          %mul3A_1201 = arith.mulf %mul3A_1200, %add3A_1181 : vector<16xf32>
          %mul3A_1202 = arith.mulf %mul3A_1201, %mul3A_1198 : vector<16xf32>
          %mul3A_1203 = arith.mulf %mul3A_1202, %mul3A_1198 : vector<16xf32>
          %sub3A_1204 = arith.constant 1.500000e+00 : f32
          %sub3A_1205 = vector.broadcast %sub3A_1204 : f32 to vector<16xf32>
          %sub3A_1206 = arith.subf %sub3A_1205, %mul3A_1203 : vector<16xf32>
          %mul3A_1207 = arith.mulf %mul3A_1198, %sub3A_1206 : vector<16xf32>
          %mul3A_1208 = arith.constant 5.000000e-01 : f32
          %mul3A_1209 = vector.broadcast %mul3A_1208 : f32 to vector<16xf32>
          %mul3A_1210 = arith.mulf %mul3A_1209, %add3A_1181 : vector<16xf32>
          %mul3A_1211 = arith.mulf %mul3A_1210, %mul3A_1207 : vector<16xf32>
          %mul3A_1212 = arith.mulf %mul3A_1211, %mul3A_1207 : vector<16xf32>
          %sub3A_1213 = arith.constant 1.500000e+00 : f32
          %sub3A_1214 = vector.broadcast %sub3A_1213 : f32 to vector<16xf32>
          %sub3A_1215 = arith.subf %sub3A_1214, %mul3A_1212 : vector<16xf32>
          %mul3A_1216 = arith.mulf %mul3A_1207, %sub3A_1215 : vector<16xf32>
          %mul3A_1217 = arith.mulf %add3A_1181, %mul3A_1216 : vector<16xf32>
          %add3A_1218 = arith.constant 384 : i32
          %add3A_1219 = arith.addi %add3A_1218, %add3A_777 : i32
          %get3A_1220 = arith.constant 0 : i32
          %get3A_1221 = arith.constant 0 : i32
          %get3A_1222 = arith.index_cast %get3A_1220 : i32 to index
          %get3A_1223 = arith.index_cast %get3A_1221 : i32 to index
          %get3A_1224 = arith.index_cast %add3A_1219 : i32 to index
          %get3A_1225 = tpu.vector_load %arg20[%get3A_1222, %get3A_1223, %get3A_1224] {strides = array<i32>} : memref<2x1x1024xf32, #tpu.memory_space<vmem>>, vector<1x1x16xf32>,
          %get3A_1226 = vector.shape_cast %get3A_1225 : vector<1x1x16xf32> to vector<16xf32>
          %div3A_1227 = arith.divf %mul3A_1217, %get3A_1226 : vector<16xf32>
          %mul3A_1228 = arith.mulf %get3A_784, %get3A_805 : vector<16xf32>
          %mul3A_1229 = arith.mulf %mul3A_1228, %get3A_819 : vector<16xf32>
          %mul3A_1230 = arith.mulf %div3A_1227, %mul3A_1229 : vector<16xf32>
          %add3A_1231 = arith.addf %add3A_1179, %mul3A_1230 : vector<16xf32>
          %add3A_1232 = arith.addf %get3A_833, %get3A_847 : vector<16xf32>
          %add3A_1233 = arith.addf %add3A_1232, %get3A_861 : vector<16xf32>
          %bitcast_convert_type3A_1234 = tpu.bitcast %add3A_1233 : vector<16xf32> -> vector<16xi32>
          %shift_right_arithmetic3A_1235 = arith.constant 1 : i32
          %shift_right_arithmetic3A_1236 = vector.broadcast %shift_right_arithmetic3A_1235 : i32 to vector<16xi32>
          %shift_right_arithmetic3A_1237 = arith.shrsi %bitcast_convert_type3A_1234, %shift_right_arithmetic3A_1236 : vector<16xi32>
          %sub3A_1238 = arith.constant 1597463007 : i32
          %sub3A_1239 = vector.broadcast %sub3A_1238 : i32 to vector<16xi32>
          %sub3A_1240 = arith.subi %sub3A_1239, %shift_right_arithmetic3A_1237 : vector<16xi32>
          %bitcast_convert_type3A_1241 = tpu.bitcast %sub3A_1240 : vector<16xi32> -> vector<16xf32>
          %mul3A_1242 = arith.constant 5.000000e-01 : f32
          %mul3A_1243 = vector.broadcast %mul3A_1242 : f32 to vector<16xf32>
          %mul3A_1244 = arith.mulf %mul3A_1243, %add3A_1233 : vector<16xf32>
          %mul3A_1245 = arith.mulf %mul3A_1244, %bitcast_convert_type3A_1241 : vector<16xf32>
          %mul3A_1246 = arith.mulf %mul3A_1245, %bitcast_convert_type3A_1241 : vector<16xf32>
          %sub3A_1247 = arith.constant 1.500000e+00 : f32
          %sub3A_1248 = vector.broadcast %sub3A_1247 : f32 to vector<16xf32>
          %sub3A_1249 = arith.subf %sub3A_1248, %mul3A_1246 : vector<16xf32>
          %mul3A_1250 = arith.mulf %bitcast_convert_type3A_1241, %sub3A_1249 : vector<16xf32>
          %mul3A_1251 = arith.constant 5.000000e-01 : f32
          %mul3A_1252 = vector.broadcast %mul3A_1251 : f32 to vector<16xf32>
          %mul3A_1253 = arith.mulf %mul3A_1252, %add3A_1233 : vector<16xf32>
          %mul3A_1254 = arith.mulf %mul3A_1253, %mul3A_1250 : vector<16xf32>
          %mul3A_1255 = arith.mulf %mul3A_1254, %mul3A_1250 : vector<16xf32>
          %sub3A_1256 = arith.constant 1.500000e+00 : f32
          %sub3A_1257 = vector.broadcast %sub3A_1256 : f32 to vector<16xf32>
          %sub3A_1258 = arith.subf %sub3A_1257, %mul3A_1255 : vector<16xf32>
          %mul3A_1259 = arith.mulf %mul3A_1250, %sub3A_1258 : vector<16xf32>
          %mul3A_1260 = arith.constant 5.000000e-01 : f32
          %mul3A_1261 = vector.broadcast %mul3A_1260 : f32 to vector<16xf32>
          %mul3A_1262 = arith.mulf %mul3A_1261, %add3A_1233 : vector<16xf32>
          %mul3A_1263 = arith.mulf %mul3A_1262, %mul3A_1259 : vector<16xf32>
          %mul3A_1264 = arith.mulf %mul3A_1263, %mul3A_1259 : vector<16xf32>
          %sub3A_1265 = arith.constant 1.500000e+00 : f32
          %sub3A_1266 = vector.broadcast %sub3A_1265 : f32 to vector<16xf32>
          %sub3A_1267 = arith.subf %sub3A_1266, %mul3A_1264 : vector<16xf32>
          %mul3A_1268 = arith.mulf %mul3A_1259, %sub3A_1267 : vector<16xf32>
          %mul3A_1269 = arith.mulf %add3A_1233, %mul3A_1268 : vector<16xf32>
          %add3A_1270 = arith.constant 896 : i32
          %add3A_1271 = arith.addi %add3A_1270, %add3A_777 : i32
          %get3A_1272 = arith.constant 0 : i32
          %get3A_1273 = arith.constant 0 : i32
          %get3A_1274 = arith.index_cast %get3A_1272 : i32 to index
          %get3A_1275 = arith.index_cast %get3A_1273 : i32 to index
          %get3A_1276 = arith.index_cast %add3A_1271 : i32 to index
          %get3A_1277 = tpu.vector_load %arg20[%get3A_1274, %get3A_1275, %get3A_1276] {strides = array<i32>} : memref<2x1x1024xf32, #tpu.memory_space<vmem>>, vector<1x1x16xf32>,
          %get3A_1278 = vector.shape_cast %get3A_1277 : vector<1x1x16xf32> to vector<16xf32>
          %div3A_1279 = arith.divf %mul3A_1269, %get3A_1278 : vector<16xf32>
          %mul3A_1280 = arith.mulf %get3A_791, %get3A_805 : vector<16xf32>
          %mul3A_1281 = arith.mulf %mul3A_1280, %get3A_819 : vector<16xf32>
          %mul3A_1282 = arith.mulf %div3A_1279, %mul3A_1281 : vector<16xf32>
          %add3A_1283 = arith.addf %add3A_1231, %mul3A_1282 : vector<16xf32>
          %add3A_1284 = arith.addf %get3A_868, %add3A_1283 : vector<16xf32>
          %swap3A_1285 = arith.constant 0 : i32
          %swap3A_1286 = arith.index_cast %swap3A_1285 : i32 to index
          %swap3A_1287 = arith.index_cast %add3A_777 : i32 to index
          %swap3A_1288 = tpu.vector_load %arg22[%swap3A_1286, %swap3A_1287] {strides = array<i32>} : memref<2x128xf32, #tpu.memory_space<vmem>>, vector<1x16xf32>,
          %swap3A_1289 = vector.shape_cast %swap3A_1288 : vector<1x16xf32> to vector<16xf32>
          %swap3A_1290 = vector.shape_cast %add3A_1284 : vector<16xf32> to vector<1x16xf32>
          tpu.vector_store %arg22[%swap3A_1286, %swap3A_1287], %swap3A_1290 {strides = array<i32>} : memref<2x128xf32, #tpu.memory_space<vmem>>, vector<1x16xf32>,
          %get3A_1291 = arith.constant 0 : i32
          %get3A_1292 = arith.index_cast %get3A_1291 : i32 to index
          %get3A_1293 = arith.index_cast %add3A_777 : i32 to index
          %get3A_1294 = tpu.vector_load %arg14[%get3A_1292, %get3A_1293] {strides = array<i32>} : memref<2x128xf32, #tpu.memory_space<vmem>>, vector<1x16xf32>,
          %get3A_1295 = vector.shape_cast %get3A_1294 : vector<1x16xf32> to vector<16xf32>
          %sub3A_1296 = arith.subf %add3A_1284, %get3A_1295 : vector<16xf32>
          %get3A_1297 = arith.constant 0 : index
          %get3A_1298 = tpu.vector_load %arg23[%get3A_1297] {strides = array<i32>} : memref<16xf32, #tpu.memory_space<vmem>>, vector<16xf32>,
          %get3A_1299 = vector.shape_cast %get3A_1298 : vector<16xf32> to vector<16xf32>
          %mul3A_1300 = arith.mulf %sub3A_1296, %sub3A_1296 : vector<16xf32>
          %add3A_1301 = arith.addf %get3A_1299, %mul3A_1300 : vector<16xf32>
          %swap3A_1302 = arith.constant 0 : index
          %swap3A_1303 = tpu.vector_load %arg23[%swap3A_1302] {strides = array<i32>} : memref<16xf32, #tpu.memory_space<vmem>>, vector<16xf32>,
          %swap3A_1304 = vector.shape_cast %swap3A_1303 : vector<16xf32> to vector<16xf32>
          %swap3A_1305 = vector.shape_cast %add3A_1301 : vector<16xf32> to vector<16xf32>
          tpu.vector_store %arg23[%swap3A_1302], %swap3A_1305 {strides = array<i32>} : memref<16xf32, #tpu.memory_space<vmem>>, vector<16xf32>,
        }
        %scan3A_231 = arith.constant 4 : i32
        %sub3A_232 = arith.constant 1 : i32
        %sub3A_233 = arith.subi %add3A_160, %sub3A_232 : i32
        %mul3A_234 = arith.constant 128 : i32
        %mul3A_235 = arith.muli %sub3A_233, %mul3A_234 : i32
        %add3A_236 = arith.addi %mul3A_2, %mul3A_235 : i32
        %dma_start3A_237 = arith.constant 0 : i32
        %dma_start3A_238 = arith.constant 0 : i32
        %dma_start3A_239 = tpu.memref_slice %arg22[%dma_start3A_237, %dma_start3A_238] : memref<2x128xf32, #tpu.memory_space<vmem>> -> memref<1x128xf32, #tpu.memory_space<vmem>>
        %dma_start3A_240 = tpu.memref_squeeze %dma_start3A_239 : memref<1x128xf32, #tpu.memory_space<vmem>> -> memref<128xf32, #tpu.memory_space<vmem>>
        %dma_start3A_241 = tpu.memref_slice %arg10[%add3A_236] : memref<262144xf32, #tpu.memory_space<hbm>> -> memref<128xf32, #tpu.memory_space<hbm>>
        %dma_start3A_242 = tpu.memref_slice %arg10[%add3A_236] : memref<262144xf32, #tpu.memory_space<hbm>> -> memref<128xf32, #tpu.memory_space<hbm>>
        %dma_start3A_243 = arith.constant 0 : i32
        %dma_start3A_244 = tpu.memref_slice %arg22[%dma_start3A_237, %dma_start3A_243] : memref<2x128xf32, #tpu.memory_space<vmem>> -> memref<1x128xf32, #tpu.memory_space<vmem>>
        %dma_start3A_245 = tpu.memref_squeeze %dma_start3A_244 : memref<1x128xf32, #tpu.memory_space<vmem>> -> memref<128xf32, #tpu.memory_space<vmem>>
        tpu.enqueue_dma source(%dma_start3A_245 : memref<128xf32, #tpu.memory_space<vmem>>) target(%dma_start3A_242 : memref<128xf32, #tpu.memory_space<hbm>>) target_semaphore(%arg28 : memref<!tpu.dma_semaphore, #tpu.memory_space<semaphore_mem>>)
      } else {
      }
      %add3A_188 = arith.constant 1 : i32
      %add3A_189 = arith.addi %add3A_160, %add3A_188 : i32
      %lt3A_190 = arith.constant 64 : i32
      %lt3A_191 = arith.cmpi slt, %add3A_189, %lt3A_190 : i32
      %convert_element_type3A_192 = arith.extui %lt3A_191 : i1 to i32
      %cond3A_193 = arith.constant 0 : i32
      %cond3A_194 = arith.cmpi ne, %convert_element_type3A_192, %cond3A_193 : i32
      scf.if %cond3A_194 {
        %add3A_195 = arith.constant 1 : i32
        %add3A_196 = arith.addi %add3A_160, %add3A_195 : i32
        %mul3A_197 = arith.constant 128 : i32
        %mul3A_198 = arith.muli %add3A_196, %mul3A_197 : i32
        %add3A_199 = arith.addi %mul3A_2, %mul3A_198 : i32
        %dma_start3A_200 = arith.constant 0 : i32
        %dma_start3A_201 = arith.constant 0 : i32
        %dma_start3A_202 = tpu.memref_slice %arg14[%dma_start3A_200, %dma_start3A_201] : memref<2x128xf32, #tpu.memory_space<vmem>> -> memref<1x128xf32, #tpu.memory_space<vmem>>
        %dma_start3A_203 = tpu.memref_squeeze %dma_start3A_202 : memref<1x128xf32, #tpu.memory_space<vmem>> -> memref<128xf32, #tpu.memory_space<vmem>>
        %dma_start3A_204 = tpu.memref_slice %arg8[%add3A_199] : memref<262144xf32, #tpu.memory_space<hbm>> -> memref<128xf32, #tpu.memory_space<hbm>>
        %dma_start3A_205 = arith.constant 0 : i32
        %dma_start3A_206 = tpu.memref_slice %arg14[%dma_start3A_200, %dma_start3A_205] : memref<2x128xf32, #tpu.memory_space<vmem>> -> memref<1x128xf32, #tpu.memory_space<vmem>>
        %dma_start3A_207 = tpu.memref_squeeze %dma_start3A_206 : memref<1x128xf32, #tpu.memory_space<vmem>> -> memref<128xf32, #tpu.memory_space<vmem>>
        %dma_start3A_208 = tpu.memref_slice %arg8[%add3A_199] : memref<262144xf32, #tpu.memory_space<hbm>> -> memref<128xf32, #tpu.memory_space<hbm>>
        tpu.enqueue_dma source(%dma_start3A_208 : memref<128xf32, #tpu.memory_space<hbm>>) target(%dma_start3A_207 : memref<128xf32, #tpu.memory_space<vmem>>) target_semaphore(%arg25 : memref<!tpu.dma_semaphore, #tpu.memory_space<semaphore_mem>>)
      } else {
      }
    }
    %scan3A_104 = arith.constant 33 : i32
    %add3A_105 = arith.constant 7936 : i32
    %add3A_106 = arith.addi %mul3A_2, %add3A_105 : i32
    %dma_wait3A_107 = arith.constant 0 : i32
    %dma_wait3A_108 = arith.constant 0 : i32
    %dma_wait3A_109 = tpu.memref_slice %arg22[%dma_wait3A_107, %dma_wait3A_108] : memref<2x128xf32, #tpu.memory_space<vmem>> -> memref<1x128xf32, #tpu.memory_space<vmem>>
    %dma_wait3A_110 = tpu.memref_squeeze %dma_wait3A_109 : memref<1x128xf32, #tpu.memory_space<vmem>> -> memref<128xf32, #tpu.memory_space<vmem>>
    %dma_wait3A_111 = tpu.memref_slice %arg10[%add3A_106] : memref<262144xf32, #tpu.memory_space<hbm>> -> memref<128xf32, #tpu.memory_space<hbm>>
    %dma_wait3A_112 = tpu.memref_slice %arg10[%add3A_106] : memref<262144xf32, #tpu.memory_space<hbm>> -> memref<128xf32, #tpu.memory_space<hbm>>
    %dma_wait3A_113 = arith.constant 0 : i32
    %dma_wait3A_114 = tpu.memref_slice %arg22[%dma_wait3A_107, %dma_wait3A_113] : memref<2x128xf32, #tpu.memory_space<vmem>> -> memref<1x128xf32, #tpu.memory_space<vmem>>
    %dma_wait3A_115 = tpu.memref_squeeze %dma_wait3A_114 : memref<1x128xf32, #tpu.memory_space<vmem>> -> memref<128xf32, #tpu.memory_space<vmem>>
    tpu.wait_dma2 semaphore(%arg28 : memref<!tpu.dma_semaphore, #tpu.memory_space<semaphore_mem>>) src(%dma_wait3A_115 : memref<128xf32, #tpu.memory_space<vmem>>) dst(%dma_wait3A_112 : memref<128xf32, #tpu.memory_space<hbm>>)
    %add3A_116 = arith.constant 8064 : i32
    %add3A_117 = arith.addi %mul3A_2, %add3A_116 : i32
    %dma_wait3A_118 = arith.constant 1 : i32
    %dma_wait3A_119 = arith.constant 0 : i32
    %dma_wait3A_120 = tpu.memref_slice %arg22[%dma_wait3A_118, %dma_wait3A_119] : memref<2x128xf32, #tpu.memory_space<vmem>> -> memref<1x128xf32, #tpu.memory_space<vmem>>
    %dma_wait3A_121 = tpu.memref_squeeze %dma_wait3A_120 : memref<1x128xf32, #tpu.memory_space<vmem>> -> memref<128xf32, #tpu.memory_space<vmem>>
    %dma_wait3A_122 = tpu.memref_slice %arg10[%add3A_117] : memref<262144xf32, #tpu.memory_space<hbm>> -> memref<128xf32, #tpu.memory_space<hbm>>
    %dma_wait3A_123 = tpu.memref_slice %arg10[%add3A_117] : memref<262144xf32, #tpu.memory_space<hbm>> -> memref<128xf32, #tpu.memory_space<hbm>>
    %dma_wait3A_124 = arith.constant 0 : i32
    %dma_wait3A_125 = tpu.memref_slice %arg22[%dma_wait3A_118, %dma_wait3A_124] : memref<2x128xf32, #tpu.memory_space<vmem>> -> memref<1x128xf32, #tpu.memory_space<vmem>>
    %dma_wait3A_126 = tpu.memref_squeeze %dma_wait3A_125 : memref<1x128xf32, #tpu.memory_space<vmem>> -> memref<128xf32, #tpu.memory_space<vmem>>
    tpu.wait_dma2 semaphore(%arg28 : memref<!tpu.dma_semaphore, #tpu.memory_space<semaphore_mem>>) src(%dma_wait3A_126 : memref<128xf32, #tpu.memory_space<vmem>>) dst(%dma_wait3A_123 : memref<128xf32, #tpu.memory_space<hbm>>)
    "tpu.region"() ({
      %run_scoped3A = tpu.sem_alloc : memref<!tpu.dma_semaphore, #tpu.memory_space<semaphore_mem>>
      %dma_start3A_127 = arith.constant 0 : i32
      %dma_start3A_128 = tpu.memref_slice %arg11[%add3A, %dma_start3A_127] : memref<32x16xf32, #tpu.memory_space<hbm>> -> memref<1x16xf32, #tpu.memory_space<hbm>>
      %dma_start3A_129 = tpu.memref_squeeze %dma_start3A_128 : memref<1x16xf32, #tpu.memory_space<hbm>> -> memref<16xf32, #tpu.memory_space<hbm>>
      %dma_start3A_130 = arith.constant 0 : i32
      %dma_start3A_131 = tpu.memref_slice %arg11[%add3A, %dma_start3A_130] : memref<32x16xf32, #tpu.memory_space<hbm>> -> memref<1x16xf32, #tpu.memory_space<hbm>>
      %dma_start3A_132 = tpu.memref_squeeze %dma_start3A_131 : memref<1x16xf32, #tpu.memory_space<hbm>> -> memref<16xf32, #tpu.memory_space<hbm>>
      tpu.enqueue_dma source(%arg23 : memref<16xf32, #tpu.memory_space<vmem>>) target(%dma_start3A_132 : memref<16xf32, #tpu.memory_space<hbm>>) target_semaphore(%run_scoped3A : memref<!tpu.dma_semaphore, #tpu.memory_space<semaphore_mem>>)
      %dma_wait3A_133 = arith.constant 0 : i32
      %dma_wait3A_134 = tpu.memref_slice %arg11[%add3A, %dma_wait3A_133] : memref<32x16xf32, #tpu.memory_space<hbm>> -> memref<1x16xf32, #tpu.memory_space<hbm>>
      %dma_wait3A_135 = tpu.memref_squeeze %dma_wait3A_134 : memref<1x16xf32, #tpu.memory_space<hbm>> -> memref<16xf32, #tpu.memory_space<hbm>>
      %dma_wait3A_136 = arith.constant 0 : i32
      %dma_wait3A_137 = tpu.memref_slice %arg11[%add3A, %dma_wait3A_136] : memref<32x16xf32, #tpu.memory_space<hbm>> -> memref<1x16xf32, #tpu.memory_space<hbm>>
      %dma_wait3A_138 = tpu.memref_squeeze %dma_wait3A_137 : memref<1x16xf32, #tpu.memory_space<hbm>> -> memref<16xf32, #tpu.memory_space<hbm>>
      tpu.wait_dma2 semaphore(%run_scoped3A : memref<!tpu.dma_semaphore, #tpu.memory_space<semaphore_mem>>) src(%arg23 : memref<16xf32, #tpu.memory_space<vmem>>) dst(%dma_wait3A_138 : memref<16xf32, #tpu.memory_space<hbm>>)
      tpu.yield
    }) : () -> ()
    return
  }
}

</mosaic_0001>

<sc_bundles>
// kernel: kernel.3.cloned.1.call-start
scs
__scs_entry_jumppad:
0x0: {  	(pc) =	sbr.rel $0x88, $3  }
0x1: {  	(tag) =	ssettag $0x0;
	lr =	simm.s32 $0x1  }
0x2: {  	[smem:$0x3F9A] =	sst lr;
	_ =	strace $0xD0000000  }
0x3: {  	_ = 	snop  }
0x4: {  	_ = 	snop  }
0x5: {  	_ = 	snop  }
0x6: {  	_ = 	snop  }
0x7: {  	_ = 	snop  }
__scs_overlays_trampoline_lowered:
0x8: {  	[smem:$0x3FA9] =	sst s0  }
0x9: {  	[smem:$0x3FAA] =	sst s1  }
0xa: {  	[smem:$0x3FAB] =	sst s2  }
0xb: {  	[smem:$0x3FAC] =	sst s3  }
0xc: {  	[smem:$0x3FAD] =	sst s4  }
0xd: {  	[smem:$0x3FAE] =	sst s5  }
0xe: {  	[smem:$0x3FAF] =	sst s6  }
0xf: {  	[smem:$0x3FB0] =	sst s7  }
0x10: {  	[smem:$0x3FB1] =	sst s8  }
0x11: {  	[smem:$0x3FB2] =	sst s9;
	s0 =	simm.s32 @!p0 $0x0  }
0x12: {  	s1 =	sld [smem:$0x3F98];
	s0 =	simm.s32 @p0 $0x1  }
0x13: {  	[smem:$0x3FB3] =	sst s0;
	s0 =	simm.s32 @!p1 $0x0  }
0x14: {  	s2 =	sld [smem:$0x3F97];
	s0 =	simm.s32 @p1 $0x1  }
0x15: {  	[smem:$0x3FB4] =	sst s0;
	s0 =	simm.s32 @!p2 $0x0  }
0x16: {  	s3 =	sld [smem:$0x3FDB];
	s0 =	simm.s32 @p2 $0x1  }
0x17: {  	s4 =	simm.s32 $0x1BF5;
	[smem:$0x3FB6] =	sst s0  }
0x18: {  	s0 =	sld [smem:$0x3F99];
	_ =	swait.ge [sflag:s4], $0x0  }
0x19: {  	s7 =	sld [smem:$0x3F9A]  }
0x1a: {  	s8 =	sadd.s32 $0xFFFFE003, lr  }
0x1b: {  	s9 =	sadd.s32 $0xFFFFFEF7, lr;
	s5 =	simm.s32 $0xFFFFFFFF;
	p2 =	slt.u32 s8, $0xFFFFF086  }
0x1c: {  	p1 =	slt.u32 s9, $0xF7A;
	s5 =	simm.s32 @!p2 $0x0  }
0x1d: {  	s5 =	simm.s32 @p1 $0x1;
	p0 =	seq.s32 s7, s2  }
0x1e: {  	s7 =	smul.u32 @!p0 $0xF7A, s2;
	p2 =	seq.s32 @!p0 s5, $0x0  }
0x1f: {  	s9 =	smul.u32 $0xF7A, s1;
	s8 =	simm.s32 @!p0 $0x1BF5;
	p2 =	por !p2, p0  }
0x20: {  	[sflag:s8] =	ssyncset.s32 @!p0 $0xFFFFF086;
	s6 =	sadd.s32 @!p0 s3, s7;
	s7 =	simm.s32 @!p0 $0x108  }
0x21: {  	s3 =	sadd.s32 s3, s9;
	s6 =	sadd.s32 @!p0 $0x88, s6;
	s7 =	simm.s32 @p2 $0x1082  }
0x22: {  	[simem:s7], [sflag:s8] =	dma.local @!p0 [hbm:s6], $0xF7A  }
0x23: {  	s9 =	sor.u32 $0xD0000000, s2;
	s6 =	simm.s32 $0x108;
	_ =	swait.ge @!p0 [sflag:s8], $0x0  }
0x24: {  	s3 =	sadd.s32 $0x88, s3;
	s6 =	simm.s32 @!p1 $0x1082;
	[sflag:s4] =	ssyncset.s32 $0xFFFFF086  }
0x25: {  	[simem:s6], [sflag:s4] =	dma.local [hbm:s3], $0xF7A  }
0x26: {  	[smem:$0x3F9A] =	sst s1;
	(tag) =	ssettag s2;
	_ =	strace s9  }
0x27: {  	s1 =	sld [smem:$0x3FAA]  }
0x28: {  	s2 =	sld [smem:$0x3FAB]  }
0x29: {  	s4 =	sld [smem:$0x3FAD]  }
0x2a: {  	p0 =	seq.s32 s5, $0x0;
	s5 =	sld [smem:$0x3FAE]  }
0x2b: {  	s6 =	sld [smem:$0x3FAF]  }
0x2c: {  	s7 =	sld [smem:$0x3FB0]  }
0x2d: {  	s3 =	simm.s32 $0x108;
	s8 =	sld [smem:$0x3FB1]  }
0x2e: {  	s3 =	simm.s32 @!p0 $0x1082;
	s9 =	sld [smem:$0x3FB2]  }
0x2f: {  	lr =	sadd.s32 s0, s3;
	s0 =	sld [smem:$0x3FA9]  }
0x30: {  	s3 =	sld [smem:$0x3FAC]  }
0x31: {  	[smem:$0x3FB5] =	sst s10  }
0x32: {  	s10 =	sld [smem:$0x3FB3];
	_ =	sdelay $0x3  }
0x33: {  	p0 =	seq.s32 s10, $0x1;
	s10 =	sld [smem:$0x3FB5];
	_ =	sdelay $0x3  }
0x34: {  	[smem:$0x3FB5] =	sst s10  }
0x35: {  	s10 =	sld [smem:$0x3FB4];
	_ =	sdelay $0x3  }
0x36: {  	p1 =	seq.s32 s10, $0x1;
	s10 =	sld [smem:$0x3FB5];
	_ =	sdelay $0x3  }
0x37: {  	[smem:$0x3FB5] =	sst s10  }
0x38: {  	s10 =	sld [smem:$0x3FB6]  }
0x39: {  	_ = 	snop;
	(pc) =	sbr.ind lr, $3  }
0x3a: {  	_ = 	snop  }
0x3b: {  	_ = 	snop  }
0x3c: {  	p2 =	seq.s32 s10, $0x1;
	s10 =	sld [smem:$0x3FB5]  }
0x3d: {  	_ =	shalt  }
0x3e: {  	_ =	shalt  }
0x3f: {  	_ =	shalt  }
0x40: {  	_ =	shalt  }
0x41: {  	_ =	shalt  }
0x42: {  	_ =	shalt  }
0x43: {  	_ =	shalt  }
0x44: {  	_ =	shalt  }
0x45: {  	_ =	shalt  }
0x46: {  	_ =	shalt  }
0x47: {  	_ =	shalt  }
0x48: {  	_ =	shalt  }
0x49: {  	_ =	shalt  }
0x4a: {  	_ =	shalt  }
0x4b: {  	_ =	shalt  }
0x4c: {  	_ =	shalt  }
0x4d: {  	_ =	shalt  }
0x4e: {  	_ =	shalt  }
0x4f: {  	_ =	shalt  }
0x50: {  	_ =	shalt  }
0x51: {  	_ =	shalt  }
0x52: {  	_ =	shalt  }
0x53: {  	_ =	shalt  }
0x54: {  	_ =	shalt  }
0x55: {  	_ =	shalt  }
0x56: {  	_ =	shalt  }
0x57: {  	_ =	shalt  }
0x58: {  	_ =	shalt  }
0x59: {  	_ =	shalt  }
0x5a: {  	_ =	shalt  }
0x5b: {  	_ =	shalt  }
0x5c: {  	_ =	shalt  }
0x5d: {  	_ =	shalt  }
0x5e: {  	_ =	shalt  }
0x5f: {  	_ =	shalt  }
0x60: {  	_ =	shalt  }
0x61: {  	_ =	shalt  }
0x62: {  	_ =	shalt  }
0x63: {  	_ =	shalt  }
0x64: {  	_ =	shalt  }
0x65: {  	_ =	shalt  }
0x66: {  	_ =	shalt  }
0x67: {  	_ =	shalt  }
0x68: {  	_ =	shalt  }
0x69: {  	_ =	shalt  }
0x6a: {  	_ =	shalt  }
0x6b: {  	_ =	shalt  }
0x6c: {  	_ =	shalt  }
0x6d: {  	_ =	shalt  }
0x6e: {  	_ =	shalt  }
0x6f: {  	_ =	shalt  }
0x70: {  	_ =	shalt  }
0x71: {  	_ =	shalt  }
0x72: {  	_ =	shalt  }
0x73: {  	_ =	shalt  }
0x74: {  	_ =	shalt  }
0x75: {  	_ =	shalt  }
0x76: {  	_ =	shalt  }
0x77: {  	_ =	shalt  }
0x78: {  	_ =	shalt  }
0x79: {  	_ =	shalt  }
0x7a: {  	_ =	shalt  }
0x7b: {  	_ =	shalt  }
0x7c: {  	_ =	shalt  }
0x7d: {  	_ =	shalt  }
0x7e: {  	_ =	shalt  }
0x7f: {  	_ =	shalt  }
0x80: {  	_ =	shalt  }
0x81: {  	_ =	shalt  }
0x82: {  	_ =	shalt  }
0x83: {  	_ =	shalt  }
0x84: {  	_ =	shalt  }
0x85: {  	_ =	shalt  }
0x86: {  	_ =	shalt  }
0x87: {  	_ =	shalt  }
.Lfunc_end0:
.L_simem_size_0:
called_computation_lowered:
.L_overlay_start_0:
0x88: {  	s2 =	sld [smem:$0x3FD9]  }
0x89: {  	s3 =	sld [smem:$0x3FFE];
	_ =	sdelay $0x1  }
0x8a: {  	s1 =	srdreg.scid  }
0x8b: {  	s0 =	sand.u32 $0x1, s1  }
0x8c: {  	s14 =	sshll.u32 s0, $0xA;
	s2 =	sadd.s32 s3, s2  }
0x8d: {  	s2 =	sadd.s32 s2, s14  }
0x8e: {  	[smem:$0x3FC1] =	sst s2  }
0x8f: {  	_ = 	snop  }
0x90: {  	s2 =	sld [smem:$0x3FD0];
	_ =	sdelay $0x1  }
0x91: {  	s15 =	sld [smem:$0x3FC4]  }
0x92: {  	s5 =	simm.s32 $0xA;
	s6 =	simm.s32 $0x10;
	s4 =	sld [smem:$0x3FC3]  }
0x93: {  	[smem:s6], [sflag:s5] =	dma.local [hbm:s2], $0x1  }
0x94: {  	_ =	swait.eq [sflag:s5], $0x1  }
0x95: {  	[sflag:s5] =	ssyncset.done $0x0  }
0x96: {  	[sflag:s5] =	ssyncadd.s32 $0xFFFFFFFF  }
0x97: {  	s16 =	sld [smem:$0x10];
	(tm) =	ssettm $0x1  }
0x98: {  	s17 =	sld [smem:$0x3FFB];
	_ =	sdelay $0x3  }
0x99: {  	_ =	strace s17  }
0x9a: {  	s5 =	sld [smem:$0x3FFC];
	_ =	sdelay $0x3  }
0x9b: {  	_ =	strace s5  }
0x9c: {  	s5 =	sld [smem:$0x3FFD];
	_ =	sdelay $0x3  }
0x9d: {  	_ =	strace s5  }
0x9e: {  	_ =	strace $0x8FFFFFFF  }
0x9f: {  	s18 =	sld [smem:$0x3FDB];
	_ =	sdelay $0x1  }
0xa0: {  	s19 =	simm.s32 $_scs_section_size  }
0xa1: {  	s7 =	simm.s32 $_size__tile_overlayer_lowered;
	s8 =	simm.s32 $_tile_overlayer_lowered  }
0xa2: {  	s22 =	simm.s32 $0x1BFF;
	s21 =	sshll.u32 s8, $0x1;
	s5 =	sadd.s32 s19, s18  }
0xa3: {  	s9 =	simm.s32 $0x0;
	s20 =	sshll.u32 s7, $0x1;
	s7 =	sadd.s32 s21, s5  }
0xa4: {  	[timem:s9], [sflag:s22] =	dma.local [hbm:s7], s20  }
0xa5: {  	_ =	swait.ge [sflag:s22], s20  }
0xa6: {  	s6 =	ssub.s32 $0x0, s20;
	[sflag:s22] =	ssyncset.done $0x0  }
0xa7: {  	[sflag:s22] =	ssyncadd.s32 s6;
	_ =	sdelay $0x1  }
0xa8: {  	s23 =	simm.s32 $0x1B8B  }
0xa9: {  	_ =	swait.ge [sflag:s23], $0x1  }
0xaa: {  	[sflag:s23] =	ssyncset.done $0x0  }
0xab: {  	s25 =	simm.s32 $0x1B8E;
	s24 =	sld [smem:$0x3FFE];
	[sflag:s23] =	ssyncadd.s32 $0xFFFFFFFF  }
0xac: {  	s26 =	simm.s32 $execute0_lowered;
	[smem:$0x3FD2] =	sst s25  }
0xad: {  	s7 =	sshll.u32 s26, $0x1;
	_ =	strace $0x80000046;
	[dreg:$0x1] =	wrdreg $0xFFFFFFFF  }
0xae: {  	s28 =	simm.s32 $_size_execute0_lowered;
	s5 =	sadd.s32 s5, s7;
	[dreg:$0x0] =	wrdreg $0x0  }
0xaf: {  	s7 =	sshll.u32 s28, $0x1;
	[dreg:$0x2] =	wrdreg s5  }
0xb0: {  	[dreg:$0x3] =	wrdreg s7  }
0xb1: {  	[dreg:$0x4] =	wrdreg $0xC0  }
0xb2: {  	_ =	task [dreg:s9], $0x5FFFF  }
0xb3: {  	[dreg:$0x1] =	wrdreg $0xFFFFFFFF  }
0xb4: {  	[dreg:$0x0] =	wrdreg $0x60  }
0xb5: {  	[dreg:$0x2] =	wrdreg s24  }
0xb6: {  	[dreg:$0x3] =	wrdreg s15  }
0xb7: {  	[dreg:$0x4] =	wrdreg s4  }
0xb8: {  	[dreg:$0x5] =	wrdreg s16  }
0xb9: {  	[dreg:$0x6] =	wrdreg $0x9  }
0xba: {  	_ =	task.clear_ibuf [dreg:s9], $0x7FFFF;
	_ =	strace $0x90000046  }
0xbb: {  	s29 =	simm.s32 $0x9;
	_ =	strace $0x80000048  }
0xbc: {  	_ =	swait.ge [sflag:s29], $0x1  }
0xbd: {  	[sflag:s29] =	ssyncadd.s32 $0xFFFFFFFF  }
0xbe: {  	_ =	strace $0x90000048  }
0xbf: {  	_ =	sfence  }
0xc0: {  	s30 =	sld [smem:$0x0];
	_ =	sdelay $0x2  }
0xc1: {  	s31 =	sshll.u32 s1, $0xD;
	s1 =	sshrl.u32 s1, $0x2  }
0xc2: {  	s3 =	sand.u32 $0x4000, s31;
	s1 =	sadd.s32 s1, s30  }
0xc3: {  	s0 =	sor.u32 s3, s0;
	s1 =	sshll.u32 s1, $0x11  }
0xc4: {  	s0 =	sor.u32 s1, s0  }
0xc5: {  	s0 =	sadd.s32 $0x8F2B, s0  }
0xc6: {  	[sflag:s0] =	ssyncadd.remote.s32 $0x1  }
0xc7: {  	_ =	sfence.sel $0xFFFF  }
0xc8: {  	[dreg:$0x0] =	wrdreg $0xFFFFFFFF;
	(pc) =	sbr.abs _section_cstart, $3  }
0xc9: {  	[dreg:$0x1] =	wrdreg $0xFFFFFFFF  }
0xca: {  	_ =	task.clear_ibuf [dreg:s9], $0x2FFFF;
	_ =	strace $0x9FFFFFFF  }
0xcb: {  	(tm) =	ssettm $0x7FFFFFFF  }
tec
execute0_lowered:
.L_overlay_start_1:
0x0: {  	(tag) =	ssettag $0x1  }
0x1: {  	s0 =	rddreg [dreg:$0x0]  }
0x2: {  	s1 =	rddreg [dreg:$0x1]  }
0x3: {  	s2 =	rddreg [dreg:$0x2]  }
0x4: {  	s3 =	rddreg [dreg:$0x3];
	s4 =	simm.s32 $0x0  }
0x5: {  	s5 =	srdreg.scid;
	s9 =	stileid.u32;
	s21 =	simm.s32 $0x80  }
0x6: {  	s22 =	simm.s32 $0x1;
	s28 =	simm.s32 $0x100;
	s30 =	simm.s32 $0x4  }
0x7: {  	s31 =	simm.s32 $0x2;
	s15 =	simm.s32 $0x3;
	s18 =	simm.s32 $0x400  }
0x8: {  	s19 =	simm.s32 $0xA80;
	s20 =	simm.s32 $0x0;
	[smem:$0x7FF] =	sst s4  }
0x9: {  	s6 =	sadd.s32 $0x6A00, s0;
	s7 =	sadd.s32 $0x3600, s0;
	s5 =	sand.u32 $0x1, s5  }
0xa: {  	s8 =	sadd.s32 $0x1C00, s0;
	s10 =	sshll.u32 s9, $0x1;
	s9 =	sadd.s32 $0x200, s0  }
0xb: {  	_ =	strace $0x80000047;
	s11 =	ssub.s32 $0x2, s5;
	s5 =	sor.u32 s5, s10  }
0xc: {  	s10 =	sadd.s32 $0x5000, s0;
	s12 =	sshrl.u32 s11, $0x1;
	s13 =	sshll.u32 s5, $0xA  }
0xd: {  	s12 =	ssub.s32 s11, s12;
	s11 =	sshll.u32 s5, $0xD;
	s5 =	sshll.u32 s5, $0x4  }
0xe: {  	s14 =	sadd.s32 s1, s13;
	s26 =	sadd.s32 s2, s13;
	s13 =	simm.s32 $0x6  }
0xf: {  	s0 =	sadd.s32 s0, s5;
	[dreg:$0x5] =	wrdreg s14;
	s25 =	sadd.s32 $0x10, s14  }
.Ltmp0:
0x10: {  	[dreg:$0x8] =	wrdreg s26;
	s16 =	sadd.s32 $0xFFFFFF80, s11;
	(pc) =	sbr.rel .LBB2_1-.Ltmp0, $4  }
0x11: {  	s17 =	sor.u32 $0x180, s11;
	s29 =	smax.u32 s12, $0x1;
	[dreg:$0x7] =	wrdreg s25  }
0x12: {  	s26 =	simm.s32 $0x580;
	s14 =	simm.s32 $0x200;
	[dreg:$0x6] =	wrdreg s0  }
0x13: {  	s12 =	simm.s32 $0x1280;
	s0 =	sadd.s32 $0x86A00, s0;
	[dreg:$0xa] =	wrdreg s29  }
0x14: {  	v0 =	vimm.f32 $0.0e+00;
	s25 =	simm.s32 $0x480;
	[dreg:$0x9] =	wrdreg s0;
	s0 =	simm.s32 $0x2700  }
.LBB2_21:
0x15: {  	s5 =	simm.s32 $0x5  }
0x16: {  	_ =	swait.ge [sflag:s5], $0x80  }
0x17: {  	[sflag:s5] =	ssyncset.done $0x0  }
0x18: {  	[sflag:s5] =	ssyncadd.s32 $0xFFFFFF80  }
0x19: {  	_ =	swait.ge [sflag:s5], $0x80  }
0x1a: {  	[sflag:s5] =	ssyncset.done $0x0  }
0x1b: {  	s13 =	simm.s32 $0x2780;
	s24 =	rddreg [dreg:$0x9];
	[sflag:s5] =	ssyncadd.s32 $0xFFFFFF80  }
0x1c: {  	[hbm4b:s24+s4] =	stream.linear.scatter [tilespmem:s13], [sflag:$0x6], $0x80, $0x38;
	[tilespmem:$0x2800] =	vst v63  }
0x1d: {  	s13 =	simm.s32 $0x6  }
0x1e: {  	_ =	swait.ge [sflag:s13], $0x80  }
0x1f: {  	s20 =	rddreg [dreg:$0xb]  }
0x20: {  	s29 =	rddreg [dreg:$0xa];
	s20 =	sadd.s32 $0x1, s20  }
0x21: {  	p0 =	sne.s32 s20, s29  }
.Ltmp1:
0x22: {  	_ = 	snop;
	(pc) =	sbr.rel @!p0 .LBB2_22-.Ltmp1, $3  }
0x23: {  	_ =	sdelay $0x1  }
0x24: {  	[sflag:s13] =	ssyncset.done $0x0  }
0x25: {  	[sflag:s13] =	ssyncadd.s32 $0xFFFFFF80  }
.LBB2_1:
0x26: {  	[dreg:$0xb] =	wrdreg s20  }
0x27: {  	s5 =	rddreg [dreg:$0x6]  }
0x28: {  	[tilespmem:s4], [sflag:$0x6] =	stream.linear.gather [hbm4b:s5+s4], $0x80, $0x38;
	[tilespmem:$0x2800] =	vst v63  }
0x29: {  	_ =	swait.ge [sflag:s13], $0x80  }
0x2a: {  	[sflag:s13] =	ssyncset.done $0x0  }
0x2b: {  	[sflag:s13] =	ssyncadd.s32 $0xFFFFFF80  }
0x2c: {  	v1 =	vld [tilespmem:$0x0]  }
0x2d: {  	v2 =	vld [tilespmem:$0x10]  }
0x2e: {  	s29 =	rddreg [dreg:$0x5];
	v3 =	vld [tilespmem:$0x20];
	[tilespmem:$0x2780] =	vst v0  }
0x2f: {  	v4 =	vld [tilespmem:$0x30];
	[tilespmem:s21], [sflag:$0x1] =	stream.linear.gather [hbm4b:s29+s4], $0x80, $0x38  }
0x30: {  	_ =	swait.ge [sflag:s22], $0x80  }
0x31: {  	[sflag:s22] =	ssyncset.done $0x0  }
0x32: {  	s13 =	simm.s32 $0x280;
	[sflag:s22] =	ssyncadd.s32 $0xFFFFFF80  }
0x33: {  	[tilespmem:s13], [sflag:$0x3] =	stream.indirect.gather [hbm4b:s7+s21], $0x1, s21, s21, $0xb8;
	[tilespmem:$0x2800] =	vst v63  }
0x34: {  	s20 =	simm.s32 $0x380  }
0x35: {  	[tilespmem:s20], [sflag:$0x3] =	stream.indirect.gather [hbm4b:s8+s21], $0x1, s21, s21, $0xb8;
	[tilespmem:$0x2800] =	vst v63  }
0x36: {  	_ = 	snop  }
0x37: {  	[tilespmem:s25], [sflag:$0x3] =	stream.indirect.gather [hbm4b:s9+s21], $0x1, s21, s21, $0xb8;
	[tilespmem:$0x2800] =	vst v63  }
0x38: {  	_ = 	snop  }
0x39: {  	[tilespmem:s26], [sflag:$0x3] =	stream.indirect.gather [hbm4b:s10+s21], $0x1, s21, s21, $0xb8;
	[tilespmem:$0x2800] =	vst v63  }
.Ltmp2:
0x3a: {  	_ = 	snop;
	(pc) =	sbr.rel .LBB2_2-.Ltmp2, $4  }
0x3b: {  	s23 =	rddreg [dreg:$0x7]  }
0x3c: {  	[tilespmem:s28], [sflag:$0x1] =	stream.linear.gather [hbm4b:s23+s4], $0x80, $0x38;
	[tilespmem:$0x2800] =	vst v63  }
0x3d: {  	s29 =	simm.s32 $0x180;
	s24 =	rddreg [dreg:$0x8];
	v4 =	vtrunc.f32 v4;
	s20 =	simm.s32 $0x0  }
0x3e: {  	v4 =	vcvt.f32.s32 v4;
	[tilespmem:s29], [sflag:$0x2] =	stream.linear.gather [hbm4b:s24+s4], $0x80, $0x38;
	[tilespmem:$0x2800] =	vst v63  }
.LBB2_20:
0x3f: {  	s5 =	sshll.u32 @p0 s29, $0x7  }
0x40: {  	s5 =	sadd.s32 @p0 s11, s5  }
0x41: {  	s13 =	simm.s32 @p0 $0x0;
	s5 =	sshrl.u32 @p0 s5, $0x3  }
0x42: {  	s23 =	simm.s32 @p0 $0x180;
	s20 =	sadd.s32 $0x1, s20;
	s5 =	sadd.s32 @p0 s2, s5  }
0x43: {  	[tilespmem:s23], [sflag:$0x2] =	stream.linear.gather @p0 [hbm4b:s5+s13], $0x80, $0x38;
	[tilespmem:$0x2800] =	vst v63  }
0x44: {  	p0 =	sne.s32 s20, $0x21  }
.Ltmp3:
0x45: {  	_ = 	snop;
	(pc) =	sbr.rel @!p0 .LBB2_21-.Ltmp3, $1  }
0x46: {  	_ =	sdelay $0x3  }
.LBB2_2:
0x47: {  	p0 =	seq.s32 s20, $0x20  }
.Ltmp4:
0x48: {  	_ = 	snop;
	(pc) =	sbr.rel @!p0 .LBB2_4-.Ltmp4, $1  }
0x49: {  	_ =	sdelay $0x3  }
.Ltmp5:
0x4a: {  	(pc) =	sbr.rel .LBB2_7-.Ltmp5, $2  }
0x4b: {  	_ =	sdelay $0x2  }
0x4c: {  	p1 =	por $0x0, $0x0;
	s29 =	simm.s32 $0x42;
	s5 =	simm.s32 $0x41  }
.LBB2_4:
0x4d: {  	_ =	swait.ge [sflag:s15], $0x80  }
0x4e: {  	[sflag:s15] =	ssyncset.done $0x0  }
0x4f: {  	[sflag:s15] =	ssyncadd.s32 $0xFFFFFF80  }
0x50: {  	_ =	swait.ge [sflag:s15], $0x80  }
0x51: {  	[sflag:s15] =	ssyncset.done $0x0  }
0x52: {  	[sflag:s15] =	ssyncadd.s32 $0xFFFFFF80  }
0x53: {  	_ =	swait.ge [sflag:s15], $0x80  }
0x54: {  	[sflag:s15] =	ssyncset.done $0x0  }
0x55: {  	[sflag:s15] =	ssyncadd.s32 $0xFFFFFF80  }
0x56: {  	_ =	swait.ge [sflag:s15], $0x80  }
0x57: {  	[sflag:s15] =	ssyncset.done $0x0  }
0x58: {  	s5 =	simm.s32 $0x0;
	[sflag:s15] =	ssyncadd.s32 $0xFFFFFF80  }
0x59: {  	v5 =	vld [tilespmem:s5+$0x490]  }
0x5a: {  	v6 =	vld [tilespmem:s5+$0x280]  }
0x5b: {  	v7 =	vld [tilespmem:s5+$0x380]  }
0x5c: {  	v8 =	vld [tilespmem:s5+$0x480]  }
0x5d: {  	v9 =	vld [tilespmem:s5+$0x290];
	_ =	sdelay $0x1  }
0x5e: {  	v10 =	vld [tilespmem:s5+$0x390]  }
0x5f: {  	v5 =	vmax.f32 v5, $0.0e+00  }
0x60: {  	v6 =	vmax.f32 v6, $0.0e+00;
	v7 =	vmax.f32 v7, $0.0e+00;
	v8 =	vmax.f32 v8, $0.0e+00  }
0x61: {  	v9 =	vmax.f32 v9, $0.0e+00;
	v13 =	vmin.f32 v5, $1.270000000e+02;
	v6 =	vmin.f32 v6, $1.270000000e+02  }
0x62: {  	v7 =	vmin.f32 v7, $1.270000000e+02;
	v8 =	vmin.f32 v8, $1.270000000e+02;
	v14 =	vmin.f32 v9, $1.270000000e+02  }
0x63: {  	v9 =	vmax.f32 v10, $0.0e+00;
	v5 =	vtrunc.f32 v13;
	v11 =	vtrunc.f32 v6  }
0x64: {  	v10 =	vtrunc.f32 v7;
	v17 =	vmin.f32 v9, $1.270000000e+02;
	v9 =	vtrunc.f32 v8  }
0x65: {  	v12 =	vtrunc.f32 v14;
	v5 =	vcvt.f32.s32 v5  }
0x66: {  	v15 =	vtrunc.f32 v17;
	v11 =	vcvt.f32.s32 v11  }
0x67: {  	v10 =	vcvt.f32.s32 v10;
	v9 =	vcvt.f32.s32 v9  }
0x68: {  	v12 =	vcvt.f32.s32 v12;
	v15 =	vcvt.f32.s32 v15;
	vm0 =	vlt.s32 v5, $0x7E  }
0x69: {  	vm14 =	vlt.s32 v11, $0x7E;
	vm1 =	vlt.s32 v10, $0x7E;
	vm2 =	vlt.s32 v9, $0x7E  }
0x6a: {  	vm3 =	vlt.s32 v12, $0x7E;
	v5 =	vnsel vm0, $0x7E, v5;
	v11 =	vnsel vm14, $0x7E, v11  }
0x6b: {  	vm15 =	vlt.s32 v15, $0x7E;
	v10 =	vnsel vm1, $0x7E, v10;
	v9 =	vnsel vm2, $0x7E, v9  }
0x6c: {  	v12 =	vnsel vm3, $0x7E, v12;
	v18 =	vcvt.s32.f32 v5;
	v21 =	vcvt.s32.f32 v11  }
0x6d: {  	v22 =	vcvt.s32.f32 v10;
	v15 =	vnsel vm15, $0x7E, v15;
	v23 =	vcvt.s32.f32 v9  }
0x6e: {  	v11 =	vshll.u32 v11, $0xE;
	v24 =	vcvt.s32.f32 v12;
	v12 =	vshll.u32 v12, $0xE  }
0x6f: {  	v10 =	vshll.u32 v10, $0x7;
	v34 =	vcvt.s32.f32 v15;
	v16 =	vadd.f32 $1.000000000e+00, v18  }
0x70: {  	v11 =	vadd.s32 v4, v11;
	v19 =	vsub.f32 v18, v3;
	v25 =	vadd.f32 $1.000000000e+00, v21  }
0x71: {  	v12 =	vadd.s32 v4, v12;
	v26 =	vadd.f32 $1.000000000e+00, v22;
	v27 =	vadd.f32 $1.000000000e+00, v23  }
0x72: {  	v29 =	vld [tilespmem:s5+$0x580];
	v15 =	vshll.u32 v15, $0x7;
	v28 =	vadd.f32 $1.000000000e+00, v24;
	v38 =	vsub.f32 v21, v1  }
0x73: {  	v32 =	vld [tilespmem:s5+$0x590];
	v39 =	vsub.f32 v22, v2;
	v10 =	vadd.s32 v10, v11;
	v11 =	vsub.f32 v23, v3  }
0x74: {  	v12 =	vadd.s32 v15, v12;
	v31 =	vadd.f32 $1.000000000e+00, v34;
	v15 =	vsub.f32 v34, v2  }
0x75: {  	v5 =	vadd.s32 v5, v12;
	v12 =	vsub.f32 v6, v21;
	v20 =	vsub.f32 v16, v3  }
0x76: {  	v30 =	vsub.f32 v25, v1;
	v33 =	vsub.f32 v26, v2  }
0x77: {  	[tilespmem:s5+$0x1C80] =	vst v29;
	v35 =	vsub.f32 v27, v3;
	v25 =	vsub.f32 v25, v6  }
0x78: {  	[tilespmem:s5+$0x1C90] =	vst v32;
	v36 =	vsub.f32 v28, v1;
	v26 =	vsub.f32 v26, v7  }
0x79: {  	v60 =	vsub.f32 v27, v8;
	v61 =	vmul.f32 v38, v38;
	v63 =	vmul.f32 v11, v11;
	[tilespmem:s5+$0x1680] =	vst v25  }
0x7a: {  	v11 =	vadd.s32 v9, v10;
	v10 =	vsub.f32 v7, v22;
	v9 =	vsub.f32 v8, v23;
	[tilespmem:s5+$0x1780] =	vst v26  }
0x7b: {  	v62 =	vmul.f32 v39, v39;
	v8 =	vsub.f32 v14, v24;
	v7 =	vsub.f32 v17, v34;
	[tilespmem:s5+$0x1880] =	vst v60  }
0x7c: {  	v6 =	vsub.f32 v13, v18;
	v22 =	vadd.s32 $0x80, v5;
	v23 =	vadd.s32 $0x81, v5;
	[tilespmem:s5+$0x1980] =	vst v61  }
0x7d: {  	v21 =	vadd.s32 $0x4000, v5;
	v37 =	vsub.f32 v31, v2;
	v20 =	vmul.f32 v20, v20;
	[tilespmem:s5+$0x1A80] =	vst v62  }
0x7e: {  	v32 =	vsub.f32 v31, v17;
	v31 =	vsub.f32 v16, v13;
	v30 =	vmul.f32 v30, v30;
	[tilespmem:s5+$0x1B80] =	vst v63  }
0x7f: {  	v27 =	vadd.s32 $0x1, v11;
	v16 =	vadd.s32 $0x81, v11;
	v29 =	vmul.f32 v33, v33;
	[tilespmem:s5+$0x1C10] =	vst v20  }
0x80: {  	v17 =	vadd.s32 $0x4000, v11;
	v18 =	vadd.s32 $0x4001, v11;
	v58 =	vmul.f32 v35, v35;
	[tilespmem:s5+$0x1A00] =	vst v30  }
0x81: {  	v33 =	vsub.f32 v28, v14;
	v28 =	vmul.f32 v15, v15;
	v59 =	vmul.f32 v37, v37;
	[tilespmem:s5+$0x1B00] =	vst v29  }
0x82: {  	v15 =	vadd.s32 $0x80, v11;
	v20 =	vsub.f32 v24, v1;
	v30 =	vmul.f32 v36, v36;
	[tilespmem:s5+$0x1C00] =	vst v58  }
0x83: {  	v26 =	vadd.s32 $0x4080, v11;
	v25 =	vadd.s32 $0x4081, v11;
	v24 =	vadd.s32 $0x1, v5;
	[tilespmem:s5+$0x1B10] =	vst v59  }
0x84: {  	s13 =	sshll.u32 s20, $0x1;
	s23 =	simm.s32 $0x20;
	s24 =	simm.s32 $0x100;
	v29 =	vmul.f32 v20, v20;
	[tilespmem:s5+$0x1A10] =	vst v30;
	v30 =	vmul.f32 v19, v19;
	v19 =	vadd.s32 $0x4001, v5  }
.LBB2_5:
0x85: {  	p1 =	sne.s32 s24, $0x180;
	v13 =	vld [tilespmem:s23+$0x490];
	v34 =	vadd.s32 $0x4080, v5;
	v35 =	vadd.s32 $0x4081, v5;
	[tilespmem:s5+$0x1690] =	vst v33  }
0x86: {  	v14 =	vld [tilespmem:s23+$0x280];
	[tilespmem:s5+$0x1790] =	vst v32  }
0x87: {  	v20 =	vld [tilespmem:s23+$0x380];
	[tilespmem:s5+$0x1890] =	vst v31  }
0x88: {  	v31 =	vld [tilespmem:s23+$0x480];
	[tilespmem:s5+$0x1990] =	vst v29  }
0x89: {  	v29 =	vld [tilespmem:s23+$0x290];
	[tilespmem:s5+$0x1A90] =	vst v28  }
0x8a: {  	v28 =	vld [tilespmem:s23+$0x390];
	v13 =	vmax.f32 v13, $0.0e+00;
	[tilespmem:s5+$0x1B90] =	vst v30  }
0x8b: {  	v30 =	vld [tilespmem:s23+$0x580];
	v14 =	vmax.f32 v14, $0.0e+00;
	v13 =	vmin.f32 v13, $1.270000000e+02;
	[tilespmem:s5+$0x700] =	vst v27  }
0x8c: {  	v14 =	vmin.f32 v14, $1.270000000e+02;
	v20 =	vmax.f32 v20, $0.0e+00;
	v27 =	vld [tilespmem:s23+$0x590];
	v32 =	vtrunc.f32 v13;
	[tilespmem:s5+$0x780] =	vst v15  }
0x8d: {  	v15 =	vmin.f32 v20, $1.270000000e+02;
	v20 =	vmax.f32 v31, $0.0e+00;
	v31 =	vcvt.f32.s32 v32;
	[tilespmem:s5+$0x800] =	vst v16  }
0x8e: {  	v32 =	vtrunc.f32 v14;
	v16 =	vmin.f32 v20, $1.270000000e+02;
	v20 =	vmax.f32 v29, $0.0e+00;
	[tilespmem:s5+$0x880] =	vst v17  }
0x8f: {  	v17 =	vmin.f32 v20, $1.270000000e+02;
	v20 =	vmax.f32 v28, $0.0e+00;
	vm0 =	vlt.s32 v31, $0x7E;
	[tilespmem:s5+$0x900] =	vst v18  }
0x90: {  	v28 =	vtrunc.f32 v15;
	v18 =	vmin.f32 v20, $1.270000000e+02;
	v36 =	vnsel vm0, $0x7E, v31;
	[tilespmem:s5+$0x980] =	vst v26  }
0x91: {  	v26 =	vtrunc.f32 v16;
	v20 =	vcvt.s32.f32 v36;
	[tilespmem:s5+$0xA00] =	vst v25  }
0x92: {  	v25 =	vtrunc.f32 v17;
	v29 =	vtrunc.f32 v18;
	[tilespmem:s5+$0x710] =	vst v24  }
0x93: {  	v28 =	vcvt.f32.s32 v28;
	v24 =	vcvt.f32.s32 v32;
	v31 =	vadd.f32 $1.000000000e+00, v20;
	[tilespmem:s5+$0x790] =	vst v22  }
0x94: {  	v25 =	vcvt.f32.s32 v25;
	v22 =	vcvt.f32.s32 v26;
	v26 =	vsub.f32 v20, v3;
	[tilespmem:s5+$0x810] =	vst v23  }
0x95: {  	vm0 =	vlt.s32 v24, $0x7E;
	v23 =	vcvt.f32.s32 v29;
	v29 =	vsub.f32 v31, v3;
	[tilespmem:s5+$0x890] =	vst v21  }
0x96: {  	vm1 =	vlt.s32 v28, $0x7E;
	vm3 =	vlt.s32 v25, $0x7E;
	vm2 =	vlt.s32 v22, $0x7E;
	[tilespmem:s5+$0x910] =	vst v19  }
0x97: {  	v19 =	vnsel vm0, $0x7E, v24;
	vm0 =	vlt.s32 v23, $0x7E;
	v21 =	vmul.f32 v29, v29;
	[tilespmem:s5+$0x990] =	vst v34  }
0x98: {  	v25 =	vnsel vm3, $0x7E, v25;
	v24 =	vnsel vm1, $0x7E, v28;
	v22 =	vnsel vm2, $0x7E, v22;
	[tilespmem:s5+$0xA10] =	vst v35  }
0x99: {  	v34 =	vcvt.s32.f32 v19;
	v23 =	vnsel vm0, $0x7E, v23;
	v35 =	vcvt.s32.f32 v24;
	[tilespmem:s23+$0x1C10] =	vst v21  }
0x9a: {  	v37 =	vcvt.s32.f32 v25;
	v19 =	vshll.u32 v19, $0xE;
	v21 =	vcvt.s32.f32 v22;
	[tilespmem:s5+$0x680] =	vst v11  }
0x9b: {  	v38 =	vcvt.s32.f32 v23;
	v11 =	vadd.f32 $1.000000000e+00, v34;
	v28 =	vadd.f32 $1.000000000e+00, v35;
	[tilespmem:s5+$0x1700] =	vst v12  }
0x9c: {  	v25 =	vshll.u32 v25, $0xE;
	v29 =	vadd.f32 $1.000000000e+00, v37;
	v12 =	vadd.f32 $1.000000000e+00, v21;
	[tilespmem:s5+$0x1800] =	vst v10  }
0x9d: {  	v32 =	vadd.f32 $1.000000000e+00, v38;
	v10 =	vadd.s32 v4, v19;
	v19 =	vsub.f32 v11, v1;
	[tilespmem:s5+$0x1900] =	vst v9  }
0x9e: {  	v25 =	vadd.s32 v4, v25;
	v9 =	vsub.f32 v28, v2;
	v33 =	vsub.f32 v12, v3;
	[tilespmem:s5+$0x690] =	vst v5  }
0x9f: {  	v39 =	vsub.f32 v32, v2;
	v5 =	vshll.u32 v24, $0x7;
	v24 =	vsub.f32 v29, v1;
	[tilespmem:s5+$0x1710] =	vst v8  }
0xa0: {  	v23 =	vshll.u32 v23, $0x7;
	v40 =	vsub.f32 v35, v2;
	v8 =	vsub.f32 v34, v1;
	[tilespmem:s5+$0x1810] =	vst v7  }
0xa1: {  	v5 =	vadd.s32 v5, v10;
	v10 =	vsub.f32 v37, v1;
	v7 =	vsub.f32 v21, v3;
	[tilespmem:s5+$0x1910] =	vst v6;
	s5 =	smov.u32 s23  }
0xa2: {  	v6 =	vmul.f32 v19, v19;
	v19 =	vadd.s32 v23, v25;
	v23 =	vsub.f32 v38, v2;
	[tilespmem:s5+$0x1C80] =	vst v30  }
0xa3: {  	v9 =	vmul.f32 v9, v9;
	v25 =	vsub.f32 v11, v14;
	v11 =	vmul.f32 v33, v33;
	[tilespmem:s5+$0x1C90] =	vst v27  }
0xa4: {  	v41 =	vsub.f32 v28, v15;
	[tilespmem:s5+$0x1A00] =	vst v6;
	v6 =	vmul.f32 v24, v24;
	v24 =	vmul.f32 v39, v39  }
0xa5: {  	v40 =	vmul.f32 v40, v40;
	v42 =	vmul.f32 v8, v8;
	v39 =	vsub.f32 v12, v16;
	[tilespmem:s5+$0x1B00] =	vst v9  }
0xa6: {  	v32 =	vsub.f32 v32, v18;
	v33 =	vsub.f32 v29, v17;
	v43 =	vmul.f32 v7, v7;
	[tilespmem:s5+$0x1C00] =	vst v11  }
0xa7: {  	v31 =	vsub.f32 v31, v13;
	v29 =	vmul.f32 v10, v10;
	v28 =	vmul.f32 v23, v23;
	[tilespmem:s5+$0x1A10] =	vst v6  }
0xa8: {  	v30 =	vmul.f32 v26, v26;
	v11 =	vadd.s32 v22, v5;
	v5 =	vadd.s32 v36, v19;
	[tilespmem:s5+$0x1B10] =	vst v24  }
0xa9: {  	v10 =	vsub.f32 v15, v35;
	v12 =	vsub.f32 v14, v34;
	v27 =	vadd.s32 $0x1, v11;
	[tilespmem:s5+$0x1680] =	vst v25  }
.Ltmp6:
0xaa: {  	v8 =	vsub.f32 v17, v37;
	v9 =	vsub.f32 v16, v21;
	v15 =	vadd.s32 $0x80, v11;
	[tilespmem:s5+$0x1780] =	vst v41;
	(pc) =	sbr.rel @p1 .LBB2_5-.Ltmp6, $4  }
0xab: {  	v7 =	vsub.f32 v18, v38;
	v16 =	vadd.s32 $0x81, v11;
	v6 =	vsub.f32 v13, v20;
	[tilespmem:s5+$0x1880] =	vst v39  }
0xac: {  	v17 =	vadd.s32 $0x4000, v11;
	v18 =	vadd.s32 $0x4001, v11;
	v26 =	vadd.s32 $0x4080, v11;
	[tilespmem:s5+$0x1980] =	vst v42  }
0xad: {  	v22 =	vadd.s32 $0x80, v5;
	v24 =	vadd.s32 $0x1, v5;
	v25 =	vadd.s32 $0x4081, v11;
	[tilespmem:s5+$0x1A80] =	vst v40  }
0xae: {  	s23 =	sshra.s32 s24, $0x2;
	s24 =	sadd.s32 $0x80, s24;
	v23 =	vadd.s32 $0x81, v5;
	v21 =	vadd.s32 $0x4000, v5;
	v19 =	vadd.s32 $0x4001, v5;
	[tilespmem:s5+$0x1B80] =	vst v43  }
0xaf: {  	v13 =	vld [tilespmem:s23+$0x490];
	[tilespmem:s5+$0x1690] =	vst v33  }
0xb0: {  	v14 =	vld [tilespmem:s23+$0x280];
	[tilespmem:s5+$0x1790] =	vst v32  }
0xb1: {  	v32 =	vld [tilespmem:s23+$0x380];
	[tilespmem:s5+$0x1890] =	vst v31  }
0xb2: {  	v31 =	vld [tilespmem:s23+$0x480];
	[tilespmem:s5+$0x1990] =	vst v29  }
0xb3: {  	v29 =	vld [tilespmem:s23+$0x290];
	[tilespmem:s5+$0x1A90] =	vst v28  }
0xb4: {  	v28 =	vld [tilespmem:s23+$0x390];
	[tilespmem:s5+$0x1B90] =	vst v30;
	v13 =	vmax.f32 v13, $0.0e+00  }
0xb5: {  	v30 =	vld [tilespmem:s23+$0x580];
	[tilespmem:s5+$0x700] =	vst v27;
	v13 =	vmin.f32 v13, $1.270000000e+02  }
0xb6: {  	v27 =	vld [tilespmem:s23+$0x590];
	v20 =	vtrunc.f32 v13;
	[tilespmem:s5+$0x780] =	vst v15  }
0xb7: {  	[tilespmem:s5+$0x800] =	vst v16;
	v44 =	vcvt.f32.s32 v20  }
0xb8: {  	[tilespmem:s5+$0x880] =	vst v17  }
0xb9: {  	[tilespmem:s5+$0x900] =	vst v18;
	vm0 =	vlt.s32 v44, $0x7E  }
0xba: {  	[tilespmem:s5+$0x980] =	vst v26;
	v20 =	vnsel vm0, $0x7E, v44  }
0xbb: {  	v45 =	vmax.f32 v14, $0.0e+00;
	[tilespmem:s5+$0xA00] =	vst v25;
	v14 =	vcvt.s32.f32 v20  }
0xbc: {  	[tilespmem:s5+$0x710] =	vst v24  }
0xbd: {  	[tilespmem:s5+$0x790] =	vst v22;
	v24 =	vadd.f32 $1.000000000e+00, v14  }
0xbe: {  	[tilespmem:s5+$0x810] =	vst v23  }
0xbf: {  	v46 =	vadd.s32 $0x4080, v5;
	[tilespmem:s5+$0x890] =	vst v21;
	v52 =	vsub.f32 v24, v3  }
0xc0: {  	v47 =	vadd.s32 $0x4081, v5;
	v15 =	vmin.f32 v45, $1.270000000e+02;
	v48 =	vmax.f32 v32, $0.0e+00;
	[tilespmem:s5+$0x910] =	vst v19  }
0xc1: {  	[tilespmem:s5+$0x990] =	vst v46;
	v17 =	vmin.f32 v48, $1.270000000e+02;
	v51 =	vtrunc.f32 v15;
	v23 =	vmul.f32 v52, v52  }
0xc2: {  	[tilespmem:s5+$0xA10] =	vst v47;
	v54 =	vtrunc.f32 v17;
	v22 =	vcvt.f32.s32 v51  }
0xc3: {  	v58 =	vcvt.f32.s32 v54;
	[tilespmem:s23+$0x1C10] =	vst v23  }
0xc4: {  	v49 =	vmax.f32 v31, $0.0e+00;
	vm13 =	vlt.s32 v22, $0x7E;
	[tilespmem:s5+$0x680] =	vst v11  }
0xc5: {  	v16 =	vmin.f32 v49, $1.270000000e+02;
	vm1 =	vlt.s32 v58, $0x7E;
	v61 =	vnsel vm13, $0x7E, v22;
	[tilespmem:s5+$0x1700] =	vst v12  }
0xc6: {  	v50 =	vmax.f32 v29, $0.0e+00;
	v62 =	vnsel vm1, $0x7E, v58;
	v22 =	vcvt.s32.f32 v61;
	[tilespmem:s5+$0x1800] =	vst v10  }
0xc7: {  	v18 =	vmin.f32 v50, $1.270000000e+02;
	v55 =	vtrunc.f32 v16;
	v36 =	vcvt.s32.f32 v62;
	[tilespmem:s5+$0x1900] =	vst v9  }
0xc8: {  	v53 =	vmax.f32 v28, $0.0e+00;
	v59 =	vcvt.f32.s32 v55;
	v39 =	vadd.f32 $1.000000000e+00, v22;
	[tilespmem:s5+$0x690] =	vst v5  }
0xc9: {  	v19 =	vmin.f32 v53, $1.270000000e+02;
	v56 =	vtrunc.f32 v18;
	v41 =	vadd.f32 $1.000000000e+00, v36;
	[tilespmem:s5+$0x1710] =	vst v8  }
0xca: {  	v57 =	vtrunc.f32 v19;
	vm2 =	vlt.s32 v59, $0x7E;
	v44 =	vsub.f32 v39, v1;
	[tilespmem:s5+$0x1810] =	vst v7  }
0xcb: {  	v21 =	vcvt.f32.s32 v56;
	v63 =	vnsel vm2, $0x7E, v59;
	v45 =	vsub.f32 v41, v2;
	[tilespmem:s5+$0x1910] =	vst v6  }
0xcc: {  	v38 =	vcvt.s32.f32 v63;
	v31 =	vmul.f32 v44, v44;
	[tilespmem:s23+$0x1C80] =	vst v30  }
0xcd: {  	v60 =	vcvt.f32.s32 v57;
	vm14 =	vlt.s32 v21, $0x7E;
	v32 =	vmul.f32 v45, v45;
	[tilespmem:s23+$0x1C90] =	vst v27  }
0xce: {  	v37 =	vnsel vm14, $0x7E, v21;
	v43 =	vadd.f32 $1.000000000e+00, v38;
	v26 =	vsub.f32 v39, v15;
	[tilespmem:s23+$0x1A00] =	vst v31  }
0xcf: {  	v40 =	vcvt.s32.f32 v37;
	v24 =	vsub.f32 v24, v13;
	v28 =	vsub.f32 v41, v17;
	[tilespmem:s23+$0x1B00] =	vst v32  }
0xd0: {  	vm15 =	vlt.s32 v60, $0x7E;
	v46 =	vsub.f32 v43, v3;
	v29 =	vsub.f32 v43, v16;
	[tilespmem:s23+$0x1680] =	vst v26  }
0xd1: {  	v51 =	vsub.f32 v38, v3;
	v5 =	vnsel vm15, $0x7E, v60;
	v7 =	vadd.f32 $1.000000000e+00, v40;
	[tilespmem:s23+$0x1780] =	vst v28  }
0xd2: {  	v33 =	vmul.f32 v46, v46;
	v42 =	vcvt.s32.f32 v5;
	[tilespmem:s23+$0x1880] =	vst v29  }
0xd3: {  	v26 =	vmul.f32 v51, v51;
	[tilespmem:s23+$0x1890] =	vst v24;
	v47 =	vsub.f32 v7, v1  }
0xd4: {  	[tilespmem:s23+$0x1C00] =	vst v33;
	v7 =	vsub.f32 v7, v18;
	v6 =	vadd.f32 $1.000000000e+00, v42  }
0xd5: {  	v49 =	vsub.f32 v22, v1;
	[tilespmem:s23+$0x1B80] =	vst v26;
	v53 =	vsub.f32 v42, v2;
	v30 =	vmul.f32 v47, v47  }
0xd6: {  	[tilespmem:s23+$0x1690] =	vst v7;
	v48 =	vsub.f32 v6, v2;
	v6 =	vsub.f32 v6, v19  }
0xd7: {  	v7 =	vsub.f32 v14, v3;
	v55 =	vmul.f32 v53, v53;
	[tilespmem:s23+$0x1A10] =	vst v30  }
0xd8: {  	v30 =	vmul.f32 v49, v49;
	[tilespmem:s23+$0x1790] =	vst v6  }
0xd9: {  	v54 =	vshll.u32 v62, $0x7;
	v11 =	vshll.u32 v61, $0xE;
	v7 =	vmul.f32 v7, v7;
	[tilespmem:s23+$0x1A90] =	vst v55  }
0xda: {  	v50 =	vsub.f32 v36, v2;
	v27 =	vmul.f32 v48, v48;
	v6 =	vadd.s32 v4, v11;
	[tilespmem:s23+$0x1980] =	vst v30  }
0xdb: {  	v6 =	vadd.s32 v54, v6;
	[tilespmem:s23+$0x1B90] =	vst v7  }
0xdc: {  	[tilespmem:s23+$0x1B10] =	vst v27;
	v27 =	vmul.f32 v50, v50;
	v6 =	vadd.s32 v63, v6  }
0xdd: {  	[tilespmem:s23+$0x680] =	vst v6  }
0xde: {  	v10 =	vadd.s32 $0x1, v6;
	[tilespmem:s23+$0x1A80] =	vst v27  }
0xdf: {  	v7 =	vadd.s32 $0x80, v6;
	[tilespmem:s23+$0x700] =	vst v10  }
0xe0: {  	v56 =	vadd.s32 $0x81, v6;
	[tilespmem:s23+$0x780] =	vst v7  }
0xe1: {  	v57 =	vadd.s32 $0x4000, v6;
	[tilespmem:s23+$0x800] =	vst v56  }
0xe2: {  	v52 =	vsub.f32 v40, v1;
	v58 =	vadd.s32 $0x4001, v6;
	[tilespmem:s23+$0x880] =	vst v57  }
0xe3: {  	v63 =	vsub.f32 v15, v22;
	v59 =	vadd.s32 $0x4081, v6;
	[tilespmem:s23+$0x900] =	vst v58  }
0xe4: {  	v27 =	vmul.f32 v52, v52;
	v7 =	vshll.u32 v37, $0xE;
	[tilespmem:s23+$0xA00] =	vst v59  }
0xe5: {  	v5 =	vshll.u32 v5, $0x7;
	[tilespmem:s23+$0x1700] =	vst v63;
	v7 =	vadd.s32 v4, v7  }
0xe6: {  	[tilespmem:s23+$0x1990] =	vst v27;
	v5 =	vadd.s32 v5, v7;
	v7 =	vadd.s32 $0x4080, v6;
	v6 =	vsub.f32 v16, v38  }
0xe7: {  	[tilespmem:s23+$0x980] =	vst v7  }
0xe8: {  	v5 =	vadd.s32 v20, v5;
	[tilespmem:s23+$0x1900] =	vst v6  }
0xe9: {  	v7 =	vadd.s32 $0x1, v5;
	[tilespmem:s23+$0x690] =	vst v5  }
0xea: {  	v60 =	vadd.s32 $0x80, v5;
	[tilespmem:s23+$0x710] =	vst v7  }
0xeb: {  	v61 =	vadd.s32 $0x4000, v5;
	[tilespmem:s23+$0x790] =	vst v60  }
0xec: {  	v62 =	vadd.s32 $0x4080, v5;
	[tilespmem:s23+$0x890] =	vst v61  }
0xed: {  	v7 =	vadd.s32 $0x81, v5;
	[tilespmem:s23+$0x990] =	vst v62  }
0xee: {  	[tilespmem:s23+$0x810] =	vst v7;
	v7 =	vadd.s32 $0x4001, v5  }
0xef: {  	v6 =	vsub.f32 v19, v42;
	[tilespmem:s23+$0x910] =	vst v7;
	v7 =	vadd.s32 $0x4081, v5  }
0xf0: {  	[tilespmem:s23+$0xA10] =	vst v7;
	v7 =	vsub.f32 v17, v36  }
0xf1: {  	[tilespmem:s23+$0x1810] =	vst v6;
	v5 =	vsub.f32 v13, v14  }
0xf2: {  	[tilespmem:s23+$0x1800] =	vst v7;
	v7 =	vsub.f32 v18, v40  }
0xf3: {  	[tilespmem:s23+$0x1910] =	vst v5  }
0xf4: {  	s24 =	simm.s32 $0xE80;
	[tilespmem:s23+$0x1710] =	vst v7;
	s23 =	simm.s32 $0x680  }
0xf5: {  	[tilespmem:s24], [sflag:$0x4] =	stream.indirect.gather [hbm4b:s6+s18], $0x1, s23, s18, $0xb8;
	[tilespmem:$0x2800] =	vst v63  }
0xf6: {  	_ =	swait.ge [sflag:s22], $0x80  }
0xf7: {  	s29 =	sadd.s32 $0x2, s13;
	[sflag:s22] =	ssyncset.done $0x0  }
0xf8: {  	p1 =	sgt.u32 s20, $0x1E;
	s23 =	simm.s32 $0x300;
	[sflag:s22] =	ssyncadd.s32 $0xFFFFFF80  }
0xf9: {  	[tilespmem:s23], [sflag:$0x3] =	stream.indirect.gather [hbm4b:s7+s21], $0x1, s28, s21, $0xb8;
	[tilespmem:$0x2800] =	vst v63  }
0xfa: {  	s5 =	sshll.u32 @!p1 s29, $0x7  }
0xfb: {  	[tilespmem:s18], [sflag:$0x3] =	stream.indirect.gather [hbm4b:s8+s21], $0x1, s28, s21, $0xb8;
	[tilespmem:$0x2800] =	vst v63  }
0xfc: {  	s5 =	sadd.s32 @!p1 s11, s5;
	s24 =	simm.s32 $0x500  }
0xfd: {  	[tilespmem:s24], [sflag:$0x3] =	stream.indirect.gather [hbm4b:s9+s21], $0x1, s28, s21, $0xb8;
	[tilespmem:$0x2800] =	vst v63  }
0xfe: {  	s5 =	sshrl.u32 @!p1 s5, $0x3;
	s23 =	simm.s32 $0x600  }
0xff: {  	[tilespmem:s23], [sflag:$0x3] =	stream.indirect.gather [hbm4b:s10+s21], $0x1, s28, s21, $0xb8;
	[tilespmem:$0x2800] =	vst v63  }
0x100: {  	s5 =	sadd.s32 @!p1 s1, s5;
	s24 =	simm.s32 @!p1 $0x80;
	s23 =	simm.s32 @!p1 $0x0  }
0x101: {  	[tilespmem:s24], [sflag:$0x1] =	stream.linear.gather @!p1 [hbm4b:s5+s23], $0x80, $0x38;
	[tilespmem:$0x2800] =	vst v63  }
0x102: {  	s24 =	sadd.s32 $0xFFFFFFFE, s13  }
0x103: {  	p2 =	sgt.u32 s24, $0x3F  }
.Ltmp7:
0x104: {  	_ = 	snop;
	(pc) =	sbr.rel @p2 .LBB2_10-.Ltmp7, $2  }
0x105: {  	_ =	sdelay $0x2  }
0x106: {  	s5 =	sor.u32 $0x1, s13;
	p1 =	slt.u32 s20, $0x1F  }
.LBB2_7:
0x107: {  	_ =	swait.ge [sflag:s30], $0x400  }
0x108: {  	[sflag:s30] =	ssyncset.done $0x0  }
0x109: {  	[sflag:s30] =	ssyncadd.s32 $0xFFFFFC00  }
0x10a: {  	_ =	swait.ge [sflag:s31], $0x80  }
0x10b: {  	p2 =	slt.u32 s20, $0x2;
	[sflag:s31] =	ssyncset.done $0x0  }
0x10c: {  	s23 =	simm.s32 @!p2 $0x5;
	[sflag:s31] =	ssyncadd.s32 $0xFFFFFF80  }
0x10d: {  	_ =	swait.ge @!p2 [sflag:s23], $0x80  }
0x10e: {  	s13 =	sshll.u32 s20, $0x8;
	[sflag:s23] =	ssyncset.done @!p2 $0x0  }
0x10f: {  	s13 =	sadd.s32 s13, s16;
	[sflag:s23] =	ssyncadd.s32 @!p2 $0xFFFFFF80;
	s23 =	simm.s32 $0x0  }
.LBB2_8:
0x110: {  	s24 =	sshra.s32 s23, $0x2  }
0x111: {  	v5 =	vld [tilespmem:s24+$0x2180]  }
0x112: {  	v6 =	vld [tilespmem:s24+$0x2280]  }
0x113: {  	v7 =	vld [tilespmem:s24+$0x2380]  }
0x114: {  	v9 =	vld [tilespmem:s24+$0x2200]  }
0x115: {  	v13 =	vld [tilespmem:s24+$0x2300]  }
0x116: {  	v45 =	vld [tilespmem:s24+$0x1280]  }
0x117: {  	v23 =	vld [tilespmem:s24+$0x1480]  }
0x118: {  	v48 =	vld [tilespmem:s24+$0x1E80]  }
0x119: {  	v24 =	vld [tilespmem:s24+$0x1F80];
	_ =	sdelay $0x1  }
0x11a: {  	v8 =	vadd.f32 v6, v5  }
0x11b: {  	v55 =	vld [tilespmem:s24+$0x2400];
	v6 =	vadd.f32 v6, v9  }
0x11c: {  	v51 =	vld [tilespmem:s24+$0x1380];
	v5 =	vadd.f32 v13, v5;
	(erf) = vrcp.f32 v45;
	v10 =	vadd.f32 v7, v8  }
0x11d: {  	v9 =	vadd.f32 v13, v9;
	(erf) = vrcp.f32 v23;
	v23 =	vmul.f32 v24, v48  }
0x11e: {  	v15 =	vadd.f32 v7, v6;
	v11 =	vshra.s32 v10, $0x1;
	v12 =	vmul.f32 $5.000000000e-01, v10  }
0x11f: {  	v18 =	vadd.f32 v7, v5;
	v7 =	vadd.f32 v7, v9;
	v11 =	vsub.s32 $0x5F3759DF, v11  }
0x120: {  	v8 =	vadd.f32 v55, v8;
	v6 =	vadd.f32 v55, v6;
	v14 =	vmul.f32 v11, v12  }
0x121: {  	(erf) = vrcp.f32 v51;
	v5 =	vadd.f32 v55, v5;
	v9 =	vadd.f32 v55, v9  }
0x122: {  	v16 =	vshra.s32 v15, $0x1;
	v17 =	vmul.f32 $5.000000000e-01, v15;
	v14 =	vmul.f32 v11, v14  }
0x123: {  	v20 =	vshra.s32 v18, $0x1;
	v21 =	vmul.f32 $5.000000000e-01, v18;
	v50 =	vmul.f32 $5.000000000e-01, v7  }
0x124: {  	v27 =	vmul.f32 $5.000000000e-01, v8;
	v16 =	vsub.s32 $0x5F3759DF, v16;
	v14 =	vsub.f32 $1.500000000e+00, v14  }
0x125: {  	v49 =	vshra.s32 v7, $0x1;
	v38 =	vmul.f32 $5.000000000e-01, v6;
	v42 =	vmul.f32 v16, v17  }
0x126: {  	v29 =	vmul.f32 $5.000000000e-01, v5;
	v20 =	vsub.s32 $0x5F3759DF, v20;
	v11 =	vmul.f32 v11, v14  }
0x127: {  	v61 =	vshra.s32 v8, $0x1;
	v22 =	vmul.f32 v20, v21;
	v14 =	vmul.f32 v16, v42  }
0x128: {  	v37 =	vshra.s32 v6, $0x1;
	v31 =	vmul.f32 $5.000000000e-01, v9;
	v19 =	vmul.f32 v11, v12  }
0x129: {  	v63 =	vsub.s32 $0x5F3759DF, v61;
	v43 =	vmul.f32 v20, v22;
	v14 =	vsub.f32 $1.500000000e+00, v14  }
0x12a: {  	v41 =	vshra.s32 v5, $0x1;
	v28 =	vmul.f32 v63, v27;
	v19 =	vmul.f32 v19, v11  }
0x12b: {  	v39 =	vsub.s32 $0x5F3759DF, v37;
	v14 =	vmul.f32 v16, v14;
	v16 =	vsub.f32 $1.500000000e+00, v43  }
0x12c: {  	v28 =	vmul.f32 v63, v28;
	v22 =	vmul.f32 v39, v38;
	v19 =	vsub.f32 $1.500000000e+00, v19  }
0x12d: {  	v34 =	vld [tilespmem:s24+$0x1580];
	v44 =	vmul.f32 v14, v17;
	v16 =	vmul.f32 v20, v16;
	v20 =	vsub.s32 $0x5F3759DF, v49  }
0x12e: {  	v30 =	vshra.s32 v9, $0x1;
	v25 =	vmul.f32 v20, v50;
	v11 =	vmul.f32 v19, v11  }
0x12f: {  	v57 =	vld [tilespmem:s24+$0x2000];
	v36 =	vsub.f32 $1.500000000e+00, v28;
	v19 =	vmul.f32 v44, v14;
	v47 =	vmul.f32 v16, v21  }
0x130: {  	v56 =	vpop (erf);
	v22 =	vmul.f32 v39, v22;
	v28 =	vsub.s32 $0x5F3759DF, v41;
	v53 =	vmul.f32 v20, v25  }
0x131: {  	v59 =	vpop (erf);
	v25 =	vld [tilespmem:s24+$0x2080];
	v12 =	vmul.f32 v11, v12;
	v46 =	vsub.f32 $1.500000000e+00, v19;
	v19 =	vmul.f32 v47, v16  }
0x132: {  	v30 =	vsub.s32 $0x5F3759DF, v30;
	v32 =	vpop (erf);
	(erf) = vrcp.f32 v34;
	v43 =	vmul.f32 v28, v29  }
0x133: {  	v12 =	vmul.f32 v12, v11;
	v13 =	vmul.f32 v46, v14;
	v19 =	vsub.f32 $1.500000000e+00, v19  }
0x134: {  	v44 =	vmul.f32 v30, v31;
	v14 =	vmul.f32 v57, v48;
	v46 =	vld [tilespmem:s24+$0x1300]  }
0x135: {  	v12 =	vsub.f32 $1.500000000e+00, v12;
	v17 =	vmul.f32 v13, v17;
	v16 =	vmul.f32 v19, v16  }
0x136: {  	v51 =	vld [tilespmem:s24+$0x1500];
	v19 =	vsub.f32 $1.500000000e+00, v53;
	v58 =	vmul.f32 v25, v23;
	v33 =	vmul.f32 v25, v14  }
0x137: {  	v11 =	vmul.f32 v12, v11;
	v52 =	vmul.f32 v17, v13  }
0x138: {  	v53 =	vld [tilespmem:s24+$0x1400];
	v21 =	vmul.f32 v16, v21;
	v19 =	vmul.f32 v20, v19  }
0x139: {  	v17 =	vld [tilespmem:s24+$0x1F00];
	(erf) = vrcp.f32 v46;
	v10 =	vmul.f32 v11, v10;
	v54 =	vsub.f32 $1.500000000e+00, v52  }
0x13a: {  	v21 =	vmul.f32 v21, v16;
	v26 =	vmul.f32 v19, v50  }
0x13b: {  	(erf) = vrcp.f32 v51;
	v11 =	vmul.f32 v54, v13  }
0x13c: {  	v10 =	vmul.f32 v10, v56;
	v21 =	vsub.f32 $1.500000000e+00, v21;
	v60 =	vmul.f32 v26, v19  }
0x13d: {  	v26 =	vmul.f32 v28, v43;
	v52 =	vpop (erf);
	(erf) = vrcp.f32 v53  }
0x13e: {  	v20 =	vmul.f32 v24, v17;
	v16 =	vmul.f32 v21, v16  }
0x13f: {  	v13 =	vmul.f32 v57, v17;
	v11 =	vmul.f32 v11, v15;
	v62 =	vsub.f32 $1.500000000e+00, v60  }
0x140: {  	v22 =	vsub.f32 $1.500000000e+00, v22;
	v10 =	vmul.f32 v10, v58;
	v16 =	vmul.f32 v16, v18  }
0x141: {  	v18 =	vmul.f32 v62, v19;
	v19 =	vmul.f32 v63, v36  }
0x142: {  	v21 =	vmul.f32 v39, v22;
	v22 =	vmul.f32 v30, v44  }
0x143: {  	v24 =	vmul.f32 v25, v20;
	v40 =	vmul.f32 v19, v27  }
0x144: {  	v45 =	vsub.f32 $1.500000000e+00, v26;
	v25 =	vmul.f32 v25, v13;
	v35 =	vmul.f32 v18, v50  }
0x145: {  	v11 =	vmul.f32 v11, v59;
	v42 =	vmul.f32 v40, v19  }
0x146: {  	v47 =	vmul.f32 v28, v45;
	v15 =	vmul.f32 v35, v18  }
0x147: {  	v22 =	vsub.f32 $1.500000000e+00, v22;
	v16 =	vmul.f32 v16, v32;
	v12 =	vsub.f32 $1.500000000e+00, v42  }
0x148: {  	v32 =	vmul.f32 v21, v38;
	v50 =	vmul.f32 v47, v29;
	v15 =	vsub.f32 $1.500000000e+00, v15  }
0x149: {  	v57 =	vld [tilespmem:s24+$0x1600];
	v22 =	vmul.f32 v30, v22;
	v12 =	vmul.f32 v12, v19  }
0x14a: {  	v60 =	vld [tilespmem:s24+$0x2100];
	v49 =	vmul.f32 v32, v21;
	v15 =	vmul.f32 v15, v18  }
0x14b: {  	v30 =	vmul.f32 v22, v31;
	v48 =	vmul.f32 v12, v27  }
0x14c: {  	v7 =	vmul.f32 v15, v7;
	v27 =	vsub.f32 $1.500000000e+00, v49;
	v15 =	vmul.f32 v50, v47  }
0x14d: {  	v11 =	vmul.f32 v11, v24;
	v56 =	vmul.f32 v30, v22  }
0x14e: {  	v26 =	vpop (erf);
	(erf) = vrcp.f32 v57;
	v21 =	vmul.f32 v27, v21;
	v15 =	vsub.f32 $1.500000000e+00, v15  }
0x14f: {  	v34 =	vmul.f32 v60, v20;
	v59 =	vsub.f32 $1.500000000e+00, v56;
	v19 =	vmul.f32 v48, v12  }
0x150: {  	v55 =	vmul.f32 v21, v38;
	v15 =	vmul.f32 v15, v47  }
0x151: {  	v16 =	vmul.f32 v16, v33;
	v54 =	vsub.f32 $1.500000000e+00, v19;
	v19 =	vmul.f32 v59, v22  }
0x152: {  	v58 =	vmul.f32 v55, v21;
	v61 =	vmul.f32 v15, v29  }
0x153: {  	v12 =	vmul.f32 v54, v12;
	v22 =	vmul.f32 v19, v31  }
0x154: {  	v7 =	vmul.f32 v7, v52;
	v62 =	vsub.f32 $1.500000000e+00, v58;
	v63 =	vmul.f32 v61, v15  }
0x155: {  	v10 =	vadd.f32 v11, v10;
	v8 =	vmul.f32 v12, v8;
	v30 =	vmul.f32 v22, v19  }
0x156: {  	v7 =	vmul.f32 v7, v25;
	v27 =	vmul.f32 v62, v21;
	v28 =	vsub.f32 $1.500000000e+00, v63  }
0x157: {  	v29 =	vmul.f32 v60, v23;
	v8 =	vmul.f32 v8, v26;
	v33 =	vsub.f32 $1.500000000e+00, v30  }
0x158: {  	v10 =	vadd.f32 v10, v16;
	v6 =	vmul.f32 v27, v6;
	v31 =	vmul.f32 v28, v15  }
0x159: {  	v32 =	vpop (erf);
	v8 =	vmul.f32 v8, v29;
	v36 =	vmul.f32 v33, v19  }
0x15a: {  	v7 =	vadd.f32 v10, v7;
	v6 =	vmul.f32 v6, v32;
	v5 =	vmul.f32 v31, v5  }
0x15b: {  	v37 =	vmul.f32 v60, v14;
	v35 =	vpop (erf);
	v38 =	vmul.f32 v36, v9  }
0x15c: {  	v7 =	vadd.f32 v7, v8;
	v5 =	vmul.f32 v5, v35;
	v6 =	vmul.f32 v6, v34  }
0x15d: {  	v40 =	vmul.f32 v60, v13;
	v39 =	vpop (erf)  }
0x15e: {  	v5 =	vmul.f32 v5, v37;
	v6 =	vadd.f32 v7, v6;
	v7 =	vmul.f32 v38, v39  }
0x15f: {  	v41 =	vld [tilespmem:s24+$0x2480]  }
0x160: {  	v5 =	vadd.f32 v6, v5;
	v6 =	vmul.f32 v7, v40;
	_ =	sdelay $0x1  }
0x161: {  	v5 =	vadd.f32 v5, v6  }
0x162: {  	v6 =	vld [tilespmem:s24+$0x200]  }
0x163: {  	v5 =	vadd.f32 v5, v41;
	_ =	sdelay $0x1  }
0x164: {  	[tilespmem:s24+$0x2700] =	vst v5  }
0x165: {  	v7 =	vld [tilespmem:$0x2780]  }
0x166: {  	v5 =	vsub.f32 v5, v6;
	_ =	sdelay $0x1  }
0x167: {  	v5 =	vmul.f32 v5, v5;
	_ =	sdelay $0x1  }
0x168: {  	v5 =	vadd.f32 v5, v7;
	_ =	sdelay $0x1  }
0x169: {  	[tilespmem:$0x2780] =	vst v5  }
0x16a: {  	v5 =	vld [tilespmem:s24+$0x2190]  }
0x16b: {  	v6 =	vld [tilespmem:s24+$0x2290];
	_ =	sdelay $0x1  }
0x16c: {  	v7 =	vld [tilespmem:s24+$0x2390]  }
0x16d: {  	v43 =	vld [tilespmem:s24+$0x2210]  }
0x16e: {  	v48 =	vld [tilespmem:s24+$0x2310]  }
0x16f: {  	v42 =	vadd.f32 v6, v5;
	_ =	sdelay $0x1  }
0x170: {  	v44 =	vadd.f32 v7, v42  }
0x171: {  	v6 =	vadd.f32 v6, v43  }
0x172: {  	v5 =	vadd.f32 v48, v5;
	v45 =	vshra.s32 v44, $0x1;
	v46 =	vmul.f32 $5.000000000e-01, v44  }
0x173: {  	v9 =	vadd.f32 v48, v43;
	v49 =	vadd.f32 v7, v6;
	v11 =	vsub.s32 $0x5F3759DF, v45  }
0x174: {  	v54 =	vadd.f32 v7, v5;
	v47 =	vmul.f32 v11, v46  }
0x175: {  	v58 =	vld [tilespmem:s24+$0x1290];
	v7 =	vadd.f32 v7, v9;
	v50 =	vshra.s32 v49, $0x1;
	v51 =	vmul.f32 $5.000000000e-01, v49  }
0x176: {  	v52 =	vsub.s32 $0x5F3759DF, v50;
	v13 =	vmul.f32 v11, v47  }
0x177: {  	v63 =	vld [tilespmem:s24+$0x1490];
	v60 =	vshra.s32 v7, $0x1;
	v61 =	vmul.f32 $5.000000000e-01, v7;
	v16 =	vmul.f32 v52, v51  }
0x178: {  	v56 =	vmul.f32 $5.000000000e-01, v54;
	v22 =	vsub.s32 $0x5F3759DF, v60;
	v13 =	vsub.f32 $1.500000000e+00, v13  }
0x179: {  	v55 =	vshra.s32 v54, $0x1;
	v62 =	vmul.f32 v22, v61;
	v16 =	vmul.f32 v52, v16  }
0x17a: {  	(erf) = vrcp.f32 v58;
	v20 =	vsub.s32 $0x5F3759DF, v55;
	v11 =	vmul.f32 v11, v13  }
0x17b: {  	v57 =	vmul.f32 v20, v56;
	v28 =	vmul.f32 v22, v62;
	v16 =	vsub.f32 $1.500000000e+00, v16  }
0x17c: {  	(erf) = vrcp.f32 v63;
	v53 =	vmul.f32 v11, v46  }
0x17d: {  	v30 =	vld [tilespmem:s24+$0x1E90];
	v14 =	vmul.f32 v20, v57;
	v13 =	vmul.f32 v52, v16;
	v16 =	vsub.f32 $1.500000000e+00, v28  }
0x17e: {  	v32 =	vld [tilespmem:s24+$0x1390];
	v18 =	vmul.f32 v53, v11  }
0x17f: {  	v25 =	vld [tilespmem:s24+$0x2010];
	v14 =	vsub.f32 $1.500000000e+00, v14;
	v16 =	vmul.f32 v22, v16  }
0x180: {  	v45 =	vld [tilespmem:s24+$0x1590];
	v59 =	vmul.f32 v13, v51;
	v18 =	vsub.f32 $1.500000000e+00, v18  }
0x181: {  	v35 =	vld [tilespmem:s24+$0x2410];
	v14 =	vmul.f32 v20, v14;
	v22 =	vmul.f32 v16, v61  }
0x182: {  	v11 =	vmul.f32 v18, v11;
	v18 =	vmul.f32 v59, v13  }
0x183: {  	v63 =	vld [tilespmem:s24+$0x1310];
	v22 =	vmul.f32 v22, v16  }
0x184: {  	v36 =	vpop (erf);
	(erf) = vrcp.f32 v32;
	v29 =	vmul.f32 v14, v56;
	v18 =	vsub.f32 $1.500000000e+00, v18  }
0x185: {  	v19 =	vmul.f32 v25, v30;
	v40 =	vpop (erf);
	(erf) = vrcp.f32 v45;
	v37 =	vsub.f32 $1.500000000e+00, v22  }
0x186: {  	v8 =	vadd.f32 v35, v42;
	v13 =	vmul.f32 v18, v13;
	v18 =	vmul.f32 v29, v14  }
0x187: {  	v6 =	vadd.f32 v35, v6;
	v12 =	vmul.f32 v11, v46;
	v39 =	vmul.f32 v37, v16  }
0x188: {  	v9 =	vadd.f32 v35, v9;
	(erf) = vrcp.f32 v63;
	v33 =	vsub.f32 $1.500000000e+00, v18  }
0x189: {  	v31 =	vld [tilespmem:s24+$0x1F90];
	v43 =	vshra.s32 v8, $0x1;
	v12 =	vmul.f32 v12, v11;
	v41 =	vmul.f32 v39, v61  }
0x18a: {  	v58 =	vshra.s32 v9, $0x1;
	v59 =	vmul.f32 $5.000000000e-01, v9;
	v34 =	vmul.f32 v33, v14  }
0x18b: {  	v12 =	vsub.f32 $1.500000000e+00, v12;
	v17 =	vmul.f32 v13, v51;
	v16 =	vmul.f32 v41, v39  }
0x18c: {  	v50 =	vshra.s32 v6, $0x1;
	v51 =	vmul.f32 $5.000000000e-01, v6;
	v21 =	vmul.f32 v34, v56  }
0x18d: {  	v52 =	vsub.s32 $0x5F3759DF, v50;
	v18 =	vld [tilespmem:s24+$0x2090];
	v11 =	vmul.f32 v12, v11;
	v17 =	vmul.f32 v17, v13  }
0x18e: {  	v14 =	vmul.f32 v31, v30;
	v30 =	vsub.s32 $0x5F3759DF, v58;
	v21 =	vmul.f32 v21, v34  }
0x18f: {  	v16 =	vsub.f32 $1.500000000e+00, v16;
	v24 =	vmul.f32 v52, v51;
	v60 =	vmul.f32 v30, v59  }
0x190: {  	v10 =	vmul.f32 v11, v44;
	v44 =	vmul.f32 $5.000000000e-01, v8;
	v21 =	vsub.f32 $1.500000000e+00, v21  }
0x191: {  	v17 =	vsub.f32 $1.500000000e+00, v17;
	v15 =	vmul.f32 v16, v39;
	v24 =	vmul.f32 v52, v24  }
0x192: {  	v45 =	vld [tilespmem:s24+$0x2110];
	v38 =	vmul.f32 v18, v14;
	v11 =	vmul.f32 v21, v34;
	v21 =	vsub.s32 $0x5F3759DF, v43  }
0x193: {  	v5 =	vadd.f32 v35, v5;
	v13 =	vmul.f32 v17, v13;
	v47 =	vmul.f32 v21, v44  }
0x194: {  	v12 =	vld [tilespmem:s24+$0x1F10];
	v48 =	vmul.f32 v18, v19;
	v32 =	vmul.f32 v30, v60  }
0x195: {  	v53 =	vshra.s32 v5, $0x1;
	v13 =	vmul.f32 v13, v49;
	v49 =	vmul.f32 v21, v47  }
0x196: {  	v55 =	vsub.s32 $0x5F3759DF, v53;
	v11 =	vmul.f32 v11, v54;
	v54 =	vmul.f32 $5.000000000e-01, v5  }
0x197: {  	v14 =	vmul.f32 v45, v14;
	v10 =	vmul.f32 v10, v36;
	v16 =	vsub.f32 $1.500000000e+00, v49  }
0x198: {  	v7 =	vmul.f32 v15, v7;
	v56 =	vmul.f32 v55, v54  }
0x199: {  	v17 =	vmul.f32 v31, v12;
	v16 =	vmul.f32 v21, v16  }
0x19a: {  	v46 =	vpop (erf);
	v24 =	vsub.f32 $1.500000000e+00, v24;
	v12 =	vmul.f32 v25, v12;
	v26 =	vmul.f32 v55, v56  }
0x19b: {  	v33 =	vpop (erf);
	v10 =	vmul.f32 v10, v38;
	v57 =	vmul.f32 v16, v44  }
0x19c: {  	v20 =	vmul.f32 v52, v24;
	v7 =	vmul.f32 v7, v33;
	v61 =	vsub.f32 $1.500000000e+00, v26  }
0x19d: {  	v36 =	vld [tilespmem:s24+$0x1510];
	v42 =	vmul.f32 v18, v17;
	v28 =	vmul.f32 v57, v16  }
0x19e: {  	v35 =	vsub.f32 $1.500000000e+00, v32;
	v34 =	vmul.f32 v20, v51;
	v21 =	vmul.f32 v55, v61  }
0x19f: {  	v39 =	vld [tilespmem:s24+$0x1410];
	v58 =	vmul.f32 v45, v17;
	v13 =	vmul.f32 v13, v40;
	v62 =	vsub.f32 $1.500000000e+00, v28  }
0x1a0: {  	v22 =	vmul.f32 v34, v20;
	v37 =	vmul.f32 v21, v54  }
0x1a1: {  	v15 =	vmul.f32 v62, v16;
	v16 =	vmul.f32 v30, v35  }
0x1a2: {  	(erf) = vrcp.f32 v36;
	v22 =	vsub.f32 $1.500000000e+00, v22;
	v38 =	vmul.f32 v37, v21  }
0x1a3: {  	v13 =	vmul.f32 v13, v42;
	v30 =	vmul.f32 v16, v59  }
0x1a4: {  	(erf) = vrcp.f32 v39;
	v20 =	vmul.f32 v22, v20;
	v40 =	vsub.f32 $1.500000000e+00, v38  }
0x1a5: {  	v42 =	vld [tilespmem:s24+$0x1610];
	v23 =	vmul.f32 v15, v44;
	v41 =	vmul.f32 v30, v16  }
0x1a6: {  	v43 =	vmul.f32 v20, v51;
	v21 =	vmul.f32 v40, v21  }
0x1a7: {  	v11 =	vmul.f32 v11, v46;
	v23 =	vmul.f32 v23, v15;
	v44 =	vsub.f32 $1.500000000e+00, v41  }
0x1a8: {  	v22 =	vmul.f32 v43, v20;
	v46 =	vmul.f32 v21, v54  }
0x1a9: {  	v11 =	vmul.f32 v11, v48;
	v23 =	vsub.f32 $1.500000000e+00, v23;
	v47 =	vmul.f32 v44, v16  }
0x1aa: {  	(erf) = vrcp.f32 v42;
	v48 =	vsub.f32 $1.500000000e+00, v22;
	v49 =	vmul.f32 v46, v21  }
0x1ab: {  	v10 =	vadd.f32 v13, v10;
	v15 =	vmul.f32 v23, v15;
	v52 =	vmul.f32 v47, v59  }
0x1ac: {  	v51 =	vmul.f32 v18, v12;
	v16 =	vmul.f32 v48, v20;
	v53 =	vsub.f32 $1.500000000e+00, v49  }
0x1ad: {  	v8 =	vmul.f32 v15, v8;
	v18 =	vmul.f32 v52, v47  }
0x1ae: {  	v50 =	vpop (erf);
	v10 =	vadd.f32 v10, v11;
	v6 =	vmul.f32 v16, v6;
	v54 =	vmul.f32 v53, v21  }
0x1af: {  	v55 =	vpop (erf);
	v7 =	vmul.f32 v7, v51;
	v8 =	vmul.f32 v8, v50;
	v56 =	vsub.f32 $1.500000000e+00, v18  }
0x1b0: {  	v6 =	vmul.f32 v6, v55;
	v5 =	vmul.f32 v54, v5  }
0x1b1: {  	v7 =	vadd.f32 v10, v7;
	v8 =	vmul.f32 v8, v14;
	v13 =	vmul.f32 v56, v47  }
0x1b2: {  	v57 =	vpop (erf);
	v59 =	vmul.f32 v45, v19;
	v6 =	vmul.f32 v6, v58  }
0x1b3: {  	v5 =	vmul.f32 v5, v57;
	v7 =	vadd.f32 v7, v8;
	v60 =	vmul.f32 v13, v9  }
0x1b4: {  	v62 =	vmul.f32 v45, v12;
	v61 =	vpop (erf)  }
0x1b5: {  	v5 =	vmul.f32 v5, v59;
	v6 =	vadd.f32 v7, v6;
	v7 =	vmul.f32 v60, v61  }
0x1b6: {  	v63 =	vld [tilespmem:s24+$0x2490]  }
0x1b7: {  	v5 =	vadd.f32 v6, v5;
	v6 =	vmul.f32 v7, v62;
	_ =	sdelay $0x1  }
0x1b8: {  	v5 =	vadd.f32 v5, v6  }
0x1b9: {  	v6 =	vld [tilespmem:s24+$0x210]  }
0x1ba: {  	v5 =	vadd.f32 v5, v63;
	_ =	sdelay $0x1  }
0x1bb: {  	[tilespmem:s24+$0x2710] =	vst v5  }
0x1bc: {  	v7 =	vld [tilespmem:$0x2780]  }
0x1bd: {  	v5 =	vsub.f32 v5, v6  }
0x1be: {  	p2 =	sne.s32 s23, $0x180  }
.Ltmp8:
0x1bf: {  	v5 =	vmul.f32 v5, v5;
	(pc) =	sbr.rel @p2 .LBB2_8-.Ltmp8, $3  }
0x1c0: {  	_ = 	snop  }
0x1c1: {  	v5 =	vadd.f32 v5, v7;
	_ =	sdelay $0x1  }
0x1c2: {  	s23 =	sadd.s32 $0x80, s23;
	[tilespmem:$0x2780] =	vst v5  }
.Ltmp9:
0x1c3: {  	(pc) =	sbr.rel @!p0 .LBB2_10-.Ltmp9, $4  }
0x1c4: {  	_ = 	snop  }
0x1c5: {  	s13 =	sshrl.u32 s13, $0x3  }
0x1c6: {  	s13 =	sadd.s32 s3, s13  }
0x1c7: {  	[hbm4b:s13+s4] =	stream.linear.scatter [tilespmem:s0], [sflag:$0x5], $0x80, $0x38;
	[tilespmem:$0x2800] =	vst v63  }
.Ltmp10:
0x1c8: {  	(pc) =	sbr.rel @!p1 .LBB2_16-.Ltmp10, $4  }
.Ltmp11:
0x1c9: {  	(pc) =	sbr.rel @p1 .LBB2_15-.Ltmp11, $4  }
0x1ca: {  	_ = 	snop  }
0x1cb: {  	_ = 	snop  }
0x1cc: {  	p0 =	por $0x0, $0x0;
	s13 =	simm.s32 $0x2000  }
0x1cd: {  	_ = 	snop  }
.LBB2_10:
0x1ce: {  	s13 =	sshll.u32 s5, $0x7  }
0x1cf: {  	s13 =	sadd.s32 s11, s13  }
0x1d0: {  	s13 =	sshrl.u32 s13, $0x3  }
0x1d1: {  	s23 =	simm.s32 $0x0;
	s13 =	sadd.s32 s2, s13  }
0x1d2: {  	[tilespmem:s14], [sflag:$0x2] =	stream.linear.gather [hbm4b:s13+s23], $0x80, $0x38;
	[tilespmem:$0x2800] =	vst v63  }
0x1d3: {  	_ =	swait.ge [sflag:s15], $0x80  }
0x1d4: {  	[sflag:s15] =	ssyncset.done $0x0  }
0x1d5: {  	[sflag:s15] =	ssyncadd.s32 $0xFFFFFF80  }
0x1d6: {  	_ =	swait.ge [sflag:s15], $0x80  }
0x1d7: {  	[sflag:s15] =	ssyncset.done $0x0  }
0x1d8: {  	[sflag:s15] =	ssyncadd.s32 $0xFFFFFF80  }
0x1d9: {  	_ =	swait.ge [sflag:s15], $0x80  }
0x1da: {  	[sflag:s15] =	ssyncset.done $0x0  }
0x1db: {  	[sflag:s15] =	ssyncadd.s32 $0xFFFFFF80  }
0x1dc: {  	_ =	swait.ge [sflag:s15], $0x80  }
0x1dd: {  	[sflag:s15] =	ssyncset.done $0x0  }
0x1de: {  	s13 =	simm.s32 $0x0;
	[sflag:s15] =	ssyncadd.s32 $0xFFFFFF80  }
0x1df: {  	v5 =	vld [tilespmem:s13+$0x510]  }
0x1e0: {  	v6 =	vld [tilespmem:s13+$0x300]  }
0x1e1: {  	v7 =	vld [tilespmem:s13+$0x400]  }
0x1e2: {  	v8 =	vld [tilespmem:s13+$0x500]  }
0x1e3: {  	v9 =	vld [tilespmem:s13+$0x310];
	_ =	sdelay $0x1  }
0x1e4: {  	v10 =	vld [tilespmem:s13+$0x410]  }
0x1e5: {  	v5 =	vmax.f32 v5, $0.0e+00  }
0x1e6: {  	v6 =	vmax.f32 v6, $0.0e+00;
	v7 =	vmax.f32 v7, $0.0e+00;
	v8 =	vmax.f32 v8, $0.0e+00  }
0x1e7: {  	v9 =	vmax.f32 v9, $0.0e+00;
	v13 =	vmin.f32 v5, $1.270000000e+02;
	v6 =	vmin.f32 v6, $1.270000000e+02  }
0x1e8: {  	v7 =	vmin.f32 v7, $1.270000000e+02;
	v8 =	vmin.f32 v8, $1.270000000e+02;
	v14 =	vmin.f32 v9, $1.270000000e+02  }
0x1e9: {  	v9 =	vmax.f32 v10, $0.0e+00;
	v5 =	vtrunc.f32 v13;
	v11 =	vtrunc.f32 v6  }
0x1ea: {  	v10 =	vtrunc.f32 v7;
	v17 =	vmin.f32 v9, $1.270000000e+02;
	v9 =	vtrunc.f32 v8  }
0x1eb: {  	v12 =	vtrunc.f32 v14;
	v5 =	vcvt.f32.s32 v5  }
0x1ec: {  	v15 =	vtrunc.f32 v17;
	v11 =	vcvt.f32.s32 v11  }
0x1ed: {  	v10 =	vcvt.f32.s32 v10;
	v9 =	vcvt.f32.s32 v9  }
0x1ee: {  	v12 =	vcvt.f32.s32 v12;
	v15 =	vcvt.f32.s32 v15;
	vm0 =	vlt.s32 v5, $0x7E  }
0x1ef: {  	vm14 =	vlt.s32 v11, $0x7E;
	vm1 =	vlt.s32 v10, $0x7E;
	vm2 =	vlt.s32 v9, $0x7E  }
0x1f0: {  	vm3 =	vlt.s32 v12, $0x7E;
	v5 =	vnsel vm0, $0x7E, v5;
	v11 =	vnsel vm14, $0x7E, v11  }
0x1f1: {  	vm15 =	vlt.s32 v15, $0x7E;
	v10 =	vnsel vm1, $0x7E, v10;
	v9 =	vnsel vm2, $0x7E, v9  }
0x1f2: {  	v12 =	vnsel vm3, $0x7E, v12;
	v18 =	vcvt.s32.f32 v5;
	v21 =	vcvt.s32.f32 v11  }
0x1f3: {  	v22 =	vcvt.s32.f32 v10;
	v15 =	vnsel vm15, $0x7E, v15;
	v23 =	vcvt.s32.f32 v9  }
0x1f4: {  	v11 =	vshll.u32 v11, $0xE;
	v24 =	vcvt.s32.f32 v12;
	v12 =	vshll.u32 v12, $0xE  }
0x1f5: {  	v10 =	vshll.u32 v10, $0x7;
	v34 =	vcvt.s32.f32 v15;
	v16 =	vadd.f32 $1.000000000e+00, v18  }
0x1f6: {  	v11 =	vadd.s32 v4, v11;
	v19 =	vsub.f32 v18, v3;
	v25 =	vadd.f32 $1.000000000e+00, v21  }
0x1f7: {  	v12 =	vadd.s32 v4, v12;
	v26 =	vadd.f32 $1.000000000e+00, v22;
	v27 =	vadd.f32 $1.000000000e+00, v23  }
0x1f8: {  	v29 =	vld [tilespmem:s13+$0x600];
	v15 =	vshll.u32 v15, $0x7;
	v28 =	vadd.f32 $1.000000000e+00, v24;
	v38 =	vsub.f32 v21, v1  }
0x1f9: {  	v32 =	vld [tilespmem:s13+$0x610];
	v39 =	vsub.f32 v22, v2;
	v10 =	vadd.s32 v10, v11;
	v11 =	vsub.f32 v23, v3  }
0x1fa: {  	v12 =	vadd.s32 v15, v12;
	v31 =	vadd.f32 $1.000000000e+00, v34;
	v15 =	vsub.f32 v34, v2  }
0x1fb: {  	v5 =	vadd.s32 v5, v12;
	v12 =	vsub.f32 v6, v21;
	v20 =	vsub.f32 v16, v3  }
0x1fc: {  	v30 =	vsub.f32 v25, v1;
	v33 =	vsub.f32 v26, v2  }
0x1fd: {  	[tilespmem:s13+$0x2480] =	vst v29;
	v35 =	vsub.f32 v27, v3;
	v25 =	vsub.f32 v25, v6  }
0x1fe: {  	[tilespmem:s13+$0x2490] =	vst v32;
	v36 =	vsub.f32 v28, v1;
	v26 =	vsub.f32 v26, v7  }
0x1ff: {  	v60 =	vsub.f32 v27, v8;
	v61 =	vmul.f32 v38, v38;
	v63 =	vmul.f32 v11, v11;
	[tilespmem:s13+$0x1E80] =	vst v25  }
0x200: {  	v11 =	vadd.s32 v9, v10;
	v10 =	vsub.f32 v7, v22;
	v9 =	vsub.f32 v8, v23;
	[tilespmem:s13+$0x1F80] =	vst v26  }
0x201: {  	v62 =	vmul.f32 v39, v39;
	v8 =	vsub.f32 v14, v24;
	v7 =	vsub.f32 v17, v34;
	[tilespmem:s13+$0x2080] =	vst v60  }
0x202: {  	v6 =	vsub.f32 v13, v18;
	v22 =	vadd.s32 $0x80, v5;
	v23 =	vadd.s32 $0x81, v5;
	[tilespmem:s13+$0x2180] =	vst v61  }
0x203: {  	v21 =	vadd.s32 $0x4000, v5;
	v37 =	vsub.f32 v31, v2;
	v20 =	vmul.f32 v20, v20;
	[tilespmem:s13+$0x2280] =	vst v62  }
0x204: {  	v32 =	vsub.f32 v31, v17;
	v31 =	vsub.f32 v16, v13;
	v30 =	vmul.f32 v30, v30;
	[tilespmem:s13+$0x2380] =	vst v63  }
0x205: {  	v27 =	vadd.s32 $0x1, v11;
	v16 =	vadd.s32 $0x81, v11;
	v29 =	vmul.f32 v33, v33;
	[tilespmem:s13+$0x2410] =	vst v20  }
0x206: {  	v17 =	vadd.s32 $0x4000, v11;
	v18 =	vadd.s32 $0x4001, v11;
	v58 =	vmul.f32 v35, v35;
	[tilespmem:s13+$0x2200] =	vst v30  }
0x207: {  	v33 =	vsub.f32 v28, v14;
	v28 =	vmul.f32 v15, v15;
	v59 =	vmul.f32 v37, v37;
	[tilespmem:s13+$0x2300] =	vst v29  }
0x208: {  	v15 =	vadd.s32 $0x80, v11;
	v20 =	vsub.f32 v24, v1;
	v30 =	vmul.f32 v36, v36;
	[tilespmem:s13+$0x2400] =	vst v58  }
0x209: {  	v26 =	vadd.s32 $0x4080, v11;
	v25 =	vadd.s32 $0x4081, v11;
	v24 =	vadd.s32 $0x1, v5;
	[tilespmem:s13+$0x2310] =	vst v59  }
0x20a: {  	s24 =	simm.s32 $0x100;
	s23 =	simm.s32 $0x20;
	v29 =	vmul.f32 v20, v20;
	[tilespmem:s13+$0x2210] =	vst v30;
	v30 =	vmul.f32 v19, v19;
	v19 =	vadd.s32 $0x4001, v5  }
.LBB2_11:
0x20b: {  	p0 =	sne.s32 s24, $0x180;
	v13 =	vld [tilespmem:s23+$0x510];
	v34 =	vadd.s32 $0x4080, v5;
	v35 =	vadd.s32 $0x4081, v5;
	[tilespmem:s13+$0x1E90] =	vst v33  }
0x20c: {  	v14 =	vld [tilespmem:s23+$0x300];
	[tilespmem:s13+$0x1F90] =	vst v32  }
0x20d: {  	v20 =	vld [tilespmem:s23+$0x400];
	[tilespmem:s13+$0x2090] =	vst v31  }
0x20e: {  	v31 =	vld [tilespmem:s23+$0x500];
	[tilespmem:s13+$0x2190] =	vst v29  }
0x20f: {  	v29 =	vld [tilespmem:s23+$0x310];
	[tilespmem:s13+$0x2290] =	vst v28  }
0x210: {  	v28 =	vld [tilespmem:s23+$0x410];
	v13 =	vmax.f32 v13, $0.0e+00;
	[tilespmem:s13+$0x2390] =	vst v30  }
0x211: {  	v30 =	vld [tilespmem:s23+$0x600];
	v14 =	vmax.f32 v14, $0.0e+00;
	v13 =	vmin.f32 v13, $1.270000000e+02;
	[tilespmem:s13+$0xB00] =	vst v27  }
0x212: {  	v14 =	vmin.f32 v14, $1.270000000e+02;
	v20 =	vmax.f32 v20, $0.0e+00;
	v27 =	vld [tilespmem:s23+$0x610];
	v32 =	vtrunc.f32 v13;
	[tilespmem:s13+$0xB80] =	vst v15  }
0x213: {  	v15 =	vmin.f32 v20, $1.270000000e+02;
	v20 =	vmax.f32 v31, $0.0e+00;
	v31 =	vcvt.f32.s32 v32;
	[tilespmem:s13+$0xC00] =	vst v16  }
0x214: {  	v32 =	vtrunc.f32 v14;
	v16 =	vmin.f32 v20, $1.270000000e+02;
	v20 =	vmax.f32 v29, $0.0e+00;
	[tilespmem:s13+$0xC80] =	vst v17  }
0x215: {  	v17 =	vmin.f32 v20, $1.270000000e+02;
	v20 =	vmax.f32 v28, $0.0e+00;
	vm0 =	vlt.s32 v31, $0x7E;
	[tilespmem:s13+$0xD00] =	vst v18  }
0x216: {  	v28 =	vtrunc.f32 v15;
	v18 =	vmin.f32 v20, $1.270000000e+02;
	v36 =	vnsel vm0, $0x7E, v31;
	[tilespmem:s13+$0xD80] =	vst v26  }
0x217: {  	v26 =	vtrunc.f32 v16;
	v20 =	vcvt.s32.f32 v36;
	[tilespmem:s13+$0xE00] =	vst v25  }
0x218: {  	v25 =	vtrunc.f32 v17;
	v29 =	vtrunc.f32 v18;
	[tilespmem:s13+$0xB10] =	vst v24  }
0x219: {  	v28 =	vcvt.f32.s32 v28;
	v24 =	vcvt.f32.s32 v32;
	v31 =	vadd.f32 $1.000000000e+00, v20;
	[tilespmem:s13+$0xB90] =	vst v22  }
0x21a: {  	v25 =	vcvt.f32.s32 v25;
	v22 =	vcvt.f32.s32 v26;
	v26 =	vsub.f32 v20, v3;
	[tilespmem:s13+$0xC10] =	vst v23  }
0x21b: {  	vm0 =	vlt.s32 v24, $0x7E;
	v23 =	vcvt.f32.s32 v29;
	v29 =	vsub.f32 v31, v3;
	[tilespmem:s13+$0xC90] =	vst v21  }
0x21c: {  	vm1 =	vlt.s32 v28, $0x7E;
	vm3 =	vlt.s32 v25, $0x7E;
	vm2 =	vlt.s32 v22, $0x7E;
	[tilespmem:s13+$0xD10] =	vst v19  }
0x21d: {  	v19 =	vnsel vm0, $0x7E, v24;
	vm0 =	vlt.s32 v23, $0x7E;
	v21 =	vmul.f32 v29, v29;
	[tilespmem:s13+$0xD90] =	vst v34  }
0x21e: {  	v25 =	vnsel vm3, $0x7E, v25;
	v24 =	vnsel vm1, $0x7E, v28;
	v22 =	vnsel vm2, $0x7E, v22;
	[tilespmem:s13+$0xE10] =	vst v35  }
0x21f: {  	v34 =	vcvt.s32.f32 v19;
	v23 =	vnsel vm0, $0x7E, v23;
	v35 =	vcvt.s32.f32 v24;
	[tilespmem:s23+$0x2410] =	vst v21  }
0x220: {  	v37 =	vcvt.s32.f32 v25;
	v19 =	vshll.u32 v19, $0xE;
	v21 =	vcvt.s32.f32 v22;
	[tilespmem:s13+$0xA80] =	vst v11  }
0x221: {  	v38 =	vcvt.s32.f32 v23;
	v11 =	vadd.f32 $1.000000000e+00, v34;
	v28 =	vadd.f32 $1.000000000e+00, v35;
	[tilespmem:s13+$0x1F00] =	vst v12  }
0x222: {  	v25 =	vshll.u32 v25, $0xE;
	v29 =	vadd.f32 $1.000000000e+00, v37;
	v12 =	vadd.f32 $1.000000000e+00, v21;
	[tilespmem:s13+$0x2000] =	vst v10  }
0x223: {  	v32 =	vadd.f32 $1.000000000e+00, v38;
	v10 =	vadd.s32 v4, v19;
	v19 =	vsub.f32 v11, v1;
	[tilespmem:s13+$0x2100] =	vst v9  }
0x224: {  	v25 =	vadd.s32 v4, v25;
	v9 =	vsub.f32 v28, v2;
	v33 =	vsub.f32 v12, v3;
	[tilespmem:s13+$0xA90] =	vst v5  }
0x225: {  	v39 =	vsub.f32 v32, v2;
	v5 =	vshll.u32 v24, $0x7;
	v24 =	vsub.f32 v29, v1;
	[tilespmem:s13+$0x1F10] =	vst v8  }
0x226: {  	v23 =	vshll.u32 v23, $0x7;
	v40 =	vsub.f32 v35, v2;
	v8 =	vsub.f32 v34, v1;
	[tilespmem:s13+$0x2010] =	vst v7  }
0x227: {  	v5 =	vadd.s32 v5, v10;
	v10 =	vsub.f32 v37, v1;
	v7 =	vsub.f32 v21, v3;
	[tilespmem:s13+$0x2110] =	vst v6;
	s13 =	smov.u32 s23  }
0x228: {  	v6 =	vmul.f32 v19, v19;
	v19 =	vadd.s32 v23, v25;
	v23 =	vsub.f32 v38, v2;
	[tilespmem:s13+$0x2480] =	vst v30  }
0x229: {  	v9 =	vmul.f32 v9, v9;
	v25 =	vsub.f32 v11, v14;
	v11 =	vmul.f32 v33, v33;
	[tilespmem:s13+$0x2490] =	vst v27  }
0x22a: {  	v41 =	vsub.f32 v28, v15;
	[tilespmem:s13+$0x2200] =	vst v6;
	v6 =	vmul.f32 v24, v24;
	v24 =	vmul.f32 v39, v39  }
0x22b: {  	v40 =	vmul.f32 v40, v40;
	v42 =	vmul.f32 v8, v8;
	v39 =	vsub.f32 v12, v16;
	[tilespmem:s13+$0x2300] =	vst v9  }
0x22c: {  	v32 =	vsub.f32 v32, v18;
	v33 =	vsub.f32 v29, v17;
	v43 =	vmul.f32 v7, v7;
	[tilespmem:s13+$0x2400] =	vst v11  }
0x22d: {  	v31 =	vsub.f32 v31, v13;
	v29 =	vmul.f32 v10, v10;
	v28 =	vmul.f32 v23, v23;
	[tilespmem:s13+$0x2210] =	vst v6  }
0x22e: {  	v30 =	vmul.f32 v26, v26;
	v11 =	vadd.s32 v22, v5;
	v5 =	vadd.s32 v36, v19;
	[tilespmem:s13+$0x2310] =	vst v24  }
0x22f: {  	v10 =	vsub.f32 v15, v35;
	v12 =	vsub.f32 v14, v34;
	v27 =	vadd.s32 $0x1, v11;
	[tilespmem:s13+$0x1E80] =	vst v25  }
.Ltmp12:
0x230: {  	v8 =	vsub.f32 v17, v37;
	v9 =	vsub.f32 v16, v21;
	v15 =	vadd.s32 $0x80, v11;
	[tilespmem:s13+$0x1F80] =	vst v41;
	(pc) =	sbr.rel @p0 .LBB2_11-.Ltmp12, $4  }
0x231: {  	v7 =	vsub.f32 v18, v38;
	v16 =	vadd.s32 $0x81, v11;
	v6 =	vsub.f32 v13, v20;
	[tilespmem:s13+$0x2080] =	vst v39  }
0x232: {  	v17 =	vadd.s32 $0x4000, v11;
	v18 =	vadd.s32 $0x4001, v11;
	v26 =	vadd.s32 $0x4080, v11;
	[tilespmem:s13+$0x2180] =	vst v42  }
0x233: {  	v22 =	vadd.s32 $0x80, v5;
	v24 =	vadd.s32 $0x1, v5;
	v25 =	vadd.s32 $0x4081, v11;
	[tilespmem:s13+$0x2280] =	vst v40  }
0x234: {  	s23 =	sshra.s32 s24, $0x2;
	s24 =	sadd.s32 $0x80, s24;
	v23 =	vadd.s32 $0x81, v5;
	v21 =	vadd.s32 $0x4000, v5;
	v19 =	vadd.s32 $0x4001, v5;
	[tilespmem:s13+$0x2380] =	vst v43  }
0x235: {  	v13 =	vld [tilespmem:s23+$0x510];
	[tilespmem:s13+$0x1E90] =	vst v33  }
0x236: {  	v14 =	vld [tilespmem:s23+$0x300];
	[tilespmem:s13+$0x1F90] =	vst v32  }
0x237: {  	v32 =	vld [tilespmem:s23+$0x400];
	[tilespmem:s13+$0x2090] =	vst v31  }
0x238: {  	v31 =	vld [tilespmem:s23+$0x500];
	[tilespmem:s13+$0x2190] =	vst v29  }
0x239: {  	v29 =	vld [tilespmem:s23+$0x310];
	[tilespmem:s13+$0x2290] =	vst v28  }
0x23a: {  	v28 =	vld [tilespmem:s23+$0x410];
	[tilespmem:s13+$0x2390] =	vst v30;
	v13 =	vmax.f32 v13, $0.0e+00  }
0x23b: {  	v30 =	vld [tilespmem:s23+$0x600];
	[tilespmem:s13+$0xB00] =	vst v27;
	v13 =	vmin.f32 v13, $1.270000000e+02  }
0x23c: {  	v27 =	vld [tilespmem:s23+$0x610];
	v20 =	vtrunc.f32 v13;
	[tilespmem:s13+$0xB80] =	vst v15  }
0x23d: {  	[tilespmem:s13+$0xC00] =	vst v16;
	v44 =	vcvt.f32.s32 v20  }
0x23e: {  	[tilespmem:s13+$0xC80] =	vst v17  }
0x23f: {  	[tilespmem:s13+$0xD00] =	vst v18;
	vm0 =	vlt.s32 v44, $0x7E  }
0x240: {  	[tilespmem:s13+$0xD80] =	vst v26;
	v20 =	vnsel vm0, $0x7E, v44  }
0x241: {  	v45 =	vmax.f32 v14, $0.0e+00;
	[tilespmem:s13+$0xE00] =	vst v25;
	v14 =	vcvt.s32.f32 v20  }
0x242: {  	[tilespmem:s13+$0xB10] =	vst v24  }
0x243: {  	[tilespmem:s13+$0xB90] =	vst v22;
	v24 =	vadd.f32 $1.000000000e+00, v14  }
0x244: {  	[tilespmem:s13+$0xC10] =	vst v23  }
0x245: {  	v46 =	vadd.s32 $0x4080, v5;
	[tilespmem:s13+$0xC90] =	vst v21;
	v52 =	vsub.f32 v24, v3  }
0x246: {  	v47 =	vadd.s32 $0x4081, v5;
	v15 =	vmin.f32 v45, $1.270000000e+02;
	v48 =	vmax.f32 v32, $0.0e+00;
	[tilespmem:s13+$0xD10] =	vst v19  }
0x247: {  	[tilespmem:s13+$0xD90] =	vst v46;
	v17 =	vmin.f32 v48, $1.270000000e+02;
	v51 =	vtrunc.f32 v15;
	v23 =	vmul.f32 v52, v52  }
0x248: {  	[tilespmem:s13+$0xE10] =	vst v47;
	v54 =	vtrunc.f32 v17;
	v22 =	vcvt.f32.s32 v51  }
0x249: {  	v58 =	vcvt.f32.s32 v54;
	[tilespmem:s23+$0x2410] =	vst v23  }
0x24a: {  	v49 =	vmax.f32 v31, $0.0e+00;
	vm13 =	vlt.s32 v22, $0x7E;
	[tilespmem:s13+$0xA80] =	vst v11  }
0x24b: {  	v16 =	vmin.f32 v49, $1.270000000e+02;
	vm1 =	vlt.s32 v58, $0x7E;
	v61 =	vnsel vm13, $0x7E, v22;
	[tilespmem:s13+$0x1F00] =	vst v12  }
0x24c: {  	v50 =	vmax.f32 v29, $0.0e+00;
	v62 =	vnsel vm1, $0x7E, v58;
	v22 =	vcvt.s32.f32 v61;
	[tilespmem:s13+$0x2000] =	vst v10  }
0x24d: {  	v18 =	vmin.f32 v50, $1.270000000e+02;
	v55 =	vtrunc.f32 v16;
	v36 =	vcvt.s32.f32 v62;
	[tilespmem:s13+$0x2100] =	vst v9  }
0x24e: {  	v53 =	vmax.f32 v28, $0.0e+00;
	v59 =	vcvt.f32.s32 v55;
	v39 =	vadd.f32 $1.000000000e+00, v22;
	[tilespmem:s13+$0xA90] =	vst v5  }
0x24f: {  	v19 =	vmin.f32 v53, $1.270000000e+02;
	v56 =	vtrunc.f32 v18;
	v41 =	vadd.f32 $1.000000000e+00, v36;
	[tilespmem:s13+$0x1F10] =	vst v8  }
0x250: {  	v57 =	vtrunc.f32 v19;
	vm2 =	vlt.s32 v59, $0x7E;
	v44 =	vsub.f32 v39, v1;
	[tilespmem:s13+$0x2010] =	vst v7  }
0x251: {  	v21 =	vcvt.f32.s32 v56;
	v63 =	vnsel vm2, $0x7E, v59;
	v45 =	vsub.f32 v41, v2;
	[tilespmem:s13+$0x2110] =	vst v6  }
0x252: {  	v38 =	vcvt.s32.f32 v63;
	v31 =	vmul.f32 v44, v44;
	[tilespmem:s23+$0x2480] =	vst v30  }
0x253: {  	v60 =	vcvt.f32.s32 v57;
	vm14 =	vlt.s32 v21, $0x7E;
	v32 =	vmul.f32 v45, v45;
	[tilespmem:s23+$0x2490] =	vst v27  }
0x254: {  	v37 =	vnsel vm14, $0x7E, v21;
	v43 =	vadd.f32 $1.000000000e+00, v38;
	v26 =	vsub.f32 v39, v15;
	[tilespmem:s23+$0x2200] =	vst v31  }
0x255: {  	v40 =	vcvt.s32.f32 v37;
	v24 =	vsub.f32 v24, v13;
	v28 =	vsub.f32 v41, v17;
	[tilespmem:s23+$0x2300] =	vst v32  }
0x256: {  	vm15 =	vlt.s32 v60, $0x7E;
	v46 =	vsub.f32 v43, v3;
	v29 =	vsub.f32 v43, v16;
	[tilespmem:s23+$0x1E80] =	vst v26  }
0x257: {  	v51 =	vsub.f32 v38, v3;
	v5 =	vnsel vm15, $0x7E, v60;
	v7 =	vadd.f32 $1.000000000e+00, v40;
	[tilespmem:s23+$0x1F80] =	vst v28  }
0x258: {  	v33 =	vmul.f32 v46, v46;
	v42 =	vcvt.s32.f32 v5;
	[tilespmem:s23+$0x2080] =	vst v29  }
0x259: {  	v26 =	vmul.f32 v51, v51;
	[tilespmem:s23+$0x2090] =	vst v24;
	v47 =	vsub.f32 v7, v1  }
0x25a: {  	[tilespmem:s23+$0x2400] =	vst v33;
	v7 =	vsub.f32 v7, v18;
	v6 =	vadd.f32 $1.000000000e+00, v42  }
0x25b: {  	v49 =	vsub.f32 v22, v1;
	[tilespmem:s23+$0x2380] =	vst v26;
	v53 =	vsub.f32 v42, v2;
	v30 =	vmul.f32 v47, v47  }
0x25c: {  	[tilespmem:s23+$0x1E90] =	vst v7;
	v48 =	vsub.f32 v6, v2;
	v6 =	vsub.f32 v6, v19  }
0x25d: {  	v7 =	vsub.f32 v14, v3;
	v55 =	vmul.f32 v53, v53;
	[tilespmem:s23+$0x2210] =	vst v30  }
0x25e: {  	v30 =	vmul.f32 v49, v49;
	[tilespmem:s23+$0x1F90] =	vst v6  }
0x25f: {  	v54 =	vshll.u32 v62, $0x7;
	v11 =	vshll.u32 v61, $0xE;
	v7 =	vmul.f32 v7, v7;
	[tilespmem:s23+$0x2290] =	vst v55  }
0x260: {  	v50 =	vsub.f32 v36, v2;
	v27 =	vmul.f32 v48, v48;
	v6 =	vadd.s32 v4, v11;
	[tilespmem:s23+$0x2180] =	vst v30  }
0x261: {  	v6 =	vadd.s32 v54, v6;
	[tilespmem:s23+$0x2390] =	vst v7  }
0x262: {  	[tilespmem:s23+$0x2310] =	vst v27;
	v27 =	vmul.f32 v50, v50;
	v6 =	vadd.s32 v63, v6  }
0x263: {  	[tilespmem:s23+$0xA80] =	vst v6  }
0x264: {  	v10 =	vadd.s32 $0x1, v6;
	[tilespmem:s23+$0x2280] =	vst v27  }
0x265: {  	v7 =	vadd.s32 $0x80, v6;
	[tilespmem:s23+$0xB00] =	vst v10  }
0x266: {  	v56 =	vadd.s32 $0x81, v6;
	[tilespmem:s23+$0xB80] =	vst v7  }
0x267: {  	v57 =	vadd.s32 $0x4000, v6;
	[tilespmem:s23+$0xC00] =	vst v56  }
0x268: {  	v52 =	vsub.f32 v40, v1;
	v58 =	vadd.s32 $0x4001, v6;
	[tilespmem:s23+$0xC80] =	vst v57  }
0x269: {  	v63 =	vsub.f32 v15, v22;
	v59 =	vadd.s32 $0x4081, v6;
	[tilespmem:s23+$0xD00] =	vst v58  }
0x26a: {  	v27 =	vmul.f32 v52, v52;
	v7 =	vshll.u32 v37, $0xE;
	[tilespmem:s23+$0xE00] =	vst v59  }
0x26b: {  	v5 =	vshll.u32 v5, $0x7;
	[tilespmem:s23+$0x1F00] =	vst v63;
	v7 =	vadd.s32 v4, v7  }
0x26c: {  	[tilespmem:s23+$0x2190] =	vst v27;
	v5 =	vadd.s32 v5, v7;
	v7 =	vadd.s32 $0x4080, v6;
	v6 =	vsub.f32 v16, v38  }
0x26d: {  	[tilespmem:s23+$0xD80] =	vst v7  }
0x26e: {  	v5 =	vadd.s32 v20, v5;
	[tilespmem:s23+$0x2100] =	vst v6  }
0x26f: {  	v7 =	vadd.s32 $0x1, v5;
	[tilespmem:s23+$0xA90] =	vst v5  }
0x270: {  	v60 =	vadd.s32 $0x80, v5;
	[tilespmem:s23+$0xB10] =	vst v7  }
0x271: {  	v61 =	vadd.s32 $0x4000, v5;
	[tilespmem:s23+$0xB90] =	vst v60  }
0x272: {  	v62 =	vadd.s32 $0x4080, v5;
	[tilespmem:s23+$0xC90] =	vst v61  }
0x273: {  	v7 =	vadd.s32 $0x81, v5;
	[tilespmem:s23+$0xD90] =	vst v62  }
0x274: {  	[tilespmem:s23+$0xC10] =	vst v7;
	v7 =	vadd.s32 $0x4001, v5  }
0x275: {  	v6 =	vsub.f32 v19, v42;
	[tilespmem:s23+$0xD10] =	vst v7;
	v7 =	vadd.s32 $0x4081, v5  }
0x276: {  	[tilespmem:s23+$0xE10] =	vst v7;
	v7 =	vsub.f32 v17, v36  }
.Ltmp13:
0x277: {  	[tilespmem:s23+$0x2010] =	vst v6;
	v5 =	vsub.f32 v13, v14;
	(pc) =	sbr.rel @!p1 .LBB2_16-.Ltmp13, $4  }
0x278: {  	[tilespmem:s23+$0x2000] =	vst v7;
	v7 =	vsub.f32 v18, v40  }
0x279: {  	[tilespmem:s23+$0x2110] =	vst v5  }
0x27a: {  	p0 =	por $0x0, $0x0;
	[tilespmem:s23+$0x1F10] =	vst v7  }
0x27b: {  	[tilespmem:s12], [sflag:$0x4] =	stream.indirect.gather [hbm4b:s6+s18], $0x1, s19, s18, $0xb8;
	[tilespmem:$0x2800] =	vst v63  }
0x27c: {  	s13 =	sshll.u32 s20, $0x8  }
.LBB2_15:
0x27d: {  	_ =	swait.ge [sflag:s22], $0x80  }
0x27e: {  	[sflag:s22] =	ssyncset.done $0x0  }
0x27f: {  	s23 =	simm.s32 $0x280;
	[sflag:s22] =	ssyncadd.s32 $0xFFFFFF80  }
0x280: {  	[tilespmem:s23], [sflag:$0x3] =	stream.indirect.gather [hbm4b:s7+s21], $0x1, s21, s21, $0xb8;
	[tilespmem:$0x2800] =	vst v63  }
0x281: {  	s24 =	simm.s32 $0x380  }
0x282: {  	[tilespmem:s24], [sflag:$0x3] =	stream.indirect.gather [hbm4b:s8+s21], $0x1, s21, s21, $0xb8;
	[tilespmem:$0x2800] =	vst v63  }
0x283: {  	s13 =	sadd.s32 s13, s17  }
0x284: {  	[tilespmem:s25], [sflag:$0x3] =	stream.indirect.gather [hbm4b:s9+s21], $0x1, s21, s21, $0xb8;
	[tilespmem:$0x2800] =	vst v63  }
0x285: {  	s13 =	sshrl.u32 s13, $0x3  }
0x286: {  	[tilespmem:s26], [sflag:$0x3] =	stream.indirect.gather [hbm4b:s10+s21], $0x1, s21, s21, $0xb8;
	[tilespmem:$0x2800] =	vst v63  }
0x287: {  	p0 =	por $0x1, $0x1;
	s13 =	sadd.s32 s1, s13  }
0x288: {  	[tilespmem:s28], [sflag:$0x1] =	stream.linear.gather [hbm4b:s13+s4], $0x80, $0x38;
	[tilespmem:$0x2800] =	vst v63  }
.LBB2_16:
0x289: {  	p1 =	sgt.u32 s5, $0x40  }
.Ltmp14:
0x28a: {  	_ = 	snop;
	(pc) =	sbr.rel @p1 .LBB2_20-.Ltmp14, $1  }
0x28b: {  	_ =	sdelay $0x3  }
0x28c: {  	_ =	swait.ge [sflag:s30], $0x400  }
0x28d: {  	[sflag:s30] =	ssyncset.done $0x0  }
0x28e: {  	[sflag:s30] =	ssyncadd.s32 $0xFFFFFC00  }
0x28f: {  	_ =	swait.ge [sflag:s31], $0x80  }
0x290: {  	p1 =	seq.s32 s20, $0x0;
	[sflag:s31] =	ssyncset.done $0x0  }
0x291: {  	s13 =	simm.s32 @!p1 $0x5;
	[sflag:s31] =	ssyncadd.s32 $0xFFFFFF80  }
0x292: {  	_ =	swait.ge @!p1 [sflag:s13], $0x80  }
0x293: {  	s5 =	sshll.u32 s20, $0x8;
	[sflag:s13] =	ssyncset.done @!p1 $0x0  }
0x294: {  	s5 =	sadd.s32 s11, s5;
	[sflag:s13] =	ssyncadd.s32 @!p1 $0xFFFFFF80;
	s13 =	simm.s32 $0x0  }
.LBB2_18:
0x295: {  	s23 =	sshra.s32 s13, $0x2  }
0x296: {  	v5 =	vld [tilespmem:s23+$0x1980]  }
0x297: {  	v6 =	vld [tilespmem:s23+$0x1A80]  }
0x298: {  	v7 =	vld [tilespmem:s23+$0x1B80]  }
0x299: {  	v9 =	vld [tilespmem:s23+$0x1A00]  }
0x29a: {  	v13 =	vld [tilespmem:s23+$0x1B00]  }
0x29b: {  	v45 =	vld [tilespmem:s23+$0xE80]  }
0x29c: {  	v23 =	vld [tilespmem:s23+$0x1080]  }
0x29d: {  	v48 =	vld [tilespmem:s23+$0x1680]  }
0x29e: {  	v24 =	vld [tilespmem:s23+$0x1780];
	_ =	sdelay $0x1  }
0x29f: {  	v8 =	vadd.f32 v6, v5  }
0x2a0: {  	v55 =	vld [tilespmem:s23+$0x1C00];
	v6 =	vadd.f32 v6, v9  }
0x2a1: {  	v51 =	vld [tilespmem:s23+$0xF80];
	v5 =	vadd.f32 v13, v5;
	(erf) = vrcp.f32 v45;
	v10 =	vadd.f32 v7, v8  }
0x2a2: {  	v9 =	vadd.f32 v13, v9;
	(erf) = vrcp.f32 v23;
	v23 =	vmul.f32 v24, v48  }
0x2a3: {  	v15 =	vadd.f32 v7, v6;
	v11 =	vshra.s32 v10, $0x1;
	v12 =	vmul.f32 $5.000000000e-01, v10  }
0x2a4: {  	v18 =	vadd.f32 v7, v5;
	v7 =	vadd.f32 v7, v9;
	v11 =	vsub.s32 $0x5F3759DF, v11  }
0x2a5: {  	v8 =	vadd.f32 v55, v8;
	v6 =	vadd.f32 v55, v6;
	v14 =	vmul.f32 v11, v12  }
0x2a6: {  	(erf) = vrcp.f32 v51;
	v5 =	vadd.f32 v55, v5;
	v9 =	vadd.f32 v55, v9  }
0x2a7: {  	v16 =	vshra.s32 v15, $0x1;
	v17 =	vmul.f32 $5.000000000e-01, v15;
	v14 =	vmul.f32 v11, v14  }
0x2a8: {  	v20 =	vshra.s32 v18, $0x1;
	v21 =	vmul.f32 $5.000000000e-01, v18;
	v50 =	vmul.f32 $5.000000000e-01, v7  }
0x2a9: {  	v27 =	vmul.f32 $5.000000000e-01, v8;
	v16 =	vsub.s32 $0x5F3759DF, v16;
	v14 =	vsub.f32 $1.500000000e+00, v14  }
0x2aa: {  	v49 =	vshra.s32 v7, $0x1;
	v38 =	vmul.f32 $5.000000000e-01, v6;
	v42 =	vmul.f32 v16, v17  }
0x2ab: {  	v29 =	vmul.f32 $5.000000000e-01, v5;
	v20 =	vsub.s32 $0x5F3759DF, v20;
	v11 =	vmul.f32 v11, v14  }
0x2ac: {  	v61 =	vshra.s32 v8, $0x1;
	v22 =	vmul.f32 v20, v21;
	v14 =	vmul.f32 v16, v42  }
0x2ad: {  	v37 =	vshra.s32 v6, $0x1;
	v31 =	vmul.f32 $5.000000000e-01, v9;
	v19 =	vmul.f32 v11, v12  }
0x2ae: {  	v63 =	vsub.s32 $0x5F3759DF, v61;
	v43 =	vmul.f32 v20, v22;
	v14 =	vsub.f32 $1.500000000e+00, v14  }
0x2af: {  	v41 =	vshra.s32 v5, $0x1;
	v28 =	vmul.f32 v63, v27;
	v19 =	vmul.f32 v19, v11  }
0x2b0: {  	v39 =	vsub.s32 $0x5F3759DF, v37;
	v14 =	vmul.f32 v16, v14;
	v16 =	vsub.f32 $1.500000000e+00, v43  }
0x2b1: {  	v28 =	vmul.f32 v63, v28;
	v22 =	vmul.f32 v39, v38;
	v19 =	vsub.f32 $1.500000000e+00, v19  }
0x2b2: {  	v34 =	vld [tilespmem:s23+$0x1180];
	v44 =	vmul.f32 v14, v17;
	v16 =	vmul.f32 v20, v16;
	v20 =	vsub.s32 $0x5F3759DF, v49  }
0x2b3: {  	v30 =	vshra.s32 v9, $0x1;
	v25 =	vmul.f32 v20, v50;
	v11 =	vmul.f32 v19, v11  }
0x2b4: {  	v57 =	vld [tilespmem:s23+$0x1800];
	v36 =	vsub.f32 $1.500000000e+00, v28;
	v19 =	vmul.f32 v44, v14;
	v47 =	vmul.f32 v16, v21  }
0x2b5: {  	v56 =	vpop (erf);
	v22 =	vmul.f32 v39, v22;
	v28 =	vsub.s32 $0x5F3759DF, v41;
	v53 =	vmul.f32 v20, v25  }
0x2b6: {  	v59 =	vpop (erf);
	v25 =	vld [tilespmem:s23+$0x1880];
	v12 =	vmul.f32 v11, v12;
	v46 =	vsub.f32 $1.500000000e+00, v19;
	v19 =	vmul.f32 v47, v16  }
0x2b7: {  	v30 =	vsub.s32 $0x5F3759DF, v30;
	v32 =	vpop (erf);
	(erf) = vrcp.f32 v34;
	v43 =	vmul.f32 v28, v29  }
0x2b8: {  	v12 =	vmul.f32 v12, v11;
	v13 =	vmul.f32 v46, v14;
	v19 =	vsub.f32 $1.500000000e+00, v19  }
0x2b9: {  	v44 =	vmul.f32 v30, v31;
	v14 =	vmul.f32 v57, v48;
	v46 =	vld [tilespmem:s23+$0xF00]  }
0x2ba: {  	v12 =	vsub.f32 $1.500000000e+00, v12;
	v17 =	vmul.f32 v13, v17;
	v16 =	vmul.f32 v19, v16  }
0x2bb: {  	v51 =	vld [tilespmem:s23+$0x1100];
	v19 =	vsub.f32 $1.500000000e+00, v53;
	v58 =	vmul.f32 v25, v23;
	v33 =	vmul.f32 v25, v14  }
0x2bc: {  	v11 =	vmul.f32 v12, v11;
	v52 =	vmul.f32 v17, v13  }
0x2bd: {  	v53 =	vld [tilespmem:s23+$0x1000];
	v21 =	vmul.f32 v16, v21;
	v19 =	vmul.f32 v20, v19  }
0x2be: {  	v17 =	vld [tilespmem:s23+$0x1700];
	(erf) = vrcp.f32 v46;
	v10 =	vmul.f32 v11, v10;
	v54 =	vsub.f32 $1.500000000e+00, v52  }
0x2bf: {  	v21 =	vmul.f32 v21, v16;
	v26 =	vmul.f32 v19, v50  }
0x2c0: {  	(erf) = vrcp.f32 v51;
	v11 =	vmul.f32 v54, v13  }
0x2c1: {  	v10 =	vmul.f32 v10, v56;
	v21 =	vsub.f32 $1.500000000e+00, v21;
	v60 =	vmul.f32 v26, v19  }
0x2c2: {  	v26 =	vmul.f32 v28, v43;
	v52 =	vpop (erf);
	(erf) = vrcp.f32 v53  }
0x2c3: {  	v20 =	vmul.f32 v24, v17;
	v16 =	vmul.f32 v21, v16  }
0x2c4: {  	v13 =	vmul.f32 v57, v17;
	v11 =	vmul.f32 v11, v15;
	v62 =	vsub.f32 $1.500000000e+00, v60  }
0x2c5: {  	v22 =	vsub.f32 $1.500000000e+00, v22;
	v10 =	vmul.f32 v10, v58;
	v16 =	vmul.f32 v16, v18  }
0x2c6: {  	v18 =	vmul.f32 v62, v19;
	v19 =	vmul.f32 v63, v36  }
0x2c7: {  	v21 =	vmul.f32 v39, v22;
	v22 =	vmul.f32 v30, v44  }
0x2c8: {  	v24 =	vmul.f32 v25, v20;
	v40 =	vmul.f32 v19, v27  }
0x2c9: {  	v45 =	vsub.f32 $1.500000000e+00, v26;
	v25 =	vmul.f32 v25, v13;
	v35 =	vmul.f32 v18, v50  }
0x2ca: {  	v11 =	vmul.f32 v11, v59;
	v42 =	vmul.f32 v40, v19  }
0x2cb: {  	v47 =	vmul.f32 v28, v45;
	v15 =	vmul.f32 v35, v18  }
0x2cc: {  	v22 =	vsub.f32 $1.500000000e+00, v22;
	v16 =	vmul.f32 v16, v32;
	v12 =	vsub.f32 $1.500000000e+00, v42  }
0x2cd: {  	v32 =	vmul.f32 v21, v38;
	v50 =	vmul.f32 v47, v29;
	v15 =	vsub.f32 $1.500000000e+00, v15  }
0x2ce: {  	v57 =	vld [tilespmem:s23+$0x1200];
	v22 =	vmul.f32 v30, v22;
	v12 =	vmul.f32 v12, v19  }
0x2cf: {  	v60 =	vld [tilespmem:s23+$0x1900];
	v49 =	vmul.f32 v32, v21;
	v15 =	vmul.f32 v15, v18  }
0x2d0: {  	v30 =	vmul.f32 v22, v31;
	v48 =	vmul.f32 v12, v27  }
0x2d1: {  	v7 =	vmul.f32 v15, v7;
	v27 =	vsub.f32 $1.500000000e+00, v49;
	v15 =	vmul.f32 v50, v47  }
0x2d2: {  	v11 =	vmul.f32 v11, v24;
	v56 =	vmul.f32 v30, v22  }
0x2d3: {  	v26 =	vpop (erf);
	(erf) = vrcp.f32 v57;
	v21 =	vmul.f32 v27, v21;
	v15 =	vsub.f32 $1.500000000e+00, v15  }
0x2d4: {  	v34 =	vmul.f32 v60, v20;
	v59 =	vsub.f32 $1.500000000e+00, v56;
	v19 =	vmul.f32 v48, v12  }
0x2d5: {  	v55 =	vmul.f32 v21, v38;
	v15 =	vmul.f32 v15, v47  }
0x2d6: {  	v16 =	vmul.f32 v16, v33;
	v54 =	vsub.f32 $1.500000000e+00, v19;
	v19 =	vmul.f32 v59, v22  }
0x2d7: {  	v58 =	vmul.f32 v55, v21;
	v61 =	vmul.f32 v15, v29  }
0x2d8: {  	v12 =	vmul.f32 v54, v12;
	v22 =	vmul.f32 v19, v31  }
0x2d9: {  	v7 =	vmul.f32 v7, v52;
	v62 =	vsub.f32 $1.500000000e+00, v58;
	v63 =	vmul.f32 v61, v15  }
0x2da: {  	v10 =	vadd.f32 v11, v10;
	v8 =	vmul.f32 v12, v8;
	v30 =	vmul.f32 v22, v19  }
0x2db: {  	v7 =	vmul.f32 v7, v25;
	v27 =	vmul.f32 v62, v21;
	v28 =	vsub.f32 $1.500000000e+00, v63  }
0x2dc: {  	v29 =	vmul.f32 v60, v23;
	v8 =	vmul.f32 v8, v26;
	v33 =	vsub.f32 $1.500000000e+00, v30  }
0x2dd: {  	v10 =	vadd.f32 v10, v16;
	v6 =	vmul.f32 v27, v6;
	v31 =	vmul.f32 v28, v15  }
0x2de: {  	v32 =	vpop (erf);
	v8 =	vmul.f32 v8, v29;
	v36 =	vmul.f32 v33, v19  }
0x2df: {  	v7 =	vadd.f32 v10, v7;
	v6 =	vmul.f32 v6, v32;
	v5 =	vmul.f32 v31, v5  }
0x2e0: {  	v37 =	vmul.f32 v60, v14;
	v35 =	vpop (erf);
	v38 =	vmul.f32 v36, v9  }
0x2e1: {  	v7 =	vadd.f32 v7, v8;
	v5 =	vmul.f32 v5, v35;
	v6 =	vmul.f32 v6, v34  }
0x2e2: {  	v40 =	vmul.f32 v60, v13;
	v39 =	vpop (erf)  }
0x2e3: {  	v5 =	vmul.f32 v5, v37;
	v6 =	vadd.f32 v7, v6;
	v7 =	vmul.f32 v38, v39  }
0x2e4: {  	v41 =	vld [tilespmem:s23+$0x1C80]  }
0x2e5: {  	v5 =	vadd.f32 v6, v5;
	v6 =	vmul.f32 v7, v40;
	_ =	sdelay $0x1  }
0x2e6: {  	v5 =	vadd.f32 v5, v6  }
0x2e7: {  	v6 =	vld [tilespmem:s23+$0x180]  }
0x2e8: {  	v5 =	vadd.f32 v5, v41;
	_ =	sdelay $0x1  }
0x2e9: {  	[tilespmem:s23+$0x2680] =	vst v5  }
0x2ea: {  	v7 =	vld [tilespmem:$0x2780]  }
0x2eb: {  	v5 =	vsub.f32 v5, v6;
	_ =	sdelay $0x1  }
0x2ec: {  	v5 =	vmul.f32 v5, v5;
	_ =	sdelay $0x1  }
0x2ed: {  	v5 =	vadd.f32 v5, v7;
	_ =	sdelay $0x1  }
0x2ee: {  	[tilespmem:$0x2780] =	vst v5  }
0x2ef: {  	v5 =	vld [tilespmem:s23+$0x1990]  }
0x2f0: {  	v6 =	vld [tilespmem:s23+$0x1A90];
	_ =	sdelay $0x1  }
0x2f1: {  	v7 =	vld [tilespmem:s23+$0x1B90]  }
0x2f2: {  	v43 =	vld [tilespmem:s23+$0x1A10]  }
0x2f3: {  	v48 =	vld [tilespmem:s23+$0x1B10]  }
0x2f4: {  	v42 =	vadd.f32 v6, v5;
	_ =	sdelay $0x1  }
0x2f5: {  	v44 =	vadd.f32 v7, v42  }
0x2f6: {  	v6 =	vadd.f32 v6, v43  }
0x2f7: {  	v5 =	vadd.f32 v48, v5;
	v45 =	vshra.s32 v44, $0x1;
	v46 =	vmul.f32 $5.000000000e-01, v44  }
0x2f8: {  	v9 =	vadd.f32 v48, v43;
	v49 =	vadd.f32 v7, v6;
	v11 =	vsub.s32 $0x5F3759DF, v45  }
0x2f9: {  	v54 =	vadd.f32 v7, v5;
	v47 =	vmul.f32 v11, v46  }
0x2fa: {  	v58 =	vld [tilespmem:s23+$0xE90];
	v7 =	vadd.f32 v7, v9;
	v50 =	vshra.s32 v49, $0x1;
	v51 =	vmul.f32 $5.000000000e-01, v49  }
0x2fb: {  	v52 =	vsub.s32 $0x5F3759DF, v50;
	v13 =	vmul.f32 v11, v47  }
0x2fc: {  	v63 =	vld [tilespmem:s23+$0x1090];
	v60 =	vshra.s32 v7, $0x1;
	v61 =	vmul.f32 $5.000000000e-01, v7;
	v16 =	vmul.f32 v52, v51  }
0x2fd: {  	v56 =	vmul.f32 $5.000000000e-01, v54;
	v22 =	vsub.s32 $0x5F3759DF, v60;
	v13 =	vsub.f32 $1.500000000e+00, v13  }
0x2fe: {  	v55 =	vshra.s32 v54, $0x1;
	v62 =	vmul.f32 v22, v61;
	v16 =	vmul.f32 v52, v16  }
0x2ff: {  	(erf) = vrcp.f32 v58;
	v20 =	vsub.s32 $0x5F3759DF, v55;
	v11 =	vmul.f32 v11, v13  }
0x300: {  	v57 =	vmul.f32 v20, v56;
	v28 =	vmul.f32 v22, v62;
	v16 =	vsub.f32 $1.500000000e+00, v16  }
0x301: {  	(erf) = vrcp.f32 v63;
	v53 =	vmul.f32 v11, v46  }
0x302: {  	v30 =	vld [tilespmem:s23+$0x1690];
	v14 =	vmul.f32 v20, v57;
	v13 =	vmul.f32 v52, v16;
	v16 =	vsub.f32 $1.500000000e+00, v28  }
0x303: {  	v32 =	vld [tilespmem:s23+$0xF90];
	v18 =	vmul.f32 v53, v11  }
0x304: {  	v25 =	vld [tilespmem:s23+$0x1810];
	v14 =	vsub.f32 $1.500000000e+00, v14;
	v16 =	vmul.f32 v22, v16  }
0x305: {  	v45 =	vld [tilespmem:s23+$0x1190];
	v59 =	vmul.f32 v13, v51;
	v18 =	vsub.f32 $1.500000000e+00, v18  }
0x306: {  	v35 =	vld [tilespmem:s23+$0x1C10];
	v14 =	vmul.f32 v20, v14;
	v22 =	vmul.f32 v16, v61  }
0x307: {  	v11 =	vmul.f32 v18, v11;
	v18 =	vmul.f32 v59, v13  }
0x308: {  	v63 =	vld [tilespmem:s23+$0xF10];
	v22 =	vmul.f32 v22, v16  }
0x309: {  	v36 =	vpop (erf);
	(erf) = vrcp.f32 v32;
	v29 =	vmul.f32 v14, v56;
	v18 =	vsub.f32 $1.500000000e+00, v18  }
0x30a: {  	v19 =	vmul.f32 v25, v30;
	v40 =	vpop (erf);
	(erf) = vrcp.f32 v45;
	v37 =	vsub.f32 $1.500000000e+00, v22  }
0x30b: {  	v8 =	vadd.f32 v35, v42;
	v13 =	vmul.f32 v18, v13;
	v18 =	vmul.f32 v29, v14  }
0x30c: {  	v6 =	vadd.f32 v35, v6;
	v12 =	vmul.f32 v11, v46;
	v39 =	vmul.f32 v37, v16  }
0x30d: {  	v9 =	vadd.f32 v35, v9;
	(erf) = vrcp.f32 v63;
	v33 =	vsub.f32 $1.500000000e+00, v18  }
0x30e: {  	v31 =	vld [tilespmem:s23+$0x1790];
	v43 =	vshra.s32 v8, $0x1;
	v12 =	vmul.f32 v12, v11;
	v41 =	vmul.f32 v39, v61  }
0x30f: {  	v58 =	vshra.s32 v9, $0x1;
	v59 =	vmul.f32 $5.000000000e-01, v9;
	v34 =	vmul.f32 v33, v14  }
0x310: {  	v12 =	vsub.f32 $1.500000000e+00, v12;
	v17 =	vmul.f32 v13, v51;
	v16 =	vmul.f32 v41, v39  }
0x311: {  	v50 =	vshra.s32 v6, $0x1;
	v51 =	vmul.f32 $5.000000000e-01, v6;
	v21 =	vmul.f32 v34, v56  }
0x312: {  	v52 =	vsub.s32 $0x5F3759DF, v50;
	v18 =	vld [tilespmem:s23+$0x1890];
	v11 =	vmul.f32 v12, v11;
	v17 =	vmul.f32 v17, v13  }
0x313: {  	v14 =	vmul.f32 v31, v30;
	v30 =	vsub.s32 $0x5F3759DF, v58;
	v21 =	vmul.f32 v21, v34  }
0x314: {  	v16 =	vsub.f32 $1.500000000e+00, v16;
	v24 =	vmul.f32 v52, v51;
	v60 =	vmul.f32 v30, v59  }
0x315: {  	v10 =	vmul.f32 v11, v44;
	v44 =	vmul.f32 $5.000000000e-01, v8;
	v21 =	vsub.f32 $1.500000000e+00, v21  }
0x316: {  	v17 =	vsub.f32 $1.500000000e+00, v17;
	v15 =	vmul.f32 v16, v39;
	v24 =	vmul.f32 v52, v24  }
0x317: {  	v45 =	vld [tilespmem:s23+$0x1910];
	v38 =	vmul.f32 v18, v14;
	v11 =	vmul.f32 v21, v34;
	v21 =	vsub.s32 $0x5F3759DF, v43  }
0x318: {  	v5 =	vadd.f32 v35, v5;
	v13 =	vmul.f32 v17, v13;
	v47 =	vmul.f32 v21, v44  }
0x319: {  	v12 =	vld [tilespmem:s23+$0x1710];
	v48 =	vmul.f32 v18, v19;
	v32 =	vmul.f32 v30, v60  }
0x31a: {  	v53 =	vshra.s32 v5, $0x1;
	v13 =	vmul.f32 v13, v49;
	v49 =	vmul.f32 v21, v47  }
0x31b: {  	v55 =	vsub.s32 $0x5F3759DF, v53;
	v11 =	vmul.f32 v11, v54;
	v54 =	vmul.f32 $5.000000000e-01, v5  }
0x31c: {  	v14 =	vmul.f32 v45, v14;
	v10 =	vmul.f32 v10, v36;
	v16 =	vsub.f32 $1.500000000e+00, v49  }
0x31d: {  	v7 =	vmul.f32 v15, v7;
	v56 =	vmul.f32 v55, v54  }
0x31e: {  	v17 =	vmul.f32 v31, v12;
	v16 =	vmul.f32 v21, v16  }
0x31f: {  	v46 =	vpop (erf);
	v24 =	vsub.f32 $1.500000000e+00, v24;
	v12 =	vmul.f32 v25, v12;
	v26 =	vmul.f32 v55, v56  }
0x320: {  	v33 =	vpop (erf);
	v10 =	vmul.f32 v10, v38;
	v57 =	vmul.f32 v16, v44  }
0x321: {  	v20 =	vmul.f32 v52, v24;
	v7 =	vmul.f32 v7, v33;
	v61 =	vsub.f32 $1.500000000e+00, v26  }
0x322: {  	v36 =	vld [tilespmem:s23+$0x1110];
	v42 =	vmul.f32 v18, v17;
	v28 =	vmul.f32 v57, v16  }
0x323: {  	v35 =	vsub.f32 $1.500000000e+00, v32;
	v34 =	vmul.f32 v20, v51;
	v21 =	vmul.f32 v55, v61  }
0x324: {  	v39 =	vld [tilespmem:s23+$0x1010];
	v58 =	vmul.f32 v45, v17;
	v13 =	vmul.f32 v13, v40;
	v62 =	vsub.f32 $1.500000000e+00, v28  }
0x325: {  	v22 =	vmul.f32 v34, v20;
	v37 =	vmul.f32 v21, v54  }
0x326: {  	v15 =	vmul.f32 v62, v16;
	v16 =	vmul.f32 v30, v35  }
0x327: {  	(erf) = vrcp.f32 v36;
	v22 =	vsub.f32 $1.500000000e+00, v22;
	v38 =	vmul.f32 v37, v21  }
0x328: {  	v13 =	vmul.f32 v13, v42;
	v30 =	vmul.f32 v16, v59  }
0x329: {  	(erf) = vrcp.f32 v39;
	v20 =	vmul.f32 v22, v20;
	v40 =	vsub.f32 $1.500000000e+00, v38  }
0x32a: {  	v42 =	vld [tilespmem:s23+$0x1210];
	v23 =	vmul.f32 v15, v44;
	v41 =	vmul.f32 v30, v16  }
0x32b: {  	v43 =	vmul.f32 v20, v51;
	v21 =	vmul.f32 v40, v21  }
0x32c: {  	v11 =	vmul.f32 v11, v46;
	v23 =	vmul.f32 v23, v15;
	v44 =	vsub.f32 $1.500000000e+00, v41  }
0x32d: {  	v22 =	vmul.f32 v43, v20;
	v46 =	vmul.f32 v21, v54  }
0x32e: {  	v11 =	vmul.f32 v11, v48;
	v23 =	vsub.f32 $1.500000000e+00, v23;
	v47 =	vmul.f32 v44, v16  }
0x32f: {  	(erf) = vrcp.f32 v42;
	v48 =	vsub.f32 $1.500000000e+00, v22;
	v49 =	vmul.f32 v46, v21  }
0x330: {  	v10 =	vadd.f32 v13, v10;
	v15 =	vmul.f32 v23, v15;
	v52 =	vmul.f32 v47, v59  }
0x331: {  	v51 =	vmul.f32 v18, v12;
	v16 =	vmul.f32 v48, v20;
	v53 =	vsub.f32 $1.500000000e+00, v49  }
0x332: {  	v8 =	vmul.f32 v15, v8;
	v18 =	vmul.f32 v52, v47  }
0x333: {  	v50 =	vpop (erf);
	v10 =	vadd.f32 v10, v11;
	v6 =	vmul.f32 v16, v6;
	v54 =	vmul.f32 v53, v21  }
0x334: {  	v55 =	vpop (erf);
	v7 =	vmul.f32 v7, v51;
	v8 =	vmul.f32 v8, v50;
	v56 =	vsub.f32 $1.500000000e+00, v18  }
0x335: {  	v6 =	vmul.f32 v6, v55;
	v5 =	vmul.f32 v54, v5  }
0x336: {  	v7 =	vadd.f32 v10, v7;
	v8 =	vmul.f32 v8, v14;
	v13 =	vmul.f32 v56, v47  }
0x337: {  	v57 =	vpop (erf);
	v59 =	vmul.f32 v45, v19;
	v6 =	vmul.f32 v6, v58  }
0x338: {  	v5 =	vmul.f32 v5, v57;
	v7 =	vadd.f32 v7, v8;
	v60 =	vmul.f32 v13, v9  }
0x339: {  	v62 =	vmul.f32 v45, v12;
	v61 =	vpop (erf)  }
0x33a: {  	v5 =	vmul.f32 v5, v59;
	v6 =	vadd.f32 v7, v6;
	v7 =	vmul.f32 v60, v61  }
0x33b: {  	v63 =	vld [tilespmem:s23+$0x1C90]  }
0x33c: {  	v5 =	vadd.f32 v6, v5;
	v6 =	vmul.f32 v7, v62;
	_ =	sdelay $0x1  }
0x33d: {  	v5 =	vadd.f32 v5, v6  }
0x33e: {  	v6 =	vld [tilespmem:s23+$0x190]  }
0x33f: {  	v5 =	vadd.f32 v5, v63;
	_ =	sdelay $0x1  }
0x340: {  	[tilespmem:s23+$0x2690] =	vst v5  }
0x341: {  	v7 =	vld [tilespmem:$0x2780]  }
0x342: {  	v5 =	vsub.f32 v5, v6  }
0x343: {  	p1 =	sne.s32 s13, $0x180  }
.Ltmp15:
0x344: {  	v5 =	vmul.f32 v5, v5;
	(pc) =	sbr.rel @p1 .LBB2_18-.Ltmp15, $3  }
0x345: {  	_ = 	snop  }
0x346: {  	v5 =	vadd.f32 v5, v7;
	_ =	sdelay $0x1  }
0x347: {  	s13 =	sadd.s32 $0x80, s13;
	[tilespmem:$0x2780] =	vst v5  }
.Ltmp16:
0x348: {  	(pc) =	sbr.rel .LBB2_20-.Ltmp16, $4  }
0x349: {  	_ = 	snop  }
0x34a: {  	s5 =	sshrl.u32 s5, $0x3  }
0x34b: {  	s13 =	simm.s32 $0x2680;
	s5 =	sadd.s32 s3, s5  }
0x34c: {  	[hbm4b:s5+s4] =	stream.linear.scatter [tilespmem:s13], [sflag:$0x5], $0x80, $0x38;
	[tilespmem:$0x2800] =	vst v63  }
.LBB2_22:
0x34d: {  	_ =	sfence.sel $0x180000  }
0x34e: {  	[bflag:$0x0] =	sbarrier.arrive $0xFFFF  }
0x34f: {  	_ =	strace $0x90000047  }
0x350: {  	s0 =	stileid.u32;
	[bflag:$0x2] =	sbarrier.arrive $0xFFFF  }
0x351: {  	p0 =	sne.s32 s0, $0x0;
	s0 =	rddreg [dreg:$0x4]  }
0x352: {  	s0 =	sadd.s32 @!p0 $0x100000, s0  }
0x353: {  	[sflag:s0] =	ssyncadd.tile.s32 @!p0 $0x1;
	_ =	shalt  }
.Lfunc_end2:
_tile_overlayer_lowered:
.L_overlay_start_2:
0x354: {  	(tag) =	ssettag $0x2  }
0x355: {  	s0 =	rddreg [dreg:$0x0];
	s2 =	stileid.u32  }
0x356: {  	s1 =	rddreg [dreg:$0x1];
	p0 =	sne.s32 s2, $0x0  }
0x357: {  	s3 =	rddreg [dreg:$0x2];
	[bflag:$0x3] =	sbarrier.arrive $0xFFFF;
	s2 =	simm.s32 @!p0 $0x1C06  }
0x358: {  	[timem:s3], [sflag:s2] =	dma.local @!p0 [hbm:s0], s1  }
0x359: {  	s0 =	simm.s32 @!p0 $0x6  }
0x35a: {  	_ =	swait.ge @!p0 [sflag:s0], s1  }
0x35b: {  	s1 =	ssub.s32 @!p0 $0x0, s1;
	[sflag:s0] =	ssyncset.done @!p0 $0x0  }
0x35c: {  	[sflag:s0] =	ssyncadd.s32 @!p0 s1  }
0x35d: {  	[bflag:$0x3] =	sbarrier.arrive $0xFFFF  }
0x35e: {  	_ =	shalt  }

</sc_bundles>
